<compile_context>
chip_gen: v7x
topology: tpu7x:2x2x1
jax: 0.10.2.dev20260603
libtpu: 0.0.44.dev20260713+nightly
codegen_flags: <defaults>
</compile_context>

<pallas_src>
import functools

import jax
import jax.numpy as jnp
from jax import lax
from jax.experimental import pallas as pl
from jax.experimental.pallas import tpu as pltpu
from jax.experimental.pallas import tpu_sc as plsc

NUM_CORES = 2
NUM_SUBCORES = 16
NUM_WORKERS = NUM_CORES * NUM_SUBCORES
LANES = 16

BATCH = 16384
DIM = 32
NUM_ROWS = 1000000
ROWS_PER_LINE = 128 // DIM
TAB_ROWS = NUM_ROWS // ROWS_PER_LINE
ROWS_PER_WORKER = BATCH // NUM_WORKERS
CHUNK = 128
NCHUNKS = ROWS_PER_WORKER // CHUNK
GROUPS = CHUNK // LANES

BLK_R = 8192
BLK_U = BLK_R * ROWS_PER_LINE
RELAYOUT_GRID = (TAB_ROWS + BLK_R - 1) // BLK_R
OUT_ROWS = RELAYOUT_GRID * BLK_R
BLK_SHIFT = BLK_R.bit_length() - 1
BLK_MASK = BLK_R - 1


def _relayout_body(u_ref, i_ref, w_ref, uo_ref, io_ref):
    for x_ref, o_ref, scale in ((u_ref, uo_ref, None), (i_ref, io_ref, w_ref)):
        x = x_ref[...]
        if scale is not None:
            x = x * scale[...][:, None]
        xs = jnp.concatenate(
            [x[:, c * BLK_R:(c + 1) * BLK_R] for c in range(ROWS_PER_LINE)],
            axis=0)
        o_ref[...] = jnp.swapaxes(xs, 0, 1)


def _relayout(ut_t, it_t, w_flat):
    spec_in = pl.BlockSpec((DIM, BLK_U), lambda i: (0, i))
    spec_out = pl.BlockSpec((BLK_R, 128), lambda i: (i, 0))
    return pl.pallas_call(
        _relayout_body,
        grid=(RELAYOUT_GRID,),
        in_specs=[spec_in, spec_in, pl.BlockSpec((DIM,), lambda i: (0,))],
        out_specs=[spec_out, spec_out],
        out_shape=[jax.ShapeDtypeStruct((OUT_ROWS, 128), jnp.float32)] * 2,
    )(ut_t, it_t, w_flat)


def _gmf_body(u_rm, i_rm, b_hbm, uidx_hbm, iidx_hbm, out_hbm,
              uidx_f, iidx_f, urid, irid, ubuf, ibuf, b_v, out_v, sem):
    wid = lax.axis_index("s") * NUM_CORES + lax.axis_index("c")
    base = wid * ROWS_PER_WORKER

    pltpu.sync_copy(uidx_hbm.at[pl.ds(base, ROWS_PER_WORKER)], uidx_f)
    pltpu.sync_copy(iidx_hbm.at[pl.ds(base, ROWS_PER_WORKER)], iidx_f)
    pltpu.sync_copy(b_hbm, b_v)

    for j in range(ROWS_PER_WORKER // LANES):
        dst = (j * LANES) // CHUNK, pl.ds((j * LANES) % CHUNK, LANES)
        uv = uidx_f[pl.ds(j * LANES, LANES)]
        iv = iidx_f[pl.ds(j * LANES, LANES)]
        urid[dst] = ((uv >> (BLK_SHIFT + 2)) << BLK_SHIFT) + (uv & BLK_MASK)
        irid[dst] = ((iv >> (BLK_SHIFT + 2)) << BLK_SHIFT) + (iv & BLK_MASK)

    iota = lax.iota(jnp.int32, LANES)
    bias = b_v[...]

    def fire(c):
        par = c % 2
        s = sem.at[par]
        return (pltpu.async_copy(u_rm.at[urid.at[c]], ubuf.at[par], s),
                pltpu.async_copy(i_rm.at[irid.at[c]], ibuf.at[par], s))

    pending = fire(0)
    for c in range(NCHUNKS):
        nxt = fire(c + 1) if c + 1 < NCHUNKS else None
        for cp in pending:
            cp.wait()
        ub = ubuf.at[c % 2]
        ib = ibuf.at[c % 2]

        def group(g, carry, c=c, ub=ub, ib=ib):
            off = c * CHUNK + g * LANES
            uix = uidx_f[pl.ds(off, LANES)]
            iix = iidx_f[pl.ds(off, LANES)]
            rid = g * LANES + iota
            ul0 = ((uix >> BLK_SHIFT) & 3) * DIM
            il0 = ((iix >> BLK_SHIFT) & 3) * DIM
            acc0 = bias
            acc1 = jnp.zeros((LANES,), jnp.float32)
            for d in range(0, DIM, 2):
                ug0 = plsc.load_gather(ub, [rid, ul0 + d])
                vg0 = plsc.load_gather(ib, [rid, il0 + d])
                ug1 = plsc.load_gather(ub, [rid, ul0 + (d + 1)])
                vg1 = plsc.load_gather(ib, [rid, il0 + (d + 1)])
                acc0 = acc0 + ug0 * vg0
                acc1 = acc1 + ug1 * vg1
            acc = acc0 + acc1
            out_v[pl.ds(off, LANES)] = 1.0 / (1.0 + jnp.exp(-acc))
            return carry

        lax.fori_loop(0, GROUPS, group, 0)
        pending = nxt

    pltpu.sync_copy(out_v, out_hbm.at[pl.ds(base, ROWS_PER_WORKER)])


@functools.partial(jax.jit, static_argnames=())
def _gmf(u_rm, i_rm, b_vec, uidx, iidx):
    mesh = plsc.VectorSubcoreMesh(core_axis_name="c", subcore_axis_name="s")
    run = pl.kernel(
        _gmf_body,
        out_type=jax.ShapeDtypeStruct((BATCH,), jnp.float32),
        mesh=mesh,
        scratch_types=[
            pltpu.VMEM((ROWS_PER_WORKER,), jnp.int32),
            pltpu.VMEM((ROWS_PER_WORKER,), jnp.int32),
            pltpu.VMEM((NCHUNKS, CHUNK), jnp.int32),
            pltpu.VMEM((NCHUNKS, CHUNK), jnp.int32),
            pltpu.VMEM((2, CHUNK, 128), jnp.float32),
            pltpu.VMEM((2, CHUNK, 128), jnp.float32),
            pltpu.VMEM((LANES,), jnp.float32),
            pltpu.VMEM((ROWS_PER_WORKER,), jnp.float32),
            pltpu.SemaphoreType.DMA((2,)),
        ],
        compiler_params=pltpu.CompilerParams(
            needs_layout_passes=False, use_tc_tiling_on_sc=True),
    )
    return run(u_rm, i_rm, b_vec, uidx, iidx)


def kernel(user_table, item_table, fc_w, fc_b, user_indices, item_indices):
    w_flat = fc_w.reshape(DIM).astype(jnp.float32)
    u_rm, i_rm = _relayout(user_table.T, item_table.T, w_flat)
    b_vec = jnp.broadcast_to(fc_b.astype(jnp.float32), (LANES,))
    uidx = user_indices.astype(jnp.int32)
    iidx = item_indices.astype(jnp.int32)
    out = _gmf(u_rm, i_rm, b_vec, uidx, iidx)
    return out.reshape(BATCH, 1)

# --- scband reference (transcript-rebuilt; emitter-appended) ---
"""Pipeline reference for scband-gmf-73366631350636 (READ-ONLY COPY).

The authoritative reference and input builder live on the scoring server;
editing this copy changes nothing except your own understanding.
"""

import jax, jax.numpy as jnp
import numpy as np

NUM_USERS = 1000000
NUM_ITEMS = 1000000
LATENT_DIM = 32
BATCH = 16384

def setup_inputs(seed: int = 0) -> dict:
    key = jax.random.key(seed)
    k1, k2, k3, k4, k5, k6 = jax.random.split(key, 6)
    user_indices = jax.random.randint(k1, (BATCH,), 0, NUM_USERS, dtype=jnp.int64 if jax.config.jax_enable_x64 else jnp.int32)
    item_indices = jax.random.randint(k2, (BATCH,), 0, NUM_ITEMS, dtype=jnp.int64 if jax.config.jax_enable_x64 else jnp.int32)
    user_table = jax.random.normal(k3, (NUM_USERS, LATENT_DIM), dtype=jnp.float32)
    item_table = jax.random.normal(k4, (NUM_ITEMS, LATENT_DIM), dtype=jnp.float32)
    fc_w = jax.random.normal(k5, (LATENT_DIM, 1), dtype=jnp.float32) * 0.01
    fc_b = jnp.zeros((1,), dtype=jnp.float32)
    return {"user_table": user_table, "item_table": item_table, "fc_w": fc_w, "fc_b": fc_b, "user_indices": user_indices, "item_indices": item_indices}

def reference(user_table, item_table, fc_w, fc_b, user_indices, item_indices):
    user_embedding = jnp.take(user_table, user_indices, axis=0)
    item_embedding = jnp.take(item_table, item_indices, axis=0)
    element_product = user_embedding * item_embedding
    logits = element_product @ fc_w + fc_b
    rating = jax.nn.sigmoid(logits)
    return rating

if __name__ == "__main__":
    import jax
    _d = setup_inputs()
    print(jax.jit(kernel)(*tuple(_d.values())))

</pallas_src>

<mosaic_0001>
#map = affine_map<(d0, d1) -> (0, 0)>
#map1 = affine_map<(d0, d1) -> (0)>
module attributes {stable_mosaic.version = 14 : i64} {
  func.func @_gmf_body(%arg0: i32, %arg1: i32, %arg2: memref<253952x128xf32, #tpu.memory_space<hbm>>, %arg3: memref<253952x128xf32, #tpu.memory_space<hbm>>, %arg4: memref<16xf32, #tpu.memory_space<hbm>>, %arg5: memref<16384xi32, #tpu.memory_space<hbm>>, %arg6: memref<16384xi32, #tpu.memory_space<hbm>>, %arg7: memref<16384xf32, #tpu.memory_space<hbm>>, %arg8: memref<512xi32, #tpu.memory_space<vmem>>, %arg9: memref<512xi32, #tpu.memory_space<vmem>>, %arg10: memref<4x128xi32, #tpu.memory_space<vmem>>, %arg11: memref<4x128xi32, #tpu.memory_space<vmem>>, %arg12: memref<2x128x128xf32, #tpu.memory_space<vmem>>, %arg13: memref<2x128x128xf32, #tpu.memory_space<vmem>>, %arg14: memref<16xf32, #tpu.memory_space<vmem>>, %arg15: memref<512xf32, #tpu.memory_space<vmem>>, %arg16: memref<2x!tpu.dma_semaphore, #tpu.memory_space<semaphore_mem>>) attributes {dimension_semantics = [#tpu.dimension_semantics<core_parallel>, #tpu.dimension_semantics<subcore_parallel>], iteration_bounds = array<i64: 2, 16>, scalar_prefetch = 0 : i64, scratch_operands = 9 : i64, tpu.core_type = #tpu.core_type<sc_vector_subcore>, window_params = [{transform_indices = #map}, {transform_indices = #map}, {transform_indices = #map1}, {transform_indices = #map1}, {transform_indices = #map1}, {transform_indices = #map1}]} {
    %mul3A = arith.constant 2 : i32
    %mul3A_0 = arith.muli %arg1, %mul3A : i32
    %add3A = arith.addi %mul3A_0, %arg0 : i32
    %mul3A_1 = arith.constant 512 : i32
    %mul3A_2 = arith.muli %add3A, %mul3A_1 : i32
    "tpu.region"() ({
      %run_scoped3A = tpu.sem_alloc : memref<!tpu.dma_semaphore, #tpu.memory_space<semaphore_mem>>
      %dma_start3A_1293 = tpu.memref_slice %arg5[%mul3A_2] : memref<16384xi32, #tpu.memory_space<hbm>> -> memref<512xi32, #tpu.memory_space<hbm>>
      %dma_start3A_1294 = tpu.memref_slice %arg5[%mul3A_2] : memref<16384xi32, #tpu.memory_space<hbm>> -> memref<512xi32, #tpu.memory_space<hbm>>
      tpu.enqueue_dma source(%dma_start3A_1294 : memref<512xi32, #tpu.memory_space<hbm>>) target(%arg8 : memref<512xi32, #tpu.memory_space<vmem>>) target_semaphore(%run_scoped3A : memref<!tpu.dma_semaphore, #tpu.memory_space<semaphore_mem>>)
      %dma_wait3A_1295 = tpu.memref_slice %arg5[%mul3A_2] : memref<16384xi32, #tpu.memory_space<hbm>> -> memref<512xi32, #tpu.memory_space<hbm>>
      %dma_wait3A_1296 = tpu.memref_slice %arg5[%mul3A_2] : memref<16384xi32, #tpu.memory_space<hbm>> -> memref<512xi32, #tpu.memory_space<hbm>>
      tpu.wait_dma2 semaphore(%run_scoped3A : memref<!tpu.dma_semaphore, #tpu.memory_space<semaphore_mem>>) src(%dma_wait3A_1296 : memref<512xi32, #tpu.memory_space<hbm>>) dst(%arg8 : memref<512xi32, #tpu.memory_space<vmem>>)
      tpu.yield
    }) : () -> ()
    "tpu.region"() ({
      %run_scoped3A = tpu.sem_alloc : memref<!tpu.dma_semaphore, #tpu.memory_space<semaphore_mem>>
      %dma_start3A_1293 = tpu.memref_slice %arg6[%mul3A_2] : memref<16384xi32, #tpu.memory_space<hbm>> -> memref<512xi32, #tpu.memory_space<hbm>>
      %dma_start3A_1294 = tpu.memref_slice %arg6[%mul3A_2] : memref<16384xi32, #tpu.memory_space<hbm>> -> memref<512xi32, #tpu.memory_space<hbm>>
      tpu.enqueue_dma source(%dma_start3A_1294 : memref<512xi32, #tpu.memory_space<hbm>>) target(%arg9 : memref<512xi32, #tpu.memory_space<vmem>>) target_semaphore(%run_scoped3A : memref<!tpu.dma_semaphore, #tpu.memory_space<semaphore_mem>>)
      %dma_wait3A_1295 = tpu.memref_slice %arg6[%mul3A_2] : memref<16384xi32, #tpu.memory_space<hbm>> -> memref<512xi32, #tpu.memory_space<hbm>>
      %dma_wait3A_1296 = tpu.memref_slice %arg6[%mul3A_2] : memref<16384xi32, #tpu.memory_space<hbm>> -> memref<512xi32, #tpu.memory_space<hbm>>
      tpu.wait_dma2 semaphore(%run_scoped3A : memref<!tpu.dma_semaphore, #tpu.memory_space<semaphore_mem>>) src(%dma_wait3A_1296 : memref<512xi32, #tpu.memory_space<hbm>>) dst(%arg9 : memref<512xi32, #tpu.memory_space<vmem>>)
      tpu.yield
    }) : () -> ()
    "tpu.region"() ({
      %run_scoped3A = tpu.sem_alloc : memref<!tpu.dma_semaphore, #tpu.memory_space<semaphore_mem>>
      tpu.enqueue_dma source(%arg4 : memref<16xf32, #tpu.memory_space<hbm>>) target(%arg14 : memref<16xf32, #tpu.memory_space<vmem>>) target_semaphore(%run_scoped3A : memref<!tpu.dma_semaphore, #tpu.memory_space<semaphore_mem>>)
      tpu.wait_dma2 semaphore(%run_scoped3A : memref<!tpu.dma_semaphore, #tpu.memory_space<semaphore_mem>>) src(%arg4 : memref<16xf32, #tpu.memory_space<hbm>>) dst(%arg14 : memref<16xf32, #tpu.memory_space<vmem>>)
      tpu.yield
    }) : () -> ()
    %get3A = arith.constant 0 : index
    %get3A_3 = tpu.vector_load %arg8[%get3A] {strides = array<i32>} : memref<512xi32, #tpu.memory_space<vmem>>, vector<16xi32>,
    %get3A_4 = arith.constant 0 : index
    %get3A_5 = tpu.vector_load %arg9[%get3A_4] {strides = array<i32>} : memref<512xi32, #tpu.memory_space<vmem>>, vector<16xi32>,
    %shift_right_arithmetic3A = arith.constant 15 : i32
    %shift_right_arithmetic3A_6 = vector.broadcast %shift_right_arithmetic3A : i32 to vector<16xi32>
    %shift_right_arithmetic3A_7 = arith.shrsi %get3A_3, %shift_right_arithmetic3A_6 : vector<16xi32>
    %shift_left3A = arith.constant 13 : i32
    %shift_left3A_8 = vector.broadcast %shift_left3A : i32 to vector<16xi32>
    %shift_left3A_9 = arith.shli %shift_right_arithmetic3A_7, %shift_left3A_8 : vector<16xi32>
    %and3A = arith.constant 8191 : i32
    %and3A_10 = vector.broadcast %and3A : i32 to vector<16xi32>
    %and3A_11 = arith.andi %get3A_3, %and3A_10 : vector<16xi32>
    %add3A_12 = arith.addi %shift_left3A_9, %and3A_11 : vector<16xi32>
    %swap3A = arith.constant 0 : i32
    %swap3A_13 = arith.index_cast %swap3A : i32 to index
    %swap3A_14 = arith.constant 0 : index
    %swap3A_15 = tpu.vector_load %arg10[%swap3A_13, %swap3A_14] {strides = array<i32>} : memref<4x128xi32, #tpu.memory_space<vmem>>, vector<16xi32>,
    tpu.vector_store %arg10[%swap3A_13, %swap3A_14], %add3A_12 {strides = array<i32>} : memref<4x128xi32, #tpu.memory_space<vmem>>, vector<16xi32>,
    %shift_right_arithmetic3A_16 = arith.constant 15 : i32
    %shift_right_arithmetic3A_17 = vector.broadcast %shift_right_arithmetic3A_16 : i32 to vector<16xi32>
    %shift_right_arithmetic3A_18 = arith.shrsi %get3A_5, %shift_right_arithmetic3A_17 : vector<16xi32>
    %shift_left3A_19 = arith.constant 13 : i32
    %shift_left3A_20 = vector.broadcast %shift_left3A_19 : i32 to vector<16xi32>
    %shift_left3A_21 = arith.shli %shift_right_arithmetic3A_18, %shift_left3A_20 : vector<16xi32>
    %and3A_22 = arith.constant 8191 : i32
    %and3A_23 = vector.broadcast %and3A_22 : i32 to vector<16xi32>
    %and3A_24 = arith.andi %get3A_5, %and3A_23 : vector<16xi32>
    %add3A_25 = arith.addi %shift_left3A_21, %and3A_24 : vector<16xi32>
    %swap3A_26 = arith.constant 0 : i32
    %swap3A_27 = arith.index_cast %swap3A_26 : i32 to index
    %swap3A_28 = arith.constant 0 : index
    %swap3A_29 = tpu.vector_load %arg11[%swap3A_27, %swap3A_28] {strides = array<i32>} : memref<4x128xi32, #tpu.memory_space<vmem>>, vector<16xi32>,
    tpu.vector_store %arg11[%swap3A_27, %swap3A_28], %add3A_25 {strides = array<i32>} : memref<4x128xi32, #tpu.memory_space<vmem>>, vector<16xi32>,
    %get3A_30 = arith.constant 16 : index
    %get3A_31 = tpu.vector_load %arg8[%get3A_30] {strides = array<i32>} : memref<512xi32, #tpu.memory_space<vmem>>, vector<16xi32>,
    %get3A_32 = arith.constant 16 : index
    %get3A_33 = tpu.vector_load %arg9[%get3A_32] {strides = array<i32>} : memref<512xi32, #tpu.memory_space<vmem>>, vector<16xi32>,
    %shift_right_arithmetic3A_34 = arith.constant 15 : i32
    %shift_right_arithmetic3A_35 = vector.broadcast %shift_right_arithmetic3A_34 : i32 to vector<16xi32>
    %shift_right_arithmetic3A_36 = arith.shrsi %get3A_31, %shift_right_arithmetic3A_35 : vector<16xi32>
    %shift_left3A_37 = arith.constant 13 : i32
    %shift_left3A_38 = vector.broadcast %shift_left3A_37 : i32 to vector<16xi32>
    %shift_left3A_39 = arith.shli %shift_right_arithmetic3A_36, %shift_left3A_38 : vector<16xi32>
    %and3A_40 = arith.constant 8191 : i32
    %and3A_41 = vector.broadcast %and3A_40 : i32 to vector<16xi32>
    %and3A_42 = arith.andi %get3A_31, %and3A_41 : vector<16xi32>
    %add3A_43 = arith.addi %shift_left3A_39, %and3A_42 : vector<16xi32>
    %swap3A_44 = arith.constant 0 : i32
    %swap3A_45 = arith.index_cast %swap3A_44 : i32 to index
    %swap3A_46 = arith.constant 16 : index
    %swap3A_47 = tpu.vector_load %arg10[%swap3A_45, %swap3A_46] {strides = array<i32>} : memref<4x128xi32, #tpu.memory_space<vmem>>, vector<16xi32>,
    tpu.vector_store %arg10[%swap3A_45, %swap3A_46], %add3A_43 {strides = array<i32>} : memref<4x128xi32, #tpu.memory_space<vmem>>, vector<16xi32>,
    %shift_right_arithmetic3A_48 = arith.constant 15 : i32
    %shift_right_arithmetic3A_49 = vector.broadcast %shift_right_arithmetic3A_48 : i32 to vector<16xi32>
    %shift_right_arithmetic3A_50 = arith.shrsi %get3A_33, %shift_right_arithmetic3A_49 : vector<16xi32>
    %shift_left3A_51 = arith.constant 13 : i32
    %shift_left3A_52 = vector.broadcast %shift_left3A_51 : i32 to vector<16xi32>
    %shift_left3A_53 = arith.shli %shift_right_arithmetic3A_50, %shift_left3A_52 : vector<16xi32>
    %and3A_54 = arith.constant 8191 : i32
    %and3A_55 = vector.broadcast %and3A_54 : i32 to vector<16xi32>
    %and3A_56 = arith.andi %get3A_33, %and3A_55 : vector<16xi32>
    %add3A_57 = arith.addi %shift_left3A_53, %and3A_56 : vector<16xi32>
    %swap3A_58 = arith.constant 0 : i32
    %swap3A_59 = arith.index_cast %swap3A_58 : i32 to index
    %swap3A_60 = arith.constant 16 : index
    %swap3A_61 = tpu.vector_load %arg11[%swap3A_59, %swap3A_60] {strides = array<i32>} : memref<4x128xi32, #tpu.memory_space<vmem>>, vector<16xi32>,
    tpu.vector_store %arg11[%swap3A_59, %swap3A_60], %add3A_57 {strides = array<i32>} : memref<4x128xi32, #tpu.memory_space<vmem>>, vector<16xi32>,
    %get3A_62 = arith.constant 32 : index
    %get3A_63 = tpu.vector_load %arg8[%get3A_62] {strides = array<i32>} : memref<512xi32, #tpu.memory_space<vmem>>, vector<16xi32>,
    %get3A_64 = arith.constant 32 : index
    %get3A_65 = tpu.vector_load %arg9[%get3A_64] {strides = array<i32>} : memref<512xi32, #tpu.memory_space<vmem>>, vector<16xi32>,
    %shift_right_arithmetic3A_66 = arith.constant 15 : i32
    %shift_right_arithmetic3A_67 = vector.broadcast %shift_right_arithmetic3A_66 : i32 to vector<16xi32>
    %shift_right_arithmetic3A_68 = arith.shrsi %get3A_63, %shift_right_arithmetic3A_67 : vector<16xi32>
    %shift_left3A_69 = arith.constant 13 : i32
    %shift_left3A_70 = vector.broadcast %shift_left3A_69 : i32 to vector<16xi32>
    %shift_left3A_71 = arith.shli %shift_right_arithmetic3A_68, %shift_left3A_70 : vector<16xi32>
    %and3A_72 = arith.constant 8191 : i32
    %and3A_73 = vector.broadcast %and3A_72 : i32 to vector<16xi32>
    %and3A_74 = arith.andi %get3A_63, %and3A_73 : vector<16xi32>
    %add3A_75 = arith.addi %shift_left3A_71, %and3A_74 : vector<16xi32>
    %swap3A_76 = arith.constant 0 : i32
    %swap3A_77 = arith.index_cast %swap3A_76 : i32 to index
    %swap3A_78 = arith.constant 32 : index
    %swap3A_79 = tpu.vector_load %arg10[%swap3A_77, %swap3A_78] {strides = array<i32>} : memref<4x128xi32, #tpu.memory_space<vmem>>, vector<16xi32>,
    tpu.vector_store %arg10[%swap3A_77, %swap3A_78], %add3A_75 {strides = array<i32>} : memref<4x128xi32, #tpu.memory_space<vmem>>, vector<16xi32>,
    %shift_right_arithmetic3A_80 = arith.constant 15 : i32
    %shift_right_arithmetic3A_81 = vector.broadcast %shift_right_arithmetic3A_80 : i32 to vector<16xi32>
    %shift_right_arithmetic3A_82 = arith.shrsi %get3A_65, %shift_right_arithmetic3A_81 : vector<16xi32>
    %shift_left3A_83 = arith.constant 13 : i32
    %shift_left3A_84 = vector.broadcast %shift_left3A_83 : i32 to vector<16xi32>
    %shift_left3A_85 = arith.shli %shift_right_arithmetic3A_82, %shift_left3A_84 : vector<16xi32>
    %and3A_86 = arith.constant 8191 : i32
    %and3A_87 = vector.broadcast %and3A_86 : i32 to vector<16xi32>
    %and3A_88 = arith.andi %get3A_65, %and3A_87 : vector<16xi32>
    %add3A_89 = arith.addi %shift_left3A_85, %and3A_88 : vector<16xi32>
    %swap3A_90 = arith.constant 0 : i32
    %swap3A_91 = arith.index_cast %swap3A_90 : i32 to index
    %swap3A_92 = arith.constant 32 : index
    %swap3A_93 = tpu.vector_load %arg11[%swap3A_91, %swap3A_92] {strides = array<i32>} : memref<4x128xi32, #tpu.memory_space<vmem>>, vector<16xi32>,
    tpu.vector_store %arg11[%swap3A_91, %swap3A_92], %add3A_89 {strides = array<i32>} : memref<4x128xi32, #tpu.memory_space<vmem>>, vector<16xi32>,
    %get3A_94 = arith.constant 48 : index
    %get3A_95 = tpu.vector_load %arg8[%get3A_94] {strides = array<i32>} : memref<512xi32, #tpu.memory_space<vmem>>, vector<16xi32>,
    %get3A_96 = arith.constant 48 : index
    %get3A_97 = tpu.vector_load %arg9[%get3A_96] {strides = array<i32>} : memref<512xi32, #tpu.memory_space<vmem>>, vector<16xi32>,
    %shift_right_arithmetic3A_98 = arith.constant 15 : i32
    %shift_right_arithmetic3A_99 = vector.broadcast %shift_right_arithmetic3A_98 : i32 to vector<16xi32>
    %shift_right_arithmetic3A_100 = arith.shrsi %get3A_95, %shift_right_arithmetic3A_99 : vector<16xi32>
    %shift_left3A_101 = arith.constant 13 : i32
    %shift_left3A_102 = vector.broadcast %shift_left3A_101 : i32 to vector<16xi32>
    %shift_left3A_103 = arith.shli %shift_right_arithmetic3A_100, %shift_left3A_102 : vector<16xi32>
    %and3A_104 = arith.constant 8191 : i32
    %and3A_105 = vector.broadcast %and3A_104 : i32 to vector<16xi32>
    %and3A_106 = arith.andi %get3A_95, %and3A_105 : vector<16xi32>
    %add3A_107 = arith.addi %shift_left3A_103, %and3A_106 : vector<16xi32>
    %swap3A_108 = arith.constant 0 : i32
    %swap3A_109 = arith.index_cast %swap3A_108 : i32 to index
    %swap3A_110 = arith.constant 48 : index
    %swap3A_111 = tpu.vector_load %arg10[%swap3A_109, %swap3A_110] {strides = array<i32>} : memref<4x128xi32, #tpu.memory_space<vmem>>, vector<16xi32>,
    tpu.vector_store %arg10[%swap3A_109, %swap3A_110], %add3A_107 {strides = array<i32>} : memref<4x128xi32, #tpu.memory_space<vmem>>, vector<16xi32>,
    %shift_right_arithmetic3A_112 = arith.constant 15 : i32
    %shift_right_arithmetic3A_113 = vector.broadcast %shift_right_arithmetic3A_112 : i32 to vector<16xi32>
    %shift_right_arithmetic3A_114 = arith.shrsi %get3A_97, %shift_right_arithmetic3A_113 : vector<16xi32>
    %shift_left3A_115 = arith.constant 13 : i32
    %shift_left3A_116 = vector.broadcast %shift_left3A_115 : i32 to vector<16xi32>
    %shift_left3A_117 = arith.shli %shift_right_arithmetic3A_114, %shift_left3A_116 : vector<16xi32>
    %and3A_118 = arith.constant 8191 : i32
    %and3A_119 = vector.broadcast %and3A_118 : i32 to vector<16xi32>
    %and3A_120 = arith.andi %get3A_97, %and3A_119 : vector<16xi32>
    %add3A_121 = arith.addi %shift_left3A_117, %and3A_120 : vector<16xi32>
    %swap3A_122 = arith.constant 0 : i32
    %swap3A_123 = arith.index_cast %swap3A_122 : i32 to index
    %swap3A_124 = arith.constant 48 : index
    %swap3A_125 = tpu.vector_load %arg11[%swap3A_123, %swap3A_124] {strides = array<i32>} : memref<4x128xi32, #tpu.memory_space<vmem>>, vector<16xi32>,
    tpu.vector_store %arg11[%swap3A_123, %swap3A_124], %add3A_121 {strides = array<i32>} : memref<4x128xi32, #tpu.memory_space<vmem>>, vector<16xi32>,
    %get3A_126 = arith.constant 64 : index
    %get3A_127 = tpu.vector_load %arg8[%get3A_126] {strides = array<i32>} : memref<512xi32, #tpu.memory_space<vmem>>, vector<16xi32>,
    %get3A_128 = arith.constant 64 : index
    %get3A_129 = tpu.vector_load %arg9[%get3A_128] {strides = array<i32>} : memref<512xi32, #tpu.memory_space<vmem>>, vector<16xi32>,
    %shift_right_arithmetic3A_130 = arith.constant 15 : i32
    %shift_right_arithmetic3A_131 = vector.broadcast %shift_right_arithmetic3A_130 : i32 to vector<16xi32>
    %shift_right_arithmetic3A_132 = arith.shrsi %get3A_127, %shift_right_arithmetic3A_131 : vector<16xi32>
    %shift_left3A_133 = arith.constant 13 : i32
    %shift_left3A_134 = vector.broadcast %shift_left3A_133 : i32 to vector<16xi32>
    %shift_left3A_135 = arith.shli %shift_right_arithmetic3A_132, %shift_left3A_134 : vector<16xi32>
    %and3A_136 = arith.constant 8191 : i32
    %and3A_137 = vector.broadcast %and3A_136 : i32 to vector<16xi32>
    %and3A_138 = arith.andi %get3A_127, %and3A_137 : vector<16xi32>
    %add3A_139 = arith.addi %shift_left3A_135, %and3A_138 : vector<16xi32>
    %swap3A_140 = arith.constant 0 : i32
    %swap3A_141 = arith.index_cast %swap3A_140 : i32 to index
    %swap3A_142 = arith.constant 64 : index
    %swap3A_143 = tpu.vector_load %arg10[%swap3A_141, %swap3A_142] {strides = array<i32>} : memref<4x128xi32, #tpu.memory_space<vmem>>, vector<16xi32>,
    tpu.vector_store %arg10[%swap3A_141, %swap3A_142], %add3A_139 {strides = array<i32>} : memref<4x128xi32, #tpu.memory_space<vmem>>, vector<16xi32>,
    %shift_right_arithmetic3A_144 = arith.constant 15 : i32
    %shift_right_arithmetic3A_145 = vector.broadcast %shift_right_arithmetic3A_144 : i32 to vector<16xi32>
    %shift_right_arithmetic3A_146 = arith.shrsi %get3A_129, %shift_right_arithmetic3A_145 : vector<16xi32>
    %shift_left3A_147 = arith.constant 13 : i32
    %shift_left3A_148 = vector.broadcast %shift_left3A_147 : i32 to vector<16xi32>
    %shift_left3A_149 = arith.shli %shift_right_arithmetic3A_146, %shift_left3A_148 : vector<16xi32>
    %and3A_150 = arith.constant 8191 : i32
    %and3A_151 = vector.broadcast %and3A_150 : i32 to vector<16xi32>
    %and3A_152 = arith.andi %get3A_129, %and3A_151 : vector<16xi32>
    %add3A_153 = arith.addi %shift_left3A_149, %and3A_152 : vector<16xi32>
    %swap3A_154 = arith.constant 0 : i32
    %swap3A_155 = arith.index_cast %swap3A_154 : i32 to index
    %swap3A_156 = arith.constant 64 : index
    %swap3A_157 = tpu.vector_load %arg11[%swap3A_155, %swap3A_156] {strides = array<i32>} : memref<4x128xi32, #tpu.memory_space<vmem>>, vector<16xi32>,
    tpu.vector_store %arg11[%swap3A_155, %swap3A_156], %add3A_153 {strides = array<i32>} : memref<4x128xi32, #tpu.memory_space<vmem>>, vector<16xi32>,
    %get3A_158 = arith.constant 80 : index
    %get3A_159 = tpu.vector_load %arg8[%get3A_158] {strides = array<i32>} : memref<512xi32, #tpu.memory_space<vmem>>, vector<16xi32>,
    %get3A_160 = arith.constant 80 : index
    %get3A_161 = tpu.vector_load %arg9[%get3A_160] {strides = array<i32>} : memref<512xi32, #tpu.memory_space<vmem>>, vector<16xi32>,
    %shift_right_arithmetic3A_162 = arith.constant 15 : i32
    %shift_right_arithmetic3A_163 = vector.broadcast %shift_right_arithmetic3A_162 : i32 to vector<16xi32>
    %shift_right_arithmetic3A_164 = arith.shrsi %get3A_159, %shift_right_arithmetic3A_163 : vector<16xi32>
    %shift_left3A_165 = arith.constant 13 : i32
    %shift_left3A_166 = vector.broadcast %shift_left3A_165 : i32 to vector<16xi32>
    %shift_left3A_167 = arith.shli %shift_right_arithmetic3A_164, %shift_left3A_166 : vector<16xi32>
    %and3A_168 = arith.constant 8191 : i32
    %and3A_169 = vector.broadcast %and3A_168 : i32 to vector<16xi32>
    %and3A_170 = arith.andi %get3A_159, %and3A_169 : vector<16xi32>
    %add3A_171 = arith.addi %shift_left3A_167, %and3A_170 : vector<16xi32>
    %swap3A_172 = arith.constant 0 : i32
    %swap3A_173 = arith.index_cast %swap3A_172 : i32 to index
    %swap3A_174 = arith.constant 80 : index
    %swap3A_175 = tpu.vector_load %arg10[%swap3A_173, %swap3A_174] {strides = array<i32>} : memref<4x128xi32, #tpu.memory_space<vmem>>, vector<16xi32>,
    tpu.vector_store %arg10[%swap3A_173, %swap3A_174], %add3A_171 {strides = array<i32>} : memref<4x128xi32, #tpu.memory_space<vmem>>, vector<16xi32>,
    %shift_right_arithmetic3A_176 = arith.constant 15 : i32
    %shift_right_arithmetic3A_177 = vector.broadcast %shift_right_arithmetic3A_176 : i32 to vector<16xi32>
    %shift_right_arithmetic3A_178 = arith.shrsi %get3A_161, %shift_right_arithmetic3A_177 : vector<16xi32>
    %shift_left3A_179 = arith.constant 13 : i32
    %shift_left3A_180 = vector.broadcast %shift_left3A_179 : i32 to vector<16xi32>
    %shift_left3A_181 = arith.shli %shift_right_arithmetic3A_178, %shift_left3A_180 : vector<16xi32>
    %and3A_182 = arith.constant 8191 : i32
    %and3A_183 = vector.broadcast %and3A_182 : i32 to vector<16xi32>
    %and3A_184 = arith.andi %get3A_161, %and3A_183 : vector<16xi32>
    %add3A_185 = arith.addi %shift_left3A_181, %and3A_184 : vector<16xi32>
    %swap3A_186 = arith.constant 0 : i32
    %swap3A_187 = arith.index_cast %swap3A_186 : i32 to index
    %swap3A_188 = arith.constant 80 : index
    %swap3A_189 = tpu.vector_load %arg11[%swap3A_187, %swap3A_188] {strides = array<i32>} : memref<4x128xi32, #tpu.memory_space<vmem>>, vector<16xi32>,
    tpu.vector_store %arg11[%swap3A_187, %swap3A_188], %add3A_185 {strides = array<i32>} : memref<4x128xi32, #tpu.memory_space<vmem>>, vector<16xi32>,
    %get3A_190 = arith.constant 96 : index
    %get3A_191 = tpu.vector_load %arg8[%get3A_190] {strides = array<i32>} : memref<512xi32, #tpu.memory_space<vmem>>, vector<16xi32>,
    %get3A_192 = arith.constant 96 : index
    %get3A_193 = tpu.vector_load %arg9[%get3A_192] {strides = array<i32>} : memref<512xi32, #tpu.memory_space<vmem>>, vector<16xi32>,
    %shift_right_arithmetic3A_194 = arith.constant 15 : i32
    %shift_right_arithmetic3A_195 = vector.broadcast %shift_right_arithmetic3A_194 : i32 to vector<16xi32>
    %shift_right_arithmetic3A_196 = arith.shrsi %get3A_191, %shift_right_arithmetic3A_195 : vector<16xi32>
    %shift_left3A_197 = arith.constant 13 : i32
    %shift_left3A_198 = vector.broadcast %shift_left3A_197 : i32 to vector<16xi32>
    %shift_left3A_199 = arith.shli %shift_right_arithmetic3A_196, %shift_left3A_198 : vector<16xi32>
    %and3A_200 = arith.constant 8191 : i32
    %and3A_201 = vector.broadcast %and3A_200 : i32 to vector<16xi32>
    %and3A_202 = arith.andi %get3A_191, %and3A_201 : vector<16xi32>
    %add3A_203 = arith.addi %shift_left3A_199, %and3A_202 : vector<16xi32>
    %swap3A_204 = arith.constant 0 : i32
    %swap3A_205 = arith.index_cast %swap3A_204 : i32 to index
    %swap3A_206 = arith.constant 96 : index
    %swap3A_207 = tpu.vector_load %arg10[%swap3A_205, %swap3A_206] {strides = array<i32>} : memref<4x128xi32, #tpu.memory_space<vmem>>, vector<16xi32>,
    tpu.vector_store %arg10[%swap3A_205, %swap3A_206], %add3A_203 {strides = array<i32>} : memref<4x128xi32, #tpu.memory_space<vmem>>, vector<16xi32>,
    %shift_right_arithmetic3A_208 = arith.constant 15 : i32
    %shift_right_arithmetic3A_209 = vector.broadcast %shift_right_arithmetic3A_208 : i32 to vector<16xi32>
    %shift_right_arithmetic3A_210 = arith.shrsi %get3A_193, %shift_right_arithmetic3A_209 : vector<16xi32>
    %shift_left3A_211 = arith.constant 13 : i32
    %shift_left3A_212 = vector.broadcast %shift_left3A_211 : i32 to vector<16xi32>
    %shift_left3A_213 = arith.shli %shift_right_arithmetic3A_210, %shift_left3A_212 : vector<16xi32>
    %and3A_214 = arith.constant 8191 : i32
    %and3A_215 = vector.broadcast %and3A_214 : i32 to vector<16xi32>
    %and3A_216 = arith.andi %get3A_193, %and3A_215 : vector<16xi32>
    %add3A_217 = arith.addi %shift_left3A_213, %and3A_216 : vector<16xi32>
    %swap3A_218 = arith.constant 0 : i32
    %swap3A_219 = arith.index_cast %swap3A_218 : i32 to index
    %swap3A_220 = arith.constant 96 : index
    %swap3A_221 = tpu.vector_load %arg11[%swap3A_219, %swap3A_220] {strides = array<i32>} : memref<4x128xi32, #tpu.memory_space<vmem>>, vector<16xi32>,
    tpu.vector_store %arg11[%swap3A_219, %swap3A_220], %add3A_217 {strides = array<i32>} : memref<4x128xi32, #tpu.memory_space<vmem>>, vector<16xi32>,
    %get3A_222 = arith.constant 112 : index
    %get3A_223 = tpu.vector_load %arg8[%get3A_222] {strides = array<i32>} : memref<512xi32, #tpu.memory_space<vmem>>, vector<16xi32>,
    %get3A_224 = arith.constant 112 : index
    %get3A_225 = tpu.vector_load %arg9[%get3A_224] {strides = array<i32>} : memref<512xi32, #tpu.memory_space<vmem>>, vector<16xi32>,
    %shift_right_arithmetic3A_226 = arith.constant 15 : i32
    %shift_right_arithmetic3A_227 = vector.broadcast %shift_right_arithmetic3A_226 : i32 to vector<16xi32>
    %shift_right_arithmetic3A_228 = arith.shrsi %get3A_223, %shift_right_arithmetic3A_227 : vector<16xi32>
    %shift_left3A_229 = arith.constant 13 : i32
    %shift_left3A_230 = vector.broadcast %shift_left3A_229 : i32 to vector<16xi32>
    %shift_left3A_231 = arith.shli %shift_right_arithmetic3A_228, %shift_left3A_230 : vector<16xi32>
    %and3A_232 = arith.constant 8191 : i32
    %and3A_233 = vector.broadcast %and3A_232 : i32 to vector<16xi32>
    %and3A_234 = arith.andi %get3A_223, %and3A_233 : vector<16xi32>
    %add3A_235 = arith.addi %shift_left3A_231, %and3A_234 : vector<16xi32>
    %swap3A_236 = arith.constant 0 : i32
    %swap3A_237 = arith.index_cast %swap3A_236 : i32 to index
    %swap3A_238 = arith.constant 112 : index
    %swap3A_239 = tpu.vector_load %arg10[%swap3A_237, %swap3A_238] {strides = array<i32>} : memref<4x128xi32, #tpu.memory_space<vmem>>, vector<16xi32>,
    tpu.vector_store %arg10[%swap3A_237, %swap3A_238], %add3A_235 {strides = array<i32>} : memref<4x128xi32, #tpu.memory_space<vmem>>, vector<16xi32>,
    %shift_right_arithmetic3A_240 = arith.constant 15 : i32
    %shift_right_arithmetic3A_241 = vector.broadcast %shift_right_arithmetic3A_240 : i32 to vector<16xi32>
    %shift_right_arithmetic3A_242 = arith.shrsi %get3A_225, %shift_right_arithmetic3A_241 : vector<16xi32>
    %shift_left3A_243 = arith.constant 13 : i32
    %shift_left3A_244 = vector.broadcast %shift_left3A_243 : i32 to vector<16xi32>
    %shift_left3A_245 = arith.shli %shift_right_arithmetic3A_242, %shift_left3A_244 : vector<16xi32>
    %and3A_246 = arith.constant 8191 : i32
    %and3A_247 = vector.broadcast %and3A_246 : i32 to vector<16xi32>
    %and3A_248 = arith.andi %get3A_225, %and3A_247 : vector<16xi32>
    %add3A_249 = arith.addi %shift_left3A_245, %and3A_248 : vector<16xi32>
    %swap3A_250 = arith.constant 0 : i32
    %swap3A_251 = arith.index_cast %swap3A_250 : i32 to index
    %swap3A_252 = arith.constant 112 : index
    %swap3A_253 = tpu.vector_load %arg11[%swap3A_251, %swap3A_252] {strides = array<i32>} : memref<4x128xi32, #tpu.memory_space<vmem>>, vector<16xi32>,
    tpu.vector_store %arg11[%swap3A_251, %swap3A_252], %add3A_249 {strides = array<i32>} : memref<4x128xi32, #tpu.memory_space<vmem>>, vector<16xi32>,
    %get3A_254 = arith.constant 128 : index
    %get3A_255 = tpu.vector_load %arg8[%get3A_254] {strides = array<i32>} : memref<512xi32, #tpu.memory_space<vmem>>, vector<16xi32>,
    %get3A_256 = arith.constant 128 : index
    %get3A_257 = tpu.vector_load %arg9[%get3A_256] {strides = array<i32>} : memref<512xi32, #tpu.memory_space<vmem>>, vector<16xi32>,
    %shift_right_arithmetic3A_258 = arith.constant 15 : i32
    %shift_right_arithmetic3A_259 = vector.broadcast %shift_right_arithmetic3A_258 : i32 to vector<16xi32>
    %shift_right_arithmetic3A_260 = arith.shrsi %get3A_255, %shift_right_arithmetic3A_259 : vector<16xi32>
    %shift_left3A_261 = arith.constant 13 : i32
    %shift_left3A_262 = vector.broadcast %shift_left3A_261 : i32 to vector<16xi32>
    %shift_left3A_263 = arith.shli %shift_right_arithmetic3A_260, %shift_left3A_262 : vector<16xi32>
    %and3A_264 = arith.constant 8191 : i32
    %and3A_265 = vector.broadcast %and3A_264 : i32 to vector<16xi32>
    %and3A_266 = arith.andi %get3A_255, %and3A_265 : vector<16xi32>
    %add3A_267 = arith.addi %shift_left3A_263, %and3A_266 : vector<16xi32>
    %swap3A_268 = arith.constant 1 : i32
    %swap3A_269 = arith.index_cast %swap3A_268 : i32 to index
    %swap3A_270 = arith.constant 0 : index
    %swap3A_271 = tpu.vector_load %arg10[%swap3A_269, %swap3A_270] {strides = array<i32>} : memref<4x128xi32, #tpu.memory_space<vmem>>, vector<16xi32>,
    tpu.vector_store %arg10[%swap3A_269, %swap3A_270], %add3A_267 {strides = array<i32>} : memref<4x128xi32, #tpu.memory_space<vmem>>, vector<16xi32>,
    %shift_right_arithmetic3A_272 = arith.constant 15 : i32
    %shift_right_arithmetic3A_273 = vector.broadcast %shift_right_arithmetic3A_272 : i32 to vector<16xi32>
    %shift_right_arithmetic3A_274 = arith.shrsi %get3A_257, %shift_right_arithmetic3A_273 : vector<16xi32>
    %shift_left3A_275 = arith.constant 13 : i32
    %shift_left3A_276 = vector.broadcast %shift_left3A_275 : i32 to vector<16xi32>
    %shift_left3A_277 = arith.shli %shift_right_arithmetic3A_274, %shift_left3A_276 : vector<16xi32>
    %and3A_278 = arith.constant 8191 : i32
    %and3A_279 = vector.broadcast %and3A_278 : i32 to vector<16xi32>
    %and3A_280 = arith.andi %get3A_257, %and3A_279 : vector<16xi32>
    %add3A_281 = arith.addi %shift_left3A_277, %and3A_280 : vector<16xi32>
    %swap3A_282 = arith.constant 1 : i32
    %swap3A_283 = arith.index_cast %swap3A_282 : i32 to index
    %swap3A_284 = arith.constant 0 : index
    %swap3A_285 = tpu.vector_load %arg11[%swap3A_283, %swap3A_284] {strides = array<i32>} : memref<4x128xi32, #tpu.memory_space<vmem>>, vector<16xi32>,
    tpu.vector_store %arg11[%swap3A_283, %swap3A_284], %add3A_281 {strides = array<i32>} : memref<4x128xi32, #tpu.memory_space<vmem>>, vector<16xi32>,
    %get3A_286 = arith.constant 144 : index
    %get3A_287 = tpu.vector_load %arg8[%get3A_286] {strides = array<i32>} : memref<512xi32, #tpu.memory_space<vmem>>, vector<16xi32>,
    %get3A_288 = arith.constant 144 : index
    %get3A_289 = tpu.vector_load %arg9[%get3A_288] {strides = array<i32>} : memref<512xi32, #tpu.memory_space<vmem>>, vector<16xi32>,
    %shift_right_arithmetic3A_290 = arith.constant 15 : i32
    %shift_right_arithmetic3A_291 = vector.broadcast %shift_right_arithmetic3A_290 : i32 to vector<16xi32>
    %shift_right_arithmetic3A_292 = arith.shrsi %get3A_287, %shift_right_arithmetic3A_291 : vector<16xi32>
    %shift_left3A_293 = arith.constant 13 : i32
    %shift_left3A_294 = vector.broadcast %shift_left3A_293 : i32 to vector<16xi32>
    %shift_left3A_295 = arith.shli %shift_right_arithmetic3A_292, %shift_left3A_294 : vector<16xi32>
    %and3A_296 = arith.constant 8191 : i32
    %and3A_297 = vector.broadcast %and3A_296 : i32 to vector<16xi32>
    %and3A_298 = arith.andi %get3A_287, %and3A_297 : vector<16xi32>
    %add3A_299 = arith.addi %shift_left3A_295, %and3A_298 : vector<16xi32>
    %swap3A_300 = arith.constant 1 : i32
    %swap3A_301 = arith.index_cast %swap3A_300 : i32 to index
    %swap3A_302 = arith.constant 16 : index
    %swap3A_303 = tpu.vector_load %arg10[%swap3A_301, %swap3A_302] {strides = array<i32>} : memref<4x128xi32, #tpu.memory_space<vmem>>, vector<16xi32>,
    tpu.vector_store %arg10[%swap3A_301, %swap3A_302], %add3A_299 {strides = array<i32>} : memref<4x128xi32, #tpu.memory_space<vmem>>, vector<16xi32>,
    %shift_right_arithmetic3A_304 = arith.constant 15 : i32
    %shift_right_arithmetic3A_305 = vector.broadcast %shift_right_arithmetic3A_304 : i32 to vector<16xi32>
    %shift_right_arithmetic3A_306 = arith.shrsi %get3A_289, %shift_right_arithmetic3A_305 : vector<16xi32>
    %shift_left3A_307 = arith.constant 13 : i32
    %shift_left3A_308 = vector.broadcast %shift_left3A_307 : i32 to vector<16xi32>
    %shift_left3A_309 = arith.shli %shift_right_arithmetic3A_306, %shift_left3A_308 : vector<16xi32>
    %and3A_310 = arith.constant 8191 : i32
    %and3A_311 = vector.broadcast %and3A_310 : i32 to vector<16xi32>
    %and3A_312 = arith.andi %get3A_289, %and3A_311 : vector<16xi32>
    %add3A_313 = arith.addi %shift_left3A_309, %and3A_312 : vector<16xi32>
    %swap3A_314 = arith.constant 1 : i32
    %swap3A_315 = arith.index_cast %swap3A_314 : i32 to index
    %swap3A_316 = arith.constant 16 : index
    %swap3A_317 = tpu.vector_load %arg11[%swap3A_315, %swap3A_316] {strides = array<i32>} : memref<4x128xi32, #tpu.memory_space<vmem>>, vector<16xi32>,
    tpu.vector_store %arg11[%swap3A_315, %swap3A_316], %add3A_313 {strides = array<i32>} : memref<4x128xi32, #tpu.memory_space<vmem>>, vector<16xi32>,
    %get3A_318 = arith.constant 160 : index
    %get3A_319 = tpu.vector_load %arg8[%get3A_318] {strides = array<i32>} : memref<512xi32, #tpu.memory_space<vmem>>, vector<16xi32>,
    %get3A_320 = arith.constant 160 : index
    %get3A_321 = tpu.vector_load %arg9[%get3A_320] {strides = array<i32>} : memref<512xi32, #tpu.memory_space<vmem>>, vector<16xi32>,
    %shift_right_arithmetic3A_322 = arith.constant 15 : i32
    %shift_right_arithmetic3A_323 = vector.broadcast %shift_right_arithmetic3A_322 : i32 to vector<16xi32>
    %shift_right_arithmetic3A_324 = arith.shrsi %get3A_319, %shift_right_arithmetic3A_323 : vector<16xi32>
    %shift_left3A_325 = arith.constant 13 : i32
    %shift_left3A_326 = vector.broadcast %shift_left3A_325 : i32 to vector<16xi32>
    %shift_left3A_327 = arith.shli %shift_right_arithmetic3A_324, %shift_left3A_326 : vector<16xi32>
    %and3A_328 = arith.constant 8191 : i32
    %and3A_329 = vector.broadcast %and3A_328 : i32 to vector<16xi32>
    %and3A_330 = arith.andi %get3A_319, %and3A_329 : vector<16xi32>
    %add3A_331 = arith.addi %shift_left3A_327, %and3A_330 : vector<16xi32>
    %swap3A_332 = arith.constant 1 : i32
    %swap3A_333 = arith.index_cast %swap3A_332 : i32 to index
    %swap3A_334 = arith.constant 32 : index
    %swap3A_335 = tpu.vector_load %arg10[%swap3A_333, %swap3A_334] {strides = array<i32>} : memref<4x128xi32, #tpu.memory_space<vmem>>, vector<16xi32>,
    tpu.vector_store %arg10[%swap3A_333, %swap3A_334], %add3A_331 {strides = array<i32>} : memref<4x128xi32, #tpu.memory_space<vmem>>, vector<16xi32>,
    %shift_right_arithmetic3A_336 = arith.constant 15 : i32
    %shift_right_arithmetic3A_337 = vector.broadcast %shift_right_arithmetic3A_336 : i32 to vector<16xi32>
    %shift_right_arithmetic3A_338 = arith.shrsi %get3A_321, %shift_right_arithmetic3A_337 : vector<16xi32>
    %shift_left3A_339 = arith.constant 13 : i32
    %shift_left3A_340 = vector.broadcast %shift_left3A_339 : i32 to vector<16xi32>
    %shift_left3A_341 = arith.shli %shift_right_arithmetic3A_338, %shift_left3A_340 : vector<16xi32>
    %and3A_342 = arith.constant 8191 : i32
    %and3A_343 = vector.broadcast %and3A_342 : i32 to vector<16xi32>
    %and3A_344 = arith.andi %get3A_321, %and3A_343 : vector<16xi32>
    %add3A_345 = arith.addi %shift_left3A_341, %and3A_344 : vector<16xi32>
    %swap3A_346 = arith.constant 1 : i32
    %swap3A_347 = arith.index_cast %swap3A_346 : i32 to index
    %swap3A_348 = arith.constant 32 : index
    %swap3A_349 = tpu.vector_load %arg11[%swap3A_347, %swap3A_348] {strides = array<i32>} : memref<4x128xi32, #tpu.memory_space<vmem>>, vector<16xi32>,
    tpu.vector_store %arg11[%swap3A_347, %swap3A_348], %add3A_345 {strides = array<i32>} : memref<4x128xi32, #tpu.memory_space<vmem>>, vector<16xi32>,
    %get3A_350 = arith.constant 176 : index
    %get3A_351 = tpu.vector_load %arg8[%get3A_350] {strides = array<i32>} : memref<512xi32, #tpu.memory_space<vmem>>, vector<16xi32>,
    %get3A_352 = arith.constant 176 : index
    %get3A_353 = tpu.vector_load %arg9[%get3A_352] {strides = array<i32>} : memref<512xi32, #tpu.memory_space<vmem>>, vector<16xi32>,
    %shift_right_arithmetic3A_354 = arith.constant 15 : i32
    %shift_right_arithmetic3A_355 = vector.broadcast %shift_right_arithmetic3A_354 : i32 to vector<16xi32>
    %shift_right_arithmetic3A_356 = arith.shrsi %get3A_351, %shift_right_arithmetic3A_355 : vector<16xi32>
    %shift_left3A_357 = arith.constant 13 : i32
    %shift_left3A_358 = vector.broadcast %shift_left3A_357 : i32 to vector<16xi32>
    %shift_left3A_359 = arith.shli %shift_right_arithmetic3A_356, %shift_left3A_358 : vector<16xi32>
    %and3A_360 = arith.constant 8191 : i32
    %and3A_361 = vector.broadcast %and3A_360 : i32 to vector<16xi32>
    %and3A_362 = arith.andi %get3A_351, %and3A_361 : vector<16xi32>
    %add3A_363 = arith.addi %shift_left3A_359, %and3A_362 : vector<16xi32>
    %swap3A_364 = arith.constant 1 : i32
    %swap3A_365 = arith.index_cast %swap3A_364 : i32 to index
    %swap3A_366 = arith.constant 48 : index
    %swap3A_367 = tpu.vector_load %arg10[%swap3A_365, %swap3A_366] {strides = array<i32>} : memref<4x128xi32, #tpu.memory_space<vmem>>, vector<16xi32>,
    tpu.vector_store %arg10[%swap3A_365, %swap3A_366], %add3A_363 {strides = array<i32>} : memref<4x128xi32, #tpu.memory_space<vmem>>, vector<16xi32>,
    %shift_right_arithmetic3A_368 = arith.constant 15 : i32
    %shift_right_arithmetic3A_369 = vector.broadcast %shift_right_arithmetic3A_368 : i32 to vector<16xi32>
    %shift_right_arithmetic3A_370 = arith.shrsi %get3A_353, %shift_right_arithmetic3A_369 : vector<16xi32>
    %shift_left3A_371 = arith.constant 13 : i32
    %shift_left3A_372 = vector.broadcast %shift_left3A_371 : i32 to vector<16xi32>
    %shift_left3A_373 = arith.shli %shift_right_arithmetic3A_370, %shift_left3A_372 : vector<16xi32>
    %and3A_374 = arith.constant 8191 : i32
    %and3A_375 = vector.broadcast %and3A_374 : i32 to vector<16xi32>
    %and3A_376 = arith.andi %get3A_353, %and3A_375 : vector<16xi32>
    %add3A_377 = arith.addi %shift_left3A_373, %and3A_376 : vector<16xi32>
    %swap3A_378 = arith.constant 1 : i32
    %swap3A_379 = arith.index_cast %swap3A_378 : i32 to index
    %swap3A_380 = arith.constant 48 : index
    %swap3A_381 = tpu.vector_load %arg11[%swap3A_379, %swap3A_380] {strides = array<i32>} : memref<4x128xi32, #tpu.memory_space<vmem>>, vector<16xi32>,
    tpu.vector_store %arg11[%swap3A_379, %swap3A_380], %add3A_377 {strides = array<i32>} : memref<4x128xi32, #tpu.memory_space<vmem>>, vector<16xi32>,
    %get3A_382 = arith.constant 192 : index
    %get3A_383 = tpu.vector_load %arg8[%get3A_382] {strides = array<i32>} : memref<512xi32, #tpu.memory_space<vmem>>, vector<16xi32>,
    %get3A_384 = arith.constant 192 : index
    %get3A_385 = tpu.vector_load %arg9[%get3A_384] {strides = array<i32>} : memref<512xi32, #tpu.memory_space<vmem>>, vector<16xi32>,
    %shift_right_arithmetic3A_386 = arith.constant 15 : i32
    %shift_right_arithmetic3A_387 = vector.broadcast %shift_right_arithmetic3A_386 : i32 to vector<16xi32>
    %shift_right_arithmetic3A_388 = arith.shrsi %get3A_383, %shift_right_arithmetic3A_387 : vector<16xi32>
    %shift_left3A_389 = arith.constant 13 : i32
    %shift_left3A_390 = vector.broadcast %shift_left3A_389 : i32 to vector<16xi32>
    %shift_left3A_391 = arith.shli %shift_right_arithmetic3A_388, %shift_left3A_390 : vector<16xi32>
    %and3A_392 = arith.constant 8191 : i32
    %and3A_393 = vector.broadcast %and3A_392 : i32 to vector<16xi32>
    %and3A_394 = arith.andi %get3A_383, %and3A_393 : vector<16xi32>
    %add3A_395 = arith.addi %shift_left3A_391, %and3A_394 : vector<16xi32>
    %swap3A_396 = arith.constant 1 : i32
    %swap3A_397 = arith.index_cast %swap3A_396 : i32 to index
    %swap3A_398 = arith.constant 64 : index
    %swap3A_399 = tpu.vector_load %arg10[%swap3A_397, %swap3A_398] {strides = array<i32>} : memref<4x128xi32, #tpu.memory_space<vmem>>, vector<16xi32>,
    tpu.vector_store %arg10[%swap3A_397, %swap3A_398], %add3A_395 {strides = array<i32>} : memref<4x128xi32, #tpu.memory_space<vmem>>, vector<16xi32>,
    %shift_right_arithmetic3A_400 = arith.constant 15 : i32
    %shift_right_arithmetic3A_401 = vector.broadcast %shift_right_arithmetic3A_400 : i32 to vector<16xi32>
    %shift_right_arithmetic3A_402 = arith.shrsi %get3A_385, %shift_right_arithmetic3A_401 : vector<16xi32>
    %shift_left3A_403 = arith.constant 13 : i32
    %shift_left3A_404 = vector.broadcast %shift_left3A_403 : i32 to vector<16xi32>
    %shift_left3A_405 = arith.shli %shift_right_arithmetic3A_402, %shift_left3A_404 : vector<16xi32>
    %and3A_406 = arith.constant 8191 : i32
    %and3A_407 = vector.broadcast %and3A_406 : i32 to vector<16xi32>
    %and3A_408 = arith.andi %get3A_385, %and3A_407 : vector<16xi32>
    %add3A_409 = arith.addi %shift_left3A_405, %and3A_408 : vector<16xi32>
    %swap3A_410 = arith.constant 1 : i32
    %swap3A_411 = arith.index_cast %swap3A_410 : i32 to index
    %swap3A_412 = arith.constant 64 : index
    %swap3A_413 = tpu.vector_load %arg11[%swap3A_411, %swap3A_412] {strides = array<i32>} : memref<4x128xi32, #tpu.memory_space<vmem>>, vector<16xi32>,
    tpu.vector_store %arg11[%swap3A_411, %swap3A_412], %add3A_409 {strides = array<i32>} : memref<4x128xi32, #tpu.memory_space<vmem>>, vector<16xi32>,
    %get3A_414 = arith.constant 208 : index
    %get3A_415 = tpu.vector_load %arg8[%get3A_414] {strides = array<i32>} : memref<512xi32, #tpu.memory_space<vmem>>, vector<16xi32>,
    %get3A_416 = arith.constant 208 : index
    %get3A_417 = tpu.vector_load %arg9[%get3A_416] {strides = array<i32>} : memref<512xi32, #tpu.memory_space<vmem>>, vector<16xi32>,
    %shift_right_arithmetic3A_418 = arith.constant 15 : i32
    %shift_right_arithmetic3A_419 = vector.broadcast %shift_right_arithmetic3A_418 : i32 to vector<16xi32>
    %shift_right_arithmetic3A_420 = arith.shrsi %get3A_415, %shift_right_arithmetic3A_419 : vector<16xi32>
    %shift_left3A_421 = arith.constant 13 : i32
    %shift_left3A_422 = vector.broadcast %shift_left3A_421 : i32 to vector<16xi32>
    %shift_left3A_423 = arith.shli %shift_right_arithmetic3A_420, %shift_left3A_422 : vector<16xi32>
    %and3A_424 = arith.constant 8191 : i32
    %and3A_425 = vector.broadcast %and3A_424 : i32 to vector<16xi32>
    %and3A_426 = arith.andi %get3A_415, %and3A_425 : vector<16xi32>
    %add3A_427 = arith.addi %shift_left3A_423, %and3A_426 : vector<16xi32>
    %swap3A_428 = arith.constant 1 : i32
    %swap3A_429 = arith.index_cast %swap3A_428 : i32 to index
    %swap3A_430 = arith.constant 80 : index
    %swap3A_431 = tpu.vector_load %arg10[%swap3A_429, %swap3A_430] {strides = array<i32>} : memref<4x128xi32, #tpu.memory_space<vmem>>, vector<16xi32>,
    tpu.vector_store %arg10[%swap3A_429, %swap3A_430], %add3A_427 {strides = array<i32>} : memref<4x128xi32, #tpu.memory_space<vmem>>, vector<16xi32>,
    %shift_right_arithmetic3A_432 = arith.constant 15 : i32
    %shift_right_arithmetic3A_433 = vector.broadcast %shift_right_arithmetic3A_432 : i32 to vector<16xi32>
    %shift_right_arithmetic3A_434 = arith.shrsi %get3A_417, %shift_right_arithmetic3A_433 : vector<16xi32>
    %shift_left3A_435 = arith.constant 13 : i32
    %shift_left3A_436 = vector.broadcast %shift_left3A_435 : i32 to vector<16xi32>
    %shift_left3A_437 = arith.shli %shift_right_arithmetic3A_434, %shift_left3A_436 : vector<16xi32>
    %and3A_438 = arith.constant 8191 : i32
    %and3A_439 = vector.broadcast %and3A_438 : i32 to vector<16xi32>
    %and3A_440 = arith.andi %get3A_417, %and3A_439 : vector<16xi32>
    %add3A_441 = arith.addi %shift_left3A_437, %and3A_440 : vector<16xi32>
    %swap3A_442 = arith.constant 1 : i32
    %swap3A_443 = arith.index_cast %swap3A_442 : i32 to index
    %swap3A_444 = arith.constant 80 : index
    %swap3A_445 = tpu.vector_load %arg11[%swap3A_443, %swap3A_444] {strides = array<i32>} : memref<4x128xi32, #tpu.memory_space<vmem>>, vector<16xi32>,
    tpu.vector_store %arg11[%swap3A_443, %swap3A_444], %add3A_441 {strides = array<i32>} : memref<4x128xi32, #tpu.memory_space<vmem>>, vector<16xi32>,
    %get3A_446 = arith.constant 224 : index
    %get3A_447 = tpu.vector_load %arg8[%get3A_446] {strides = array<i32>} : memref<512xi32, #tpu.memory_space<vmem>>, vector<16xi32>,
    %get3A_448 = arith.constant 224 : index
    %get3A_449 = tpu.vector_load %arg9[%get3A_448] {strides = array<i32>} : memref<512xi32, #tpu.memory_space<vmem>>, vector<16xi32>,
    %shift_right_arithmetic3A_450 = arith.constant 15 : i32
    %shift_right_arithmetic3A_451 = vector.broadcast %shift_right_arithmetic3A_450 : i32 to vector<16xi32>
    %shift_right_arithmetic3A_452 = arith.shrsi %get3A_447, %shift_right_arithmetic3A_451 : vector<16xi32>
    %shift_left3A_453 = arith.constant 13 : i32
    %shift_left3A_454 = vector.broadcast %shift_left3A_453 : i32 to vector<16xi32>
    %shift_left3A_455 = arith.shli %shift_right_arithmetic3A_452, %shift_left3A_454 : vector<16xi32>
    %and3A_456 = arith.constant 8191 : i32
    %and3A_457 = vector.broadcast %and3A_456 : i32 to vector<16xi32>
    %and3A_458 = arith.andi %get3A_447, %and3A_457 : vector<16xi32>
    %add3A_459 = arith.addi %shift_left3A_455, %and3A_458 : vector<16xi32>
    %swap3A_460 = arith.constant 1 : i32
    %swap3A_461 = arith.index_cast %swap3A_460 : i32 to index
    %swap3A_462 = arith.constant 96 : index
    %swap3A_463 = tpu.vector_load %arg10[%swap3A_461, %swap3A_462] {strides = array<i32>} : memref<4x128xi32, #tpu.memory_space<vmem>>, vector<16xi32>,
    tpu.vector_store %arg10[%swap3A_461, %swap3A_462], %add3A_459 {strides = array<i32>} : memref<4x128xi32, #tpu.memory_space<vmem>>, vector<16xi32>,
    %shift_right_arithmetic3A_464 = arith.constant 15 : i32
    %shift_right_arithmetic3A_465 = vector.broadcast %shift_right_arithmetic3A_464 : i32 to vector<16xi32>
    %shift_right_arithmetic3A_466 = arith.shrsi %get3A_449, %shift_right_arithmetic3A_465 : vector<16xi32>
    %shift_left3A_467 = arith.constant 13 : i32
    %shift_left3A_468 = vector.broadcast %shift_left3A_467 : i32 to vector<16xi32>
    %shift_left3A_469 = arith.shli %shift_right_arithmetic3A_466, %shift_left3A_468 : vector<16xi32>
    %and3A_470 = arith.constant 8191 : i32
    %and3A_471 = vector.broadcast %and3A_470 : i32 to vector<16xi32>
    %and3A_472 = arith.andi %get3A_449, %and3A_471 : vector<16xi32>
    %add3A_473 = arith.addi %shift_left3A_469, %and3A_472 : vector<16xi32>
    %swap3A_474 = arith.constant 1 : i32
    %swap3A_475 = arith.index_cast %swap3A_474 : i32 to index
    %swap3A_476 = arith.constant 96 : index
    %swap3A_477 = tpu.vector_load %arg11[%swap3A_475, %swap3A_476] {strides = array<i32>} : memref<4x128xi32, #tpu.memory_space<vmem>>, vector<16xi32>,
    tpu.vector_store %arg11[%swap3A_475, %swap3A_476], %add3A_473 {strides = array<i32>} : memref<4x128xi32, #tpu.memory_space<vmem>>, vector<16xi32>,
    %get3A_478 = arith.constant 240 : index
    %get3A_479 = tpu.vector_load %arg8[%get3A_478] {strides = array<i32>} : memref<512xi32, #tpu.memory_space<vmem>>, vector<16xi32>,
    %get3A_480 = arith.constant 240 : index
    %get3A_481 = tpu.vector_load %arg9[%get3A_480] {strides = array<i32>} : memref<512xi32, #tpu.memory_space<vmem>>, vector<16xi32>,
    %shift_right_arithmetic3A_482 = arith.constant 15 : i32
    %shift_right_arithmetic3A_483 = vector.broadcast %shift_right_arithmetic3A_482 : i32 to vector<16xi32>
    %shift_right_arithmetic3A_484 = arith.shrsi %get3A_479, %shift_right_arithmetic3A_483 : vector<16xi32>
    %shift_left3A_485 = arith.constant 13 : i32
    %shift_left3A_486 = vector.broadcast %shift_left3A_485 : i32 to vector<16xi32>
    %shift_left3A_487 = arith.shli %shift_right_arithmetic3A_484, %shift_left3A_486 : vector<16xi32>
    %and3A_488 = arith.constant 8191 : i32
    %and3A_489 = vector.broadcast %and3A_488 : i32 to vector<16xi32>
    %and3A_490 = arith.andi %get3A_479, %and3A_489 : vector<16xi32>
    %add3A_491 = arith.addi %shift_left3A_487, %and3A_490 : vector<16xi32>
    %swap3A_492 = arith.constant 1 : i32
    %swap3A_493 = arith.index_cast %swap3A_492 : i32 to index
    %swap3A_494 = arith.constant 112 : index
    %swap3A_495 = tpu.vector_load %arg10[%swap3A_493, %swap3A_494] {strides = array<i32>} : memref<4x128xi32, #tpu.memory_space<vmem>>, vector<16xi32>,
    tpu.vector_store %arg10[%swap3A_493, %swap3A_494], %add3A_491 {strides = array<i32>} : memref<4x128xi32, #tpu.memory_space<vmem>>, vector<16xi32>,
    %shift_right_arithmetic3A_496 = arith.constant 15 : i32
    %shift_right_arithmetic3A_497 = vector.broadcast %shift_right_arithmetic3A_496 : i32 to vector<16xi32>
    %shift_right_arithmetic3A_498 = arith.shrsi %get3A_481, %shift_right_arithmetic3A_497 : vector<16xi32>
    %shift_left3A_499 = arith.constant 13 : i32
    %shift_left3A_500 = vector.broadcast %shift_left3A_499 : i32 to vector<16xi32>
    %shift_left3A_501 = arith.shli %shift_right_arithmetic3A_498, %shift_left3A_500 : vector<16xi32>
    %and3A_502 = arith.constant 8191 : i32
    %and3A_503 = vector.broadcast %and3A_502 : i32 to vector<16xi32>
    %and3A_504 = arith.andi %get3A_481, %and3A_503 : vector<16xi32>
    %add3A_505 = arith.addi %shift_left3A_501, %and3A_504 : vector<16xi32>
    %swap3A_506 = arith.constant 1 : i32
    %swap3A_507 = arith.index_cast %swap3A_506 : i32 to index
    %swap3A_508 = arith.constant 112 : index
    %swap3A_509 = tpu.vector_load %arg11[%swap3A_507, %swap3A_508] {strides = array<i32>} : memref<4x128xi32, #tpu.memory_space<vmem>>, vector<16xi32>,
    tpu.vector_store %arg11[%swap3A_507, %swap3A_508], %add3A_505 {strides = array<i32>} : memref<4x128xi32, #tpu.memory_space<vmem>>, vector<16xi32>,
    %get3A_510 = arith.constant 256 : index
    %get3A_511 = tpu.vector_load %arg8[%get3A_510] {strides = array<i32>} : memref<512xi32, #tpu.memory_space<vmem>>, vector<16xi32>,
    %get3A_512 = arith.constant 256 : index
    %get3A_513 = tpu.vector_load %arg9[%get3A_512] {strides = array<i32>} : memref<512xi32, #tpu.memory_space<vmem>>, vector<16xi32>,
    %shift_right_arithmetic3A_514 = arith.constant 15 : i32
    %shift_right_arithmetic3A_515 = vector.broadcast %shift_right_arithmetic3A_514 : i32 to vector<16xi32>
    %shift_right_arithmetic3A_516 = arith.shrsi %get3A_511, %shift_right_arithmetic3A_515 : vector<16xi32>
    %shift_left3A_517 = arith.constant 13 : i32
    %shift_left3A_518 = vector.broadcast %shift_left3A_517 : i32 to vector<16xi32>
    %shift_left3A_519 = arith.shli %shift_right_arithmetic3A_516, %shift_left3A_518 : vector<16xi32>
    %and3A_520 = arith.constant 8191 : i32
    %and3A_521 = vector.broadcast %and3A_520 : i32 to vector<16xi32>
    %and3A_522 = arith.andi %get3A_511, %and3A_521 : vector<16xi32>
    %add3A_523 = arith.addi %shift_left3A_519, %and3A_522 : vector<16xi32>
    %swap3A_524 = arith.constant 2 : i32
    %swap3A_525 = arith.index_cast %swap3A_524 : i32 to index
    %swap3A_526 = arith.constant 0 : index
    %swap3A_527 = tpu.vector_load %arg10[%swap3A_525, %swap3A_526] {strides = array<i32>} : memref<4x128xi32, #tpu.memory_space<vmem>>, vector<16xi32>,
    tpu.vector_store %arg10[%swap3A_525, %swap3A_526], %add3A_523 {strides = array<i32>} : memref<4x128xi32, #tpu.memory_space<vmem>>, vector<16xi32>,
    %shift_right_arithmetic3A_528 = arith.constant 15 : i32
    %shift_right_arithmetic3A_529 = vector.broadcast %shift_right_arithmetic3A_528 : i32 to vector<16xi32>
    %shift_right_arithmetic3A_530 = arith.shrsi %get3A_513, %shift_right_arithmetic3A_529 : vector<16xi32>
    %shift_left3A_531 = arith.constant 13 : i32
    %shift_left3A_532 = vector.broadcast %shift_left3A_531 : i32 to vector<16xi32>
    %shift_left3A_533 = arith.shli %shift_right_arithmetic3A_530, %shift_left3A_532 : vector<16xi32>
    %and3A_534 = arith.constant 8191 : i32
    %and3A_535 = vector.broadcast %and3A_534 : i32 to vector<16xi32>
    %and3A_536 = arith.andi %get3A_513, %and3A_535 : vector<16xi32>
    %add3A_537 = arith.addi %shift_left3A_533, %and3A_536 : vector<16xi32>
    %swap3A_538 = arith.constant 2 : i32
    %swap3A_539 = arith.index_cast %swap3A_538 : i32 to index
    %swap3A_540 = arith.constant 0 : index
    %swap3A_541 = tpu.vector_load %arg11[%swap3A_539, %swap3A_540] {strides = array<i32>} : memref<4x128xi32, #tpu.memory_space<vmem>>, vector<16xi32>,
    tpu.vector_store %arg11[%swap3A_539, %swap3A_540], %add3A_537 {strides = array<i32>} : memref<4x128xi32, #tpu.memory_space<vmem>>, vector<16xi32>,
    %get3A_542 = arith.constant 272 : index
    %get3A_543 = tpu.vector_load %arg8[%get3A_542] {strides = array<i32>} : memref<512xi32, #tpu.memory_space<vmem>>, vector<16xi32>,
    %get3A_544 = arith.constant 272 : index
    %get3A_545 = tpu.vector_load %arg9[%get3A_544] {strides = array<i32>} : memref<512xi32, #tpu.memory_space<vmem>>, vector<16xi32>,
    %shift_right_arithmetic3A_546 = arith.constant 15 : i32
    %shift_right_arithmetic3A_547 = vector.broadcast %shift_right_arithmetic3A_546 : i32 to vector<16xi32>
    %shift_right_arithmetic3A_548 = arith.shrsi %get3A_543, %shift_right_arithmetic3A_547 : vector<16xi32>
    %shift_left3A_549 = arith.constant 13 : i32
    %shift_left3A_550 = vector.broadcast %shift_left3A_549 : i32 to vector<16xi32>
    %shift_left3A_551 = arith.shli %shift_right_arithmetic3A_548, %shift_left3A_550 : vector<16xi32>
    %and3A_552 = arith.constant 8191 : i32
    %and3A_553 = vector.broadcast %and3A_552 : i32 to vector<16xi32>
    %and3A_554 = arith.andi %get3A_543, %and3A_553 : vector<16xi32>
    %add3A_555 = arith.addi %shift_left3A_551, %and3A_554 : vector<16xi32>
    %swap3A_556 = arith.constant 2 : i32
    %swap3A_557 = arith.index_cast %swap3A_556 : i32 to index
    %swap3A_558 = arith.constant 16 : index
    %swap3A_559 = tpu.vector_load %arg10[%swap3A_557, %swap3A_558] {strides = array<i32>} : memref<4x128xi32, #tpu.memory_space<vmem>>, vector<16xi32>,
    tpu.vector_store %arg10[%swap3A_557, %swap3A_558], %add3A_555 {strides = array<i32>} : memref<4x128xi32, #tpu.memory_space<vmem>>, vector<16xi32>,
    %shift_right_arithmetic3A_560 = arith.constant 15 : i32
    %shift_right_arithmetic3A_561 = vector.broadcast %shift_right_arithmetic3A_560 : i32 to vector<16xi32>
    %shift_right_arithmetic3A_562 = arith.shrsi %get3A_545, %shift_right_arithmetic3A_561 : vector<16xi32>
    %shift_left3A_563 = arith.constant 13 : i32
    %shift_left3A_564 = vector.broadcast %shift_left3A_563 : i32 to vector<16xi32>
    %shift_left3A_565 = arith.shli %shift_right_arithmetic3A_562, %shift_left3A_564 : vector<16xi32>
    %and3A_566 = arith.constant 8191 : i32
    %and3A_567 = vector.broadcast %and3A_566 : i32 to vector<16xi32>
    %and3A_568 = arith.andi %get3A_545, %and3A_567 : vector<16xi32>
    %add3A_569 = arith.addi %shift_left3A_565, %and3A_568 : vector<16xi32>
    %swap3A_570 = arith.constant 2 : i32
    %swap3A_571 = arith.index_cast %swap3A_570 : i32 to index
    %swap3A_572 = arith.constant 16 : index
    %swap3A_573 = tpu.vector_load %arg11[%swap3A_571, %swap3A_572] {strides = array<i32>} : memref<4x128xi32, #tpu.memory_space<vmem>>, vector<16xi32>,
    tpu.vector_store %arg11[%swap3A_571, %swap3A_572], %add3A_569 {strides = array<i32>} : memref<4x128xi32, #tpu.memory_space<vmem>>, vector<16xi32>,
    %get3A_574 = arith.constant 288 : index
    %get3A_575 = tpu.vector_load %arg8[%get3A_574] {strides = array<i32>} : memref<512xi32, #tpu.memory_space<vmem>>, vector<16xi32>,
    %get3A_576 = arith.constant 288 : index
    %get3A_577 = tpu.vector_load %arg9[%get3A_576] {strides = array<i32>} : memref<512xi32, #tpu.memory_space<vmem>>, vector<16xi32>,
    %shift_right_arithmetic3A_578 = arith.constant 15 : i32
    %shift_right_arithmetic3A_579 = vector.broadcast %shift_right_arithmetic3A_578 : i32 to vector<16xi32>
    %shift_right_arithmetic3A_580 = arith.shrsi %get3A_575, %shift_right_arithmetic3A_579 : vector<16xi32>
    %shift_left3A_581 = arith.constant 13 : i32
    %shift_left3A_582 = vector.broadcast %shift_left3A_581 : i32 to vector<16xi32>
    %shift_left3A_583 = arith.shli %shift_right_arithmetic3A_580, %shift_left3A_582 : vector<16xi32>
    %and3A_584 = arith.constant 8191 : i32
    %and3A_585 = vector.broadcast %and3A_584 : i32 to vector<16xi32>
    %and3A_586 = arith.andi %get3A_575, %and3A_585 : vector<16xi32>
    %add3A_587 = arith.addi %shift_left3A_583, %and3A_586 : vector<16xi32>
    %swap3A_588 = arith.constant 2 : i32
    %swap3A_589 = arith.index_cast %swap3A_588 : i32 to index
    %swap3A_590 = arith.constant 32 : index
    %swap3A_591 = tpu.vector_load %arg10[%swap3A_589, %swap3A_590] {strides = array<i32>} : memref<4x128xi32, #tpu.memory_space<vmem>>, vector<16xi32>,
    tpu.vector_store %arg10[%swap3A_589, %swap3A_590], %add3A_587 {strides = array<i32>} : memref<4x128xi32, #tpu.memory_space<vmem>>, vector<16xi32>,
    %shift_right_arithmetic3A_592 = arith.constant 15 : i32
    %shift_right_arithmetic3A_593 = vector.broadcast %shift_right_arithmetic3A_592 : i32 to vector<16xi32>
    %shift_right_arithmetic3A_594 = arith.shrsi %get3A_577, %shift_right_arithmetic3A_593 : vector<16xi32>
    %shift_left3A_595 = arith.constant 13 : i32
    %shift_left3A_596 = vector.broadcast %shift_left3A_595 : i32 to vector<16xi32>
    %shift_left3A_597 = arith.shli %shift_right_arithmetic3A_594, %shift_left3A_596 : vector<16xi32>
    %and3A_598 = arith.constant 8191 : i32
    %and3A_599 = vector.broadcast %and3A_598 : i32 to vector<16xi32>
    %and3A_600 = arith.andi %get3A_577, %and3A_599 : vector<16xi32>
    %add3A_601 = arith.addi %shift_left3A_597, %and3A_600 : vector<16xi32>
    %swap3A_602 = arith.constant 2 : i32
    %swap3A_603 = arith.index_cast %swap3A_602 : i32 to index
    %swap3A_604 = arith.constant 32 : index
    %swap3A_605 = tpu.vector_load %arg11[%swap3A_603, %swap3A_604] {strides = array<i32>} : memref<4x128xi32, #tpu.memory_space<vmem>>, vector<16xi32>,
    tpu.vector_store %arg11[%swap3A_603, %swap3A_604], %add3A_601 {strides = array<i32>} : memref<4x128xi32, #tpu.memory_space<vmem>>, vector<16xi32>,
    %get3A_606 = arith.constant 304 : index
    %get3A_607 = tpu.vector_load %arg8[%get3A_606] {strides = array<i32>} : memref<512xi32, #tpu.memory_space<vmem>>, vector<16xi32>,
    %get3A_608 = arith.constant 304 : index
    %get3A_609 = tpu.vector_load %arg9[%get3A_608] {strides = array<i32>} : memref<512xi32, #tpu.memory_space<vmem>>, vector<16xi32>,
    %shift_right_arithmetic3A_610 = arith.constant 15 : i32
    %shift_right_arithmetic3A_611 = vector.broadcast %shift_right_arithmetic3A_610 : i32 to vector<16xi32>
    %shift_right_arithmetic3A_612 = arith.shrsi %get3A_607, %shift_right_arithmetic3A_611 : vector<16xi32>
    %shift_left3A_613 = arith.constant 13 : i32
    %shift_left3A_614 = vector.broadcast %shift_left3A_613 : i32 to vector<16xi32>
    %shift_left3A_615 = arith.shli %shift_right_arithmetic3A_612, %shift_left3A_614 : vector<16xi32>
    %and3A_616 = arith.constant 8191 : i32
    %and3A_617 = vector.broadcast %and3A_616 : i32 to vector<16xi32>
    %and3A_618 = arith.andi %get3A_607, %and3A_617 : vector<16xi32>
    %add3A_619 = arith.addi %shift_left3A_615, %and3A_618 : vector<16xi32>
    %swap3A_620 = arith.constant 2 : i32
    %swap3A_621 = arith.index_cast %swap3A_620 : i32 to index
    %swap3A_622 = arith.constant 48 : index
    %swap3A_623 = tpu.vector_load %arg10[%swap3A_621, %swap3A_622] {strides = array<i32>} : memref<4x128xi32, #tpu.memory_space<vmem>>, vector<16xi32>,
    tpu.vector_store %arg10[%swap3A_621, %swap3A_622], %add3A_619 {strides = array<i32>} : memref<4x128xi32, #tpu.memory_space<vmem>>, vector<16xi32>,
    %shift_right_arithmetic3A_624 = arith.constant 15 : i32
    %shift_right_arithmetic3A_625 = vector.broadcast %shift_right_arithmetic3A_624 : i32 to vector<16xi32>
    %shift_right_arithmetic3A_626 = arith.shrsi %get3A_609, %shift_right_arithmetic3A_625 : vector<16xi32>
    %shift_left3A_627 = arith.constant 13 : i32
    %shift_left3A_628 = vector.broadcast %shift_left3A_627 : i32 to vector<16xi32>
    %shift_left3A_629 = arith.shli %shift_right_arithmetic3A_626, %shift_left3A_628 : vector<16xi32>
    %and3A_630 = arith.constant 8191 : i32
    %and3A_631 = vector.broadcast %and3A_630 : i32 to vector<16xi32>
    %and3A_632 = arith.andi %get3A_609, %and3A_631 : vector<16xi32>
    %add3A_633 = arith.addi %shift_left3A_629, %and3A_632 : vector<16xi32>
    %swap3A_634 = arith.constant 2 : i32
    %swap3A_635 = arith.index_cast %swap3A_634 : i32 to index
    %swap3A_636 = arith.constant 48 : index
    %swap3A_637 = tpu.vector_load %arg11[%swap3A_635, %swap3A_636] {strides = array<i32>} : memref<4x128xi32, #tpu.memory_space<vmem>>, vector<16xi32>,
    tpu.vector_store %arg11[%swap3A_635, %swap3A_636], %add3A_633 {strides = array<i32>} : memref<4x128xi32, #tpu.memory_space<vmem>>, vector<16xi32>,
    %get3A_638 = arith.constant 320 : index
    %get3A_639 = tpu.vector_load %arg8[%get3A_638] {strides = array<i32>} : memref<512xi32, #tpu.memory_space<vmem>>, vector<16xi32>,
    %get3A_640 = arith.constant 320 : index
    %get3A_641 = tpu.vector_load %arg9[%get3A_640] {strides = array<i32>} : memref<512xi32, #tpu.memory_space<vmem>>, vector<16xi32>,
    %shift_right_arithmetic3A_642 = arith.constant 15 : i32
    %shift_right_arithmetic3A_643 = vector.broadcast %shift_right_arithmetic3A_642 : i32 to vector<16xi32>
    %shift_right_arithmetic3A_644 = arith.shrsi %get3A_639, %shift_right_arithmetic3A_643 : vector<16xi32>
    %shift_left3A_645 = arith.constant 13 : i32
    %shift_left3A_646 = vector.broadcast %shift_left3A_645 : i32 to vector<16xi32>
    %shift_left3A_647 = arith.shli %shift_right_arithmetic3A_644, %shift_left3A_646 : vector<16xi32>
    %and3A_648 = arith.constant 8191 : i32
    %and3A_649 = vector.broadcast %and3A_648 : i32 to vector<16xi32>
    %and3A_650 = arith.andi %get3A_639, %and3A_649 : vector<16xi32>
    %add3A_651 = arith.addi %shift_left3A_647, %and3A_650 : vector<16xi32>
    %swap3A_652 = arith.constant 2 : i32
    %swap3A_653 = arith.index_cast %swap3A_652 : i32 to index
    %swap3A_654 = arith.constant 64 : index
    %swap3A_655 = tpu.vector_load %arg10[%swap3A_653, %swap3A_654] {strides = array<i32>} : memref<4x128xi32, #tpu.memory_space<vmem>>, vector<16xi32>,
    tpu.vector_store %arg10[%swap3A_653, %swap3A_654], %add3A_651 {strides = array<i32>} : memref<4x128xi32, #tpu.memory_space<vmem>>, vector<16xi32>,
    %shift_right_arithmetic3A_656 = arith.constant 15 : i32
    %shift_right_arithmetic3A_657 = vector.broadcast %shift_right_arithmetic3A_656 : i32 to vector<16xi32>
    %shift_right_arithmetic3A_658 = arith.shrsi %get3A_641, %shift_right_arithmetic3A_657 : vector<16xi32>
    %shift_left3A_659 = arith.constant 13 : i32
    %shift_left3A_660 = vector.broadcast %shift_left3A_659 : i32 to vector<16xi32>
    %shift_left3A_661 = arith.shli %shift_right_arithmetic3A_658, %shift_left3A_660 : vector<16xi32>
    %and3A_662 = arith.constant 8191 : i32
    %and3A_663 = vector.broadcast %and3A_662 : i32 to vector<16xi32>
    %and3A_664 = arith.andi %get3A_641, %and3A_663 : vector<16xi32>
    %add3A_665 = arith.addi %shift_left3A_661, %and3A_664 : vector<16xi32>
    %swap3A_666 = arith.constant 2 : i32
    %swap3A_667 = arith.index_cast %swap3A_666 : i32 to index
    %swap3A_668 = arith.constant 64 : index
    %swap3A_669 = tpu.vector_load %arg11[%swap3A_667, %swap3A_668] {strides = array<i32>} : memref<4x128xi32, #tpu.memory_space<vmem>>, vector<16xi32>,
    tpu.vector_store %arg11[%swap3A_667, %swap3A_668], %add3A_665 {strides = array<i32>} : memref<4x128xi32, #tpu.memory_space<vmem>>, vector<16xi32>,
    %get3A_670 = arith.constant 336 : index
    %get3A_671 = tpu.vector_load %arg8[%get3A_670] {strides = array<i32>} : memref<512xi32, #tpu.memory_space<vmem>>, vector<16xi32>,
    %get3A_672 = arith.constant 336 : index
    %get3A_673 = tpu.vector_load %arg9[%get3A_672] {strides = array<i32>} : memref<512xi32, #tpu.memory_space<vmem>>, vector<16xi32>,
    %shift_right_arithmetic3A_674 = arith.constant 15 : i32
    %shift_right_arithmetic3A_675 = vector.broadcast %shift_right_arithmetic3A_674 : i32 to vector<16xi32>
    %shift_right_arithmetic3A_676 = arith.shrsi %get3A_671, %shift_right_arithmetic3A_675 : vector<16xi32>
    %shift_left3A_677 = arith.constant 13 : i32
    %shift_left3A_678 = vector.broadcast %shift_left3A_677 : i32 to vector<16xi32>
    %shift_left3A_679 = arith.shli %shift_right_arithmetic3A_676, %shift_left3A_678 : vector<16xi32>
    %and3A_680 = arith.constant 8191 : i32
    %and3A_681 = vector.broadcast %and3A_680 : i32 to vector<16xi32>
    %and3A_682 = arith.andi %get3A_671, %and3A_681 : vector<16xi32>
    %add3A_683 = arith.addi %shift_left3A_679, %and3A_682 : vector<16xi32>
    %swap3A_684 = arith.constant 2 : i32
    %swap3A_685 = arith.index_cast %swap3A_684 : i32 to index
    %swap3A_686 = arith.constant 80 : index
    %swap3A_687 = tpu.vector_load %arg10[%swap3A_685, %swap3A_686] {strides = array<i32>} : memref<4x128xi32, #tpu.memory_space<vmem>>, vector<16xi32>,
    tpu.vector_store %arg10[%swap3A_685, %swap3A_686], %add3A_683 {strides = array<i32>} : memref<4x128xi32, #tpu.memory_space<vmem>>, vector<16xi32>,
    %shift_right_arithmetic3A_688 = arith.constant 15 : i32
    %shift_right_arithmetic3A_689 = vector.broadcast %shift_right_arithmetic3A_688 : i32 to vector<16xi32>
    %shift_right_arithmetic3A_690 = arith.shrsi %get3A_673, %shift_right_arithmetic3A_689 : vector<16xi32>
    %shift_left3A_691 = arith.constant 13 : i32
    %shift_left3A_692 = vector.broadcast %shift_left3A_691 : i32 to vector<16xi32>
    %shift_left3A_693 = arith.shli %shift_right_arithmetic3A_690, %shift_left3A_692 : vector<16xi32>
    %and3A_694 = arith.constant 8191 : i32
    %and3A_695 = vector.broadcast %and3A_694 : i32 to vector<16xi32>
    %and3A_696 = arith.andi %get3A_673, %and3A_695 : vector<16xi32>
    %add3A_697 = arith.addi %shift_left3A_693, %and3A_696 : vector<16xi32>
    %swap3A_698 = arith.constant 2 : i32
    %swap3A_699 = arith.index_cast %swap3A_698 : i32 to index
    %swap3A_700 = arith.constant 80 : index
    %swap3A_701 = tpu.vector_load %arg11[%swap3A_699, %swap3A_700] {strides = array<i32>} : memref<4x128xi32, #tpu.memory_space<vmem>>, vector<16xi32>,
    tpu.vector_store %arg11[%swap3A_699, %swap3A_700], %add3A_697 {strides = array<i32>} : memref<4x128xi32, #tpu.memory_space<vmem>>, vector<16xi32>,
    %get3A_702 = arith.constant 352 : index
    %get3A_703 = tpu.vector_load %arg8[%get3A_702] {strides = array<i32>} : memref<512xi32, #tpu.memory_space<vmem>>, vector<16xi32>,
    %get3A_704 = arith.constant 352 : index
    %get3A_705 = tpu.vector_load %arg9[%get3A_704] {strides = array<i32>} : memref<512xi32, #tpu.memory_space<vmem>>, vector<16xi32>,
    %shift_right_arithmetic3A_706 = arith.constant 15 : i32
    %shift_right_arithmetic3A_707 = vector.broadcast %shift_right_arithmetic3A_706 : i32 to vector<16xi32>
    %shift_right_arithmetic3A_708 = arith.shrsi %get3A_703, %shift_right_arithmetic3A_707 : vector<16xi32>
    %shift_left3A_709 = arith.constant 13 : i32
    %shift_left3A_710 = vector.broadcast %shift_left3A_709 : i32 to vector<16xi32>
    %shift_left3A_711 = arith.shli %shift_right_arithmetic3A_708, %shift_left3A_710 : vector<16xi32>
    %and3A_712 = arith.constant 8191 : i32
    %and3A_713 = vector.broadcast %and3A_712 : i32 to vector<16xi32>
    %and3A_714 = arith.andi %get3A_703, %and3A_713 : vector<16xi32>
    %add3A_715 = arith.addi %shift_left3A_711, %and3A_714 : vector<16xi32>
    %swap3A_716 = arith.constant 2 : i32
    %swap3A_717 = arith.index_cast %swap3A_716 : i32 to index
    %swap3A_718 = arith.constant 96 : index
    %swap3A_719 = tpu.vector_load %arg10[%swap3A_717, %swap3A_718] {strides = array<i32>} : memref<4x128xi32, #tpu.memory_space<vmem>>, vector<16xi32>,
    tpu.vector_store %arg10[%swap3A_717, %swap3A_718], %add3A_715 {strides = array<i32>} : memref<4x128xi32, #tpu.memory_space<vmem>>, vector<16xi32>,
    %shift_right_arithmetic3A_720 = arith.constant 15 : i32
    %shift_right_arithmetic3A_721 = vector.broadcast %shift_right_arithmetic3A_720 : i32 to vector<16xi32>
    %shift_right_arithmetic3A_722 = arith.shrsi %get3A_705, %shift_right_arithmetic3A_721 : vector<16xi32>
    %shift_left3A_723 = arith.constant 13 : i32
    %shift_left3A_724 = vector.broadcast %shift_left3A_723 : i32 to vector<16xi32>
    %shift_left3A_725 = arith.shli %shift_right_arithmetic3A_722, %shift_left3A_724 : vector<16xi32>
    %and3A_726 = arith.constant 8191 : i32
    %and3A_727 = vector.broadcast %and3A_726 : i32 to vector<16xi32>
    %and3A_728 = arith.andi %get3A_705, %and3A_727 : vector<16xi32>
    %add3A_729 = arith.addi %shift_left3A_725, %and3A_728 : vector<16xi32>
    %swap3A_730 = arith.constant 2 : i32
    %swap3A_731 = arith.index_cast %swap3A_730 : i32 to index
    %swap3A_732 = arith.constant 96 : index
    %swap3A_733 = tpu.vector_load %arg11[%swap3A_731, %swap3A_732] {strides = array<i32>} : memref<4x128xi32, #tpu.memory_space<vmem>>, vector<16xi32>,
    tpu.vector_store %arg11[%swap3A_731, %swap3A_732], %add3A_729 {strides = array<i32>} : memref<4x128xi32, #tpu.memory_space<vmem>>, vector<16xi32>,
    %get3A_734 = arith.constant 368 : index
    %get3A_735 = tpu.vector_load %arg8[%get3A_734] {strides = array<i32>} : memref<512xi32, #tpu.memory_space<vmem>>, vector<16xi32>,
    %get3A_736 = arith.constant 368 : index
    %get3A_737 = tpu.vector_load %arg9[%get3A_736] {strides = array<i32>} : memref<512xi32, #tpu.memory_space<vmem>>, vector<16xi32>,
    %shift_right_arithmetic3A_738 = arith.constant 15 : i32
    %shift_right_arithmetic3A_739 = vector.broadcast %shift_right_arithmetic3A_738 : i32 to vector<16xi32>
    %shift_right_arithmetic3A_740 = arith.shrsi %get3A_735, %shift_right_arithmetic3A_739 : vector<16xi32>
    %shift_left3A_741 = arith.constant 13 : i32
    %shift_left3A_742 = vector.broadcast %shift_left3A_741 : i32 to vector<16xi32>
    %shift_left3A_743 = arith.shli %shift_right_arithmetic3A_740, %shift_left3A_742 : vector<16xi32>
    %and3A_744 = arith.constant 8191 : i32
    %and3A_745 = vector.broadcast %and3A_744 : i32 to vector<16xi32>
    %and3A_746 = arith.andi %get3A_735, %and3A_745 : vector<16xi32>
    %add3A_747 = arith.addi %shift_left3A_743, %and3A_746 : vector<16xi32>
    %swap3A_748 = arith.constant 2 : i32
    %swap3A_749 = arith.index_cast %swap3A_748 : i32 to index
    %swap3A_750 = arith.constant 112 : index
    %swap3A_751 = tpu.vector_load %arg10[%swap3A_749, %swap3A_750] {strides = array<i32>} : memref<4x128xi32, #tpu.memory_space<vmem>>, vector<16xi32>,
    tpu.vector_store %arg10[%swap3A_749, %swap3A_750], %add3A_747 {strides = array<i32>} : memref<4x128xi32, #tpu.memory_space<vmem>>, vector<16xi32>,
    %shift_right_arithmetic3A_752 = arith.constant 15 : i32
    %shift_right_arithmetic3A_753 = vector.broadcast %shift_right_arithmetic3A_752 : i32 to vector<16xi32>
    %shift_right_arithmetic3A_754 = arith.shrsi %get3A_737, %shift_right_arithmetic3A_753 : vector<16xi32>
    %shift_left3A_755 = arith.constant 13 : i32
    %shift_left3A_756 = vector.broadcast %shift_left3A_755 : i32 to vector<16xi32>
    %shift_left3A_757 = arith.shli %shift_right_arithmetic3A_754, %shift_left3A_756 : vector<16xi32>
    %and3A_758 = arith.constant 8191 : i32
    %and3A_759 = vector.broadcast %and3A_758 : i32 to vector<16xi32>
    %and3A_760 = arith.andi %get3A_737, %and3A_759 : vector<16xi32>
    %add3A_761 = arith.addi %shift_left3A_757, %and3A_760 : vector<16xi32>
    %swap3A_762 = arith.constant 2 : i32
    %swap3A_763 = arith.index_cast %swap3A_762 : i32 to index
    %swap3A_764 = arith.constant 112 : index
    %swap3A_765 = tpu.vector_load %arg11[%swap3A_763, %swap3A_764] {strides = array<i32>} : memref<4x128xi32, #tpu.memory_space<vmem>>, vector<16xi32>,
    tpu.vector_store %arg11[%swap3A_763, %swap3A_764], %add3A_761 {strides = array<i32>} : memref<4x128xi32, #tpu.memory_space<vmem>>, vector<16xi32>,
    %get3A_766 = arith.constant 384 : index
    %get3A_767 = tpu.vector_load %arg8[%get3A_766] {strides = array<i32>} : memref<512xi32, #tpu.memory_space<vmem>>, vector<16xi32>,
    %get3A_768 = arith.constant 384 : index
    %get3A_769 = tpu.vector_load %arg9[%get3A_768] {strides = array<i32>} : memref<512xi32, #tpu.memory_space<vmem>>, vector<16xi32>,
    %shift_right_arithmetic3A_770 = arith.constant 15 : i32
    %shift_right_arithmetic3A_771 = vector.broadcast %shift_right_arithmetic3A_770 : i32 to vector<16xi32>
    %shift_right_arithmetic3A_772 = arith.shrsi %get3A_767, %shift_right_arithmetic3A_771 : vector<16xi32>
    %shift_left3A_773 = arith.constant 13 : i32
    %shift_left3A_774 = vector.broadcast %shift_left3A_773 : i32 to vector<16xi32>
    %shift_left3A_775 = arith.shli %shift_right_arithmetic3A_772, %shift_left3A_774 : vector<16xi32>
    %and3A_776 = arith.constant 8191 : i32
    %and3A_777 = vector.broadcast %and3A_776 : i32 to vector<16xi32>
    %and3A_778 = arith.andi %get3A_767, %and3A_777 : vector<16xi32>
    %add3A_779 = arith.addi %shift_left3A_775, %and3A_778 : vector<16xi32>
    %swap3A_780 = arith.constant 3 : i32
    %swap3A_781 = arith.index_cast %swap3A_780 : i32 to index
    %swap3A_782 = arith.constant 0 : index
    %swap3A_783 = tpu.vector_load %arg10[%swap3A_781, %swap3A_782] {strides = array<i32>} : memref<4x128xi32, #tpu.memory_space<vmem>>, vector<16xi32>,
    tpu.vector_store %arg10[%swap3A_781, %swap3A_782], %add3A_779 {strides = array<i32>} : memref<4x128xi32, #tpu.memory_space<vmem>>, vector<16xi32>,
    %shift_right_arithmetic3A_784 = arith.constant 15 : i32
    %shift_right_arithmetic3A_785 = vector.broadcast %shift_right_arithmetic3A_784 : i32 to vector<16xi32>
    %shift_right_arithmetic3A_786 = arith.shrsi %get3A_769, %shift_right_arithmetic3A_785 : vector<16xi32>
    %shift_left3A_787 = arith.constant 13 : i32
    %shift_left3A_788 = vector.broadcast %shift_left3A_787 : i32 to vector<16xi32>
    %shift_left3A_789 = arith.shli %shift_right_arithmetic3A_786, %shift_left3A_788 : vector<16xi32>
    %and3A_790 = arith.constant 8191 : i32
    %and3A_791 = vector.broadcast %and3A_790 : i32 to vector<16xi32>
    %and3A_792 = arith.andi %get3A_769, %and3A_791 : vector<16xi32>
    %add3A_793 = arith.addi %shift_left3A_789, %and3A_792 : vector<16xi32>
    %swap3A_794 = arith.constant 3 : i32
    %swap3A_795 = arith.index_cast %swap3A_794 : i32 to index
    %swap3A_796 = arith.constant 0 : index
    %swap3A_797 = tpu.vector_load %arg11[%swap3A_795, %swap3A_796] {strides = array<i32>} : memref<4x128xi32, #tpu.memory_space<vmem>>, vector<16xi32>,
    tpu.vector_store %arg11[%swap3A_795, %swap3A_796], %add3A_793 {strides = array<i32>} : memref<4x128xi32, #tpu.memory_space<vmem>>, vector<16xi32>,
    %get3A_798 = arith.constant 400 : index
    %get3A_799 = tpu.vector_load %arg8[%get3A_798] {strides = array<i32>} : memref<512xi32, #tpu.memory_space<vmem>>, vector<16xi32>,
    %get3A_800 = arith.constant 400 : index
    %get3A_801 = tpu.vector_load %arg9[%get3A_800] {strides = array<i32>} : memref<512xi32, #tpu.memory_space<vmem>>, vector<16xi32>,
    %shift_right_arithmetic3A_802 = arith.constant 15 : i32
    %shift_right_arithmetic3A_803 = vector.broadcast %shift_right_arithmetic3A_802 : i32 to vector<16xi32>
    %shift_right_arithmetic3A_804 = arith.shrsi %get3A_799, %shift_right_arithmetic3A_803 : vector<16xi32>
    %shift_left3A_805 = arith.constant 13 : i32
    %shift_left3A_806 = vector.broadcast %shift_left3A_805 : i32 to vector<16xi32>
    %shift_left3A_807 = arith.shli %shift_right_arithmetic3A_804, %shift_left3A_806 : vector<16xi32>
    %and3A_808 = arith.constant 8191 : i32
    %and3A_809 = vector.broadcast %and3A_808 : i32 to vector<16xi32>
    %and3A_810 = arith.andi %get3A_799, %and3A_809 : vector<16xi32>
    %add3A_811 = arith.addi %shift_left3A_807, %and3A_810 : vector<16xi32>
    %swap3A_812 = arith.constant 3 : i32
    %swap3A_813 = arith.index_cast %swap3A_812 : i32 to index
    %swap3A_814 = arith.constant 16 : index
    %swap3A_815 = tpu.vector_load %arg10[%swap3A_813, %swap3A_814] {strides = array<i32>} : memref<4x128xi32, #tpu.memory_space<vmem>>, vector<16xi32>,
    tpu.vector_store %arg10[%swap3A_813, %swap3A_814], %add3A_811 {strides = array<i32>} : memref<4x128xi32, #tpu.memory_space<vmem>>, vector<16xi32>,
    %shift_right_arithmetic3A_816 = arith.constant 15 : i32
    %shift_right_arithmetic3A_817 = vector.broadcast %shift_right_arithmetic3A_816 : i32 to vector<16xi32>
    %shift_right_arithmetic3A_818 = arith.shrsi %get3A_801, %shift_right_arithmetic3A_817 : vector<16xi32>
    %shift_left3A_819 = arith.constant 13 : i32
    %shift_left3A_820 = vector.broadcast %shift_left3A_819 : i32 to vector<16xi32>
    %shift_left3A_821 = arith.shli %shift_right_arithmetic3A_818, %shift_left3A_820 : vector<16xi32>
    %and3A_822 = arith.constant 8191 : i32
    %and3A_823 = vector.broadcast %and3A_822 : i32 to vector<16xi32>
    %and3A_824 = arith.andi %get3A_801, %and3A_823 : vector<16xi32>
    %add3A_825 = arith.addi %shift_left3A_821, %and3A_824 : vector<16xi32>
    %swap3A_826 = arith.constant 3 : i32
    %swap3A_827 = arith.index_cast %swap3A_826 : i32 to index
    %swap3A_828 = arith.constant 16 : index
    %swap3A_829 = tpu.vector_load %arg11[%swap3A_827, %swap3A_828] {strides = array<i32>} : memref<4x128xi32, #tpu.memory_space<vmem>>, vector<16xi32>,
    tpu.vector_store %arg11[%swap3A_827, %swap3A_828], %add3A_825 {strides = array<i32>} : memref<4x128xi32, #tpu.memory_space<vmem>>, vector<16xi32>,
    %get3A_830 = arith.constant 416 : index
    %get3A_831 = tpu.vector_load %arg8[%get3A_830] {strides = array<i32>} : memref<512xi32, #tpu.memory_space<vmem>>, vector<16xi32>,
    %get3A_832 = arith.constant 416 : index
    %get3A_833 = tpu.vector_load %arg9[%get3A_832] {strides = array<i32>} : memref<512xi32, #tpu.memory_space<vmem>>, vector<16xi32>,
    %shift_right_arithmetic3A_834 = arith.constant 15 : i32
    %shift_right_arithmetic3A_835 = vector.broadcast %shift_right_arithmetic3A_834 : i32 to vector<16xi32>
    %shift_right_arithmetic3A_836 = arith.shrsi %get3A_831, %shift_right_arithmetic3A_835 : vector<16xi32>
    %shift_left3A_837 = arith.constant 13 : i32
    %shift_left3A_838 = vector.broadcast %shift_left3A_837 : i32 to vector<16xi32>
    %shift_left3A_839 = arith.shli %shift_right_arithmetic3A_836, %shift_left3A_838 : vector<16xi32>
    %and3A_840 = arith.constant 8191 : i32
    %and3A_841 = vector.broadcast %and3A_840 : i32 to vector<16xi32>
    %and3A_842 = arith.andi %get3A_831, %and3A_841 : vector<16xi32>
    %add3A_843 = arith.addi %shift_left3A_839, %and3A_842 : vector<16xi32>
    %swap3A_844 = arith.constant 3 : i32
    %swap3A_845 = arith.index_cast %swap3A_844 : i32 to index
    %swap3A_846 = arith.constant 32 : index
    %swap3A_847 = tpu.vector_load %arg10[%swap3A_845, %swap3A_846] {strides = array<i32>} : memref<4x128xi32, #tpu.memory_space<vmem>>, vector<16xi32>,
    tpu.vector_store %arg10[%swap3A_845, %swap3A_846], %add3A_843 {strides = array<i32>} : memref<4x128xi32, #tpu.memory_space<vmem>>, vector<16xi32>,
    %shift_right_arithmetic3A_848 = arith.constant 15 : i32
    %shift_right_arithmetic3A_849 = vector.broadcast %shift_right_arithmetic3A_848 : i32 to vector<16xi32>
    %shift_right_arithmetic3A_850 = arith.shrsi %get3A_833, %shift_right_arithmetic3A_849 : vector<16xi32>
    %shift_left3A_851 = arith.constant 13 : i32
    %shift_left3A_852 = vector.broadcast %shift_left3A_851 : i32 to vector<16xi32>
    %shift_left3A_853 = arith.shli %shift_right_arithmetic3A_850, %shift_left3A_852 : vector<16xi32>
    %and3A_854 = arith.constant 8191 : i32
    %and3A_855 = vector.broadcast %and3A_854 : i32 to vector<16xi32>
    %and3A_856 = arith.andi %get3A_833, %and3A_855 : vector<16xi32>
    %add3A_857 = arith.addi %shift_left3A_853, %and3A_856 : vector<16xi32>
    %swap3A_858 = arith.constant 3 : i32
    %swap3A_859 = arith.index_cast %swap3A_858 : i32 to index
    %swap3A_860 = arith.constant 32 : index
    %swap3A_861 = tpu.vector_load %arg11[%swap3A_859, %swap3A_860] {strides = array<i32>} : memref<4x128xi32, #tpu.memory_space<vmem>>, vector<16xi32>,
    tpu.vector_store %arg11[%swap3A_859, %swap3A_860], %add3A_857 {strides = array<i32>} : memref<4x128xi32, #tpu.memory_space<vmem>>, vector<16xi32>,
    %get3A_862 = arith.constant 432 : index
    %get3A_863 = tpu.vector_load %arg8[%get3A_862] {strides = array<i32>} : memref<512xi32, #tpu.memory_space<vmem>>, vector<16xi32>,
    %get3A_864 = arith.constant 432 : index
    %get3A_865 = tpu.vector_load %arg9[%get3A_864] {strides = array<i32>} : memref<512xi32, #tpu.memory_space<vmem>>, vector<16xi32>,
    %shift_right_arithmetic3A_866 = arith.constant 15 : i32
    %shift_right_arithmetic3A_867 = vector.broadcast %shift_right_arithmetic3A_866 : i32 to vector<16xi32>
    %shift_right_arithmetic3A_868 = arith.shrsi %get3A_863, %shift_right_arithmetic3A_867 : vector<16xi32>
    %shift_left3A_869 = arith.constant 13 : i32
    %shift_left3A_870 = vector.broadcast %shift_left3A_869 : i32 to vector<16xi32>
    %shift_left3A_871 = arith.shli %shift_right_arithmetic3A_868, %shift_left3A_870 : vector<16xi32>
    %and3A_872 = arith.constant 8191 : i32
    %and3A_873 = vector.broadcast %and3A_872 : i32 to vector<16xi32>
    %and3A_874 = arith.andi %get3A_863, %and3A_873 : vector<16xi32>
    %add3A_875 = arith.addi %shift_left3A_871, %and3A_874 : vector<16xi32>
    %swap3A_876 = arith.constant 3 : i32
    %swap3A_877 = arith.index_cast %swap3A_876 : i32 to index
    %swap3A_878 = arith.constant 48 : index
    %swap3A_879 = tpu.vector_load %arg10[%swap3A_877, %swap3A_878] {strides = array<i32>} : memref<4x128xi32, #tpu.memory_space<vmem>>, vector<16xi32>,
    tpu.vector_store %arg10[%swap3A_877, %swap3A_878], %add3A_875 {strides = array<i32>} : memref<4x128xi32, #tpu.memory_space<vmem>>, vector<16xi32>,
    %shift_right_arithmetic3A_880 = arith.constant 15 : i32
    %shift_right_arithmetic3A_881 = vector.broadcast %shift_right_arithmetic3A_880 : i32 to vector<16xi32>
    %shift_right_arithmetic3A_882 = arith.shrsi %get3A_865, %shift_right_arithmetic3A_881 : vector<16xi32>
    %shift_left3A_883 = arith.constant 13 : i32
    %shift_left3A_884 = vector.broadcast %shift_left3A_883 : i32 to vector<16xi32>
    %shift_left3A_885 = arith.shli %shift_right_arithmetic3A_882, %shift_left3A_884 : vector<16xi32>
    %and3A_886 = arith.constant 8191 : i32
    %and3A_887 = vector.broadcast %and3A_886 : i32 to vector<16xi32>
    %and3A_888 = arith.andi %get3A_865, %and3A_887 : vector<16xi32>
    %add3A_889 = arith.addi %shift_left3A_885, %and3A_888 : vector<16xi32>
    %swap3A_890 = arith.constant 3 : i32
    %swap3A_891 = arith.index_cast %swap3A_890 : i32 to index
    %swap3A_892 = arith.constant 48 : index
    %swap3A_893 = tpu.vector_load %arg11[%swap3A_891, %swap3A_892] {strides = array<i32>} : memref<4x128xi32, #tpu.memory_space<vmem>>, vector<16xi32>,
    tpu.vector_store %arg11[%swap3A_891, %swap3A_892], %add3A_889 {strides = array<i32>} : memref<4x128xi32, #tpu.memory_space<vmem>>, vector<16xi32>,
    %get3A_894 = arith.constant 448 : index
    %get3A_895 = tpu.vector_load %arg8[%get3A_894] {strides = array<i32>} : memref<512xi32, #tpu.memory_space<vmem>>, vector<16xi32>,
    %get3A_896 = arith.constant 448 : index
    %get3A_897 = tpu.vector_load %arg9[%get3A_896] {strides = array<i32>} : memref<512xi32, #tpu.memory_space<vmem>>, vector<16xi32>,
    %shift_right_arithmetic3A_898 = arith.constant 15 : i32
    %shift_right_arithmetic3A_899 = vector.broadcast %shift_right_arithmetic3A_898 : i32 to vector<16xi32>
    %shift_right_arithmetic3A_900 = arith.shrsi %get3A_895, %shift_right_arithmetic3A_899 : vector<16xi32>
    %shift_left3A_901 = arith.constant 13 : i32
    %shift_left3A_902 = vector.broadcast %shift_left3A_901 : i32 to vector<16xi32>
    %shift_left3A_903 = arith.shli %shift_right_arithmetic3A_900, %shift_left3A_902 : vector<16xi32>
    %and3A_904 = arith.constant 8191 : i32
    %and3A_905 = vector.broadcast %and3A_904 : i32 to vector<16xi32>
    %and3A_906 = arith.andi %get3A_895, %and3A_905 : vector<16xi32>
    %add3A_907 = arith.addi %shift_left3A_903, %and3A_906 : vector<16xi32>
    %swap3A_908 = arith.constant 3 : i32
    %swap3A_909 = arith.index_cast %swap3A_908 : i32 to index
    %swap3A_910 = arith.constant 64 : index
    %swap3A_911 = tpu.vector_load %arg10[%swap3A_909, %swap3A_910] {strides = array<i32>} : memref<4x128xi32, #tpu.memory_space<vmem>>, vector<16xi32>,
    tpu.vector_store %arg10[%swap3A_909, %swap3A_910], %add3A_907 {strides = array<i32>} : memref<4x128xi32, #tpu.memory_space<vmem>>, vector<16xi32>,
    %shift_right_arithmetic3A_912 = arith.constant 15 : i32
    %shift_right_arithmetic3A_913 = vector.broadcast %shift_right_arithmetic3A_912 : i32 to vector<16xi32>
    %shift_right_arithmetic3A_914 = arith.shrsi %get3A_897, %shift_right_arithmetic3A_913 : vector<16xi32>
    %shift_left3A_915 = arith.constant 13 : i32
    %shift_left3A_916 = vector.broadcast %shift_left3A_915 : i32 to vector<16xi32>
    %shift_left3A_917 = arith.shli %shift_right_arithmetic3A_914, %shift_left3A_916 : vector<16xi32>
    %and3A_918 = arith.constant 8191 : i32
    %and3A_919 = vector.broadcast %and3A_918 : i32 to vector<16xi32>
    %and3A_920 = arith.andi %get3A_897, %and3A_919 : vector<16xi32>
    %add3A_921 = arith.addi %shift_left3A_917, %and3A_920 : vector<16xi32>
    %swap3A_922 = arith.constant 3 : i32
    %swap3A_923 = arith.index_cast %swap3A_922 : i32 to index
    %swap3A_924 = arith.constant 64 : index
    %swap3A_925 = tpu.vector_load %arg11[%swap3A_923, %swap3A_924] {strides = array<i32>} : memref<4x128xi32, #tpu.memory_space<vmem>>, vector<16xi32>,
    tpu.vector_store %arg11[%swap3A_923, %swap3A_924], %add3A_921 {strides = array<i32>} : memref<4x128xi32, #tpu.memory_space<vmem>>, vector<16xi32>,
    %get3A_926 = arith.constant 464 : index
    %get3A_927 = tpu.vector_load %arg8[%get3A_926] {strides = array<i32>} : memref<512xi32, #tpu.memory_space<vmem>>, vector<16xi32>,
    %get3A_928 = arith.constant 464 : index
    %get3A_929 = tpu.vector_load %arg9[%get3A_928] {strides = array<i32>} : memref<512xi32, #tpu.memory_space<vmem>>, vector<16xi32>,
    %shift_right_arithmetic3A_930 = arith.constant 15 : i32
    %shift_right_arithmetic3A_931 = vector.broadcast %shift_right_arithmetic3A_930 : i32 to vector<16xi32>
    %shift_right_arithmetic3A_932 = arith.shrsi %get3A_927, %shift_right_arithmetic3A_931 : vector<16xi32>
    %shift_left3A_933 = arith.constant 13 : i32
    %shift_left3A_934 = vector.broadcast %shift_left3A_933 : i32 to vector<16xi32>
    %shift_left3A_935 = arith.shli %shift_right_arithmetic3A_932, %shift_left3A_934 : vector<16xi32>
    %and3A_936 = arith.constant 8191 : i32
    %and3A_937 = vector.broadcast %and3A_936 : i32 to vector<16xi32>
    %and3A_938 = arith.andi %get3A_927, %and3A_937 : vector<16xi32>
    %add3A_939 = arith.addi %shift_left3A_935, %and3A_938 : vector<16xi32>
    %swap3A_940 = arith.constant 3 : i32
    %swap3A_941 = arith.index_cast %swap3A_940 : i32 to index
    %swap3A_942 = arith.constant 80 : index
    %swap3A_943 = tpu.vector_load %arg10[%swap3A_941, %swap3A_942] {strides = array<i32>} : memref<4x128xi32, #tpu.memory_space<vmem>>, vector<16xi32>,
    tpu.vector_store %arg10[%swap3A_941, %swap3A_942], %add3A_939 {strides = array<i32>} : memref<4x128xi32, #tpu.memory_space<vmem>>, vector<16xi32>,
    %shift_right_arithmetic3A_944 = arith.constant 15 : i32
    %shift_right_arithmetic3A_945 = vector.broadcast %shift_right_arithmetic3A_944 : i32 to vector<16xi32>
    %shift_right_arithmetic3A_946 = arith.shrsi %get3A_929, %shift_right_arithmetic3A_945 : vector<16xi32>
    %shift_left3A_947 = arith.constant 13 : i32
    %shift_left3A_948 = vector.broadcast %shift_left3A_947 : i32 to vector<16xi32>
    %shift_left3A_949 = arith.shli %shift_right_arithmetic3A_946, %shift_left3A_948 : vector<16xi32>
    %and3A_950 = arith.constant 8191 : i32
    %and3A_951 = vector.broadcast %and3A_950 : i32 to vector<16xi32>
    %and3A_952 = arith.andi %get3A_929, %and3A_951 : vector<16xi32>
    %add3A_953 = arith.addi %shift_left3A_949, %and3A_952 : vector<16xi32>
    %swap3A_954 = arith.constant 3 : i32
    %swap3A_955 = arith.index_cast %swap3A_954 : i32 to index
    %swap3A_956 = arith.constant 80 : index
    %swap3A_957 = tpu.vector_load %arg11[%swap3A_955, %swap3A_956] {strides = array<i32>} : memref<4x128xi32, #tpu.memory_space<vmem>>, vector<16xi32>,
    tpu.vector_store %arg11[%swap3A_955, %swap3A_956], %add3A_953 {strides = array<i32>} : memref<4x128xi32, #tpu.memory_space<vmem>>, vector<16xi32>,
    %get3A_958 = arith.constant 480 : index
    %get3A_959 = tpu.vector_load %arg8[%get3A_958] {strides = array<i32>} : memref<512xi32, #tpu.memory_space<vmem>>, vector<16xi32>,
    %get3A_960 = arith.constant 480 : index
    %get3A_961 = tpu.vector_load %arg9[%get3A_960] {strides = array<i32>} : memref<512xi32, #tpu.memory_space<vmem>>, vector<16xi32>,
    %shift_right_arithmetic3A_962 = arith.constant 15 : i32
    %shift_right_arithmetic3A_963 = vector.broadcast %shift_right_arithmetic3A_962 : i32 to vector<16xi32>
    %shift_right_arithmetic3A_964 = arith.shrsi %get3A_959, %shift_right_arithmetic3A_963 : vector<16xi32>
    %shift_left3A_965 = arith.constant 13 : i32
    %shift_left3A_966 = vector.broadcast %shift_left3A_965 : i32 to vector<16xi32>
    %shift_left3A_967 = arith.shli %shift_right_arithmetic3A_964, %shift_left3A_966 : vector<16xi32>
    %and3A_968 = arith.constant 8191 : i32
    %and3A_969 = vector.broadcast %and3A_968 : i32 to vector<16xi32>
    %and3A_970 = arith.andi %get3A_959, %and3A_969 : vector<16xi32>
    %add3A_971 = arith.addi %shift_left3A_967, %and3A_970 : vector<16xi32>
    %swap3A_972 = arith.constant 3 : i32
    %swap3A_973 = arith.index_cast %swap3A_972 : i32 to index
    %swap3A_974 = arith.constant 96 : index
    %swap3A_975 = tpu.vector_load %arg10[%swap3A_973, %swap3A_974] {strides = array<i32>} : memref<4x128xi32, #tpu.memory_space<vmem>>, vector<16xi32>,
    tpu.vector_store %arg10[%swap3A_973, %swap3A_974], %add3A_971 {strides = array<i32>} : memref<4x128xi32, #tpu.memory_space<vmem>>, vector<16xi32>,
    %shift_right_arithmetic3A_976 = arith.constant 15 : i32
    %shift_right_arithmetic3A_977 = vector.broadcast %shift_right_arithmetic3A_976 : i32 to vector<16xi32>
    %shift_right_arithmetic3A_978 = arith.shrsi %get3A_961, %shift_right_arithmetic3A_977 : vector<16xi32>
    %shift_left3A_979 = arith.constant 13 : i32
    %shift_left3A_980 = vector.broadcast %shift_left3A_979 : i32 to vector<16xi32>
    %shift_left3A_981 = arith.shli %shift_right_arithmetic3A_978, %shift_left3A_980 : vector<16xi32>
    %and3A_982 = arith.constant 8191 : i32
    %and3A_983 = vector.broadcast %and3A_982 : i32 to vector<16xi32>
    %and3A_984 = arith.andi %get3A_961, %and3A_983 : vector<16xi32>
    %add3A_985 = arith.addi %shift_left3A_981, %and3A_984 : vector<16xi32>
    %swap3A_986 = arith.constant 3 : i32
    %swap3A_987 = arith.index_cast %swap3A_986 : i32 to index
    %swap3A_988 = arith.constant 96 : index
    %swap3A_989 = tpu.vector_load %arg11[%swap3A_987, %swap3A_988] {strides = array<i32>} : memref<4x128xi32, #tpu.memory_space<vmem>>, vector<16xi32>,
    tpu.vector_store %arg11[%swap3A_987, %swap3A_988], %add3A_985 {strides = array<i32>} : memref<4x128xi32, #tpu.memory_space<vmem>>, vector<16xi32>,
    %get3A_990 = arith.constant 496 : index
    %get3A_991 = tpu.vector_load %arg8[%get3A_990] {strides = array<i32>} : memref<512xi32, #tpu.memory_space<vmem>>, vector<16xi32>,
    %get3A_992 = arith.constant 496 : index
    %get3A_993 = tpu.vector_load %arg9[%get3A_992] {strides = array<i32>} : memref<512xi32, #tpu.memory_space<vmem>>, vector<16xi32>,
    %shift_right_arithmetic3A_994 = arith.constant 15 : i32
    %shift_right_arithmetic3A_995 = vector.broadcast %shift_right_arithmetic3A_994 : i32 to vector<16xi32>
    %shift_right_arithmetic3A_996 = arith.shrsi %get3A_991, %shift_right_arithmetic3A_995 : vector<16xi32>
    %shift_left3A_997 = arith.constant 13 : i32
    %shift_left3A_998 = vector.broadcast %shift_left3A_997 : i32 to vector<16xi32>
    %shift_left3A_999 = arith.shli %shift_right_arithmetic3A_996, %shift_left3A_998 : vector<16xi32>
    %and3A_1000 = arith.constant 8191 : i32
    %and3A_1001 = vector.broadcast %and3A_1000 : i32 to vector<16xi32>
    %and3A_1002 = arith.andi %get3A_991, %and3A_1001 : vector<16xi32>
    %add3A_1003 = arith.addi %shift_left3A_999, %and3A_1002 : vector<16xi32>
    %swap3A_1004 = arith.constant 3 : i32
    %swap3A_1005 = arith.index_cast %swap3A_1004 : i32 to index
    %swap3A_1006 = arith.constant 112 : index
    %swap3A_1007 = tpu.vector_load %arg10[%swap3A_1005, %swap3A_1006] {strides = array<i32>} : memref<4x128xi32, #tpu.memory_space<vmem>>, vector<16xi32>,
    tpu.vector_store %arg10[%swap3A_1005, %swap3A_1006], %add3A_1003 {strides = array<i32>} : memref<4x128xi32, #tpu.memory_space<vmem>>, vector<16xi32>,
    %shift_right_arithmetic3A_1008 = arith.constant 15 : i32
    %shift_right_arithmetic3A_1009 = vector.broadcast %shift_right_arithmetic3A_1008 : i32 to vector<16xi32>
    %shift_right_arithmetic3A_1010 = arith.shrsi %get3A_993, %shift_right_arithmetic3A_1009 : vector<16xi32>
    %shift_left3A_1011 = arith.constant 13 : i32
    %shift_left3A_1012 = vector.broadcast %shift_left3A_1011 : i32 to vector<16xi32>
    %shift_left3A_1013 = arith.shli %shift_right_arithmetic3A_1010, %shift_left3A_1012 : vector<16xi32>
    %and3A_1014 = arith.constant 8191 : i32
    %and3A_1015 = vector.broadcast %and3A_1014 : i32 to vector<16xi32>
    %and3A_1016 = arith.andi %get3A_993, %and3A_1015 : vector<16xi32>
    %add3A_1017 = arith.addi %shift_left3A_1013, %and3A_1016 : vector<16xi32>
    %swap3A_1018 = arith.constant 3 : i32
    %swap3A_1019 = arith.index_cast %swap3A_1018 : i32 to index
    %swap3A_1020 = arith.constant 112 : index
    %swap3A_1021 = tpu.vector_load %arg11[%swap3A_1019, %swap3A_1020] {strides = array<i32>} : memref<4x128xi32, #tpu.memory_space<vmem>>, vector<16xi32>,
    tpu.vector_store %arg11[%swap3A_1019, %swap3A_1020], %add3A_1017 {strides = array<i32>} : memref<4x128xi32, #tpu.memory_space<vmem>>, vector<16xi32>,
    %iota3A = tpu.iota {dimensions = array<i32: 0>} : vector<16xi32>
    %get3A_1022 = arith.constant 0 : index
    %get3A_1023 = tpu.vector_load %arg14[%get3A_1022] {strides = array<i32>} : memref<16xf32, #tpu.memory_space<vmem>>, vector<16xf32>,
    %dma_start3A = arith.constant 0 : i32
    %dma_start3A_1024 = arith.constant 0 : i32
    %dma_start3A_1025 = arith.constant 0 : i32
    %dma_start3A_1026 = arith.constant 0 : i32
    %dma_start3A_1027 = arith.constant 0 : i32
    %dma_start3A_1028 = tpu.memref_slice %arg12[%dma_start3A_1024, %dma_start3A_1026, %dma_start3A_1027] : memref<2x128x128xf32, #tpu.memory_space<vmem>> -> memref<1x128x128xf32, #tpu.memory_space<vmem>>
    %dma_start3A_1029 = tpu.memref_squeeze %dma_start3A_1028 : memref<1x128x128xf32, #tpu.memory_space<vmem>> -> memref<128x128xf32, #tpu.memory_space<vmem>>
    %dma_start3A_1030 = arith.constant 0 : i32
    %dma_start3A_1031 = tpu.memref_slice %arg10[%dma_start3A, %dma_start3A_1030] : memref<4x128xi32, #tpu.memory_space<vmem>> -> memref<1x128xi32, #tpu.memory_space<vmem>>
    %dma_start3A_1032 = tpu.memref_squeeze %dma_start3A_1031 : memref<1x128xi32, #tpu.memory_space<vmem>> -> memref<128xi32, #tpu.memory_space<vmem>>
    %dma_start3A_1033 = arith.constant 0 : i32
    %dma_start3A_1034 = arith.constant 0 : i32
    %dma_start3A_1035 = tpu.memref_slice %arg2[%dma_start3A_1033, %dma_start3A_1034] : memref<253952x128xf32, #tpu.memory_space<hbm>> -> memref<253952x128xf32, #tpu.memory_space<hbm>>
    %dma_start3A_1036 = tpu.memref_slice %arg16[%dma_start3A_1025] : memref<2x!tpu.dma_semaphore, #tpu.memory_space<semaphore_mem>> -> memref<1x!tpu.dma_semaphore, #tpu.memory_space<semaphore_mem>>
    %dma_start3A_1037 = tpu.memref_squeeze %dma_start3A_1036 : memref<1x!tpu.dma_semaphore, #tpu.memory_space<semaphore_mem>> -> memref<!tpu.dma_semaphore, #tpu.memory_space<semaphore_mem>>
    tpu.enqueue_indirect_dma source(%dma_start3A_1035 : memref<253952x128xf32, #tpu.memory_space<hbm>>) target(%dma_start3A_1029 : memref<128x128xf32, #tpu.memory_space<vmem>>) offsets(%dma_start3A_1032 : memref<128xi32, #tpu.memory_space<vmem>>) semaphore(%dma_start3A_1037 : memref<!tpu.dma_semaphore, #tpu.memory_space<semaphore_mem>>)
    %dma_start3A_1038 = arith.constant 0 : i32
    %dma_start3A_1039 = arith.constant 0 : i32
    %dma_start3A_1040 = arith.constant 0 : i32
    %dma_start3A_1041 = arith.constant 0 : i32
    %dma_start3A_1042 = arith.constant 0 : i32
    %dma_start3A_1043 = tpu.memref_slice %arg13[%dma_start3A_1039, %dma_start3A_1041, %dma_start3A_1042] : memref<2x128x128xf32, #tpu.memory_space<vmem>> -> memref<1x128x128xf32, #tpu.memory_space<vmem>>
    %dma_start3A_1044 = tpu.memref_squeeze %dma_start3A_1043 : memref<1x128x128xf32, #tpu.memory_space<vmem>> -> memref<128x128xf32, #tpu.memory_space<vmem>>
    %dma_start3A_1045 = arith.constant 0 : i32
    %dma_start3A_1046 = tpu.memref_slice %arg11[%dma_start3A_1038, %dma_start3A_1045] : memref<4x128xi32, #tpu.memory_space<vmem>> -> memref<1x128xi32, #tpu.memory_space<vmem>>
    %dma_start3A_1047 = tpu.memref_squeeze %dma_start3A_1046 : memref<1x128xi32, #tpu.memory_space<vmem>> -> memref<128xi32, #tpu.memory_space<vmem>>
    %dma_start3A_1048 = arith.constant 0 : i32
    %dma_start3A_1049 = arith.constant 0 : i32
    %dma_start3A_1050 = tpu.memref_slice %arg3[%dma_start3A_1048, %dma_start3A_1049] : memref<253952x128xf32, #tpu.memory_space<hbm>> -> memref<253952x128xf32, #tpu.memory_space<hbm>>
    %dma_start3A_1051 = tpu.memref_slice %arg16[%dma_start3A_1040] : memref<2x!tpu.dma_semaphore, #tpu.memory_space<semaphore_mem>> -> memref<1x!tpu.dma_semaphore, #tpu.memory_space<semaphore_mem>>
    %dma_start3A_1052 = tpu.memref_squeeze %dma_start3A_1051 : memref<1x!tpu.dma_semaphore, #tpu.memory_space<semaphore_mem>> -> memref<!tpu.dma_semaphore, #tpu.memory_space<semaphore_mem>>
    tpu.enqueue_indirect_dma source(%dma_start3A_1050 : memref<253952x128xf32, #tpu.memory_space<hbm>>) target(%dma_start3A_1044 : memref<128x128xf32, #tpu.memory_space<vmem>>) offsets(%dma_start3A_1047 : memref<128xi32, #tpu.memory_space<vmem>>) semaphore(%dma_start3A_1052 : memref<!tpu.dma_semaphore, #tpu.memory_space<semaphore_mem>>)
    %dma_start3A_1053 = arith.constant 1 : i32
    %dma_start3A_1054 = arith.constant 1 : i32
    %dma_start3A_1055 = arith.constant 1 : i32
    %dma_start3A_1056 = arith.constant 0 : i32
    %dma_start3A_1057 = arith.constant 0 : i32
    %dma_start3A_1058 = tpu.memref_slice %arg12[%dma_start3A_1054, %dma_start3A_1056, %dma_start3A_1057] : memref<2x128x128xf32, #tpu.memory_space<vmem>> -> memref<1x128x128xf32, #tpu.memory_space<vmem>>
    %dma_start3A_1059 = tpu.memref_squeeze %dma_start3A_1058 : memref<1x128x128xf32, #tpu.memory_space<vmem>> -> memref<128x128xf32, #tpu.memory_space<vmem>>
    %dma_start3A_1060 = arith.constant 0 : i32
    %dma_start3A_1061 = tpu.memref_slice %arg10[%dma_start3A_1053, %dma_start3A_1060] : memref<4x128xi32, #tpu.memory_space<vmem>> -> memref<1x128xi32, #tpu.memory_space<vmem>>
    %dma_start3A_1062 = tpu.memref_squeeze %dma_start3A_1061 : memref<1x128xi32, #tpu.memory_space<vmem>> -> memref<128xi32, #tpu.memory_space<vmem>>
    %dma_start3A_1063 = arith.constant 0 : i32
    %dma_start3A_1064 = arith.constant 0 : i32
    %dma_start3A_1065 = tpu.memref_slice %arg2[%dma_start3A_1063, %dma_start3A_1064] : memref<253952x128xf32, #tpu.memory_space<hbm>> -> memref<253952x128xf32, #tpu.memory_space<hbm>>
    %dma_start3A_1066 = tpu.memref_slice %arg16[%dma_start3A_1055] : memref<2x!tpu.dma_semaphore, #tpu.memory_space<semaphore_mem>> -> memref<1x!tpu.dma_semaphore, #tpu.memory_space<semaphore_mem>>
    %dma_start3A_1067 = tpu.memref_squeeze %dma_start3A_1066 : memref<1x!tpu.dma_semaphore, #tpu.memory_space<semaphore_mem>> -> memref<!tpu.dma_semaphore, #tpu.memory_space<semaphore_mem>>
    tpu.enqueue_indirect_dma source(%dma_start3A_1065 : memref<253952x128xf32, #tpu.memory_space<hbm>>) target(%dma_start3A_1059 : memref<128x128xf32, #tpu.memory_space<vmem>>) offsets(%dma_start3A_1062 : memref<128xi32, #tpu.memory_space<vmem>>) semaphore(%dma_start3A_1067 : memref<!tpu.dma_semaphore, #tpu.memory_space<semaphore_mem>>)
    %dma_start3A_1068 = arith.constant 1 : i32
    %dma_start3A_1069 = arith.constant 1 : i32
    %dma_start3A_1070 = arith.constant 1 : i32
    %dma_start3A_1071 = arith.constant 0 : i32
    %dma_start3A_1072 = arith.constant 0 : i32
    %dma_start3A_1073 = tpu.memref_slice %arg13[%dma_start3A_1069, %dma_start3A_1071, %dma_start3A_1072] : memref<2x128x128xf32, #tpu.memory_space<vmem>> -> memref<1x128x128xf32, #tpu.memory_space<vmem>>
    %dma_start3A_1074 = tpu.memref_squeeze %dma_start3A_1073 : memref<1x128x128xf32, #tpu.memory_space<vmem>> -> memref<128x128xf32, #tpu.memory_space<vmem>>
    %dma_start3A_1075 = arith.constant 0 : i32
    %dma_start3A_1076 = tpu.memref_slice %arg11[%dma_start3A_1068, %dma_start3A_1075] : memref<4x128xi32, #tpu.memory_space<vmem>> -> memref<1x128xi32, #tpu.memory_space<vmem>>
    %dma_start3A_1077 = tpu.memref_squeeze %dma_start3A_1076 : memref<1x128xi32, #tpu.memory_space<vmem>> -> memref<128xi32, #tpu.memory_space<vmem>>
    %dma_start3A_1078 = arith.constant 0 : i32
    %dma_start3A_1079 = arith.constant 0 : i32
    %dma_start3A_1080 = tpu.memref_slice %arg3[%dma_start3A_1078, %dma_start3A_1079] : memref<253952x128xf32, #tpu.memory_space<hbm>> -> memref<253952x128xf32, #tpu.memory_space<hbm>>
    %dma_start3A_1081 = tpu.memref_slice %arg16[%dma_start3A_1070] : memref<2x!tpu.dma_semaphore, #tpu.memory_space<semaphore_mem>> -> memref<1x!tpu.dma_semaphore, #tpu.memory_space<semaphore_mem>>
    %dma_start3A_1082 = tpu.memref_squeeze %dma_start3A_1081 : memref<1x!tpu.dma_semaphore, #tpu.memory_space<semaphore_mem>> -> memref<!tpu.dma_semaphore, #tpu.memory_space<semaphore_mem>>
    tpu.enqueue_indirect_dma source(%dma_start3A_1080 : memref<253952x128xf32, #tpu.memory_space<hbm>>) target(%dma_start3A_1074 : memref<128x128xf32, #tpu.memory_space<vmem>>) offsets(%dma_start3A_1077 : memref<128xi32, #tpu.memory_space<vmem>>) semaphore(%dma_start3A_1082 : memref<!tpu.dma_semaphore, #tpu.memory_space<semaphore_mem>>)
    %dma_wait3A = arith.constant 0 : i32
    %dma_wait3A_1083 = arith.constant 0 : i32
    %dma_wait3A_1084 = arith.constant 0 : i32
    %dma_wait3A_1085 = arith.constant 0 : i32
    %dma_wait3A_1086 = arith.constant 0 : i32
    %dma_wait3A_1087 = tpu.memref_slice %arg12[%dma_wait3A_1083, %dma_wait3A_1085, %dma_wait3A_1086] : memref<2x128x128xf32, #tpu.memory_space<vmem>> -> memref<1x128x128xf32, #tpu.memory_space<vmem>>
    %dma_wait3A_1088 = tpu.memref_squeeze %dma_wait3A_1087 : memref<1x128x128xf32, #tpu.memory_space<vmem>> -> memref<128x128xf32, #tpu.memory_space<vmem>>
    %dma_wait3A_1089 = arith.constant 0 : i32
    %dma_wait3A_1090 = tpu.memref_slice %arg10[%dma_wait3A, %dma_wait3A_1089] : memref<4x128xi32, #tpu.memory_space<vmem>> -> memref<1x128xi32, #tpu.memory_space<vmem>>
    %dma_wait3A_1091 = tpu.memref_squeeze %dma_wait3A_1090 : memref<1x128xi32, #tpu.memory_space<vmem>> -> memref<128xi32, #tpu.memory_space<vmem>>
    %dma_wait3A_1092 = arith.constant 0 : i32
    %dma_wait3A_1093 = arith.constant 0 : i32
    %dma_wait3A_1094 = tpu.memref_slice %arg2[%dma_wait3A_1092, %dma_wait3A_1093] : memref<253952x128xf32, #tpu.memory_space<hbm>> -> memref<253952x128xf32, #tpu.memory_space<hbm>>
    %dma_wait3A_1095 = tpu.memref_slice %arg16[%dma_wait3A_1084] : memref<2x!tpu.dma_semaphore, #tpu.memory_space<semaphore_mem>> -> memref<1x!tpu.dma_semaphore, #tpu.memory_space<semaphore_mem>>
    %dma_wait3A_1096 = tpu.memref_squeeze %dma_wait3A_1095 : memref<1x!tpu.dma_semaphore, #tpu.memory_space<semaphore_mem>> -> memref<!tpu.dma_semaphore, #tpu.memory_space<semaphore_mem>>
    tpu.wait_indirect_dma semaphore(%dma_wait3A_1096 : memref<!tpu.dma_semaphore, #tpu.memory_space<semaphore_mem>>) src(%dma_wait3A_1094 : memref<253952x128xf32, #tpu.memory_space<hbm>>) dst(%dma_wait3A_1088 : memref<128x128xf32, #tpu.memory_space<vmem>>)
    %dma_wait3A_1097 = arith.constant 0 : i32
    %dma_wait3A_1098 = arith.constant 0 : i32
    %dma_wait3A_1099 = arith.constant 0 : i32
    %dma_wait3A_1100 = arith.constant 0 : i32
    %dma_wait3A_1101 = arith.constant 0 : i32
    %dma_wait3A_1102 = tpu.memref_slice %arg13[%dma_wait3A_1098, %dma_wait3A_1100, %dma_wait3A_1101] : memref<2x128x128xf32, #tpu.memory_space<vmem>> -> memref<1x128x128xf32, #tpu.memory_space<vmem>>
    %dma_wait3A_1103 = tpu.memref_squeeze %dma_wait3A_1102 : memref<1x128x128xf32, #tpu.memory_space<vmem>> -> memref<128x128xf32, #tpu.memory_space<vmem>>
    %dma_wait3A_1104 = arith.constant 0 : i32
    %dma_wait3A_1105 = tpu.memref_slice %arg11[%dma_wait3A_1097, %dma_wait3A_1104] : memref<4x128xi32, #tpu.memory_space<vmem>> -> memref<1x128xi32, #tpu.memory_space<vmem>>
    %dma_wait3A_1106 = tpu.memref_squeeze %dma_wait3A_1105 : memref<1x128xi32, #tpu.memory_space<vmem>> -> memref<128xi32, #tpu.memory_space<vmem>>
    %dma_wait3A_1107 = arith.constant 0 : i32
    %dma_wait3A_1108 = arith.constant 0 : i32
    %dma_wait3A_1109 = tpu.memref_slice %arg3[%dma_wait3A_1107, %dma_wait3A_1108] : memref<253952x128xf32, #tpu.memory_space<hbm>> -> memref<253952x128xf32, #tpu.memory_space<hbm>>
    %dma_wait3A_1110 = tpu.memref_slice %arg16[%dma_wait3A_1099] : memref<2x!tpu.dma_semaphore, #tpu.memory_space<semaphore_mem>> -> memref<1x!tpu.dma_semaphore, #tpu.memory_space<semaphore_mem>>
    %dma_wait3A_1111 = tpu.memref_squeeze %dma_wait3A_1110 : memref<1x!tpu.dma_semaphore, #tpu.memory_space<semaphore_mem>> -> memref<!tpu.dma_semaphore, #tpu.memory_space<semaphore_mem>>
    tpu.wait_indirect_dma semaphore(%dma_wait3A_1111 : memref<!tpu.dma_semaphore, #tpu.memory_space<semaphore_mem>>) src(%dma_wait3A_1109 : memref<253952x128xf32, #tpu.memory_space<hbm>>) dst(%dma_wait3A_1103 : memref<128x128xf32, #tpu.memory_space<vmem>>)
    %scan3A = arith.constant 0 : i32
    %scan3A_1112 = arith.constant 0 : i32
    %scan3A_1113 = arith.constant 0 : i32
    %scan3A_1114 = arith.constant 0 : i32
    %scan3A_1115 = arith.constant 8 : i32
    %scan3A_1116 = arith.addi %scan3A_1114, %scan3A_1115 : i32
    %scan3A_1117 = arith.constant 1 : i32
    scf.for %scan3A_1293 = %scan3A_1114 to %scan3A_1116 step %scan3A_1117  : i32 {
      %mul3A_1294 = arith.constant 16 : i32
      %mul3A_1295 = arith.muli %scan3A_1293, %mul3A_1294 : i32
      %add3A_1296 = arith.constant 0 : i32
      %add3A_1297 = arith.addi %add3A_1296, %mul3A_1295 : i32
      %get3A_1298 = arith.index_cast %add3A_1297 : i32 to index
      %get3A_1299 = tpu.vector_load %arg8[%get3A_1298] {strides = array<i32>} : memref<512xi32, #tpu.memory_space<vmem>>, vector<16xi32>,
      %get3A_1300 = arith.index_cast %add3A_1297 : i32 to index
      %get3A_1301 = tpu.vector_load %arg9[%get3A_1300] {strides = array<i32>} : memref<512xi32, #tpu.memory_space<vmem>>, vector<16xi32>,
      %mul3A_1302 = arith.constant 16 : i32
      %mul3A_1303 = arith.muli %scan3A_1293, %mul3A_1302 : i32
      %add3A_1304 = vector.broadcast %mul3A_1303 : i32 to vector<16xi32>
      %add3A_1305 = arith.addi %add3A_1304, %iota3A : vector<16xi32>
      %shift_right_arithmetic3A_1306 = arith.constant 13 : i32
      %shift_right_arithmetic3A_1307 = vector.broadcast %shift_right_arithmetic3A_1306 : i32 to vector<16xi32>
      %shift_right_arithmetic3A_1308 = arith.shrsi %get3A_1299, %shift_right_arithmetic3A_1307 : vector<16xi32>
      %and3A_1309 = arith.constant 3 : i32
      %and3A_1310 = vector.broadcast %and3A_1309 : i32 to vector<16xi32>
      %and3A_1311 = arith.andi %shift_right_arithmetic3A_1308, %and3A_1310 : vector<16xi32>
      %mul3A_1312 = arith.constant 32 : i32
      %mul3A_1313 = vector.broadcast %mul3A_1312 : i32 to vector<16xi32>
      %mul3A_1314 = arith.muli %and3A_1311, %mul3A_1313 : vector<16xi32>
      %shift_right_arithmetic3A_1315 = arith.constant 13 : i32
      %shift_right_arithmetic3A_1316 = vector.broadcast %shift_right_arithmetic3A_1315 : i32 to vector<16xi32>
      %shift_right_arithmetic3A_1317 = arith.shrsi %get3A_1301, %shift_right_arithmetic3A_1316 : vector<16xi32>
      %and3A_1318 = arith.constant 3 : i32
      %and3A_1319 = vector.broadcast %and3A_1318 : i32 to vector<16xi32>
      %and3A_1320 = arith.andi %shift_right_arithmetic3A_1317, %and3A_1319 : vector<16xi32>
      %mul3A_1321 = arith.constant 32 : i32
      %mul3A_1322 = vector.broadcast %mul3A_1321 : i32 to vector<16xi32>
      %mul3A_1323 = arith.muli %and3A_1320, %mul3A_1322 : vector<16xi32>
      %broadcast_in_dim3A = arith.constant 0.000000e+00 : f32
      %broadcast_in_dim3A_1324 = vector.broadcast %broadcast_in_dim3A : f32 to vector<16xf32>
      %add3A_1325 = arith.constant 0 : i32
      %add3A_1326 = vector.broadcast %add3A_1325 : i32 to vector<16xi32>
      %add3A_1327 = arith.addi %mul3A_1314, %add3A_1326 : vector<16xi32>
      %gather3A = arith.constant 0 : i32
      %gather3A_1328 = arith.constant 0 : i32
      %gather3A_1329 = tpu.memref_slice %arg12[%scan3A_1112, %gather3A, %gather3A_1328] : memref<2x128x128xf32, #tpu.memory_space<vmem>> -> memref<1x128x128xf32, #tpu.memory_space<vmem>>
      %gather3A_1330 = tpu.memref_squeeze %gather3A_1329 : memref<1x128x128xf32, #tpu.memory_space<vmem>> -> memref<128x128xf32, #tpu.memory_space<vmem>>
      %gather3A_1331 = tpu.vector_load_idx %gather3A_1330[%add3A_1305, %add3A_1327] : memref<128x128xf32, #tpu.memory_space<vmem>>[vector<16xi32>, vector<16xi32>], vector<16xf32>,
      %add3A_1332 = arith.constant 0 : i32
      %add3A_1333 = vector.broadcast %add3A_1332 : i32 to vector<16xi32>
      %add3A_1334 = arith.addi %mul3A_1323, %add3A_1333 : vector<16xi32>
      %gather3A_1335 = arith.constant 0 : i32
      %gather3A_1336 = arith.constant 0 : i32
      %gather3A_1337 = tpu.memref_slice %arg13[%scan3A_1113, %gather3A_1335, %gather3A_1336] : memref<2x128x128xf32, #tpu.memory_space<vmem>> -> memref<1x128x128xf32, #tpu.memory_space<vmem>>
      %gather3A_1338 = tpu.memref_squeeze %gather3A_1337 : memref<1x128x128xf32, #tpu.memory_space<vmem>> -> memref<128x128xf32, #tpu.memory_space<vmem>>
      %gather3A_1339 = tpu.vector_load_idx %gather3A_1338[%add3A_1305, %add3A_1334] : memref<128x128xf32, #tpu.memory_space<vmem>>[vector<16xi32>, vector<16xi32>], vector<16xf32>,
      %add3A_1340 = arith.constant 1 : i32
      %add3A_1341 = vector.broadcast %add3A_1340 : i32 to vector<16xi32>
      %add3A_1342 = arith.addi %mul3A_1314, %add3A_1341 : vector<16xi32>
      %gather3A_1343 = arith.constant 0 : i32
      %gather3A_1344 = arith.constant 0 : i32
      %gather3A_1345 = tpu.memref_slice %arg12[%scan3A_1112, %gather3A_1343, %gather3A_1344] : memref<2x128x128xf32, #tpu.memory_space<vmem>> -> memref<1x128x128xf32, #tpu.memory_space<vmem>>
      %gather3A_1346 = tpu.memref_squeeze %gather3A_1345 : memref<1x128x128xf32, #tpu.memory_space<vmem>> -> memref<128x128xf32, #tpu.memory_space<vmem>>
      %gather3A_1347 = tpu.vector_load_idx %gather3A_1346[%add3A_1305, %add3A_1342] : memref<128x128xf32, #tpu.memory_space<vmem>>[vector<16xi32>, vector<16xi32>], vector<16xf32>,
      %add3A_1348 = arith.constant 1 : i32
      %add3A_1349 = vector.broadcast %add3A_1348 : i32 to vector<16xi32>
      %add3A_1350 = arith.addi %mul3A_1323, %add3A_1349 : vector<16xi32>
      %gather3A_1351 = arith.constant 0 : i32
      %gather3A_1352 = arith.constant 0 : i32
      %gather3A_1353 = tpu.memref_slice %arg13[%scan3A_1113, %gather3A_1351, %gather3A_1352] : memref<2x128x128xf32, #tpu.memory_space<vmem>> -> memref<1x128x128xf32, #tpu.memory_space<vmem>>
      %gather3A_1354 = tpu.memref_squeeze %gather3A_1353 : memref<1x128x128xf32, #tpu.memory_space<vmem>> -> memref<128x128xf32, #tpu.memory_space<vmem>>
      %gather3A_1355 = tpu.vector_load_idx %gather3A_1354[%add3A_1305, %add3A_1350] : memref<128x128xf32, #tpu.memory_space<vmem>>[vector<16xi32>, vector<16xi32>], vector<16xf32>,
      %mul3A_1356 = arith.mulf %gather3A_1331, %gather3A_1339 : vector<16xf32>
      %add3A_1357 = arith.addf %get3A_1023, %mul3A_1356 : vector<16xf32>
      %mul3A_1358 = arith.mulf %gather3A_1347, %gather3A_1355 : vector<16xf32>
      %add3A_1359 = arith.addf %broadcast_in_dim3A_1324, %mul3A_1358 : vector<16xf32>
      %add3A_1360 = arith.constant 2 : i32
      %add3A_1361 = vector.broadcast %add3A_1360 : i32 to vector<16xi32>
      %add3A_1362 = arith.addi %mul3A_1314, %add3A_1361 : vector<16xi32>
      %gather3A_1363 = arith.constant 0 : i32
      %gather3A_1364 = arith.constant 0 : i32
      %gather3A_1365 = tpu.memref_slice %arg12[%scan3A_1112, %gather3A_1363, %gather3A_1364] : memref<2x128x128xf32, #tpu.memory_space<vmem>> -> memref<1x128x128xf32, #tpu.memory_space<vmem>>
      %gather3A_1366 = tpu.memref_squeeze %gather3A_1365 : memref<1x128x128xf32, #tpu.memory_space<vmem>> -> memref<128x128xf32, #tpu.memory_space<vmem>>
      %gather3A_1367 = tpu.vector_load_idx %gather3A_1366[%add3A_1305, %add3A_1362] : memref<128x128xf32, #tpu.memory_space<vmem>>[vector<16xi32>, vector<16xi32>], vector<16xf32>,
      %add3A_1368 = arith.constant 2 : i32
      %add3A_1369 = vector.broadcast %add3A_1368 : i32 to vector<16xi32>
      %add3A_1370 = arith.addi %mul3A_1323, %add3A_1369 : vector<16xi32>
      %gather3A_1371 = arith.constant 0 : i32
      %gather3A_1372 = arith.constant 0 : i32
      %gather3A_1373 = tpu.memref_slice %arg13[%scan3A_1113, %gather3A_1371, %gather3A_1372] : memref<2x128x128xf32, #tpu.memory_space<vmem>> -> memref<1x128x128xf32, #tpu.memory_space<vmem>>
      %gather3A_1374 = tpu.memref_squeeze %gather3A_1373 : memref<1x128x128xf32, #tpu.memory_space<vmem>> -> memref<128x128xf32, #tpu.memory_space<vmem>>
      %gather3A_1375 = tpu.vector_load_idx %gather3A_1374[%add3A_1305, %add3A_1370] : memref<128x128xf32, #tpu.memory_space<vmem>>[vector<16xi32>, vector<16xi32>], vector<16xf32>,
      %add3A_1376 = arith.constant 3 : i32
      %add3A_1377 = vector.broadcast %add3A_1376 : i32 to vector<16xi32>
      %add3A_1378 = arith.addi %mul3A_1314, %add3A_1377 : vector<16xi32>
      %gather3A_1379 = arith.constant 0 : i32
      %gather3A_1380 = arith.constant 0 : i32
      %gather3A_1381 = tpu.memref_slice %arg12[%scan3A_1112, %gather3A_1379, %gather3A_1380] : memref<2x128x128xf32, #tpu.memory_space<vmem>> -> memref<1x128x128xf32, #tpu.memory_space<vmem>>
      %gather3A_1382 = tpu.memref_squeeze %gather3A_1381 : memref<1x128x128xf32, #tpu.memory_space<vmem>> -> memref<128x128xf32, #tpu.memory_space<vmem>>
      %gather3A_1383 = tpu.vector_load_idx %gather3A_1382[%add3A_1305, %add3A_1378] : memref<128x128xf32, #tpu.memory_space<vmem>>[vector<16xi32>, vector<16xi32>], vector<16xf32>,
      %add3A_1384 = arith.constant 3 : i32
      %add3A_1385 = vector.broadcast %add3A_1384 : i32 to vector<16xi32>
      %add3A_1386 = arith.addi %mul3A_1323, %add3A_1385 : vector<16xi32>
      %gather3A_1387 = arith.constant 0 : i32
      %gather3A_1388 = arith.constant 0 : i32
      %gather3A_1389 = tpu.memref_slice %arg13[%scan3A_1113, %gather3A_1387, %gather3A_1388] : memref<2x128x128xf32, #tpu.memory_space<vmem>> -> memref<1x128x128xf32, #tpu.memory_space<vmem>>
      %gather3A_1390 = tpu.memref_squeeze %gather3A_1389 : memref<1x128x128xf32, #tpu.memory_space<vmem>> -> memref<128x128xf32, #tpu.memory_space<vmem>>
      %gather3A_1391 = tpu.vector_load_idx %gather3A_1390[%add3A_1305, %add3A_1386] : memref<128x128xf32, #tpu.memory_space<vmem>>[vector<16xi32>, vector<16xi32>], vector<16xf32>,
      %mul3A_1392 = arith.mulf %gather3A_1367, %gather3A_1375 : vector<16xf32>
      %add3A_1393 = arith.addf %add3A_1357, %mul3A_1392 : vector<16xf32>
      %mul3A_1394 = arith.mulf %gather3A_1383, %gather3A_1391 : vector<16xf32>
      %add3A_1395 = arith.addf %add3A_1359, %mul3A_1394 : vector<16xf32>
      %add3A_1396 = arith.constant 4 : i32
      %add3A_1397 = vector.broadcast %add3A_1396 : i32 to vector<16xi32>
      %add3A_1398 = arith.addi %mul3A_1314, %add3A_1397 : vector<16xi32>
      %gather3A_1399 = arith.constant 0 : i32
      %gather3A_1400 = arith.constant 0 : i32
      %gather3A_1401 = tpu.memref_slice %arg12[%scan3A_1112, %gather3A_1399, %gather3A_1400] : memref<2x128x128xf32, #tpu.memory_space<vmem>> -> memref<1x128x128xf32, #tpu.memory_space<vmem>>
      %gather3A_1402 = tpu.memref_squeeze %gather3A_1401 : memref<1x128x128xf32, #tpu.memory_space<vmem>> -> memref<128x128xf32, #tpu.memory_space<vmem>>
      %gather3A_1403 = tpu.vector_load_idx %gather3A_1402[%add3A_1305, %add3A_1398] : memref<128x128xf32, #tpu.memory_space<vmem>>[vector<16xi32>, vector<16xi32>], vector<16xf32>,
      %add3A_1404 = arith.constant 4 : i32
      %add3A_1405 = vector.broadcast %add3A_1404 : i32 to vector<16xi32>
      %add3A_1406 = arith.addi %mul3A_1323, %add3A_1405 : vector<16xi32>
      %gather3A_1407 = arith.constant 0 : i32
      %gather3A_1408 = arith.constant 0 : i32
      %gather3A_1409 = tpu.memref_slice %arg13[%scan3A_1113, %gather3A_1407, %gather3A_1408] : memref<2x128x128xf32, #tpu.memory_space<vmem>> -> memref<1x128x128xf32, #tpu.memory_space<vmem>>
      %gather3A_1410 = tpu.memref_squeeze %gather3A_1409 : memref<1x128x128xf32, #tpu.memory_space<vmem>> -> memref<128x128xf32, #tpu.memory_space<vmem>>
      %gather3A_1411 = tpu.vector_load_idx %gather3A_1410[%add3A_1305, %add3A_1406] : memref<128x128xf32, #tpu.memory_space<vmem>>[vector<16xi32>, vector<16xi32>], vector<16xf32>,
      %add3A_1412 = arith.constant 5 : i32
      %add3A_1413 = vector.broadcast %add3A_1412 : i32 to vector<16xi32>
      %add3A_1414 = arith.addi %mul3A_1314, %add3A_1413 : vector<16xi32>
      %gather3A_1415 = arith.constant 0 : i32
      %gather3A_1416 = arith.constant 0 : i32
      %gather3A_1417 = tpu.memref_slice %arg12[%scan3A_1112, %gather3A_1415, %gather3A_1416] : memref<2x128x128xf32, #tpu.memory_space<vmem>> -> memref<1x128x128xf32, #tpu.memory_space<vmem>>
      %gather3A_1418 = tpu.memref_squeeze %gather3A_1417 : memref<1x128x128xf32, #tpu.memory_space<vmem>> -> memref<128x128xf32, #tpu.memory_space<vmem>>
      %gather3A_1419 = tpu.vector_load_idx %gather3A_1418[%add3A_1305, %add3A_1414] : memref<128x128xf32, #tpu.memory_space<vmem>>[vector<16xi32>, vector<16xi32>], vector<16xf32>,
      %add3A_1420 = arith.constant 5 : i32
      %add3A_1421 = vector.broadcast %add3A_1420 : i32 to vector<16xi32>
      %add3A_1422 = arith.addi %mul3A_1323, %add3A_1421 : vector<16xi32>
      %gather3A_1423 = arith.constant 0 : i32
      %gather3A_1424 = arith.constant 0 : i32
      %gather3A_1425 = tpu.memref_slice %arg13[%scan3A_1113, %gather3A_1423, %gather3A_1424] : memref<2x128x128xf32, #tpu.memory_space<vmem>> -> memref<1x128x128xf32, #tpu.memory_space<vmem>>
      %gather3A_1426 = tpu.memref_squeeze %gather3A_1425 : memref<1x128x128xf32, #tpu.memory_space<vmem>> -> memref<128x128xf32, #tpu.memory_space<vmem>>
      %gather3A_1427 = tpu.vector_load_idx %gather3A_1426[%add3A_1305, %add3A_1422] : memref<128x128xf32, #tpu.memory_space<vmem>>[vector<16xi32>, vector<16xi32>], vector<16xf32>,
      %mul3A_1428 = arith.mulf %gather3A_1403, %gather3A_1411 : vector<16xf32>
      %add3A_1429 = arith.addf %add3A_1393, %mul3A_1428 : vector<16xf32>
      %mul3A_1430 = arith.mulf %gather3A_1419, %gather3A_1427 : vector<16xf32>
      %add3A_1431 = arith.addf %add3A_1395, %mul3A_1430 : vector<16xf32>
      %add3A_1432 = arith.constant 6 : i32
      %add3A_1433 = vector.broadcast %add3A_1432 : i32 to vector<16xi32>
      %add3A_1434 = arith.addi %mul3A_1314, %add3A_1433 : vector<16xi32>
      %gather3A_1435 = arith.constant 0 : i32
      %gather3A_1436 = arith.constant 0 : i32
      %gather3A_1437 = tpu.memref_slice %arg12[%scan3A_1112, %gather3A_1435, %gather3A_1436] : memref<2x128x128xf32, #tpu.memory_space<vmem>> -> memref<1x128x128xf32, #tpu.memory_space<vmem>>
      %gather3A_1438 = tpu.memref_squeeze %gather3A_1437 : memref<1x128x128xf32, #tpu.memory_space<vmem>> -> memref<128x128xf32, #tpu.memory_space<vmem>>
      %gather3A_1439 = tpu.vector_load_idx %gather3A_1438[%add3A_1305, %add3A_1434] : memref<128x128xf32, #tpu.memory_space<vmem>>[vector<16xi32>, vector<16xi32>], vector<16xf32>,
      %add3A_1440 = arith.constant 6 : i32
      %add3A_1441 = vector.broadcast %add3A_1440 : i32 to vector<16xi32>
      %add3A_1442 = arith.addi %mul3A_1323, %add3A_1441 : vector<16xi32>
      %gather3A_1443 = arith.constant 0 : i32
      %gather3A_1444 = arith.constant 0 : i32
      %gather3A_1445 = tpu.memref_slice %arg13[%scan3A_1113, %gather3A_1443, %gather3A_1444] : memref<2x128x128xf32, #tpu.memory_space<vmem>> -> memref<1x128x128xf32, #tpu.memory_space<vmem>>
      %gather3A_1446 = tpu.memref_squeeze %gather3A_1445 : memref<1x128x128xf32, #tpu.memory_space<vmem>> -> memref<128x128xf32, #tpu.memory_space<vmem>>
      %gather3A_1447 = tpu.vector_load_idx %gather3A_1446[%add3A_1305, %add3A_1442] : memref<128x128xf32, #tpu.memory_space<vmem>>[vector<16xi32>, vector<16xi32>], vector<16xf32>,
      %add3A_1448 = arith.constant 7 : i32
      %add3A_1449 = vector.broadcast %add3A_1448 : i32 to vector<16xi32>
      %add3A_1450 = arith.addi %mul3A_1314, %add3A_1449 : vector<16xi32>
      %gather3A_1451 = arith.constant 0 : i32
      %gather3A_1452 = arith.constant 0 : i32
      %gather3A_1453 = tpu.memref_slice %arg12[%scan3A_1112, %gather3A_1451, %gather3A_1452] : memref<2x128x128xf32, #tpu.memory_space<vmem>> -> memref<1x128x128xf32, #tpu.memory_space<vmem>>
      %gather3A_1454 = tpu.memref_squeeze %gather3A_1453 : memref<1x128x128xf32, #tpu.memory_space<vmem>> -> memref<128x128xf32, #tpu.memory_space<vmem>>
      %gather3A_1455 = tpu.vector_load_idx %gather3A_1454[%add3A_1305, %add3A_1450] : memref<128x128xf32, #tpu.memory_space<vmem>>[vector<16xi32>, vector<16xi32>], vector<16xf32>,
      %add3A_1456 = arith.constant 7 : i32
      %add3A_1457 = vector.broadcast %add3A_1456 : i32 to vector<16xi32>
      %add3A_1458 = arith.addi %mul3A_1323, %add3A_1457 : vector<16xi32>
      %gather3A_1459 = arith.constant 0 : i32
      %gather3A_1460 = arith.constant 0 : i32
      %gather3A_1461 = tpu.memref_slice %arg13[%scan3A_1113, %gather3A_1459, %gather3A_1460] : memref<2x128x128xf32, #tpu.memory_space<vmem>> -> memref<1x128x128xf32, #tpu.memory_space<vmem>>
      %gather3A_1462 = tpu.memref_squeeze %gather3A_1461 : memref<1x128x128xf32, #tpu.memory_space<vmem>> -> memref<128x128xf32, #tpu.memory_space<vmem>>
      %gather3A_1463 = tpu.vector_load_idx %gather3A_1462[%add3A_1305, %add3A_1458] : memref<128x128xf32, #tpu.memory_space<vmem>>[vector<16xi32>, vector<16xi32>], vector<16xf32>,
      %mul3A_1464 = arith.mulf %gather3A_1439, %gather3A_1447 : vector<16xf32>
      %add3A_1465 = arith.addf %add3A_1429, %mul3A_1464 : vector<16xf32>
      %mul3A_1466 = arith.mulf %gather3A_1455, %gather3A_1463 : vector<16xf32>
      %add3A_1467 = arith.addf %add3A_1431, %mul3A_1466 : vector<16xf32>
      %add3A_1468 = arith.constant 8 : i32
      %add3A_1469 = vector.broadcast %add3A_1468 : i32 to vector<16xi32>
      %add3A_1470 = arith.addi %mul3A_1314, %add3A_1469 : vector<16xi32>
      %gather3A_1471 = arith.constant 0 : i32
      %gather3A_1472 = arith.constant 0 : i32
      %gather3A_1473 = tpu.memref_slice %arg12[%scan3A_1112, %gather3A_1471, %gather3A_1472] : memref<2x128x128xf32, #tpu.memory_space<vmem>> -> memref<1x128x128xf32, #tpu.memory_space<vmem>>
      %gather3A_1474 = tpu.memref_squeeze %gather3A_1473 : memref<1x128x128xf32, #tpu.memory_space<vmem>> -> memref<128x128xf32, #tpu.memory_space<vmem>>
      %gather3A_1475 = tpu.vector_load_idx %gather3A_1474[%add3A_1305, %add3A_1470] : memref<128x128xf32, #tpu.memory_space<vmem>>[vector<16xi32>, vector<16xi32>], vector<16xf32>,
      %add3A_1476 = arith.constant 8 : i32
      %add3A_1477 = vector.broadcast %add3A_1476 : i32 to vector<16xi32>
      %add3A_1478 = arith.addi %mul3A_1323, %add3A_1477 : vector<16xi32>
      %gather3A_1479 = arith.constant 0 : i32
      %gather3A_1480 = arith.constant 0 : i32
      %gather3A_1481 = tpu.memref_slice %arg13[%scan3A_1113, %gather3A_1479, %gather3A_1480] : memref<2x128x128xf32, #tpu.memory_space<vmem>> -> memref<1x128x128xf32, #tpu.memory_space<vmem>>
      %gather3A_1482 = tpu.memref_squeeze %gather3A_1481 : memref<1x128x128xf32, #tpu.memory_space<vmem>> -> memref<128x128xf32, #tpu.memory_space<vmem>>
      %gather3A_1483 = tpu.vector_load_idx %gather3A_1482[%add3A_1305, %add3A_1478] : memref<128x128xf32, #tpu.memory_space<vmem>>[vector<16xi32>, vector<16xi32>], vector<16xf32>,
      %add3A_1484 = arith.constant 9 : i32
      %add3A_1485 = vector.broadcast %add3A_1484 : i32 to vector<16xi32>
      %add3A_1486 = arith.addi %mul3A_1314, %add3A_1485 : vector<16xi32>
      %gather3A_1487 = arith.constant 0 : i32
      %gather3A_1488 = arith.constant 0 : i32
      %gather3A_1489 = tpu.memref_slice %arg12[%scan3A_1112, %gather3A_1487, %gather3A_1488] : memref<2x128x128xf32, #tpu.memory_space<vmem>> -> memref<1x128x128xf32, #tpu.memory_space<vmem>>
      %gather3A_1490 = tpu.memref_squeeze %gather3A_1489 : memref<1x128x128xf32, #tpu.memory_space<vmem>> -> memref<128x128xf32, #tpu.memory_space<vmem>>
      %gather3A_1491 = tpu.vector_load_idx %gather3A_1490[%add3A_1305, %add3A_1486] : memref<128x128xf32, #tpu.memory_space<vmem>>[vector<16xi32>, vector<16xi32>], vector<16xf32>,
      %add3A_1492 = arith.constant 9 : i32
      %add3A_1493 = vector.broadcast %add3A_1492 : i32 to vector<16xi32>
      %add3A_1494 = arith.addi %mul3A_1323, %add3A_1493 : vector<16xi32>
      %gather3A_1495 = arith.constant 0 : i32
      %gather3A_1496 = arith.constant 0 : i32
      %gather3A_1497 = tpu.memref_slice %arg13[%scan3A_1113, %gather3A_1495, %gather3A_1496] : memref<2x128x128xf32, #tpu.memory_space<vmem>> -> memref<1x128x128xf32, #tpu.memory_space<vmem>>
      %gather3A_1498 = tpu.memref_squeeze %gather3A_1497 : memref<1x128x128xf32, #tpu.memory_space<vmem>> -> memref<128x128xf32, #tpu.memory_space<vmem>>
      %gather3A_1499 = tpu.vector_load_idx %gather3A_1498[%add3A_1305, %add3A_1494] : memref<128x128xf32, #tpu.memory_space<vmem>>[vector<16xi32>, vector<16xi32>], vector<16xf32>,
      %mul3A_1500 = arith.mulf %gather3A_1475, %gather3A_1483 : vector<16xf32>
      %add3A_1501 = arith.addf %add3A_1465, %mul3A_1500 : vector<16xf32>
      %mul3A_1502 = arith.mulf %gather3A_1491, %gather3A_1499 : vector<16xf32>
      %add3A_1503 = arith.addf %add3A_1467, %mul3A_1502 : vector<16xf32>
      %add3A_1504 = arith.constant 10 : i32
      %add3A_1505 = vector.broadcast %add3A_1504 : i32 to vector<16xi32>
      %add3A_1506 = arith.addi %mul3A_1314, %add3A_1505 : vector<16xi32>
      %gather3A_1507 = arith.constant 0 : i32
      %gather3A_1508 = arith.constant 0 : i32
      %gather3A_1509 = tpu.memref_slice %arg12[%scan3A_1112, %gather3A_1507, %gather3A_1508] : memref<2x128x128xf32, #tpu.memory_space<vmem>> -> memref<1x128x128xf32, #tpu.memory_space<vmem>>
      %gather3A_1510 = tpu.memref_squeeze %gather3A_1509 : memref<1x128x128xf32, #tpu.memory_space<vmem>> -> memref<128x128xf32, #tpu.memory_space<vmem>>
      %gather3A_1511 = tpu.vector_load_idx %gather3A_1510[%add3A_1305, %add3A_1506] : memref<128x128xf32, #tpu.memory_space<vmem>>[vector<16xi32>, vector<16xi32>], vector<16xf32>,
      %add3A_1512 = arith.constant 10 : i32
      %add3A_1513 = vector.broadcast %add3A_1512 : i32 to vector<16xi32>
      %add3A_1514 = arith.addi %mul3A_1323, %add3A_1513 : vector<16xi32>
      %gather3A_1515 = arith.constant 0 : i32
      %gather3A_1516 = arith.constant 0 : i32
      %gather3A_1517 = tpu.memref_slice %arg13[%scan3A_1113, %gather3A_1515, %gather3A_1516] : memref<2x128x128xf32, #tpu.memory_space<vmem>> -> memref<1x128x128xf32, #tpu.memory_space<vmem>>
      %gather3A_1518 = tpu.memref_squeeze %gather3A_1517 : memref<1x128x128xf32, #tpu.memory_space<vmem>> -> memref<128x128xf32, #tpu.memory_space<vmem>>
      %gather3A_1519 = tpu.vector_load_idx %gather3A_1518[%add3A_1305, %add3A_1514] : memref<128x128xf32, #tpu.memory_space<vmem>>[vector<16xi32>, vector<16xi32>], vector<16xf32>,
      %add3A_1520 = arith.constant 11 : i32
      %add3A_1521 = vector.broadcast %add3A_1520 : i32 to vector<16xi32>
      %add3A_1522 = arith.addi %mul3A_1314, %add3A_1521 : vector<16xi32>
      %gather3A_1523 = arith.constant 0 : i32
      %gather3A_1524 = arith.constant 0 : i32
      %gather3A_1525 = tpu.memref_slice %arg12[%scan3A_1112, %gather3A_1523, %gather3A_1524] : memref<2x128x128xf32, #tpu.memory_space<vmem>> -> memref<1x128x128xf32, #tpu.memory_space<vmem>>
      %gather3A_1526 = tpu.memref_squeeze %gather3A_1525 : memref<1x128x128xf32, #tpu.memory_space<vmem>> -> memref<128x128xf32, #tpu.memory_space<vmem>>
      %gather3A_1527 = tpu.vector_load_idx %gather3A_1526[%add3A_1305, %add3A_1522] : memref<128x128xf32, #tpu.memory_space<vmem>>[vector<16xi32>, vector<16xi32>], vector<16xf32>,
      %add3A_1528 = arith.constant 11 : i32
      %add3A_1529 = vector.broadcast %add3A_1528 : i32 to vector<16xi32>
      %add3A_1530 = arith.addi %mul3A_1323, %add3A_1529 : vector<16xi32>
      %gather3A_1531 = arith.constant 0 : i32
      %gather3A_1532 = arith.constant 0 : i32
      %gather3A_1533 = tpu.memref_slice %arg13[%scan3A_1113, %gather3A_1531, %gather3A_1532] : memref<2x128x128xf32, #tpu.memory_space<vmem>> -> memref<1x128x128xf32, #tpu.memory_space<vmem>>
      %gather3A_1534 = tpu.memref_squeeze %gather3A_1533 : memref<1x128x128xf32, #tpu.memory_space<vmem>> -> memref<128x128xf32, #tpu.memory_space<vmem>>
      %gather3A_1535 = tpu.vector_load_idx %gather3A_1534[%add3A_1305, %add3A_1530] : memref<128x128xf32, #tpu.memory_space<vmem>>[vector<16xi32>, vector<16xi32>], vector<16xf32>,
      %mul3A_1536 = arith.mulf %gather3A_1511, %gather3A_1519 : vector<16xf32>
      %add3A_1537 = arith.addf %add3A_1501, %mul3A_1536 : vector<16xf32>
      %mul3A_1538 = arith.mulf %gather3A_1527, %gather3A_1535 : vector<16xf32>
      %add3A_1539 = arith.addf %add3A_1503, %mul3A_1538 : vector<16xf32>
      %add3A_1540 = arith.constant 12 : i32
      %add3A_1541 = vector.broadcast %add3A_1540 : i32 to vector<16xi32>
      %add3A_1542 = arith.addi %mul3A_1314, %add3A_1541 : vector<16xi32>
      %gather3A_1543 = arith.constant 0 : i32
      %gather3A_1544 = arith.constant 0 : i32
      %gather3A_1545 = tpu.memref_slice %arg12[%scan3A_1112, %gather3A_1543, %gather3A_1544] : memref<2x128x128xf32, #tpu.memory_space<vmem>> -> memref<1x128x128xf32, #tpu.memory_space<vmem>>
      %gather3A_1546 = tpu.memref_squeeze %gather3A_1545 : memref<1x128x128xf32, #tpu.memory_space<vmem>> -> memref<128x128xf32, #tpu.memory_space<vmem>>
      %gather3A_1547 = tpu.vector_load_idx %gather3A_1546[%add3A_1305, %add3A_1542] : memref<128x128xf32, #tpu.memory_space<vmem>>[vector<16xi32>, vector<16xi32>], vector<16xf32>,
      %add3A_1548 = arith.constant 12 : i32
      %add3A_1549 = vector.broadcast %add3A_1548 : i32 to vector<16xi32>
      %add3A_1550 = arith.addi %mul3A_1323, %add3A_1549 : vector<16xi32>
      %gather3A_1551 = arith.constant 0 : i32
      %gather3A_1552 = arith.constant 0 : i32
      %gather3A_1553 = tpu.memref_slice %arg13[%scan3A_1113, %gather3A_1551, %gather3A_1552] : memref<2x128x128xf32, #tpu.memory_space<vmem>> -> memref<1x128x128xf32, #tpu.memory_space<vmem>>
      %gather3A_1554 = tpu.memref_squeeze %gather3A_1553 : memref<1x128x128xf32, #tpu.memory_space<vmem>> -> memref<128x128xf32, #tpu.memory_space<vmem>>
      %gather3A_1555 = tpu.vector_load_idx %gather3A_1554[%add3A_1305, %add3A_1550] : memref<128x128xf32, #tpu.memory_space<vmem>>[vector<16xi32>, vector<16xi32>], vector<16xf32>,
      %add3A_1556 = arith.constant 13 : i32
      %add3A_1557 = vector.broadcast %add3A_1556 : i32 to vector<16xi32>
      %add3A_1558 = arith.addi %mul3A_1314, %add3A_1557 : vector<16xi32>
      %gather3A_1559 = arith.constant 0 : i32
      %gather3A_1560 = arith.constant 0 : i32
      %gather3A_1561 = tpu.memref_slice %arg12[%scan3A_1112, %gather3A_1559, %gather3A_1560] : memref<2x128x128xf32, #tpu.memory_space<vmem>> -> memref<1x128x128xf32, #tpu.memory_space<vmem>>
      %gather3A_1562 = tpu.memref_squeeze %gather3A_1561 : memref<1x128x128xf32, #tpu.memory_space<vmem>> -> memref<128x128xf32, #tpu.memory_space<vmem>>
      %gather3A_1563 = tpu.vector_load_idx %gather3A_1562[%add3A_1305, %add3A_1558] : memref<128x128xf32, #tpu.memory_space<vmem>>[vector<16xi32>, vector<16xi32>], vector<16xf32>,
      %add3A_1564 = arith.constant 13 : i32
      %add3A_1565 = vector.broadcast %add3A_1564 : i32 to vector<16xi32>
      %add3A_1566 = arith.addi %mul3A_1323, %add3A_1565 : vector<16xi32>
      %gather3A_1567 = arith.constant 0 : i32
      %gather3A_1568 = arith.constant 0 : i32
      %gather3A_1569 = tpu.memref_slice %arg13[%scan3A_1113, %gather3A_1567, %gather3A_1568] : memref<2x128x128xf32, #tpu.memory_space<vmem>> -> memref<1x128x128xf32, #tpu.memory_space<vmem>>
      %gather3A_1570 = tpu.memref_squeeze %gather3A_1569 : memref<1x128x128xf32, #tpu.memory_space<vmem>> -> memref<128x128xf32, #tpu.memory_space<vmem>>
      %gather3A_1571 = tpu.vector_load_idx %gather3A_1570[%add3A_1305, %add3A_1566] : memref<128x128xf32, #tpu.memory_space<vmem>>[vector<16xi32>, vector<16xi32>], vector<16xf32>,
      %mul3A_1572 = arith.mulf %gather3A_1547, %gather3A_1555 : vector<16xf32>
      %add3A_1573 = arith.addf %add3A_1537, %mul3A_1572 : vector<16xf32>
      %mul3A_1574 = arith.mulf %gather3A_1563, %gather3A_1571 : vector<16xf32>
      %add3A_1575 = arith.addf %add3A_1539, %mul3A_1574 : vector<16xf32>
      %add3A_1576 = arith.constant 14 : i32
      %add3A_1577 = vector.broadcast %add3A_1576 : i32 to vector<16xi32>
      %add3A_1578 = arith.addi %mul3A_1314, %add3A_1577 : vector<16xi32>
      %gather3A_1579 = arith.constant 0 : i32
      %gather3A_1580 = arith.constant 0 : i32
      %gather3A_1581 = tpu.memref_slice %arg12[%scan3A_1112, %gather3A_1579, %gather3A_1580] : memref<2x128x128xf32, #tpu.memory_space<vmem>> -> memref<1x128x128xf32, #tpu.memory_space<vmem>>
      %gather3A_1582 = tpu.memref_squeeze %gather3A_1581 : memref<1x128x128xf32, #tpu.memory_space<vmem>> -> memref<128x128xf32, #tpu.memory_space<vmem>>
      %gather3A_1583 = tpu.vector_load_idx %gather3A_1582[%add3A_1305, %add3A_1578] : memref<128x128xf32, #tpu.memory_space<vmem>>[vector<16xi32>, vector<16xi32>], vector<16xf32>,
      %add3A_1584 = arith.constant 14 : i32
      %add3A_1585 = vector.broadcast %add3A_1584 : i32 to vector<16xi32>
      %add3A_1586 = arith.addi %mul3A_1323, %add3A_1585 : vector<16xi32>
      %gather3A_1587 = arith.constant 0 : i32
      %gather3A_1588 = arith.constant 0 : i32
      %gather3A_1589 = tpu.memref_slice %arg13[%scan3A_1113, %gather3A_1587, %gather3A_1588] : memref<2x128x128xf32, #tpu.memory_space<vmem>> -> memref<1x128x128xf32, #tpu.memory_space<vmem>>
      %gather3A_1590 = tpu.memref_squeeze %gather3A_1589 : memref<1x128x128xf32, #tpu.memory_space<vmem>> -> memref<128x128xf32, #tpu.memory_space<vmem>>
      %gather3A_1591 = tpu.vector_load_idx %gather3A_1590[%add3A_1305, %add3A_1586] : memref<128x128xf32, #tpu.memory_space<vmem>>[vector<16xi32>, vector<16xi32>], vector<16xf32>,
      %add3A_1592 = arith.constant 15 : i32
      %add3A_1593 = vector.broadcast %add3A_1592 : i32 to vector<16xi32>
      %add3A_1594 = arith.addi %mul3A_1314, %add3A_1593 : vector<16xi32>
      %gather3A_1595 = arith.constant 0 : i32
      %gather3A_1596 = arith.constant 0 : i32
      %gather3A_1597 = tpu.memref_slice %arg12[%scan3A_1112, %gather3A_1595, %gather3A_1596] : memref<2x128x128xf32, #tpu.memory_space<vmem>> -> memref<1x128x128xf32, #tpu.memory_space<vmem>>
      %gather3A_1598 = tpu.memref_squeeze %gather3A_1597 : memref<1x128x128xf32, #tpu.memory_space<vmem>> -> memref<128x128xf32, #tpu.memory_space<vmem>>
      %gather3A_1599 = tpu.vector_load_idx %gather3A_1598[%add3A_1305, %add3A_1594] : memref<128x128xf32, #tpu.memory_space<vmem>>[vector<16xi32>, vector<16xi32>], vector<16xf32>,
      %add3A_1600 = arith.constant 15 : i32
      %add3A_1601 = vector.broadcast %add3A_1600 : i32 to vector<16xi32>
      %add3A_1602 = arith.addi %mul3A_1323, %add3A_1601 : vector<16xi32>
      %gather3A_1603 = arith.constant 0 : i32
      %gather3A_1604 = arith.constant 0 : i32
      %gather3A_1605 = tpu.memref_slice %arg13[%scan3A_1113, %gather3A_1603, %gather3A_1604] : memref<2x128x128xf32, #tpu.memory_space<vmem>> -> memref<1x128x128xf32, #tpu.memory_space<vmem>>
      %gather3A_1606 = tpu.memref_squeeze %gather3A_1605 : memref<1x128x128xf32, #tpu.memory_space<vmem>> -> memref<128x128xf32, #tpu.memory_space<vmem>>
      %gather3A_1607 = tpu.vector_load_idx %gather3A_1606[%add3A_1305, %add3A_1602] : memref<128x128xf32, #tpu.memory_space<vmem>>[vector<16xi32>, vector<16xi32>], vector<16xf32>,
      %mul3A_1608 = arith.mulf %gather3A_1583, %gather3A_1591 : vector<16xf32>
      %add3A_1609 = arith.addf %add3A_1573, %mul3A_1608 : vector<16xf32>
      %mul3A_1610 = arith.mulf %gather3A_1599, %gather3A_1607 : vector<16xf32>
      %add3A_1611 = arith.addf %add3A_1575, %mul3A_1610 : vector<16xf32>
      %add3A_1612 = arith.constant 16 : i32
      %add3A_1613 = vector.broadcast %add3A_1612 : i32 to vector<16xi32>
      %add3A_1614 = arith.addi %mul3A_1314, %add3A_1613 : vector<16xi32>
      %gather3A_1615 = arith.constant 0 : i32
      %gather3A_1616 = arith.constant 0 : i32
      %gather3A_1617 = tpu.memref_slice %arg12[%scan3A_1112, %gather3A_1615, %gather3A_1616] : memref<2x128x128xf32, #tpu.memory_space<vmem>> -> memref<1x128x128xf32, #tpu.memory_space<vmem>>
      %gather3A_1618 = tpu.memref_squeeze %gather3A_1617 : memref<1x128x128xf32, #tpu.memory_space<vmem>> -> memref<128x128xf32, #tpu.memory_space<vmem>>
      %gather3A_1619 = tpu.vector_load_idx %gather3A_1618[%add3A_1305, %add3A_1614] : memref<128x128xf32, #tpu.memory_space<vmem>>[vector<16xi32>, vector<16xi32>], vector<16xf32>,
      %add3A_1620 = arith.constant 16 : i32
      %add3A_1621 = vector.broadcast %add3A_1620 : i32 to vector<16xi32>
      %add3A_1622 = arith.addi %mul3A_1323, %add3A_1621 : vector<16xi32>
      %gather3A_1623 = arith.constant 0 : i32
      %gather3A_1624 = arith.constant 0 : i32
      %gather3A_1625 = tpu.memref_slice %arg13[%scan3A_1113, %gather3A_1623, %gather3A_1624] : memref<2x128x128xf32, #tpu.memory_space<vmem>> -> memref<1x128x128xf32, #tpu.memory_space<vmem>>
      %gather3A_1626 = tpu.memref_squeeze %gather3A_1625 : memref<1x128x128xf32, #tpu.memory_space<vmem>> -> memref<128x128xf32, #tpu.memory_space<vmem>>
      %gather3A_1627 = tpu.vector_load_idx %gather3A_1626[%add3A_1305, %add3A_1622] : memref<128x128xf32, #tpu.memory_space<vmem>>[vector<16xi32>, vector<16xi32>], vector<16xf32>,
      %add3A_1628 = arith.constant 17 : i32
      %add3A_1629 = vector.broadcast %add3A_1628 : i32 to vector<16xi32>
      %add3A_1630 = arith.addi %mul3A_1314, %add3A_1629 : vector<16xi32>
      %gather3A_1631 = arith.constant 0 : i32
      %gather3A_1632 = arith.constant 0 : i32
      %gather3A_1633 = tpu.memref_slice %arg12[%scan3A_1112, %gather3A_1631, %gather3A_1632] : memref<2x128x128xf32, #tpu.memory_space<vmem>> -> memref<1x128x128xf32, #tpu.memory_space<vmem>>
      %gather3A_1634 = tpu.memref_squeeze %gather3A_1633 : memref<1x128x128xf32, #tpu.memory_space<vmem>> -> memref<128x128xf32, #tpu.memory_space<vmem>>
      %gather3A_1635 = tpu.vector_load_idx %gather3A_1634[%add3A_1305, %add3A_1630] : memref<128x128xf32, #tpu.memory_space<vmem>>[vector<16xi32>, vector<16xi32>], vector<16xf32>,
      %add3A_1636 = arith.constant 17 : i32
      %add3A_1637 = vector.broadcast %add3A_1636 : i32 to vector<16xi32>
      %add3A_1638 = arith.addi %mul3A_1323, %add3A_1637 : vector<16xi32>
      %gather3A_1639 = arith.constant 0 : i32
      %gather3A_1640 = arith.constant 0 : i32
      %gather3A_1641 = tpu.memref_slice %arg13[%scan3A_1113, %gather3A_1639, %gather3A_1640] : memref<2x128x128xf32, #tpu.memory_space<vmem>> -> memref<1x128x128xf32, #tpu.memory_space<vmem>>
      %gather3A_1642 = tpu.memref_squeeze %gather3A_1641 : memref<1x128x128xf32, #tpu.memory_space<vmem>> -> memref<128x128xf32, #tpu.memory_space<vmem>>
      %gather3A_1643 = tpu.vector_load_idx %gather3A_1642[%add3A_1305, %add3A_1638] : memref<128x128xf32, #tpu.memory_space<vmem>>[vector<16xi32>, vector<16xi32>], vector<16xf32>,
      %mul3A_1644 = arith.mulf %gather3A_1619, %gather3A_1627 : vector<16xf32>
      %add3A_1645 = arith.addf %add3A_1609, %mul3A_1644 : vector<16xf32>
      %mul3A_1646 = arith.mulf %gather3A_1635, %gather3A_1643 : vector<16xf32>
      %add3A_1647 = arith.addf %add3A_1611, %mul3A_1646 : vector<16xf32>
      %add3A_1648 = arith.constant 18 : i32
      %add3A_1649 = vector.broadcast %add3A_1648 : i32 to vector<16xi32>
      %add3A_1650 = arith.addi %mul3A_1314, %add3A_1649 : vector<16xi32>
      %gather3A_1651 = arith.constant 0 : i32
      %gather3A_1652 = arith.constant 0 : i32
      %gather3A_1653 = tpu.memref_slice %arg12[%scan3A_1112, %gather3A_1651, %gather3A_1652] : memref<2x128x128xf32, #tpu.memory_space<vmem>> -> memref<1x128x128xf32, #tpu.memory_space<vmem>>
      %gather3A_1654 = tpu.memref_squeeze %gather3A_1653 : memref<1x128x128xf32, #tpu.memory_space<vmem>> -> memref<128x128xf32, #tpu.memory_space<vmem>>
      %gather3A_1655 = tpu.vector_load_idx %gather3A_1654[%add3A_1305, %add3A_1650] : memref<128x128xf32, #tpu.memory_space<vmem>>[vector<16xi32>, vector<16xi32>], vector<16xf32>,
      %add3A_1656 = arith.constant 18 : i32
      %add3A_1657 = vector.broadcast %add3A_1656 : i32 to vector<16xi32>
      %add3A_1658 = arith.addi %mul3A_1323, %add3A_1657 : vector<16xi32>
      %gather3A_1659 = arith.constant 0 : i32
      %gather3A_1660 = arith.constant 0 : i32
      %gather3A_1661 = tpu.memref_slice %arg13[%scan3A_1113, %gather3A_1659, %gather3A_1660] : memref<2x128x128xf32, #tpu.memory_space<vmem>> -> memref<1x128x128xf32, #tpu.memory_space<vmem>>
      %gather3A_1662 = tpu.memref_squeeze %gather3A_1661 : memref<1x128x128xf32, #tpu.memory_space<vmem>> -> memref<128x128xf32, #tpu.memory_space<vmem>>
      %gather3A_1663 = tpu.vector_load_idx %gather3A_1662[%add3A_1305, %add3A_1658] : memref<128x128xf32, #tpu.memory_space<vmem>>[vector<16xi32>, vector<16xi32>], vector<16xf32>,
      %add3A_1664 = arith.constant 19 : i32
      %add3A_1665 = vector.broadcast %add3A_1664 : i32 to vector<16xi32>
      %add3A_1666 = arith.addi %mul3A_1314, %add3A_1665 : vector<16xi32>
      %gather3A_1667 = arith.constant 0 : i32
      %gather3A_1668 = arith.constant 0 : i32
      %gather3A_1669 = tpu.memref_slice %arg12[%scan3A_1112, %gather3A_1667, %gather3A_1668] : memref<2x128x128xf32, #tpu.memory_space<vmem>> -> memref<1x128x128xf32, #tpu.memory_space<vmem>>
      %gather3A_1670 = tpu.memref_squeeze %gather3A_1669 : memref<1x128x128xf32, #tpu.memory_space<vmem>> -> memref<128x128xf32, #tpu.memory_space<vmem>>
      %gather3A_1671 = tpu.vector_load_idx %gather3A_1670[%add3A_1305, %add3A_1666] : memref<128x128xf32, #tpu.memory_space<vmem>>[vector<16xi32>, vector<16xi32>], vector<16xf32>,
      %add3A_1672 = arith.constant 19 : i32
      %add3A_1673 = vector.broadcast %add3A_1672 : i32 to vector<16xi32>
      %add3A_1674 = arith.addi %mul3A_1323, %add3A_1673 : vector<16xi32>
      %gather3A_1675 = arith.constant 0 : i32
      %gather3A_1676 = arith.constant 0 : i32
      %gather3A_1677 = tpu.memref_slice %arg13[%scan3A_1113, %gather3A_1675, %gather3A_1676] : memref<2x128x128xf32, #tpu.memory_space<vmem>> -> memref<1x128x128xf32, #tpu.memory_space<vmem>>
      %gather3A_1678 = tpu.memref_squeeze %gather3A_1677 : memref<1x128x128xf32, #tpu.memory_space<vmem>> -> memref<128x128xf32, #tpu.memory_space<vmem>>
      %gather3A_1679 = tpu.vector_load_idx %gather3A_1678[%add3A_1305, %add3A_1674] : memref<128x128xf32, #tpu.memory_space<vmem>>[vector<16xi32>, vector<16xi32>], vector<16xf32>,
      %mul3A_1680 = arith.mulf %gather3A_1655, %gather3A_1663 : vector<16xf32>
      %add3A_1681 = arith.addf %add3A_1645, %mul3A_1680 : vector<16xf32>
      %mul3A_1682 = arith.mulf %gather3A_1671, %gather3A_1679 : vector<16xf32>
      %add3A_1683 = arith.addf %add3A_1647, %mul3A_1682 : vector<16xf32>
      %add3A_1684 = arith.constant 20 : i32
      %add3A_1685 = vector.broadcast %add3A_1684 : i32 to vector<16xi32>
      %add3A_1686 = arith.addi %mul3A_1314, %add3A_1685 : vector<16xi32>
      %gather3A_1687 = arith.constant 0 : i32
      %gather3A_1688 = arith.constant 0 : i32
      %gather3A_1689 = tpu.memref_slice %arg12[%scan3A_1112, %gather3A_1687, %gather3A_1688] : memref<2x128x128xf32, #tpu.memory_space<vmem>> -> memref<1x128x128xf32, #tpu.memory_space<vmem>>
      %gather3A_1690 = tpu.memref_squeeze %gather3A_1689 : memref<1x128x128xf32, #tpu.memory_space<vmem>> -> memref<128x128xf32, #tpu.memory_space<vmem>>
      %gather3A_1691 = tpu.vector_load_idx %gather3A_1690[%add3A_1305, %add3A_1686] : memref<128x128xf32, #tpu.memory_space<vmem>>[vector<16xi32>, vector<16xi32>], vector<16xf32>,
      %add3A_1692 = arith.constant 20 : i32
      %add3A_1693 = vector.broadcast %add3A_1692 : i32 to vector<16xi32>
      %add3A_1694 = arith.addi %mul3A_1323, %add3A_1693 : vector<16xi32>
      %gather3A_1695 = arith.constant 0 : i32
      %gather3A_1696 = arith.constant 0 : i32
      %gather3A_1697 = tpu.memref_slice %arg13[%scan3A_1113, %gather3A_1695, %gather3A_1696] : memref<2x128x128xf32, #tpu.memory_space<vmem>> -> memref<1x128x128xf32, #tpu.memory_space<vmem>>
      %gather3A_1698 = tpu.memref_squeeze %gather3A_1697 : memref<1x128x128xf32, #tpu.memory_space<vmem>> -> memref<128x128xf32, #tpu.memory_space<vmem>>
      %gather3A_1699 = tpu.vector_load_idx %gather3A_1698[%add3A_1305, %add3A_1694] : memref<128x128xf32, #tpu.memory_space<vmem>>[vector<16xi32>, vector<16xi32>], vector<16xf32>,
      %add3A_1700 = arith.constant 21 : i32
      %add3A_1701 = vector.broadcast %add3A_1700 : i32 to vector<16xi32>
      %add3A_1702 = arith.addi %mul3A_1314, %add3A_1701 : vector<16xi32>
      %gather3A_1703 = arith.constant 0 : i32
      %gather3A_1704 = arith.constant 0 : i32
      %gather3A_1705 = tpu.memref_slice %arg12[%scan3A_1112, %gather3A_1703, %gather3A_1704] : memref<2x128x128xf32, #tpu.memory_space<vmem>> -> memref<1x128x128xf32, #tpu.memory_space<vmem>>
      %gather3A_1706 = tpu.memref_squeeze %gather3A_1705 : memref<1x128x128xf32, #tpu.memory_space<vmem>> -> memref<128x128xf32, #tpu.memory_space<vmem>>
      %gather3A_1707 = tpu.vector_load_idx %gather3A_1706[%add3A_1305, %add3A_1702] : memref<128x128xf32, #tpu.memory_space<vmem>>[vector<16xi32>, vector<16xi32>], vector<16xf32>,
      %add3A_1708 = arith.constant 21 : i32
      %add3A_1709 = vector.broadcast %add3A_1708 : i32 to vector<16xi32>
      %add3A_1710 = arith.addi %mul3A_1323, %add3A_1709 : vector<16xi32>
      %gather3A_1711 = arith.constant 0 : i32
      %gather3A_1712 = arith.constant 0 : i32
      %gather3A_1713 = tpu.memref_slice %arg13[%scan3A_1113, %gather3A_1711, %gather3A_1712] : memref<2x128x128xf32, #tpu.memory_space<vmem>> -> memref<1x128x128xf32, #tpu.memory_space<vmem>>
      %gather3A_1714 = tpu.memref_squeeze %gather3A_1713 : memref<1x128x128xf32, #tpu.memory_space<vmem>> -> memref<128x128xf32, #tpu.memory_space<vmem>>
      %gather3A_1715 = tpu.vector_load_idx %gather3A_1714[%add3A_1305, %add3A_1710] : memref<128x128xf32, #tpu.memory_space<vmem>>[vector<16xi32>, vector<16xi32>], vector<16xf32>,
      %mul3A_1716 = arith.mulf %gather3A_1691, %gather3A_1699 : vector<16xf32>
      %add3A_1717 = arith.addf %add3A_1681, %mul3A_1716 : vector<16xf32>
      %mul3A_1718 = arith.mulf %gather3A_1707, %gather3A_1715 : vector<16xf32>
      %add3A_1719 = arith.addf %add3A_1683, %mul3A_1718 : vector<16xf32>
      %add3A_1720 = arith.constant 22 : i32
      %add3A_1721 = vector.broadcast %add3A_1720 : i32 to vector<16xi32>
      %add3A_1722 = arith.addi %mul3A_1314, %add3A_1721 : vector<16xi32>
      %gather3A_1723 = arith.constant 0 : i32
      %gather3A_1724 = arith.constant 0 : i32
      %gather3A_1725 = tpu.memref_slice %arg12[%scan3A_1112, %gather3A_1723, %gather3A_1724] : memref<2x128x128xf32, #tpu.memory_space<vmem>> -> memref<1x128x128xf32, #tpu.memory_space<vmem>>
      %gather3A_1726 = tpu.memref_squeeze %gather3A_1725 : memref<1x128x128xf32, #tpu.memory_space<vmem>> -> memref<128x128xf32, #tpu.memory_space<vmem>>
      %gather3A_1727 = tpu.vector_load_idx %gather3A_1726[%add3A_1305, %add3A_1722] : memref<128x128xf32, #tpu.memory_space<vmem>>[vector<16xi32>, vector<16xi32>], vector<16xf32>,
      %add3A_1728 = arith.constant 22 : i32
      %add3A_1729 = vector.broadcast %add3A_1728 : i32 to vector<16xi32>
      %add3A_1730 = arith.addi %mul3A_1323, %add3A_1729 : vector<16xi32>
      %gather3A_1731 = arith.constant 0 : i32
      %gather3A_1732 = arith.constant 0 : i32
      %gather3A_1733 = tpu.memref_slice %arg13[%scan3A_1113, %gather3A_1731, %gather3A_1732] : memref<2x128x128xf32, #tpu.memory_space<vmem>> -> memref<1x128x128xf32, #tpu.memory_space<vmem>>
      %gather3A_1734 = tpu.memref_squeeze %gather3A_1733 : memref<1x128x128xf32, #tpu.memory_space<vmem>> -> memref<128x128xf32, #tpu.memory_space<vmem>>
      %gather3A_1735 = tpu.vector_load_idx %gather3A_1734[%add3A_1305, %add3A_1730] : memref<128x128xf32, #tpu.memory_space<vmem>>[vector<16xi32>, vector<16xi32>], vector<16xf32>,
      %add3A_1736 = arith.constant 23 : i32
      %add3A_1737 = vector.broadcast %add3A_1736 : i32 to vector<16xi32>
      %add3A_1738 = arith.addi %mul3A_1314, %add3A_1737 : vector<16xi32>
      %gather3A_1739 = arith.constant 0 : i32
      %gather3A_1740 = arith.constant 0 : i32
      %gather3A_1741 = tpu.memref_slice %arg12[%scan3A_1112, %gather3A_1739, %gather3A_1740] : memref<2x128x128xf32, #tpu.memory_space<vmem>> -> memref<1x128x128xf32, #tpu.memory_space<vmem>>
      %gather3A_1742 = tpu.memref_squeeze %gather3A_1741 : memref<1x128x128xf32, #tpu.memory_space<vmem>> -> memref<128x128xf32, #tpu.memory_space<vmem>>
      %gather3A_1743 = tpu.vector_load_idx %gather3A_1742[%add3A_1305, %add3A_1738] : memref<128x128xf32, #tpu.memory_space<vmem>>[vector<16xi32>, vector<16xi32>], vector<16xf32>,
      %add3A_1744 = arith.constant 23 : i32
      %add3A_1745 = vector.broadcast %add3A_1744 : i32 to vector<16xi32>
      %add3A_1746 = arith.addi %mul3A_1323, %add3A_1745 : vector<16xi32>
      %gather3A_1747 = arith.constant 0 : i32
      %gather3A_1748 = arith.constant 0 : i32
      %gather3A_1749 = tpu.memref_slice %arg13[%scan3A_1113, %gather3A_1747, %gather3A_1748] : memref<2x128x128xf32, #tpu.memory_space<vmem>> -> memref<1x128x128xf32, #tpu.memory_space<vmem>>
      %gather3A_1750 = tpu.memref_squeeze %gather3A_1749 : memref<1x128x128xf32, #tpu.memory_space<vmem>> -> memref<128x128xf32, #tpu.memory_space<vmem>>
      %gather3A_1751 = tpu.vector_load_idx %gather3A_1750[%add3A_1305, %add3A_1746] : memref<128x128xf32, #tpu.memory_space<vmem>>[vector<16xi32>, vector<16xi32>], vector<16xf32>,
      %mul3A_1752 = arith.mulf %gather3A_1727, %gather3A_1735 : vector<16xf32>
      %add3A_1753 = arith.addf %add3A_1717, %mul3A_1752 : vector<16xf32>
      %mul3A_1754 = arith.mulf %gather3A_1743, %gather3A_1751 : vector<16xf32>
      %add3A_1755 = arith.addf %add3A_1719, %mul3A_1754 : vector<16xf32>
      %add3A_1756 = arith.constant 24 : i32
      %add3A_1757 = vector.broadcast %add3A_1756 : i32 to vector<16xi32>
      %add3A_1758 = arith.addi %mul3A_1314, %add3A_1757 : vector<16xi32>
      %gather3A_1759 = arith.constant 0 : i32
      %gather3A_1760 = arith.constant 0 : i32
      %gather3A_1761 = tpu.memref_slice %arg12[%scan3A_1112, %gather3A_1759, %gather3A_1760] : memref<2x128x128xf32, #tpu.memory_space<vmem>> -> memref<1x128x128xf32, #tpu.memory_space<vmem>>
      %gather3A_1762 = tpu.memref_squeeze %gather3A_1761 : memref<1x128x128xf32, #tpu.memory_space<vmem>> -> memref<128x128xf32, #tpu.memory_space<vmem>>
      %gather3A_1763 = tpu.vector_load_idx %gather3A_1762[%add3A_1305, %add3A_1758] : memref<128x128xf32, #tpu.memory_space<vmem>>[vector<16xi32>, vector<16xi32>], vector<16xf32>,
      %add3A_1764 = arith.constant 24 : i32
      %add3A_1765 = vector.broadcast %add3A_1764 : i32 to vector<16xi32>
      %add3A_1766 = arith.addi %mul3A_1323, %add3A_1765 : vector<16xi32>
      %gather3A_1767 = arith.constant 0 : i32
      %gather3A_1768 = arith.constant 0 : i32
      %gather3A_1769 = tpu.memref_slice %arg13[%scan3A_1113, %gather3A_1767, %gather3A_1768] : memref<2x128x128xf32, #tpu.memory_space<vmem>> -> memref<1x128x128xf32, #tpu.memory_space<vmem>>
      %gather3A_1770 = tpu.memref_squeeze %gather3A_1769 : memref<1x128x128xf32, #tpu.memory_space<vmem>> -> memref<128x128xf32, #tpu.memory_space<vmem>>
      %gather3A_1771 = tpu.vector_load_idx %gather3A_1770[%add3A_1305, %add3A_1766] : memref<128x128xf32, #tpu.memory_space<vmem>>[vector<16xi32>, vector<16xi32>], vector<16xf32>,
      %add3A_1772 = arith.constant 25 : i32
      %add3A_1773 = vector.broadcast %add3A_1772 : i32 to vector<16xi32>
      %add3A_1774 = arith.addi %mul3A_1314, %add3A_1773 : vector<16xi32>
      %gather3A_1775 = arith.constant 0 : i32
      %gather3A_1776 = arith.constant 0 : i32
      %gather3A_1777 = tpu.memref_slice %arg12[%scan3A_1112, %gather3A_1775, %gather3A_1776] : memref<2x128x128xf32, #tpu.memory_space<vmem>> -> memref<1x128x128xf32, #tpu.memory_space<vmem>>
      %gather3A_1778 = tpu.memref_squeeze %gather3A_1777 : memref<1x128x128xf32, #tpu.memory_space<vmem>> -> memref<128x128xf32, #tpu.memory_space<vmem>>
      %gather3A_1779 = tpu.vector_load_idx %gather3A_1778[%add3A_1305, %add3A_1774] : memref<128x128xf32, #tpu.memory_space<vmem>>[vector<16xi32>, vector<16xi32>], vector<16xf32>,
      %add3A_1780 = arith.constant 25 : i32
      %add3A_1781 = vector.broadcast %add3A_1780 : i32 to vector<16xi32>
      %add3A_1782 = arith.addi %mul3A_1323, %add3A_1781 : vector<16xi32>
      %gather3A_1783 = arith.constant 0 : i32
      %gather3A_1784 = arith.constant 0 : i32
      %gather3A_1785 = tpu.memref_slice %arg13[%scan3A_1113, %gather3A_1783, %gather3A_1784] : memref<2x128x128xf32, #tpu.memory_space<vmem>> -> memref<1x128x128xf32, #tpu.memory_space<vmem>>
      %gather3A_1786 = tpu.memref_squeeze %gather3A_1785 : memref<1x128x128xf32, #tpu.memory_space<vmem>> -> memref<128x128xf32, #tpu.memory_space<vmem>>
      %gather3A_1787 = tpu.vector_load_idx %gather3A_1786[%add3A_1305, %add3A_1782] : memref<128x128xf32, #tpu.memory_space<vmem>>[vector<16xi32>, vector<16xi32>], vector<16xf32>,
      %mul3A_1788 = arith.mulf %gather3A_1763, %gather3A_1771 : vector<16xf32>
      %add3A_1789 = arith.addf %add3A_1753, %mul3A_1788 : vector<16xf32>
      %mul3A_1790 = arith.mulf %gather3A_1779, %gather3A_1787 : vector<16xf32>
      %add3A_1791 = arith.addf %add3A_1755, %mul3A_1790 : vector<16xf32>
      %add3A_1792 = arith.constant 26 : i32
      %add3A_1793 = vector.broadcast %add3A_1792 : i32 to vector<16xi32>
      %add3A_1794 = arith.addi %mul3A_1314, %add3A_1793 : vector<16xi32>
      %gather3A_1795 = arith.constant 0 : i32
      %gather3A_1796 = arith.constant 0 : i32
      %gather3A_1797 = tpu.memref_slice %arg12[%scan3A_1112, %gather3A_1795, %gather3A_1796] : memref<2x128x128xf32, #tpu.memory_space<vmem>> -> memref<1x128x128xf32, #tpu.memory_space<vmem>>
      %gather3A_1798 = tpu.memref_squeeze %gather3A_1797 : memref<1x128x128xf32, #tpu.memory_space<vmem>> -> memref<128x128xf32, #tpu.memory_space<vmem>>
      %gather3A_1799 = tpu.vector_load_idx %gather3A_1798[%add3A_1305, %add3A_1794] : memref<128x128xf32, #tpu.memory_space<vmem>>[vector<16xi32>, vector<16xi32>], vector<16xf32>,
      %add3A_1800 = arith.constant 26 : i32
      %add3A_1801 = vector.broadcast %add3A_1800 : i32 to vector<16xi32>
      %add3A_1802 = arith.addi %mul3A_1323, %add3A_1801 : vector<16xi32>
      %gather3A_1803 = arith.constant 0 : i32
      %gather3A_1804 = arith.constant 0 : i32
      %gather3A_1805 = tpu.memref_slice %arg13[%scan3A_1113, %gather3A_1803, %gather3A_1804] : memref<2x128x128xf32, #tpu.memory_space<vmem>> -> memref<1x128x128xf32, #tpu.memory_space<vmem>>
      %gather3A_1806 = tpu.memref_squeeze %gather3A_1805 : memref<1x128x128xf32, #tpu.memory_space<vmem>> -> memref<128x128xf32, #tpu.memory_space<vmem>>
      %gather3A_1807 = tpu.vector_load_idx %gather3A_1806[%add3A_1305, %add3A_1802] : memref<128x128xf32, #tpu.memory_space<vmem>>[vector<16xi32>, vector<16xi32>], vector<16xf32>,
      %add3A_1808 = arith.constant 27 : i32
      %add3A_1809 = vector.broadcast %add3A_1808 : i32 to vector<16xi32>
      %add3A_1810 = arith.addi %mul3A_1314, %add3A_1809 : vector<16xi32>
      %gather3A_1811 = arith.constant 0 : i32
      %gather3A_1812 = arith.constant 0 : i32
      %gather3A_1813 = tpu.memref_slice %arg12[%scan3A_1112, %gather3A_1811, %gather3A_1812] : memref<2x128x128xf32, #tpu.memory_space<vmem>> -> memref<1x128x128xf32, #tpu.memory_space<vmem>>
      %gather3A_1814 = tpu.memref_squeeze %gather3A_1813 : memref<1x128x128xf32, #tpu.memory_space<vmem>> -> memref<128x128xf32, #tpu.memory_space<vmem>>
      %gather3A_1815 = tpu.vector_load_idx %gather3A_1814[%add3A_1305, %add3A_1810] : memref<128x128xf32, #tpu.memory_space<vmem>>[vector<16xi32>, vector<16xi32>], vector<16xf32>,
      %add3A_1816 = arith.constant 27 : i32
      %add3A_1817 = vector.broadcast %add3A_1816 : i32 to vector<16xi32>
      %add3A_1818 = arith.addi %mul3A_1323, %add3A_1817 : vector<16xi32>
      %gather3A_1819 = arith.constant 0 : i32
      %gather3A_1820 = arith.constant 0 : i32
      %gather3A_1821 = tpu.memref_slice %arg13[%scan3A_1113, %gather3A_1819, %gather3A_1820] : memref<2x128x128xf32, #tpu.memory_space<vmem>> -> memref<1x128x128xf32, #tpu.memory_space<vmem>>
      %gather3A_1822 = tpu.memref_squeeze %gather3A_1821 : memref<1x128x128xf32, #tpu.memory_space<vmem>> -> memref<128x128xf32, #tpu.memory_space<vmem>>
      %gather3A_1823 = tpu.vector_load_idx %gather3A_1822[%add3A_1305, %add3A_1818] : memref<128x128xf32, #tpu.memory_space<vmem>>[vector<16xi32>, vector<16xi32>], vector<16xf32>,
      %mul3A_1824 = arith.mulf %gather3A_1799, %gather3A_1807 : vector<16xf32>
      %add3A_1825 = arith.addf %add3A_1789, %mul3A_1824 : vector<16xf32>
      %mul3A_1826 = arith.mulf %gather3A_1815, %gather3A_1823 : vector<16xf32>
      %add3A_1827 = arith.addf %add3A_1791, %mul3A_1826 : vector<16xf32>
      %add3A_1828 = arith.constant 28 : i32
      %add3A_1829 = vector.broadcast %add3A_1828 : i32 to vector<16xi32>
      %add3A_1830 = arith.addi %mul3A_1314, %add3A_1829 : vector<16xi32>
      %gather3A_1831 = arith.constant 0 : i32
      %gather3A_1832 = arith.constant 0 : i32
      %gather3A_1833 = tpu.memref_slice %arg12[%scan3A_1112, %gather3A_1831, %gather3A_1832] : memref<2x128x128xf32, #tpu.memory_space<vmem>> -> memref<1x128x128xf32, #tpu.memory_space<vmem>>
      %gather3A_1834 = tpu.memref_squeeze %gather3A_1833 : memref<1x128x128xf32, #tpu.memory_space<vmem>> -> memref<128x128xf32, #tpu.memory_space<vmem>>
      %gather3A_1835 = tpu.vector_load_idx %gather3A_1834[%add3A_1305, %add3A_1830] : memref<128x128xf32, #tpu.memory_space<vmem>>[vector<16xi32>, vector<16xi32>], vector<16xf32>,
      %add3A_1836 = arith.constant 28 : i32
      %add3A_1837 = vector.broadcast %add3A_1836 : i32 to vector<16xi32>
      %add3A_1838 = arith.addi %mul3A_1323, %add3A_1837 : vector<16xi32>
      %gather3A_1839 = arith.constant 0 : i32
      %gather3A_1840 = arith.constant 0 : i32
      %gather3A_1841 = tpu.memref_slice %arg13[%scan3A_1113, %gather3A_1839, %gather3A_1840] : memref<2x128x128xf32, #tpu.memory_space<vmem>> -> memref<1x128x128xf32, #tpu.memory_space<vmem>>
      %gather3A_1842 = tpu.memref_squeeze %gather3A_1841 : memref<1x128x128xf32, #tpu.memory_space<vmem>> -> memref<128x128xf32, #tpu.memory_space<vmem>>
      %gather3A_1843 = tpu.vector_load_idx %gather3A_1842[%add3A_1305, %add3A_1838] : memref<128x128xf32, #tpu.memory_space<vmem>>[vector<16xi32>, vector<16xi32>], vector<16xf32>,
      %add3A_1844 = arith.constant 29 : i32
      %add3A_1845 = vector.broadcast %add3A_1844 : i32 to vector<16xi32>
      %add3A_1846 = arith.addi %mul3A_1314, %add3A_1845 : vector<16xi32>
      %gather3A_1847 = arith.constant 0 : i32
      %gather3A_1848 = arith.constant 0 : i32
      %gather3A_1849 = tpu.memref_slice %arg12[%scan3A_1112, %gather3A_1847, %gather3A_1848] : memref<2x128x128xf32, #tpu.memory_space<vmem>> -> memref<1x128x128xf32, #tpu.memory_space<vmem>>
      %gather3A_1850 = tpu.memref_squeeze %gather3A_1849 : memref<1x128x128xf32, #tpu.memory_space<vmem>> -> memref<128x128xf32, #tpu.memory_space<vmem>>
      %gather3A_1851 = tpu.vector_load_idx %gather3A_1850[%add3A_1305, %add3A_1846] : memref<128x128xf32, #tpu.memory_space<vmem>>[vector<16xi32>, vector<16xi32>], vector<16xf32>,
      %add3A_1852 = arith.constant 29 : i32
      %add3A_1853 = vector.broadcast %add3A_1852 : i32 to vector<16xi32>
      %add3A_1854 = arith.addi %mul3A_1323, %add3A_1853 : vector<16xi32>
      %gather3A_1855 = arith.constant 0 : i32
      %gather3A_1856 = arith.constant 0 : i32
      %gather3A_1857 = tpu.memref_slice %arg13[%scan3A_1113, %gather3A_1855, %gather3A_1856] : memref<2x128x128xf32, #tpu.memory_space<vmem>> -> memref<1x128x128xf32, #tpu.memory_space<vmem>>
      %gather3A_1858 = tpu.memref_squeeze %gather3A_1857 : memref<1x128x128xf32, #tpu.memory_space<vmem>> -> memref<128x128xf32, #tpu.memory_space<vmem>>
      %gather3A_1859 = tpu.vector_load_idx %gather3A_1858[%add3A_1305, %add3A_1854] : memref<128x128xf32, #tpu.memory_space<vmem>>[vector<16xi32>, vector<16xi32>], vector<16xf32>,
      %mul3A_1860 = arith.mulf %gather3A_1835, %gather3A_1843 : vector<16xf32>
      %add3A_1861 = arith.addf %add3A_1825, %mul3A_1860 : vector<16xf32>
      %mul3A_1862 = arith.mulf %gather3A_1851, %gather3A_1859 : vector<16xf32>
      %add3A_1863 = arith.addf %add3A_1827, %mul3A_1862 : vector<16xf32>
      %add3A_1864 = arith.constant 30 : i32
      %add3A_1865 = vector.broadcast %add3A_1864 : i32 to vector<16xi32>
      %add3A_1866 = arith.addi %mul3A_1314, %add3A_1865 : vector<16xi32>
      %gather3A_1867 = arith.constant 0 : i32
      %gather3A_1868 = arith.constant 0 : i32
      %gather3A_1869 = tpu.memref_slice %arg12[%scan3A_1112, %gather3A_1867, %gather3A_1868] : memref<2x128x128xf32, #tpu.memory_space<vmem>> -> memref<1x128x128xf32, #tpu.memory_space<vmem>>
      %gather3A_1870 = tpu.memref_squeeze %gather3A_1869 : memref<1x128x128xf32, #tpu.memory_space<vmem>> -> memref<128x128xf32, #tpu.memory_space<vmem>>
      %gather3A_1871 = tpu.vector_load_idx %gather3A_1870[%add3A_1305, %add3A_1866] : memref<128x128xf32, #tpu.memory_space<vmem>>[vector<16xi32>, vector<16xi32>], vector<16xf32>,
      %add3A_1872 = arith.constant 30 : i32
      %add3A_1873 = vector.broadcast %add3A_1872 : i32 to vector<16xi32>
      %add3A_1874 = arith.addi %mul3A_1323, %add3A_1873 : vector<16xi32>
      %gather3A_1875 = arith.constant 0 : i32
      %gather3A_1876 = arith.constant 0 : i32
      %gather3A_1877 = tpu.memref_slice %arg13[%scan3A_1113, %gather3A_1875, %gather3A_1876] : memref<2x128x128xf32, #tpu.memory_space<vmem>> -> memref<1x128x128xf32, #tpu.memory_space<vmem>>
      %gather3A_1878 = tpu.memref_squeeze %gather3A_1877 : memref<1x128x128xf32, #tpu.memory_space<vmem>> -> memref<128x128xf32, #tpu.memory_space<vmem>>
      %gather3A_1879 = tpu.vector_load_idx %gather3A_1878[%add3A_1305, %add3A_1874] : memref<128x128xf32, #tpu.memory_space<vmem>>[vector<16xi32>, vector<16xi32>], vector<16xf32>,
      %add3A_1880 = arith.constant 31 : i32
      %add3A_1881 = vector.broadcast %add3A_1880 : i32 to vector<16xi32>
      %add3A_1882 = arith.addi %mul3A_1314, %add3A_1881 : vector<16xi32>
      %gather3A_1883 = arith.constant 0 : i32
      %gather3A_1884 = arith.constant 0 : i32
      %gather3A_1885 = tpu.memref_slice %arg12[%scan3A_1112, %gather3A_1883, %gather3A_1884] : memref<2x128x128xf32, #tpu.memory_space<vmem>> -> memref<1x128x128xf32, #tpu.memory_space<vmem>>
      %gather3A_1886 = tpu.memref_squeeze %gather3A_1885 : memref<1x128x128xf32, #tpu.memory_space<vmem>> -> memref<128x128xf32, #tpu.memory_space<vmem>>
      %gather3A_1887 = tpu.vector_load_idx %gather3A_1886[%add3A_1305, %add3A_1882] : memref<128x128xf32, #tpu.memory_space<vmem>>[vector<16xi32>, vector<16xi32>], vector<16xf32>,
      %add3A_1888 = arith.constant 31 : i32
      %add3A_1889 = vector.broadcast %add3A_1888 : i32 to vector<16xi32>
      %add3A_1890 = arith.addi %mul3A_1323, %add3A_1889 : vector<16xi32>
      %gather3A_1891 = arith.constant 0 : i32
      %gather3A_1892 = arith.constant 0 : i32
      %gather3A_1893 = tpu.memref_slice %arg13[%scan3A_1113, %gather3A_1891, %gather3A_1892] : memref<2x128x128xf32, #tpu.memory_space<vmem>> -> memref<1x128x128xf32, #tpu.memory_space<vmem>>
      %gather3A_1894 = tpu.memref_squeeze %gather3A_1893 : memref<1x128x128xf32, #tpu.memory_space<vmem>> -> memref<128x128xf32, #tpu.memory_space<vmem>>
      %gather3A_1895 = tpu.vector_load_idx %gather3A_1894[%add3A_1305, %add3A_1890] : memref<128x128xf32, #tpu.memory_space<vmem>>[vector<16xi32>, vector<16xi32>], vector<16xf32>,
      %mul3A_1896 = arith.mulf %gather3A_1871, %gather3A_1879 : vector<16xf32>
      %add3A_1897 = arith.addf %add3A_1861, %mul3A_1896 : vector<16xf32>
      %mul3A_1898 = arith.mulf %gather3A_1887, %gather3A_1895 : vector<16xf32>
      %add3A_1899 = arith.addf %add3A_1863, %mul3A_1898 : vector<16xf32>
      %add3A_1900 = arith.addf %add3A_1897, %add3A_1899 : vector<16xf32>
      %neg3A = arith.constant 0.000000e+00 : f32
      %neg3A_1901 = vector.broadcast %neg3A : f32 to vector<16xf32>
      %neg3A_1902 = arith.subf %neg3A_1901, %add3A_1900 : vector<16xf32>
      %exp3A = math.exp %neg3A_1902 : vector<16xf32>
      %add3A_1903 = arith.constant 1.000000e+00 : f32
      %add3A_1904 = vector.broadcast %add3A_1903 : f32 to vector<16xf32>
      %add3A_1905 = arith.addf %add3A_1904, %exp3A : vector<16xf32>
      %div3A = arith.constant 1.000000e+00 : f32
      %div3A_1906 = vector.broadcast %div3A : f32 to vector<16xf32>
      %div3A_1907 = arith.divf %div3A_1906, %add3A_1905 : vector<16xf32>
      %swap3A_1908 = arith.index_cast %add3A_1297 : i32 to index
      %swap3A_1909 = tpu.vector_load %arg15[%swap3A_1908] {strides = array<i32>} : memref<512xf32, #tpu.memory_space<vmem>>, vector<16xf32>,
      tpu.vector_store %arg15[%swap3A_1908], %div3A_1907 {strides = array<i32>} : memref<512xf32, #tpu.memory_space<vmem>>, vector<16xf32>,
    }
    %scan3A_1118 = arith.constant 8 : i32
    %dma_start3A_1119 = arith.constant 2 : i32
    %dma_start3A_1120 = arith.constant 0 : i32
    %dma_start3A_1121 = arith.constant 0 : i32
    %dma_start3A_1122 = arith.constant 0 : i32
    %dma_start3A_1123 = arith.constant 0 : i32
    %dma_start3A_1124 = tpu.memref_slice %arg12[%dma_start3A_1120, %dma_start3A_1122, %dma_start3A_1123] : memref<2x128x128xf32, #tpu.memory_space<vmem>> -> memref<1x128x128xf32, #tpu.memory_space<vmem>>
    %dma_start3A_1125 = tpu.memref_squeeze %dma_start3A_1124 : memref<1x128x128xf32, #tpu.memory_space<vmem>> -> memref<128x128xf32, #tpu.memory_space<vmem>>
    %dma_start3A_1126 = arith.constant 0 : i32
    %dma_start3A_1127 = tpu.memref_slice %arg10[%dma_start3A_1119, %dma_start3A_1126] : memref<4x128xi32, #tpu.memory_space<vmem>> -> memref<1x128xi32, #tpu.memory_space<vmem>>
    %dma_start3A_1128 = tpu.memref_squeeze %dma_start3A_1127 : memref<1x128xi32, #tpu.memory_space<vmem>> -> memref<128xi32, #tpu.memory_space<vmem>>
    %dma_start3A_1129 = arith.constant 0 : i32
    %dma_start3A_1130 = arith.constant 0 : i32
    %dma_start3A_1131 = tpu.memref_slice %arg2[%dma_start3A_1129, %dma_start3A_1130] : memref<253952x128xf32, #tpu.memory_space<hbm>> -> memref<253952x128xf32, #tpu.memory_space<hbm>>
    %dma_start3A_1132 = tpu.memref_slice %arg16[%dma_start3A_1121] : memref<2x!tpu.dma_semaphore, #tpu.memory_space<semaphore_mem>> -> memref<1x!tpu.dma_semaphore, #tpu.memory_space<semaphore_mem>>
    %dma_start3A_1133 = tpu.memref_squeeze %dma_start3A_1132 : memref<1x!tpu.dma_semaphore, #tpu.memory_space<semaphore_mem>> -> memref<!tpu.dma_semaphore, #tpu.memory_space<semaphore_mem>>
    tpu.enqueue_indirect_dma source(%dma_start3A_1131 : memref<253952x128xf32, #tpu.memory_space<hbm>>) target(%dma_start3A_1125 : memref<128x128xf32, #tpu.memory_space<vmem>>) offsets(%dma_start3A_1128 : memref<128xi32, #tpu.memory_space<vmem>>) semaphore(%dma_start3A_1133 : memref<!tpu.dma_semaphore, #tpu.memory_space<semaphore_mem>>)
    %dma_start3A_1134 = arith.constant 2 : i32
    %dma_start3A_1135 = arith.constant 0 : i32
    %dma_start3A_1136 = arith.constant 0 : i32
    %dma_start3A_1137 = arith.constant 0 : i32
    %dma_start3A_1138 = arith.constant 0 : i32
    %dma_start3A_1139 = tpu.memref_slice %arg13[%dma_start3A_1135, %dma_start3A_1137, %dma_start3A_1138] : memref<2x128x128xf32, #tpu.memory_space<vmem>> -> memref<1x128x128xf32, #tpu.memory_space<vmem>>
    %dma_start3A_1140 = tpu.memref_squeeze %dma_start3A_1139 : memref<1x128x128xf32, #tpu.memory_space<vmem>> -> memref<128x128xf32, #tpu.memory_space<vmem>>
    %dma_start3A_1141 = arith.constant 0 : i32
    %dma_start3A_1142 = tpu.memref_slice %arg11[%dma_start3A_1134, %dma_start3A_1141] : memref<4x128xi32, #tpu.memory_space<vmem>> -> memref<1x128xi32, #tpu.memory_space<vmem>>
    %dma_start3A_1143 = tpu.memref_squeeze %dma_start3A_1142 : memref<1x128xi32, #tpu.memory_space<vmem>> -> memref<128xi32, #tpu.memory_space<vmem>>
    %dma_start3A_1144 = arith.constant 0 : i32
    %dma_start3A_1145 = arith.constant 0 : i32
    %dma_start3A_1146 = tpu.memref_slice %arg3[%dma_start3A_1144, %dma_start3A_1145] : memref<253952x128xf32, #tpu.memory_space<hbm>> -> memref<253952x128xf32, #tpu.memory_space<hbm>>
    %dma_start3A_1147 = tpu.memref_slice %arg16[%dma_start3A_1136] : memref<2x!tpu.dma_semaphore, #tpu.memory_space<semaphore_mem>> -> memref<1x!tpu.dma_semaphore, #tpu.memory_space<semaphore_mem>>
    %dma_start3A_1148 = tpu.memref_squeeze %dma_start3A_1147 : memref<1x!tpu.dma_semaphore, #tpu.memory_space<semaphore_mem>> -> memref<!tpu.dma_semaphore, #tpu.memory_space<semaphore_mem>>
    tpu.enqueue_indirect_dma source(%dma_start3A_1146 : memref<253952x128xf32, #tpu.memory_space<hbm>>) target(%dma_start3A_1140 : memref<128x128xf32, #tpu.memory_space<vmem>>) offsets(%dma_start3A_1143 : memref<128xi32, #tpu.memory_space<vmem>>) semaphore(%dma_start3A_1148 : memref<!tpu.dma_semaphore, #tpu.memory_space<semaphore_mem>>)
    %dma_wait3A_1149 = arith.constant 1 : i32
    %dma_wait3A_1150 = arith.constant 1 : i32
    %dma_wait3A_1151 = arith.constant 1 : i32
    %dma_wait3A_1152 = arith.constant 0 : i32
    %dma_wait3A_1153 = arith.constant 0 : i32
    %dma_wait3A_1154 = tpu.memref_slice %arg12[%dma_wait3A_1150, %dma_wait3A_1152, %dma_wait3A_1153] : memref<2x128x128xf32, #tpu.memory_space<vmem>> -> memref<1x128x128xf32, #tpu.memory_space<vmem>>
    %dma_wait3A_1155 = tpu.memref_squeeze %dma_wait3A_1154 : memref<1x128x128xf32, #tpu.memory_space<vmem>> -> memref<128x128xf32, #tpu.memory_space<vmem>>
    %dma_wait3A_1156 = arith.constant 0 : i32
    %dma_wait3A_1157 = tpu.memref_slice %arg10[%dma_wait3A_1149, %dma_wait3A_1156] : memref<4x128xi32, #tpu.memory_space<vmem>> -> memref<1x128xi32, #tpu.memory_space<vmem>>
    %dma_wait3A_1158 = tpu.memref_squeeze %dma_wait3A_1157 : memref<1x128xi32, #tpu.memory_space<vmem>> -> memref<128xi32, #tpu.memory_space<vmem>>
    %dma_wait3A_1159 = arith.constant 0 : i32
    %dma_wait3A_1160 = arith.constant 0 : i32
    %dma_wait3A_1161 = tpu.memref_slice %arg2[%dma_wait3A_1159, %dma_wait3A_1160] : memref<253952x128xf32, #tpu.memory_space<hbm>> -> memref<253952x128xf32, #tpu.memory_space<hbm>>
    %dma_wait3A_1162 = tpu.memref_slice %arg16[%dma_wait3A_1151] : memref<2x!tpu.dma_semaphore, #tpu.memory_space<semaphore_mem>> -> memref<1x!tpu.dma_semaphore, #tpu.memory_space<semaphore_mem>>
    %dma_wait3A_1163 = tpu.memref_squeeze %dma_wait3A_1162 : memref<1x!tpu.dma_semaphore, #tpu.memory_space<semaphore_mem>> -> memref<!tpu.dma_semaphore, #tpu.memory_space<semaphore_mem>>
    tpu.wait_indirect_dma semaphore(%dma_wait3A_1163 : memref<!tpu.dma_semaphore, #tpu.memory_space<semaphore_mem>>) src(%dma_wait3A_1161 : memref<253952x128xf32, #tpu.memory_space<hbm>>) dst(%dma_wait3A_1155 : memref<128x128xf32, #tpu.memory_space<vmem>>)
    %dma_wait3A_1164 = arith.constant 1 : i32
    %dma_wait3A_1165 = arith.constant 1 : i32
    %dma_wait3A_1166 = arith.constant 1 : i32
    %dma_wait3A_1167 = arith.constant 0 : i32
    %dma_wait3A_1168 = arith.constant 0 : i32
    %dma_wait3A_1169 = tpu.memref_slice %arg13[%dma_wait3A_1165, %dma_wait3A_1167, %dma_wait3A_1168] : memref<2x128x128xf32, #tpu.memory_space<vmem>> -> memref<1x128x128xf32, #tpu.memory_space<vmem>>
    %dma_wait3A_1170 = tpu.memref_squeeze %dma_wait3A_1169 : memref<1x128x128xf32, #tpu.memory_space<vmem>> -> memref<128x128xf32, #tpu.memory_space<vmem>>
    %dma_wait3A_1171 = arith.constant 0 : i32
    %dma_wait3A_1172 = tpu.memref_slice %arg11[%dma_wait3A_1164, %dma_wait3A_1171] : memref<4x128xi32, #tpu.memory_space<vmem>> -> memref<1x128xi32, #tpu.memory_space<vmem>>
    %dma_wait3A_1173 = tpu.memref_squeeze %dma_wait3A_1172 : memref<1x128xi32, #tpu.memory_space<vmem>> -> memref<128xi32, #tpu.memory_space<vmem>>
    %dma_wait3A_1174 = arith.constant 0 : i32
    %dma_wait3A_1175 = arith.constant 0 : i32
    %dma_wait3A_1176 = tpu.memref_slice %arg3[%dma_wait3A_1174, %dma_wait3A_1175] : memref<253952x128xf32, #tpu.memory_space<hbm>> -> memref<253952x128xf32, #tpu.memory_space<hbm>>
    %dma_wait3A_1177 = tpu.memref_slice %arg16[%dma_wait3A_1166] : memref<2x!tpu.dma_semaphore, #tpu.memory_space<semaphore_mem>> -> memref<1x!tpu.dma_semaphore, #tpu.memory_space<semaphore_mem>>
    %dma_wait3A_1178 = tpu.memref_squeeze %dma_wait3A_1177 : memref<1x!tpu.dma_semaphore, #tpu.memory_space<semaphore_mem>> -> memref<!tpu.dma_semaphore, #tpu.memory_space<semaphore_mem>>
    tpu.wait_indirect_dma semaphore(%dma_wait3A_1178 : memref<!tpu.dma_semaphore, #tpu.memory_space<semaphore_mem>>) src(%dma_wait3A_1176 : memref<253952x128xf32, #tpu.memory_space<hbm>>) dst(%dma_wait3A_1170 : memref<128x128xf32, #tpu.memory_space<vmem>>)
    %scan3A_1179 = arith.constant 0 : i32
    %scan3A_1180 = arith.constant 1 : i32
    %scan3A_1181 = arith.constant 1 : i32
    %scan3A_1182 = arith.constant 0 : i32
    %scan3A_1183 = arith.constant 8 : i32
    %scan3A_1184 = arith.addi %scan3A_1182, %scan3A_1183 : i32
    %scan3A_1185 = arith.constant 1 : i32
    scf.for %scan3A_1293 = %scan3A_1182 to %scan3A_1184 step %scan3A_1185  : i32 {
      %mul3A_1294 = arith.constant 16 : i32
      %mul3A_1295 = arith.muli %scan3A_1293, %mul3A_1294 : i32
      %add3A_1296 = arith.constant 128 : i32
      %add3A_1297 = arith.addi %add3A_1296, %mul3A_1295 : i32
      %get3A_1298 = arith.index_cast %add3A_1297 : i32 to index
      %get3A_1299 = tpu.vector_load %arg8[%get3A_1298] {strides = array<i32>} : memref<512xi32, #tpu.memory_space<vmem>>, vector<16xi32>,
      %get3A_1300 = arith.index_cast %add3A_1297 : i32 to index
      %get3A_1301 = tpu.vector_load %arg9[%get3A_1300] {strides = array<i32>} : memref<512xi32, #tpu.memory_space<vmem>>, vector<16xi32>,
      %mul3A_1302 = arith.constant 16 : i32
      %mul3A_1303 = arith.muli %scan3A_1293, %mul3A_1302 : i32
      %add3A_1304 = vector.broadcast %mul3A_1303 : i32 to vector<16xi32>
      %add3A_1305 = arith.addi %add3A_1304, %iota3A : vector<16xi32>
      %shift_right_arithmetic3A_1306 = arith.constant 13 : i32
      %shift_right_arithmetic3A_1307 = vector.broadcast %shift_right_arithmetic3A_1306 : i32 to vector<16xi32>
      %shift_right_arithmetic3A_1308 = arith.shrsi %get3A_1299, %shift_right_arithmetic3A_1307 : vector<16xi32>
      %and3A_1309 = arith.constant 3 : i32
      %and3A_1310 = vector.broadcast %and3A_1309 : i32 to vector<16xi32>
      %and3A_1311 = arith.andi %shift_right_arithmetic3A_1308, %and3A_1310 : vector<16xi32>
      %mul3A_1312 = arith.constant 32 : i32
      %mul3A_1313 = vector.broadcast %mul3A_1312 : i32 to vector<16xi32>
      %mul3A_1314 = arith.muli %and3A_1311, %mul3A_1313 : vector<16xi32>
      %shift_right_arithmetic3A_1315 = arith.constant 13 : i32
      %shift_right_arithmetic3A_1316 = vector.broadcast %shift_right_arithmetic3A_1315 : i32 to vector<16xi32>
      %shift_right_arithmetic3A_1317 = arith.shrsi %get3A_1301, %shift_right_arithmetic3A_1316 : vector<16xi32>
      %and3A_1318 = arith.constant 3 : i32
      %and3A_1319 = vector.broadcast %and3A_1318 : i32 to vector<16xi32>
      %and3A_1320 = arith.andi %shift_right_arithmetic3A_1317, %and3A_1319 : vector<16xi32>
      %mul3A_1321 = arith.constant 32 : i32
      %mul3A_1322 = vector.broadcast %mul3A_1321 : i32 to vector<16xi32>
      %mul3A_1323 = arith.muli %and3A_1320, %mul3A_1322 : vector<16xi32>
      %broadcast_in_dim3A = arith.constant 0.000000e+00 : f32
      %broadcast_in_dim3A_1324 = vector.broadcast %broadcast_in_dim3A : f32 to vector<16xf32>
      %add3A_1325 = arith.constant 0 : i32
      %add3A_1326 = vector.broadcast %add3A_1325 : i32 to vector<16xi32>
      %add3A_1327 = arith.addi %mul3A_1314, %add3A_1326 : vector<16xi32>
      %gather3A = arith.constant 0 : i32
      %gather3A_1328 = arith.constant 0 : i32
      %gather3A_1329 = tpu.memref_slice %arg12[%scan3A_1180, %gather3A, %gather3A_1328] : memref<2x128x128xf32, #tpu.memory_space<vmem>> -> memref<1x128x128xf32, #tpu.memory_space<vmem>>
      %gather3A_1330 = tpu.memref_squeeze %gather3A_1329 : memref<1x128x128xf32, #tpu.memory_space<vmem>> -> memref<128x128xf32, #tpu.memory_space<vmem>>
      %gather3A_1331 = tpu.vector_load_idx %gather3A_1330[%add3A_1305, %add3A_1327] : memref<128x128xf32, #tpu.memory_space<vmem>>[vector<16xi32>, vector<16xi32>], vector<16xf32>,
      %add3A_1332 = arith.constant 0 : i32
      %add3A_1333 = vector.broadcast %add3A_1332 : i32 to vector<16xi32>
      %add3A_1334 = arith.addi %mul3A_1323, %add3A_1333 : vector<16xi32>
      %gather3A_1335 = arith.constant 0 : i32
      %gather3A_1336 = arith.constant 0 : i32
      %gather3A_1337 = tpu.memref_slice %arg13[%scan3A_1181, %gather3A_1335, %gather3A_1336] : memref<2x128x128xf32, #tpu.memory_space<vmem>> -> memref<1x128x128xf32, #tpu.memory_space<vmem>>
      %gather3A_1338 = tpu.memref_squeeze %gather3A_1337 : memref<1x128x128xf32, #tpu.memory_space<vmem>> -> memref<128x128xf32, #tpu.memory_space<vmem>>
      %gather3A_1339 = tpu.vector_load_idx %gather3A_1338[%add3A_1305, %add3A_1334] : memref<128x128xf32, #tpu.memory_space<vmem>>[vector<16xi32>, vector<16xi32>], vector<16xf32>,
      %add3A_1340 = arith.constant 1 : i32
      %add3A_1341 = vector.broadcast %add3A_1340 : i32 to vector<16xi32>
      %add3A_1342 = arith.addi %mul3A_1314, %add3A_1341 : vector<16xi32>
      %gather3A_1343 = arith.constant 0 : i32
      %gather3A_1344 = arith.constant 0 : i32
      %gather3A_1345 = tpu.memref_slice %arg12[%scan3A_1180, %gather3A_1343, %gather3A_1344] : memref<2x128x128xf32, #tpu.memory_space<vmem>> -> memref<1x128x128xf32, #tpu.memory_space<vmem>>
      %gather3A_1346 = tpu.memref_squeeze %gather3A_1345 : memref<1x128x128xf32, #tpu.memory_space<vmem>> -> memref<128x128xf32, #tpu.memory_space<vmem>>
      %gather3A_1347 = tpu.vector_load_idx %gather3A_1346[%add3A_1305, %add3A_1342] : memref<128x128xf32, #tpu.memory_space<vmem>>[vector<16xi32>, vector<16xi32>], vector<16xf32>,
      %add3A_1348 = arith.constant 1 : i32
      %add3A_1349 = vector.broadcast %add3A_1348 : i32 to vector<16xi32>
      %add3A_1350 = arith.addi %mul3A_1323, %add3A_1349 : vector<16xi32>
      %gather3A_1351 = arith.constant 0 : i32
      %gather3A_1352 = arith.constant 0 : i32
      %gather3A_1353 = tpu.memref_slice %arg13[%scan3A_1181, %gather3A_1351, %gather3A_1352] : memref<2x128x128xf32, #tpu.memory_space<vmem>> -> memref<1x128x128xf32, #tpu.memory_space<vmem>>
      %gather3A_1354 = tpu.memref_squeeze %gather3A_1353 : memref<1x128x128xf32, #tpu.memory_space<vmem>> -> memref<128x128xf32, #tpu.memory_space<vmem>>
      %gather3A_1355 = tpu.vector_load_idx %gather3A_1354[%add3A_1305, %add3A_1350] : memref<128x128xf32, #tpu.memory_space<vmem>>[vector<16xi32>, vector<16xi32>], vector<16xf32>,
      %mul3A_1356 = arith.mulf %gather3A_1331, %gather3A_1339 : vector<16xf32>
      %add3A_1357 = arith.addf %get3A_1023, %mul3A_1356 : vector<16xf32>
      %mul3A_1358 = arith.mulf %gather3A_1347, %gather3A_1355 : vector<16xf32>
      %add3A_1359 = arith.addf %broadcast_in_dim3A_1324, %mul3A_1358 : vector<16xf32>
      %add3A_1360 = arith.constant 2 : i32
      %add3A_1361 = vector.broadcast %add3A_1360 : i32 to vector<16xi32>
      %add3A_1362 = arith.addi %mul3A_1314, %add3A_1361 : vector<16xi32>
      %gather3A_1363 = arith.constant 0 : i32
      %gather3A_1364 = arith.constant 0 : i32
      %gather3A_1365 = tpu.memref_slice %arg12[%scan3A_1180, %gather3A_1363, %gather3A_1364] : memref<2x128x128xf32, #tpu.memory_space<vmem>> -> memref<1x128x128xf32, #tpu.memory_space<vmem>>
      %gather3A_1366 = tpu.memref_squeeze %gather3A_1365 : memref<1x128x128xf32, #tpu.memory_space<vmem>> -> memref<128x128xf32, #tpu.memory_space<vmem>>
      %gather3A_1367 = tpu.vector_load_idx %gather3A_1366[%add3A_1305, %add3A_1362] : memref<128x128xf32, #tpu.memory_space<vmem>>[vector<16xi32>, vector<16xi32>], vector<16xf32>,
      %add3A_1368 = arith.constant 2 : i32
      %add3A_1369 = vector.broadcast %add3A_1368 : i32 to vector<16xi32>
      %add3A_1370 = arith.addi %mul3A_1323, %add3A_1369 : vector<16xi32>
      %gather3A_1371 = arith.constant 0 : i32
      %gather3A_1372 = arith.constant 0 : i32
      %gather3A_1373 = tpu.memref_slice %arg13[%scan3A_1181, %gather3A_1371, %gather3A_1372] : memref<2x128x128xf32, #tpu.memory_space<vmem>> -> memref<1x128x128xf32, #tpu.memory_space<vmem>>
      %gather3A_1374 = tpu.memref_squeeze %gather3A_1373 : memref<1x128x128xf32, #tpu.memory_space<vmem>> -> memref<128x128xf32, #tpu.memory_space<vmem>>
      %gather3A_1375 = tpu.vector_load_idx %gather3A_1374[%add3A_1305, %add3A_1370] : memref<128x128xf32, #tpu.memory_space<vmem>>[vector<16xi32>, vector<16xi32>], vector<16xf32>,
      %add3A_1376 = arith.constant 3 : i32
      %add3A_1377 = vector.broadcast %add3A_1376 : i32 to vector<16xi32>
      %add3A_1378 = arith.addi %mul3A_1314, %add3A_1377 : vector<16xi32>
      %gather3A_1379 = arith.constant 0 : i32
      %gather3A_1380 = arith.constant 0 : i32
      %gather3A_1381 = tpu.memref_slice %arg12[%scan3A_1180, %gather3A_1379, %gather3A_1380] : memref<2x128x128xf32, #tpu.memory_space<vmem>> -> memref<1x128x128xf32, #tpu.memory_space<vmem>>
      %gather3A_1382 = tpu.memref_squeeze %gather3A_1381 : memref<1x128x128xf32, #tpu.memory_space<vmem>> -> memref<128x128xf32, #tpu.memory_space<vmem>>
      %gather3A_1383 = tpu.vector_load_idx %gather3A_1382[%add3A_1305, %add3A_1378] : memref<128x128xf32, #tpu.memory_space<vmem>>[vector<16xi32>, vector<16xi32>], vector<16xf32>,
      %add3A_1384 = arith.constant 3 : i32
      %add3A_1385 = vector.broadcast %add3A_1384 : i32 to vector<16xi32>
      %add3A_1386 = arith.addi %mul3A_1323, %add3A_1385 : vector<16xi32>
      %gather3A_1387 = arith.constant 0 : i32
      %gather3A_1388 = arith.constant 0 : i32
      %gather3A_1389 = tpu.memref_slice %arg13[%scan3A_1181, %gather3A_1387, %gather3A_1388] : memref<2x128x128xf32, #tpu.memory_space<vmem>> -> memref<1x128x128xf32, #tpu.memory_space<vmem>>
      %gather3A_1390 = tpu.memref_squeeze %gather3A_1389 : memref<1x128x128xf32, #tpu.memory_space<vmem>> -> memref<128x128xf32, #tpu.memory_space<vmem>>
      %gather3A_1391 = tpu.vector_load_idx %gather3A_1390[%add3A_1305, %add3A_1386] : memref<128x128xf32, #tpu.memory_space<vmem>>[vector<16xi32>, vector<16xi32>], vector<16xf32>,
      %mul3A_1392 = arith.mulf %gather3A_1367, %gather3A_1375 : vector<16xf32>
      %add3A_1393 = arith.addf %add3A_1357, %mul3A_1392 : vector<16xf32>
      %mul3A_1394 = arith.mulf %gather3A_1383, %gather3A_1391 : vector<16xf32>
      %add3A_1395 = arith.addf %add3A_1359, %mul3A_1394 : vector<16xf32>
      %add3A_1396 = arith.constant 4 : i32
      %add3A_1397 = vector.broadcast %add3A_1396 : i32 to vector<16xi32>
      %add3A_1398 = arith.addi %mul3A_1314, %add3A_1397 : vector<16xi32>
      %gather3A_1399 = arith.constant 0 : i32
      %gather3A_1400 = arith.constant 0 : i32
      %gather3A_1401 = tpu.memref_slice %arg12[%scan3A_1180, %gather3A_1399, %gather3A_1400] : memref<2x128x128xf32, #tpu.memory_space<vmem>> -> memref<1x128x128xf32, #tpu.memory_space<vmem>>
      %gather3A_1402 = tpu.memref_squeeze %gather3A_1401 : memref<1x128x128xf32, #tpu.memory_space<vmem>> -> memref<128x128xf32, #tpu.memory_space<vmem>>
      %gather3A_1403 = tpu.vector_load_idx %gather3A_1402[%add3A_1305, %add3A_1398] : memref<128x128xf32, #tpu.memory_space<vmem>>[vector<16xi32>, vector<16xi32>], vector<16xf32>,
      %add3A_1404 = arith.constant 4 : i32
      %add3A_1405 = vector.broadcast %add3A_1404 : i32 to vector<16xi32>
      %add3A_1406 = arith.addi %mul3A_1323, %add3A_1405 : vector<16xi32>
      %gather3A_1407 = arith.constant 0 : i32
      %gather3A_1408 = arith.constant 0 : i32
      %gather3A_1409 = tpu.memref_slice %arg13[%scan3A_1181, %gather3A_1407, %gather3A_1408] : memref<2x128x128xf32, #tpu.memory_space<vmem>> -> memref<1x128x128xf32, #tpu.memory_space<vmem>>
      %gather3A_1410 = tpu.memref_squeeze %gather3A_1409 : memref<1x128x128xf32, #tpu.memory_space<vmem>> -> memref<128x128xf32, #tpu.memory_space<vmem>>
      %gather3A_1411 = tpu.vector_load_idx %gather3A_1410[%add3A_1305, %add3A_1406] : memref<128x128xf32, #tpu.memory_space<vmem>>[vector<16xi32>, vector<16xi32>], vector<16xf32>,
      %add3A_1412 = arith.constant 5 : i32
      %add3A_1413 = vector.broadcast %add3A_1412 : i32 to vector<16xi32>
      %add3A_1414 = arith.addi %mul3A_1314, %add3A_1413 : vector<16xi32>
      %gather3A_1415 = arith.constant 0 : i32
      %gather3A_1416 = arith.constant 0 : i32
      %gather3A_1417 = tpu.memref_slice %arg12[%scan3A_1180, %gather3A_1415, %gather3A_1416] : memref<2x128x128xf32, #tpu.memory_space<vmem>> -> memref<1x128x128xf32, #tpu.memory_space<vmem>>
      %gather3A_1418 = tpu.memref_squeeze %gather3A_1417 : memref<1x128x128xf32, #tpu.memory_space<vmem>> -> memref<128x128xf32, #tpu.memory_space<vmem>>
      %gather3A_1419 = tpu.vector_load_idx %gather3A_1418[%add3A_1305, %add3A_1414] : memref<128x128xf32, #tpu.memory_space<vmem>>[vector<16xi32>, vector<16xi32>], vector<16xf32>,
      %add3A_1420 = arith.constant 5 : i32
      %add3A_1421 = vector.broadcast %add3A_1420 : i32 to vector<16xi32>
      %add3A_1422 = arith.addi %mul3A_1323, %add3A_1421 : vector<16xi32>
      %gather3A_1423 = arith.constant 0 : i32
      %gather3A_1424 = arith.constant 0 : i32
      %gather3A_1425 = tpu.memref_slice %arg13[%scan3A_1181, %gather3A_1423, %gather3A_1424] : memref<2x128x128xf32, #tpu.memory_space<vmem>> -> memref<1x128x128xf32, #tpu.memory_space<vmem>>
      %gather3A_1426 = tpu.memref_squeeze %gather3A_1425 : memref<1x128x128xf32, #tpu.memory_space<vmem>> -> memref<128x128xf32, #tpu.memory_space<vmem>>
      %gather3A_1427 = tpu.vector_load_idx %gather3A_1426[%add3A_1305, %add3A_1422] : memref<128x128xf32, #tpu.memory_space<vmem>>[vector<16xi32>, vector<16xi32>], vector<16xf32>,
      %mul3A_1428 = arith.mulf %gather3A_1403, %gather3A_1411 : vector<16xf32>
      %add3A_1429 = arith.addf %add3A_1393, %mul3A_1428 : vector<16xf32>
      %mul3A_1430 = arith.mulf %gather3A_1419, %gather3A_1427 : vector<16xf32>
      %add3A_1431 = arith.addf %add3A_1395, %mul3A_1430 : vector<16xf32>
      %add3A_1432 = arith.constant 6 : i32
      %add3A_1433 = vector.broadcast %add3A_1432 : i32 to vector<16xi32>
      %add3A_1434 = arith.addi %mul3A_1314, %add3A_1433 : vector<16xi32>
      %gather3A_1435 = arith.constant 0 : i32
      %gather3A_1436 = arith.constant 0 : i32
      %gather3A_1437 = tpu.memref_slice %arg12[%scan3A_1180, %gather3A_1435, %gather3A_1436] : memref<2x128x128xf32, #tpu.memory_space<vmem>> -> memref<1x128x128xf32, #tpu.memory_space<vmem>>
      %gather3A_1438 = tpu.memref_squeeze %gather3A_1437 : memref<1x128x128xf32, #tpu.memory_space<vmem>> -> memref<128x128xf32, #tpu.memory_space<vmem>>
      %gather3A_1439 = tpu.vector_load_idx %gather3A_1438[%add3A_1305, %add3A_1434] : memref<128x128xf32, #tpu.memory_space<vmem>>[vector<16xi32>, vector<16xi32>], vector<16xf32>,
      %add3A_1440 = arith.constant 6 : i32
      %add3A_1441 = vector.broadcast %add3A_1440 : i32 to vector<16xi32>
      %add3A_1442 = arith.addi %mul3A_1323, %add3A_1441 : vector<16xi32>
      %gather3A_1443 = arith.constant 0 : i32
      %gather3A_1444 = arith.constant 0 : i32
      %gather3A_1445 = tpu.memref_slice %arg13[%scan3A_1181, %gather3A_1443, %gather3A_1444] : memref<2x128x128xf32, #tpu.memory_space<vmem>> -> memref<1x128x128xf32, #tpu.memory_space<vmem>>
      %gather3A_1446 = tpu.memref_squeeze %gather3A_1445 : memref<1x128x128xf32, #tpu.memory_space<vmem>> -> memref<128x128xf32, #tpu.memory_space<vmem>>
      %gather3A_1447 = tpu.vector_load_idx %gather3A_1446[%add3A_1305, %add3A_1442] : memref<128x128xf32, #tpu.memory_space<vmem>>[vector<16xi32>, vector<16xi32>], vector<16xf32>,
      %add3A_1448 = arith.constant 7 : i32
      %add3A_1449 = vector.broadcast %add3A_1448 : i32 to vector<16xi32>
      %add3A_1450 = arith.addi %mul3A_1314, %add3A_1449 : vector<16xi32>
      %gather3A_1451 = arith.constant 0 : i32
      %gather3A_1452 = arith.constant 0 : i32
      %gather3A_1453 = tpu.memref_slice %arg12[%scan3A_1180, %gather3A_1451, %gather3A_1452] : memref<2x128x128xf32, #tpu.memory_space<vmem>> -> memref<1x128x128xf32, #tpu.memory_space<vmem>>
      %gather3A_1454 = tpu.memref_squeeze %gather3A_1453 : memref<1x128x128xf32, #tpu.memory_space<vmem>> -> memref<128x128xf32, #tpu.memory_space<vmem>>
      %gather3A_1455 = tpu.vector_load_idx %gather3A_1454[%add3A_1305, %add3A_1450] : memref<128x128xf32, #tpu.memory_space<vmem>>[vector<16xi32>, vector<16xi32>], vector<16xf32>,
      %add3A_1456 = arith.constant 7 : i32
      %add3A_1457 = vector.broadcast %add3A_1456 : i32 to vector<16xi32>
      %add3A_1458 = arith.addi %mul3A_1323, %add3A_1457 : vector<16xi32>
      %gather3A_1459 = arith.constant 0 : i32
      %gather3A_1460 = arith.constant 0 : i32
      %gather3A_1461 = tpu.memref_slice %arg13[%scan3A_1181, %gather3A_1459, %gather3A_1460] : memref<2x128x128xf32, #tpu.memory_space<vmem>> -> memref<1x128x128xf32, #tpu.memory_space<vmem>>
      %gather3A_1462 = tpu.memref_squeeze %gather3A_1461 : memref<1x128x128xf32, #tpu.memory_space<vmem>> -> memref<128x128xf32, #tpu.memory_space<vmem>>
      %gather3A_1463 = tpu.vector_load_idx %gather3A_1462[%add3A_1305, %add3A_1458] : memref<128x128xf32, #tpu.memory_space<vmem>>[vector<16xi32>, vector<16xi32>], vector<16xf32>,
      %mul3A_1464 = arith.mulf %gather3A_1439, %gather3A_1447 : vector<16xf32>
      %add3A_1465 = arith.addf %add3A_1429, %mul3A_1464 : vector<16xf32>
      %mul3A_1466 = arith.mulf %gather3A_1455, %gather3A_1463 : vector<16xf32>
      %add3A_1467 = arith.addf %add3A_1431, %mul3A_1466 : vector<16xf32>
      %add3A_1468 = arith.constant 8 : i32
      %add3A_1469 = vector.broadcast %add3A_1468 : i32 to vector<16xi32>
      %add3A_1470 = arith.addi %mul3A_1314, %add3A_1469 : vector<16xi32>
      %gather3A_1471 = arith.constant 0 : i32
      %gather3A_1472 = arith.constant 0 : i32
      %gather3A_1473 = tpu.memref_slice %arg12[%scan3A_1180, %gather3A_1471, %gather3A_1472] : memref<2x128x128xf32, #tpu.memory_space<vmem>> -> memref<1x128x128xf32, #tpu.memory_space<vmem>>
      %gather3A_1474 = tpu.memref_squeeze %gather3A_1473 : memref<1x128x128xf32, #tpu.memory_space<vmem>> -> memref<128x128xf32, #tpu.memory_space<vmem>>
      %gather3A_1475 = tpu.vector_load_idx %gather3A_1474[%add3A_1305, %add3A_1470] : memref<128x128xf32, #tpu.memory_space<vmem>>[vector<16xi32>, vector<16xi32>], vector<16xf32>,
      %add3A_1476 = arith.constant 8 : i32
      %add3A_1477 = vector.broadcast %add3A_1476 : i32 to vector<16xi32>
      %add3A_1478 = arith.addi %mul3A_1323, %add3A_1477 : vector<16xi32>
      %gather3A_1479 = arith.constant 0 : i32
      %gather3A_1480 = arith.constant 0 : i32
      %gather3A_1481 = tpu.memref_slice %arg13[%scan3A_1181, %gather3A_1479, %gather3A_1480] : memref<2x128x128xf32, #tpu.memory_space<vmem>> -> memref<1x128x128xf32, #tpu.memory_space<vmem>>
      %gather3A_1482 = tpu.memref_squeeze %gather3A_1481 : memref<1x128x128xf32, #tpu.memory_space<vmem>> -> memref<128x128xf32, #tpu.memory_space<vmem>>
      %gather3A_1483 = tpu.vector_load_idx %gather3A_1482[%add3A_1305, %add3A_1478] : memref<128x128xf32, #tpu.memory_space<vmem>>[vector<16xi32>, vector<16xi32>], vector<16xf32>,
      %add3A_1484 = arith.constant 9 : i32
      %add3A_1485 = vector.broadcast %add3A_1484 : i32 to vector<16xi32>
      %add3A_1486 = arith.addi %mul3A_1314, %add3A_1485 : vector<16xi32>
      %gather3A_1487 = arith.constant 0 : i32
      %gather3A_1488 = arith.constant 0 : i32
      %gather3A_1489 = tpu.memref_slice %arg12[%scan3A_1180, %gather3A_1487, %gather3A_1488] : memref<2x128x128xf32, #tpu.memory_space<vmem>> -> memref<1x128x128xf32, #tpu.memory_space<vmem>>
      %gather3A_1490 = tpu.memref_squeeze %gather3A_1489 : memref<1x128x128xf32, #tpu.memory_space<vmem>> -> memref<128x128xf32, #tpu.memory_space<vmem>>
      %gather3A_1491 = tpu.vector_load_idx %gather3A_1490[%add3A_1305, %add3A_1486] : memref<128x128xf32, #tpu.memory_space<vmem>>[vector<16xi32>, vector<16xi32>], vector<16xf32>,
      %add3A_1492 = arith.constant 9 : i32
      %add3A_1493 = vector.broadcast %add3A_1492 : i32 to vector<16xi32>
      %add3A_1494 = arith.addi %mul3A_1323, %add3A_1493 : vector<16xi32>
      %gather3A_1495 = arith.constant 0 : i32
      %gather3A_1496 = arith.constant 0 : i32
      %gather3A_1497 = tpu.memref_slice %arg13[%scan3A_1181, %gather3A_1495, %gather3A_1496] : memref<2x128x128xf32, #tpu.memory_space<vmem>> -> memref<1x128x128xf32, #tpu.memory_space<vmem>>
      %gather3A_1498 = tpu.memref_squeeze %gather3A_1497 : memref<1x128x128xf32, #tpu.memory_space<vmem>> -> memref<128x128xf32, #tpu.memory_space<vmem>>
      %gather3A_1499 = tpu.vector_load_idx %gather3A_1498[%add3A_1305, %add3A_1494] : memref<128x128xf32, #tpu.memory_space<vmem>>[vector<16xi32>, vector<16xi32>], vector<16xf32>,
      %mul3A_1500 = arith.mulf %gather3A_1475, %gather3A_1483 : vector<16xf32>
      %add3A_1501 = arith.addf %add3A_1465, %mul3A_1500 : vector<16xf32>
      %mul3A_1502 = arith.mulf %gather3A_1491, %gather3A_1499 : vector<16xf32>
      %add3A_1503 = arith.addf %add3A_1467, %mul3A_1502 : vector<16xf32>
      %add3A_1504 = arith.constant 10 : i32
      %add3A_1505 = vector.broadcast %add3A_1504 : i32 to vector<16xi32>
      %add3A_1506 = arith.addi %mul3A_1314, %add3A_1505 : vector<16xi32>
      %gather3A_1507 = arith.constant 0 : i32
      %gather3A_1508 = arith.constant 0 : i32
      %gather3A_1509 = tpu.memref_slice %arg12[%scan3A_1180, %gather3A_1507, %gather3A_1508] : memref<2x128x128xf32, #tpu.memory_space<vmem>> -> memref<1x128x128xf32, #tpu.memory_space<vmem>>
      %gather3A_1510 = tpu.memref_squeeze %gather3A_1509 : memref<1x128x128xf32, #tpu.memory_space<vmem>> -> memref<128x128xf32, #tpu.memory_space<vmem>>
      %gather3A_1511 = tpu.vector_load_idx %gather3A_1510[%add3A_1305, %add3A_1506] : memref<128x128xf32, #tpu.memory_space<vmem>>[vector<16xi32>, vector<16xi32>], vector<16xf32>,
      %add3A_1512 = arith.constant 10 : i32
      %add3A_1513 = vector.broadcast %add3A_1512 : i32 to vector<16xi32>
      %add3A_1514 = arith.addi %mul3A_1323, %add3A_1513 : vector<16xi32>
      %gather3A_1515 = arith.constant 0 : i32
      %gather3A_1516 = arith.constant 0 : i32
      %gather3A_1517 = tpu.memref_slice %arg13[%scan3A_1181, %gather3A_1515, %gather3A_1516] : memref<2x128x128xf32, #tpu.memory_space<vmem>> -> memref<1x128x128xf32, #tpu.memory_space<vmem>>
      %gather3A_1518 = tpu.memref_squeeze %gather3A_1517 : memref<1x128x128xf32, #tpu.memory_space<vmem>> -> memref<128x128xf32, #tpu.memory_space<vmem>>
      %gather3A_1519 = tpu.vector_load_idx %gather3A_1518[%add3A_1305, %add3A_1514] : memref<128x128xf32, #tpu.memory_space<vmem>>[vector<16xi32>, vector<16xi32>], vector<16xf32>,
      %add3A_1520 = arith.constant 11 : i32
      %add3A_1521 = vector.broadcast %add3A_1520 : i32 to vector<16xi32>
      %add3A_1522 = arith.addi %mul3A_1314, %add3A_1521 : vector<16xi32>
      %gather3A_1523 = arith.constant 0 : i32
      %gather3A_1524 = arith.constant 0 : i32
      %gather3A_1525 = tpu.memref_slice %arg12[%scan3A_1180, %gather3A_1523, %gather3A_1524] : memref<2x128x128xf32, #tpu.memory_space<vmem>> -> memref<1x128x128xf32, #tpu.memory_space<vmem>>
      %gather3A_1526 = tpu.memref_squeeze %gather3A_1525 : memref<1x128x128xf32, #tpu.memory_space<vmem>> -> memref<128x128xf32, #tpu.memory_space<vmem>>
      %gather3A_1527 = tpu.vector_load_idx %gather3A_1526[%add3A_1305, %add3A_1522] : memref<128x128xf32, #tpu.memory_space<vmem>>[vector<16xi32>, vector<16xi32>], vector<16xf32>,
      %add3A_1528 = arith.constant 11 : i32
      %add3A_1529 = vector.broadcast %add3A_1528 : i32 to vector<16xi32>
      %add3A_1530 = arith.addi %mul3A_1323, %add3A_1529 : vector<16xi32>
      %gather3A_1531 = arith.constant 0 : i32
      %gather3A_1532 = arith.constant 0 : i32
      %gather3A_1533 = tpu.memref_slice %arg13[%scan3A_1181, %gather3A_1531, %gather3A_1532] : memref<2x128x128xf32, #tpu.memory_space<vmem>> -> memref<1x128x128xf32, #tpu.memory_space<vmem>>
      %gather3A_1534 = tpu.memref_squeeze %gather3A_1533 : memref<1x128x128xf32, #tpu.memory_space<vmem>> -> memref<128x128xf32, #tpu.memory_space<vmem>>
      %gather3A_1535 = tpu.vector_load_idx %gather3A_1534[%add3A_1305, %add3A_1530] : memref<128x128xf32, #tpu.memory_space<vmem>>[vector<16xi32>, vector<16xi32>], vector<16xf32>,
      %mul3A_1536 = arith.mulf %gather3A_1511, %gather3A_1519 : vector<16xf32>
      %add3A_1537 = arith.addf %add3A_1501, %mul3A_1536 : vector<16xf32>
      %mul3A_1538 = arith.mulf %gather3A_1527, %gather3A_1535 : vector<16xf32>
      %add3A_1539 = arith.addf %add3A_1503, %mul3A_1538 : vector<16xf32>
      %add3A_1540 = arith.constant 12 : i32
      %add3A_1541 = vector.broadcast %add3A_1540 : i32 to vector<16xi32>
      %add3A_1542 = arith.addi %mul3A_1314, %add3A_1541 : vector<16xi32>
      %gather3A_1543 = arith.constant 0 : i32
      %gather3A_1544 = arith.constant 0 : i32
      %gather3A_1545 = tpu.memref_slice %arg12[%scan3A_1180, %gather3A_1543, %gather3A_1544] : memref<2x128x128xf32, #tpu.memory_space<vmem>> -> memref<1x128x128xf32, #tpu.memory_space<vmem>>
      %gather3A_1546 = tpu.memref_squeeze %gather3A_1545 : memref<1x128x128xf32, #tpu.memory_space<vmem>> -> memref<128x128xf32, #tpu.memory_space<vmem>>
      %gather3A_1547 = tpu.vector_load_idx %gather3A_1546[%add3A_1305, %add3A_1542] : memref<128x128xf32, #tpu.memory_space<vmem>>[vector<16xi32>, vector<16xi32>], vector<16xf32>,
      %add3A_1548 = arith.constant 12 : i32
      %add3A_1549 = vector.broadcast %add3A_1548 : i32 to vector<16xi32>
      %add3A_1550 = arith.addi %mul3A_1323, %add3A_1549 : vector<16xi32>
      %gather3A_1551 = arith.constant 0 : i32
      %gather3A_1552 = arith.constant 0 : i32
      %gather3A_1553 = tpu.memref_slice %arg13[%scan3A_1181, %gather3A_1551, %gather3A_1552] : memref<2x128x128xf32, #tpu.memory_space<vmem>> -> memref<1x128x128xf32, #tpu.memory_space<vmem>>
      %gather3A_1554 = tpu.memref_squeeze %gather3A_1553 : memref<1x128x128xf32, #tpu.memory_space<vmem>> -> memref<128x128xf32, #tpu.memory_space<vmem>>
      %gather3A_1555 = tpu.vector_load_idx %gather3A_1554[%add3A_1305, %add3A_1550] : memref<128x128xf32, #tpu.memory_space<vmem>>[vector<16xi32>, vector<16xi32>], vector<16xf32>,
      %add3A_1556 = arith.constant 13 : i32
      %add3A_1557 = vector.broadcast %add3A_1556 : i32 to vector<16xi32>
      %add3A_1558 = arith.addi %mul3A_1314, %add3A_1557 : vector<16xi32>
      %gather3A_1559 = arith.constant 0 : i32
      %gather3A_1560 = arith.constant 0 : i32
      %gather3A_1561 = tpu.memref_slice %arg12[%scan3A_1180, %gather3A_1559, %gather3A_1560] : memref<2x128x128xf32, #tpu.memory_space<vmem>> -> memref<1x128x128xf32, #tpu.memory_space<vmem>>
      %gather3A_1562 = tpu.memref_squeeze %gather3A_1561 : memref<1x128x128xf32, #tpu.memory_space<vmem>> -> memref<128x128xf32, #tpu.memory_space<vmem>>
      %gather3A_1563 = tpu.vector_load_idx %gather3A_1562[%add3A_1305, %add3A_1558] : memref<128x128xf32, #tpu.memory_space<vmem>>[vector<16xi32>, vector<16xi32>], vector<16xf32>,
      %add3A_1564 = arith.constant 13 : i32
      %add3A_1565 = vector.broadcast %add3A_1564 : i32 to vector<16xi32>
      %add3A_1566 = arith.addi %mul3A_1323, %add3A_1565 : vector<16xi32>
      %gather3A_1567 = arith.constant 0 : i32
      %gather3A_1568 = arith.constant 0 : i32
      %gather3A_1569 = tpu.memref_slice %arg13[%scan3A_1181, %gather3A_1567, %gather3A_1568] : memref<2x128x128xf32, #tpu.memory_space<vmem>> -> memref<1x128x128xf32, #tpu.memory_space<vmem>>
      %gather3A_1570 = tpu.memref_squeeze %gather3A_1569 : memref<1x128x128xf32, #tpu.memory_space<vmem>> -> memref<128x128xf32, #tpu.memory_space<vmem>>
      %gather3A_1571 = tpu.vector_load_idx %gather3A_1570[%add3A_1305, %add3A_1566] : memref<128x128xf32, #tpu.memory_space<vmem>>[vector<16xi32>, vector<16xi32>], vector<16xf32>,
      %mul3A_1572 = arith.mulf %gather3A_1547, %gather3A_1555 : vector<16xf32>
      %add3A_1573 = arith.addf %add3A_1537, %mul3A_1572 : vector<16xf32>
      %mul3A_1574 = arith.mulf %gather3A_1563, %gather3A_1571 : vector<16xf32>
      %add3A_1575 = arith.addf %add3A_1539, %mul3A_1574 : vector<16xf32>
      %add3A_1576 = arith.constant 14 : i32
      %add3A_1577 = vector.broadcast %add3A_1576 : i32 to vector<16xi32>
      %add3A_1578 = arith.addi %mul3A_1314, %add3A_1577 : vector<16xi32>
      %gather3A_1579 = arith.constant 0 : i32
      %gather3A_1580 = arith.constant 0 : i32
      %gather3A_1581 = tpu.memref_slice %arg12[%scan3A_1180, %gather3A_1579, %gather3A_1580] : memref<2x128x128xf32, #tpu.memory_space<vmem>> -> memref<1x128x128xf32, #tpu.memory_space<vmem>>
      %gather3A_1582 = tpu.memref_squeeze %gather3A_1581 : memref<1x128x128xf32, #tpu.memory_space<vmem>> -> memref<128x128xf32, #tpu.memory_space<vmem>>
      %gather3A_1583 = tpu.vector_load_idx %gather3A_1582[%add3A_1305, %add3A_1578] : memref<128x128xf32, #tpu.memory_space<vmem>>[vector<16xi32>, vector<16xi32>], vector<16xf32>,
      %add3A_1584 = arith.constant 14 : i32
      %add3A_1585 = vector.broadcast %add3A_1584 : i32 to vector<16xi32>
      %add3A_1586 = arith.addi %mul3A_1323, %add3A_1585 : vector<16xi32>
      %gather3A_1587 = arith.constant 0 : i32
      %gather3A_1588 = arith.constant 0 : i32
      %gather3A_1589 = tpu.memref_slice %arg13[%scan3A_1181, %gather3A_1587, %gather3A_1588] : memref<2x128x128xf32, #tpu.memory_space<vmem>> -> memref<1x128x128xf32, #tpu.memory_space<vmem>>
      %gather3A_1590 = tpu.memref_squeeze %gather3A_1589 : memref<1x128x128xf32, #tpu.memory_space<vmem>> -> memref<128x128xf32, #tpu.memory_space<vmem>>
      %gather3A_1591 = tpu.vector_load_idx %gather3A_1590[%add3A_1305, %add3A_1586] : memref<128x128xf32, #tpu.memory_space<vmem>>[vector<16xi32>, vector<16xi32>], vector<16xf32>,
      %add3A_1592 = arith.constant 15 : i32
      %add3A_1593 = vector.broadcast %add3A_1592 : i32 to vector<16xi32>
      %add3A_1594 = arith.addi %mul3A_1314, %add3A_1593 : vector<16xi32>
      %gather3A_1595 = arith.constant 0 : i32
      %gather3A_1596 = arith.constant 0 : i32
      %gather3A_1597 = tpu.memref_slice %arg12[%scan3A_1180, %gather3A_1595, %gather3A_1596] : memref<2x128x128xf32, #tpu.memory_space<vmem>> -> memref<1x128x128xf32, #tpu.memory_space<vmem>>
      %gather3A_1598 = tpu.memref_squeeze %gather3A_1597 : memref<1x128x128xf32, #tpu.memory_space<vmem>> -> memref<128x128xf32, #tpu.memory_space<vmem>>
      %gather3A_1599 = tpu.vector_load_idx %gather3A_1598[%add3A_1305, %add3A_1594] : memref<128x128xf32, #tpu.memory_space<vmem>>[vector<16xi32>, vector<16xi32>], vector<16xf32>,
      %add3A_1600 = arith.constant 15 : i32
      %add3A_1601 = vector.broadcast %add3A_1600 : i32 to vector<16xi32>
      %add3A_1602 = arith.addi %mul3A_1323, %add3A_1601 : vector<16xi32>
      %gather3A_1603 = arith.constant 0 : i32
      %gather3A_1604 = arith.constant 0 : i32
      %gather3A_1605 = tpu.memref_slice %arg13[%scan3A_1181, %gather3A_1603, %gather3A_1604] : memref<2x128x128xf32, #tpu.memory_space<vmem>> -> memref<1x128x128xf32, #tpu.memory_space<vmem>>
      %gather3A_1606 = tpu.memref_squeeze %gather3A_1605 : memref<1x128x128xf32, #tpu.memory_space<vmem>> -> memref<128x128xf32, #tpu.memory_space<vmem>>
      %gather3A_1607 = tpu.vector_load_idx %gather3A_1606[%add3A_1305, %add3A_1602] : memref<128x128xf32, #tpu.memory_space<vmem>>[vector<16xi32>, vector<16xi32>], vector<16xf32>,
      %mul3A_1608 = arith.mulf %gather3A_1583, %gather3A_1591 : vector<16xf32>
      %add3A_1609 = arith.addf %add3A_1573, %mul3A_1608 : vector<16xf32>
      %mul3A_1610 = arith.mulf %gather3A_1599, %gather3A_1607 : vector<16xf32>
      %add3A_1611 = arith.addf %add3A_1575, %mul3A_1610 : vector<16xf32>
      %add3A_1612 = arith.constant 16 : i32
      %add3A_1613 = vector.broadcast %add3A_1612 : i32 to vector<16xi32>
      %add3A_1614 = arith.addi %mul3A_1314, %add3A_1613 : vector<16xi32>
      %gather3A_1615 = arith.constant 0 : i32
      %gather3A_1616 = arith.constant 0 : i32
      %gather3A_1617 = tpu.memref_slice %arg12[%scan3A_1180, %gather3A_1615, %gather3A_1616] : memref<2x128x128xf32, #tpu.memory_space<vmem>> -> memref<1x128x128xf32, #tpu.memory_space<vmem>>
      %gather3A_1618 = tpu.memref_squeeze %gather3A_1617 : memref<1x128x128xf32, #tpu.memory_space<vmem>> -> memref<128x128xf32, #tpu.memory_space<vmem>>
      %gather3A_1619 = tpu.vector_load_idx %gather3A_1618[%add3A_1305, %add3A_1614] : memref<128x128xf32, #tpu.memory_space<vmem>>[vector<16xi32>, vector<16xi32>], vector<16xf32>,
      %add3A_1620 = arith.constant 16 : i32
      %add3A_1621 = vector.broadcast %add3A_1620 : i32 to vector<16xi32>
      %add3A_1622 = arith.addi %mul3A_1323, %add3A_1621 : vector<16xi32>
      %gather3A_1623 = arith.constant 0 : i32
      %gather3A_1624 = arith.constant 0 : i32
      %gather3A_1625 = tpu.memref_slice %arg13[%scan3A_1181, %gather3A_1623, %gather3A_1624] : memref<2x128x128xf32, #tpu.memory_space<vmem>> -> memref<1x128x128xf32, #tpu.memory_space<vmem>>
      %gather3A_1626 = tpu.memref_squeeze %gather3A_1625 : memref<1x128x128xf32, #tpu.memory_space<vmem>> -> memref<128x128xf32, #tpu.memory_space<vmem>>
      %gather3A_1627 = tpu.vector_load_idx %gather3A_1626[%add3A_1305, %add3A_1622] : memref<128x128xf32, #tpu.memory_space<vmem>>[vector<16xi32>, vector<16xi32>], vector<16xf32>,
      %add3A_1628 = arith.constant 17 : i32
      %add3A_1629 = vector.broadcast %add3A_1628 : i32 to vector<16xi32>
      %add3A_1630 = arith.addi %mul3A_1314, %add3A_1629 : vector<16xi32>
      %gather3A_1631 = arith.constant 0 : i32
      %gather3A_1632 = arith.constant 0 : i32
      %gather3A_1633 = tpu.memref_slice %arg12[%scan3A_1180, %gather3A_1631, %gather3A_1632] : memref<2x128x128xf32, #tpu.memory_space<vmem>> -> memref<1x128x128xf32, #tpu.memory_space<vmem>>
      %gather3A_1634 = tpu.memref_squeeze %gather3A_1633 : memref<1x128x128xf32, #tpu.memory_space<vmem>> -> memref<128x128xf32, #tpu.memory_space<vmem>>
      %gather3A_1635 = tpu.vector_load_idx %gather3A_1634[%add3A_1305, %add3A_1630] : memref<128x128xf32, #tpu.memory_space<vmem>>[vector<16xi32>, vector<16xi32>], vector<16xf32>,
      %add3A_1636 = arith.constant 17 : i32
      %add3A_1637 = vector.broadcast %add3A_1636 : i32 to vector<16xi32>
      %add3A_1638 = arith.addi %mul3A_1323, %add3A_1637 : vector<16xi32>
      %gather3A_1639 = arith.constant 0 : i32
      %gather3A_1640 = arith.constant 0 : i32
      %gather3A_1641 = tpu.memref_slice %arg13[%scan3A_1181, %gather3A_1639, %gather3A_1640] : memref<2x128x128xf32, #tpu.memory_space<vmem>> -> memref<1x128x128xf32, #tpu.memory_space<vmem>>
      %gather3A_1642 = tpu.memref_squeeze %gather3A_1641 : memref<1x128x128xf32, #tpu.memory_space<vmem>> -> memref<128x128xf32, #tpu.memory_space<vmem>>
      %gather3A_1643 = tpu.vector_load_idx %gather3A_1642[%add3A_1305, %add3A_1638] : memref<128x128xf32, #tpu.memory_space<vmem>>[vector<16xi32>, vector<16xi32>], vector<16xf32>,
      %mul3A_1644 = arith.mulf %gather3A_1619, %gather3A_1627 : vector<16xf32>
      %add3A_1645 = arith.addf %add3A_1609, %mul3A_1644 : vector<16xf32>
      %mul3A_1646 = arith.mulf %gather3A_1635, %gather3A_1643 : vector<16xf32>
      %add3A_1647 = arith.addf %add3A_1611, %mul3A_1646 : vector<16xf32>
      %add3A_1648 = arith.constant 18 : i32
      %add3A_1649 = vector.broadcast %add3A_1648 : i32 to vector<16xi32>
      %add3A_1650 = arith.addi %mul3A_1314, %add3A_1649 : vector<16xi32>
      %gather3A_1651 = arith.constant 0 : i32
      %gather3A_1652 = arith.constant 0 : i32
      %gather3A_1653 = tpu.memref_slice %arg12[%scan3A_1180, %gather3A_1651, %gather3A_1652] : memref<2x128x128xf32, #tpu.memory_space<vmem>> -> memref<1x128x128xf32, #tpu.memory_space<vmem>>
      %gather3A_1654 = tpu.memref_squeeze %gather3A_1653 : memref<1x128x128xf32, #tpu.memory_space<vmem>> -> memref<128x128xf32, #tpu.memory_space<vmem>>
      %gather3A_1655 = tpu.vector_load_idx %gather3A_1654[%add3A_1305, %add3A_1650] : memref<128x128xf32, #tpu.memory_space<vmem>>[vector<16xi32>, vector<16xi32>], vector<16xf32>,
      %add3A_1656 = arith.constant 18 : i32
      %add3A_1657 = vector.broadcast %add3A_1656 : i32 to vector<16xi32>
      %add3A_1658 = arith.addi %mul3A_1323, %add3A_1657 : vector<16xi32>
      %gather3A_1659 = arith.constant 0 : i32
      %gather3A_1660 = arith.constant 0 : i32
      %gather3A_1661 = tpu.memref_slice %arg13[%scan3A_1181, %gather3A_1659, %gather3A_1660] : memref<2x128x128xf32, #tpu.memory_space<vmem>> -> memref<1x128x128xf32, #tpu.memory_space<vmem>>
      %gather3A_1662 = tpu.memref_squeeze %gather3A_1661 : memref<1x128x128xf32, #tpu.memory_space<vmem>> -> memref<128x128xf32, #tpu.memory_space<vmem>>
      %gather3A_1663 = tpu.vector_load_idx %gather3A_1662[%add3A_1305, %add3A_1658] : memref<128x128xf32, #tpu.memory_space<vmem>>[vector<16xi32>, vector<16xi32>], vector<16xf32>,
      %add3A_1664 = arith.constant 19 : i32
      %add3A_1665 = vector.broadcast %add3A_1664 : i32 to vector<16xi32>
      %add3A_1666 = arith.addi %mul3A_1314, %add3A_1665 : vector<16xi32>
      %gather3A_1667 = arith.constant 0 : i32
      %gather3A_1668 = arith.constant 0 : i32
      %gather3A_1669 = tpu.memref_slice %arg12[%scan3A_1180, %gather3A_1667, %gather3A_1668] : memref<2x128x128xf32, #tpu.memory_space<vmem>> -> memref<1x128x128xf32, #tpu.memory_space<vmem>>
      %gather3A_1670 = tpu.memref_squeeze %gather3A_1669 : memref<1x128x128xf32, #tpu.memory_space<vmem>> -> memref<128x128xf32, #tpu.memory_space<vmem>>
      %gather3A_1671 = tpu.vector_load_idx %gather3A_1670[%add3A_1305, %add3A_1666] : memref<128x128xf32, #tpu.memory_space<vmem>>[vector<16xi32>, vector<16xi32>], vector<16xf32>,
      %add3A_1672 = arith.constant 19 : i32
      %add3A_1673 = vector.broadcast %add3A_1672 : i32 to vector<16xi32>
      %add3A_1674 = arith.addi %mul3A_1323, %add3A_1673 : vector<16xi32>
      %gather3A_1675 = arith.constant 0 : i32
      %gather3A_1676 = arith.constant 0 : i32
      %gather3A_1677 = tpu.memref_slice %arg13[%scan3A_1181, %gather3A_1675, %gather3A_1676] : memref<2x128x128xf32, #tpu.memory_space<vmem>> -> memref<1x128x128xf32, #tpu.memory_space<vmem>>
      %gather3A_1678 = tpu.memref_squeeze %gather3A_1677 : memref<1x128x128xf32, #tpu.memory_space<vmem>> -> memref<128x128xf32, #tpu.memory_space<vmem>>
      %gather3A_1679 = tpu.vector_load_idx %gather3A_1678[%add3A_1305, %add3A_1674] : memref<128x128xf32, #tpu.memory_space<vmem>>[vector<16xi32>, vector<16xi32>], vector<16xf32>,
      %mul3A_1680 = arith.mulf %gather3A_1655, %gather3A_1663 : vector<16xf32>
      %add3A_1681 = arith.addf %add3A_1645, %mul3A_1680 : vector<16xf32>
      %mul3A_1682 = arith.mulf %gather3A_1671, %gather3A_1679 : vector<16xf32>
      %add3A_1683 = arith.addf %add3A_1647, %mul3A_1682 : vector<16xf32>
      %add3A_1684 = arith.constant 20 : i32
      %add3A_1685 = vector.broadcast %add3A_1684 : i32 to vector<16xi32>
      %add3A_1686 = arith.addi %mul3A_1314, %add3A_1685 : vector<16xi32>
      %gather3A_1687 = arith.constant 0 : i32
      %gather3A_1688 = arith.constant 0 : i32
      %gather3A_1689 = tpu.memref_slice %arg12[%scan3A_1180, %gather3A_1687, %gather3A_1688] : memref<2x128x128xf32, #tpu.memory_space<vmem>> -> memref<1x128x128xf32, #tpu.memory_space<vmem>>
      %gather3A_1690 = tpu.memref_squeeze %gather3A_1689 : memref<1x128x128xf32, #tpu.memory_space<vmem>> -> memref<128x128xf32, #tpu.memory_space<vmem>>
      %gather3A_1691 = tpu.vector_load_idx %gather3A_1690[%add3A_1305, %add3A_1686] : memref<128x128xf32, #tpu.memory_space<vmem>>[vector<16xi32>, vector<16xi32>], vector<16xf32>,
      %add3A_1692 = arith.constant 20 : i32
      %add3A_1693 = vector.broadcast %add3A_1692 : i32 to vector<16xi32>
      %add3A_1694 = arith.addi %mul3A_1323, %add3A_1693 : vector<16xi32>
      %gather3A_1695 = arith.constant 0 : i32
      %gather3A_1696 = arith.constant 0 : i32
      %gather3A_1697 = tpu.memref_slice %arg13[%scan3A_1181, %gather3A_1695, %gather3A_1696] : memref<2x128x128xf32, #tpu.memory_space<vmem>> -> memref<1x128x128xf32, #tpu.memory_space<vmem>>
      %gather3A_1698 = tpu.memref_squeeze %gather3A_1697 : memref<1x128x128xf32, #tpu.memory_space<vmem>> -> memref<128x128xf32, #tpu.memory_space<vmem>>
      %gather3A_1699 = tpu.vector_load_idx %gather3A_1698[%add3A_1305, %add3A_1694] : memref<128x128xf32, #tpu.memory_space<vmem>>[vector<16xi32>, vector<16xi32>], vector<16xf32>,
      %add3A_1700 = arith.constant 21 : i32
      %add3A_1701 = vector.broadcast %add3A_1700 : i32 to vector<16xi32>
      %add3A_1702 = arith.addi %mul3A_1314, %add3A_1701 : vector<16xi32>
      %gather3A_1703 = arith.constant 0 : i32
      %gather3A_1704 = arith.constant 0 : i32
      %gather3A_1705 = tpu.memref_slice %arg12[%scan3A_1180, %gather3A_1703, %gather3A_1704] : memref<2x128x128xf32, #tpu.memory_space<vmem>> -> memref<1x128x128xf32, #tpu.memory_space<vmem>>
      %gather3A_1706 = tpu.memref_squeeze %gather3A_1705 : memref<1x128x128xf32, #tpu.memory_space<vmem>> -> memref<128x128xf32, #tpu.memory_space<vmem>>
      %gather3A_1707 = tpu.vector_load_idx %gather3A_1706[%add3A_1305, %add3A_1702] : memref<128x128xf32, #tpu.memory_space<vmem>>[vector<16xi32>, vector<16xi32>], vector<16xf32>,
      %add3A_1708 = arith.constant 21 : i32
      %add3A_1709 = vector.broadcast %add3A_1708 : i32 to vector<16xi32>
      %add3A_1710 = arith.addi %mul3A_1323, %add3A_1709 : vector<16xi32>
      %gather3A_1711 = arith.constant 0 : i32
      %gather3A_1712 = arith.constant 0 : i32
      %gather3A_1713 = tpu.memref_slice %arg13[%scan3A_1181, %gather3A_1711, %gather3A_1712] : memref<2x128x128xf32, #tpu.memory_space<vmem>> -> memref<1x128x128xf32, #tpu.memory_space<vmem>>
      %gather3A_1714 = tpu.memref_squeeze %gather3A_1713 : memref<1x128x128xf32, #tpu.memory_space<vmem>> -> memref<128x128xf32, #tpu.memory_space<vmem>>
      %gather3A_1715 = tpu.vector_load_idx %gather3A_1714[%add3A_1305, %add3A_1710] : memref<128x128xf32, #tpu.memory_space<vmem>>[vector<16xi32>, vector<16xi32>], vector<16xf32>,
      %mul3A_1716 = arith.mulf %gather3A_1691, %gather3A_1699 : vector<16xf32>
      %add3A_1717 = arith.addf %add3A_1681, %mul3A_1716 : vector<16xf32>
      %mul3A_1718 = arith.mulf %gather3A_1707, %gather3A_1715 : vector<16xf32>
      %add3A_1719 = arith.addf %add3A_1683, %mul3A_1718 : vector<16xf32>
      %add3A_1720 = arith.constant 22 : i32
      %add3A_1721 = vector.broadcast %add3A_1720 : i32 to vector<16xi32>
      %add3A_1722 = arith.addi %mul3A_1314, %add3A_1721 : vector<16xi32>
      %gather3A_1723 = arith.constant 0 : i32
      %gather3A_1724 = arith.constant 0 : i32
      %gather3A_1725 = tpu.memref_slice %arg12[%scan3A_1180, %gather3A_1723, %gather3A_1724] : memref<2x128x128xf32, #tpu.memory_space<vmem>> -> memref<1x128x128xf32, #tpu.memory_space<vmem>>
      %gather3A_1726 = tpu.memref_squeeze %gather3A_1725 : memref<1x128x128xf32, #tpu.memory_space<vmem>> -> memref<128x128xf32, #tpu.memory_space<vmem>>
      %gather3A_1727 = tpu.vector_load_idx %gather3A_1726[%add3A_1305, %add3A_1722] : memref<128x128xf32, #tpu.memory_space<vmem>>[vector<16xi32>, vector<16xi32>], vector<16xf32>,
      %add3A_1728 = arith.constant 22 : i32
      %add3A_1729 = vector.broadcast %add3A_1728 : i32 to vector<16xi32>
      %add3A_1730 = arith.addi %mul3A_1323, %add3A_1729 : vector<16xi32>
      %gather3A_1731 = arith.constant 0 : i32
      %gather3A_1732 = arith.constant 0 : i32
      %gather3A_1733 = tpu.memref_slice %arg13[%scan3A_1181, %gather3A_1731, %gather3A_1732] : memref<2x128x128xf32, #tpu.memory_space<vmem>> -> memref<1x128x128xf32, #tpu.memory_space<vmem>>
      %gather3A_1734 = tpu.memref_squeeze %gather3A_1733 : memref<1x128x128xf32, #tpu.memory_space<vmem>> -> memref<128x128xf32, #tpu.memory_space<vmem>>
      %gather3A_1735 = tpu.vector_load_idx %gather3A_1734[%add3A_1305, %add3A_1730] : memref<128x128xf32, #tpu.memory_space<vmem>>[vector<16xi32>, vector<16xi32>], vector<16xf32>,
      %add3A_1736 = arith.constant 23 : i32
      %add3A_1737 = vector.broadcast %add3A_1736 : i32 to vector<16xi32>
      %add3A_1738 = arith.addi %mul3A_1314, %add3A_1737 : vector<16xi32>
      %gather3A_1739 = arith.constant 0 : i32
      %gather3A_1740 = arith.constant 0 : i32
      %gather3A_1741 = tpu.memref_slice %arg12[%scan3A_1180, %gather3A_1739, %gather3A_1740] : memref<2x128x128xf32, #tpu.memory_space<vmem>> -> memref<1x128x128xf32, #tpu.memory_space<vmem>>
      %gather3A_1742 = tpu.memref_squeeze %gather3A_1741 : memref<1x128x128xf32, #tpu.memory_space<vmem>> -> memref<128x128xf32, #tpu.memory_space<vmem>>
      %gather3A_1743 = tpu.vector_load_idx %gather3A_1742[%add3A_1305, %add3A_1738] : memref<128x128xf32, #tpu.memory_space<vmem>>[vector<16xi32>, vector<16xi32>], vector<16xf32>,
      %add3A_1744 = arith.constant 23 : i32
      %add3A_1745 = vector.broadcast %add3A_1744 : i32 to vector<16xi32>
      %add3A_1746 = arith.addi %mul3A_1323, %add3A_1745 : vector<16xi32>
      %gather3A_1747 = arith.constant 0 : i32
      %gather3A_1748 = arith.constant 0 : i32
      %gather3A_1749 = tpu.memref_slice %arg13[%scan3A_1181, %gather3A_1747, %gather3A_1748] : memref<2x128x128xf32, #tpu.memory_space<vmem>> -> memref<1x128x128xf32, #tpu.memory_space<vmem>>
      %gather3A_1750 = tpu.memref_squeeze %gather3A_1749 : memref<1x128x128xf32, #tpu.memory_space<vmem>> -> memref<128x128xf32, #tpu.memory_space<vmem>>
      %gather3A_1751 = tpu.vector_load_idx %gather3A_1750[%add3A_1305, %add3A_1746] : memref<128x128xf32, #tpu.memory_space<vmem>>[vector<16xi32>, vector<16xi32>], vector<16xf32>,
      %mul3A_1752 = arith.mulf %gather3A_1727, %gather3A_1735 : vector<16xf32>
      %add3A_1753 = arith.addf %add3A_1717, %mul3A_1752 : vector<16xf32>
      %mul3A_1754 = arith.mulf %gather3A_1743, %gather3A_1751 : vector<16xf32>
      %add3A_1755 = arith.addf %add3A_1719, %mul3A_1754 : vector<16xf32>
      %add3A_1756 = arith.constant 24 : i32
      %add3A_1757 = vector.broadcast %add3A_1756 : i32 to vector<16xi32>
      %add3A_1758 = arith.addi %mul3A_1314, %add3A_1757 : vector<16xi32>
      %gather3A_1759 = arith.constant 0 : i32
      %gather3A_1760 = arith.constant 0 : i32
      %gather3A_1761 = tpu.memref_slice %arg12[%scan3A_1180, %gather3A_1759, %gather3A_1760] : memref<2x128x128xf32, #tpu.memory_space<vmem>> -> memref<1x128x128xf32, #tpu.memory_space<vmem>>
      %gather3A_1762 = tpu.memref_squeeze %gather3A_1761 : memref<1x128x128xf32, #tpu.memory_space<vmem>> -> memref<128x128xf32, #tpu.memory_space<vmem>>
      %gather3A_1763 = tpu.vector_load_idx %gather3A_1762[%add3A_1305, %add3A_1758] : memref<128x128xf32, #tpu.memory_space<vmem>>[vector<16xi32>, vector<16xi32>], vector<16xf32>,
      %add3A_1764 = arith.constant 24 : i32
      %add3A_1765 = vector.broadcast %add3A_1764 : i32 to vector<16xi32>
      %add3A_1766 = arith.addi %mul3A_1323, %add3A_1765 : vector<16xi32>
      %gather3A_1767 = arith.constant 0 : i32
      %gather3A_1768 = arith.constant 0 : i32
      %gather3A_1769 = tpu.memref_slice %arg13[%scan3A_1181, %gather3A_1767, %gather3A_1768] : memref<2x128x128xf32, #tpu.memory_space<vmem>> -> memref<1x128x128xf32, #tpu.memory_space<vmem>>
      %gather3A_1770 = tpu.memref_squeeze %gather3A_1769 : memref<1x128x128xf32, #tpu.memory_space<vmem>> -> memref<128x128xf32, #tpu.memory_space<vmem>>
      %gather3A_1771 = tpu.vector_load_idx %gather3A_1770[%add3A_1305, %add3A_1766] : memref<128x128xf32, #tpu.memory_space<vmem>>[vector<16xi32>, vector<16xi32>], vector<16xf32>,
      %add3A_1772 = arith.constant 25 : i32
      %add3A_1773 = vector.broadcast %add3A_1772 : i32 to vector<16xi32>
      %add3A_1774 = arith.addi %mul3A_1314, %add3A_1773 : vector<16xi32>
      %gather3A_1775 = arith.constant 0 : i32
      %gather3A_1776 = arith.constant 0 : i32
      %gather3A_1777 = tpu.memref_slice %arg12[%scan3A_1180, %gather3A_1775, %gather3A_1776] : memref<2x128x128xf32, #tpu.memory_space<vmem>> -> memref<1x128x128xf32, #tpu.memory_space<vmem>>
      %gather3A_1778 = tpu.memref_squeeze %gather3A_1777 : memref<1x128x128xf32, #tpu.memory_space<vmem>> -> memref<128x128xf32, #tpu.memory_space<vmem>>
      %gather3A_1779 = tpu.vector_load_idx %gather3A_1778[%add3A_1305, %add3A_1774] : memref<128x128xf32, #tpu.memory_space<vmem>>[vector<16xi32>, vector<16xi32>], vector<16xf32>,
      %add3A_1780 = arith.constant 25 : i32
      %add3A_1781 = vector.broadcast %add3A_1780 : i32 to vector<16xi32>
      %add3A_1782 = arith.addi %mul3A_1323, %add3A_1781 : vector<16xi32>
      %gather3A_1783 = arith.constant 0 : i32
      %gather3A_1784 = arith.constant 0 : i32
      %gather3A_1785 = tpu.memref_slice %arg13[%scan3A_1181, %gather3A_1783, %gather3A_1784] : memref<2x128x128xf32, #tpu.memory_space<vmem>> -> memref<1x128x128xf32, #tpu.memory_space<vmem>>
      %gather3A_1786 = tpu.memref_squeeze %gather3A_1785 : memref<1x128x128xf32, #tpu.memory_space<vmem>> -> memref<128x128xf32, #tpu.memory_space<vmem>>
      %gather3A_1787 = tpu.vector_load_idx %gather3A_1786[%add3A_1305, %add3A_1782] : memref<128x128xf32, #tpu.memory_space<vmem>>[vector<16xi32>, vector<16xi32>], vector<16xf32>,
      %mul3A_1788 = arith.mulf %gather3A_1763, %gather3A_1771 : vector<16xf32>
      %add3A_1789 = arith.addf %add3A_1753, %mul3A_1788 : vector<16xf32>
      %mul3A_1790 = arith.mulf %gather3A_1779, %gather3A_1787 : vector<16xf32>
      %add3A_1791 = arith.addf %add3A_1755, %mul3A_1790 : vector<16xf32>
      %add3A_1792 = arith.constant 26 : i32
      %add3A_1793 = vector.broadcast %add3A_1792 : i32 to vector<16xi32>
      %add3A_1794 = arith.addi %mul3A_1314, %add3A_1793 : vector<16xi32>
      %gather3A_1795 = arith.constant 0 : i32
      %gather3A_1796 = arith.constant 0 : i32
      %gather3A_1797 = tpu.memref_slice %arg12[%scan3A_1180, %gather3A_1795, %gather3A_1796] : memref<2x128x128xf32, #tpu.memory_space<vmem>> -> memref<1x128x128xf32, #tpu.memory_space<vmem>>
      %gather3A_1798 = tpu.memref_squeeze %gather3A_1797 : memref<1x128x128xf32, #tpu.memory_space<vmem>> -> memref<128x128xf32, #tpu.memory_space<vmem>>
      %gather3A_1799 = tpu.vector_load_idx %gather3A_1798[%add3A_1305, %add3A_1794] : memref<128x128xf32, #tpu.memory_space<vmem>>[vector<16xi32>, vector<16xi32>], vector<16xf32>,
      %add3A_1800 = arith.constant 26 : i32
      %add3A_1801 = vector.broadcast %add3A_1800 : i32 to vector<16xi32>
      %add3A_1802 = arith.addi %mul3A_1323, %add3A_1801 : vector<16xi32>
      %gather3A_1803 = arith.constant 0 : i32
      %gather3A_1804 = arith.constant 0 : i32
      %gather3A_1805 = tpu.memref_slice %arg13[%scan3A_1181, %gather3A_1803, %gather3A_1804] : memref<2x128x128xf32, #tpu.memory_space<vmem>> -> memref<1x128x128xf32, #tpu.memory_space<vmem>>
      %gather3A_1806 = tpu.memref_squeeze %gather3A_1805 : memref<1x128x128xf32, #tpu.memory_space<vmem>> -> memref<128x128xf32, #tpu.memory_space<vmem>>
      %gather3A_1807 = tpu.vector_load_idx %gather3A_1806[%add3A_1305, %add3A_1802] : memref<128x128xf32, #tpu.memory_space<vmem>>[vector<16xi32>, vector<16xi32>], vector<16xf32>,
      %add3A_1808 = arith.constant 27 : i32
      %add3A_1809 = vector.broadcast %add3A_1808 : i32 to vector<16xi32>
      %add3A_1810 = arith.addi %mul3A_1314, %add3A_1809 : vector<16xi32>
      %gather3A_1811 = arith.constant 0 : i32
      %gather3A_1812 = arith.constant 0 : i32
      %gather3A_1813 = tpu.memref_slice %arg12[%scan3A_1180, %gather3A_1811, %gather3A_1812] : memref<2x128x128xf32, #tpu.memory_space<vmem>> -> memref<1x128x128xf32, #tpu.memory_space<vmem>>
      %gather3A_1814 = tpu.memref_squeeze %gather3A_1813 : memref<1x128x128xf32, #tpu.memory_space<vmem>> -> memref<128x128xf32, #tpu.memory_space<vmem>>
      %gather3A_1815 = tpu.vector_load_idx %gather3A_1814[%add3A_1305, %add3A_1810] : memref<128x128xf32, #tpu.memory_space<vmem>>[vector<16xi32>, vector<16xi32>], vector<16xf32>,
      %add3A_1816 = arith.constant 27 : i32
      %add3A_1817 = vector.broadcast %add3A_1816 : i32 to vector<16xi32>
      %add3A_1818 = arith.addi %mul3A_1323, %add3A_1817 : vector<16xi32>
      %gather3A_1819 = arith.constant 0 : i32
      %gather3A_1820 = arith.constant 0 : i32
      %gather3A_1821 = tpu.memref_slice %arg13[%scan3A_1181, %gather3A_1819, %gather3A_1820] : memref<2x128x128xf32, #tpu.memory_space<vmem>> -> memref<1x128x128xf32, #tpu.memory_space<vmem>>
      %gather3A_1822 = tpu.memref_squeeze %gather3A_1821 : memref<1x128x128xf32, #tpu.memory_space<vmem>> -> memref<128x128xf32, #tpu.memory_space<vmem>>
      %gather3A_1823 = tpu.vector_load_idx %gather3A_1822[%add3A_1305, %add3A_1818] : memref<128x128xf32, #tpu.memory_space<vmem>>[vector<16xi32>, vector<16xi32>], vector<16xf32>,
      %mul3A_1824 = arith.mulf %gather3A_1799, %gather3A_1807 : vector<16xf32>
      %add3A_1825 = arith.addf %add3A_1789, %mul3A_1824 : vector<16xf32>
      %mul3A_1826 = arith.mulf %gather3A_1815, %gather3A_1823 : vector<16xf32>
      %add3A_1827 = arith.addf %add3A_1791, %mul3A_1826 : vector<16xf32>
      %add3A_1828 = arith.constant 28 : i32
      %add3A_1829 = vector.broadcast %add3A_1828 : i32 to vector<16xi32>
      %add3A_1830 = arith.addi %mul3A_1314, %add3A_1829 : vector<16xi32>
      %gather3A_1831 = arith.constant 0 : i32
      %gather3A_1832 = arith.constant 0 : i32
      %gather3A_1833 = tpu.memref_slice %arg12[%scan3A_1180, %gather3A_1831, %gather3A_1832] : memref<2x128x128xf32, #tpu.memory_space<vmem>> -> memref<1x128x128xf32, #tpu.memory_space<vmem>>
      %gather3A_1834 = tpu.memref_squeeze %gather3A_1833 : memref<1x128x128xf32, #tpu.memory_space<vmem>> -> memref<128x128xf32, #tpu.memory_space<vmem>>
      %gather3A_1835 = tpu.vector_load_idx %gather3A_1834[%add3A_1305, %add3A_1830] : memref<128x128xf32, #tpu.memory_space<vmem>>[vector<16xi32>, vector<16xi32>], vector<16xf32>,
      %add3A_1836 = arith.constant 28 : i32
      %add3A_1837 = vector.broadcast %add3A_1836 : i32 to vector<16xi32>
      %add3A_1838 = arith.addi %mul3A_1323, %add3A_1837 : vector<16xi32>
      %gather3A_1839 = arith.constant 0 : i32
      %gather3A_1840 = arith.constant 0 : i32
      %gather3A_1841 = tpu.memref_slice %arg13[%scan3A_1181, %gather3A_1839, %gather3A_1840] : memref<2x128x128xf32, #tpu.memory_space<vmem>> -> memref<1x128x128xf32, #tpu.memory_space<vmem>>
      %gather3A_1842 = tpu.memref_squeeze %gather3A_1841 : memref<1x128x128xf32, #tpu.memory_space<vmem>> -> memref<128x128xf32, #tpu.memory_space<vmem>>
      %gather3A_1843 = tpu.vector_load_idx %gather3A_1842[%add3A_1305, %add3A_1838] : memref<128x128xf32, #tpu.memory_space<vmem>>[vector<16xi32>, vector<16xi32>], vector<16xf32>,
      %add3A_1844 = arith.constant 29 : i32
      %add3A_1845 = vector.broadcast %add3A_1844 : i32 to vector<16xi32>
      %add3A_1846 = arith.addi %mul3A_1314, %add3A_1845 : vector<16xi32>
      %gather3A_1847 = arith.constant 0 : i32
      %gather3A_1848 = arith.constant 0 : i32
      %gather3A_1849 = tpu.memref_slice %arg12[%scan3A_1180, %gather3A_1847, %gather3A_1848] : memref<2x128x128xf32, #tpu.memory_space<vmem>> -> memref<1x128x128xf32, #tpu.memory_space<vmem>>
      %gather3A_1850 = tpu.memref_squeeze %gather3A_1849 : memref<1x128x128xf32, #tpu.memory_space<vmem>> -> memref<128x128xf32, #tpu.memory_space<vmem>>
      %gather3A_1851 = tpu.vector_load_idx %gather3A_1850[%add3A_1305, %add3A_1846] : memref<128x128xf32, #tpu.memory_space<vmem>>[vector<16xi32>, vector<16xi32>], vector<16xf32>,
      %add3A_1852 = arith.constant 29 : i32
      %add3A_1853 = vector.broadcast %add3A_1852 : i32 to vector<16xi32>
      %add3A_1854 = arith.addi %mul3A_1323, %add3A_1853 : vector<16xi32>
      %gather3A_1855 = arith.constant 0 : i32
      %gather3A_1856 = arith.constant 0 : i32
      %gather3A_1857 = tpu.memref_slice %arg13[%scan3A_1181, %gather3A_1855, %gather3A_1856] : memref<2x128x128xf32, #tpu.memory_space<vmem>> -> memref<1x128x128xf32, #tpu.memory_space<vmem>>
      %gather3A_1858 = tpu.memref_squeeze %gather3A_1857 : memref<1x128x128xf32, #tpu.memory_space<vmem>> -> memref<128x128xf32, #tpu.memory_space<vmem>>
      %gather3A_1859 = tpu.vector_load_idx %gather3A_1858[%add3A_1305, %add3A_1854] : memref<128x128xf32, #tpu.memory_space<vmem>>[vector<16xi32>, vector<16xi32>], vector<16xf32>,
      %mul3A_1860 = arith.mulf %gather3A_1835, %gather3A_1843 : vector<16xf32>
      %add3A_1861 = arith.addf %add3A_1825, %mul3A_1860 : vector<16xf32>
      %mul3A_1862 = arith.mulf %gather3A_1851, %gather3A_1859 : vector<16xf32>
      %add3A_1863 = arith.addf %add3A_1827, %mul3A_1862 : vector<16xf32>
      %add3A_1864 = arith.constant 30 : i32
      %add3A_1865 = vector.broadcast %add3A_1864 : i32 to vector<16xi32>
      %add3A_1866 = arith.addi %mul3A_1314, %add3A_1865 : vector<16xi32>
      %gather3A_1867 = arith.constant 0 : i32
      %gather3A_1868 = arith.constant 0 : i32
      %gather3A_1869 = tpu.memref_slice %arg12[%scan3A_1180, %gather3A_1867, %gather3A_1868] : memref<2x128x128xf32, #tpu.memory_space<vmem>> -> memref<1x128x128xf32, #tpu.memory_space<vmem>>
      %gather3A_1870 = tpu.memref_squeeze %gather3A_1869 : memref<1x128x128xf32, #tpu.memory_space<vmem>> -> memref<128x128xf32, #tpu.memory_space<vmem>>
      %gather3A_1871 = tpu.vector_load_idx %gather3A_1870[%add3A_1305, %add3A_1866] : memref<128x128xf32, #tpu.memory_space<vmem>>[vector<16xi32>, vector<16xi32>], vector<16xf32>,
      %add3A_1872 = arith.constant 30 : i32
      %add3A_1873 = vector.broadcast %add3A_1872 : i32 to vector<16xi32>
      %add3A_1874 = arith.addi %mul3A_1323, %add3A_1873 : vector<16xi32>
      %gather3A_1875 = arith.constant 0 : i32
      %gather3A_1876 = arith.constant 0 : i32
      %gather3A_1877 = tpu.memref_slice %arg13[%scan3A_1181, %gather3A_1875, %gather3A_1876] : memref<2x128x128xf32, #tpu.memory_space<vmem>> -> memref<1x128x128xf32, #tpu.memory_space<vmem>>
      %gather3A_1878 = tpu.memref_squeeze %gather3A_1877 : memref<1x128x128xf32, #tpu.memory_space<vmem>> -> memref<128x128xf32, #tpu.memory_space<vmem>>
      %gather3A_1879 = tpu.vector_load_idx %gather3A_1878[%add3A_1305, %add3A_1874] : memref<128x128xf32, #tpu.memory_space<vmem>>[vector<16xi32>, vector<16xi32>], vector<16xf32>,
      %add3A_1880 = arith.constant 31 : i32
      %add3A_1881 = vector.broadcast %add3A_1880 : i32 to vector<16xi32>
      %add3A_1882 = arith.addi %mul3A_1314, %add3A_1881 : vector<16xi32>
      %gather3A_1883 = arith.constant 0 : i32
      %gather3A_1884 = arith.constant 0 : i32
      %gather3A_1885 = tpu.memref_slice %arg12[%scan3A_1180, %gather3A_1883, %gather3A_1884] : memref<2x128x128xf32, #tpu.memory_space<vmem>> -> memref<1x128x128xf32, #tpu.memory_space<vmem>>
      %gather3A_1886 = tpu.memref_squeeze %gather3A_1885 : memref<1x128x128xf32, #tpu.memory_space<vmem>> -> memref<128x128xf32, #tpu.memory_space<vmem>>
      %gather3A_1887 = tpu.vector_load_idx %gather3A_1886[%add3A_1305, %add3A_1882] : memref<128x128xf32, #tpu.memory_space<vmem>>[vector<16xi32>, vector<16xi32>], vector<16xf32>,
      %add3A_1888 = arith.constant 31 : i32
      %add3A_1889 = vector.broadcast %add3A_1888 : i32 to vector<16xi32>
      %add3A_1890 = arith.addi %mul3A_1323, %add3A_1889 : vector<16xi32>
      %gather3A_1891 = arith.constant 0 : i32
      %gather3A_1892 = arith.constant 0 : i32
      %gather3A_1893 = tpu.memref_slice %arg13[%scan3A_1181, %gather3A_1891, %gather3A_1892] : memref<2x128x128xf32, #tpu.memory_space<vmem>> -> memref<1x128x128xf32, #tpu.memory_space<vmem>>
      %gather3A_1894 = tpu.memref_squeeze %gather3A_1893 : memref<1x128x128xf32, #tpu.memory_space<vmem>> -> memref<128x128xf32, #tpu.memory_space<vmem>>
      %gather3A_1895 = tpu.vector_load_idx %gather3A_1894[%add3A_1305, %add3A_1890] : memref<128x128xf32, #tpu.memory_space<vmem>>[vector<16xi32>, vector<16xi32>], vector<16xf32>,
      %mul3A_1896 = arith.mulf %gather3A_1871, %gather3A_1879 : vector<16xf32>
      %add3A_1897 = arith.addf %add3A_1861, %mul3A_1896 : vector<16xf32>
      %mul3A_1898 = arith.mulf %gather3A_1887, %gather3A_1895 : vector<16xf32>
      %add3A_1899 = arith.addf %add3A_1863, %mul3A_1898 : vector<16xf32>
      %add3A_1900 = arith.addf %add3A_1897, %add3A_1899 : vector<16xf32>
      %neg3A = arith.constant 0.000000e+00 : f32
      %neg3A_1901 = vector.broadcast %neg3A : f32 to vector<16xf32>
      %neg3A_1902 = arith.subf %neg3A_1901, %add3A_1900 : vector<16xf32>
      %exp3A = math.exp %neg3A_1902 : vector<16xf32>
      %add3A_1903 = arith.constant 1.000000e+00 : f32
      %add3A_1904 = vector.broadcast %add3A_1903 : f32 to vector<16xf32>
      %add3A_1905 = arith.addf %add3A_1904, %exp3A : vector<16xf32>
      %div3A = arith.constant 1.000000e+00 : f32
      %div3A_1906 = vector.broadcast %div3A : f32 to vector<16xf32>
      %div3A_1907 = arith.divf %div3A_1906, %add3A_1905 : vector<16xf32>
      %swap3A_1908 = arith.index_cast %add3A_1297 : i32 to index
      %swap3A_1909 = tpu.vector_load %arg15[%swap3A_1908] {strides = array<i32>} : memref<512xf32, #tpu.memory_space<vmem>>, vector<16xf32>,
      tpu.vector_store %arg15[%swap3A_1908], %div3A_1907 {strides = array<i32>} : memref<512xf32, #tpu.memory_space<vmem>>, vector<16xf32>,
    }
    %scan3A_1186 = arith.constant 8 : i32
    %dma_start3A_1187 = arith.constant 3 : i32
    %dma_start3A_1188 = arith.constant 1 : i32
    %dma_start3A_1189 = arith.constant 1 : i32
    %dma_start3A_1190 = arith.constant 0 : i32
    %dma_start3A_1191 = arith.constant 0 : i32
    %dma_start3A_1192 = tpu.memref_slice %arg12[%dma_start3A_1188, %dma_start3A_1190, %dma_start3A_1191] : memref<2x128x128xf32, #tpu.memory_space<vmem>> -> memref<1x128x128xf32, #tpu.memory_space<vmem>>
    %dma_start3A_1193 = tpu.memref_squeeze %dma_start3A_1192 : memref<1x128x128xf32, #tpu.memory_space<vmem>> -> memref<128x128xf32, #tpu.memory_space<vmem>>
    %dma_start3A_1194 = arith.constant 0 : i32
    %dma_start3A_1195 = tpu.memref_slice %arg10[%dma_start3A_1187, %dma_start3A_1194] : memref<4x128xi32, #tpu.memory_space<vmem>> -> memref<1x128xi32, #tpu.memory_space<vmem>>
    %dma_start3A_1196 = tpu.memref_squeeze %dma_start3A_1195 : memref<1x128xi32, #tpu.memory_space<vmem>> -> memref<128xi32, #tpu.memory_space<vmem>>
    %dma_start3A_1197 = arith.constant 0 : i32
    %dma_start3A_1198 = arith.constant 0 : i32
    %dma_start3A_1199 = tpu.memref_slice %arg2[%dma_start3A_1197, %dma_start3A_1198] : memref<253952x128xf32, #tpu.memory_space<hbm>> -> memref<253952x128xf32, #tpu.memory_space<hbm>>
    %dma_start3A_1200 = tpu.memref_slice %arg16[%dma_start3A_1189] : memref<2x!tpu.dma_semaphore, #tpu.memory_space<semaphore_mem>> -> memref<1x!tpu.dma_semaphore, #tpu.memory_space<semaphore_mem>>
    %dma_start3A_1201 = tpu.memref_squeeze %dma_start3A_1200 : memref<1x!tpu.dma_semaphore, #tpu.memory_space<semaphore_mem>> -> memref<!tpu.dma_semaphore, #tpu.memory_space<semaphore_mem>>
    tpu.enqueue_indirect_dma source(%dma_start3A_1199 : memref<253952x128xf32, #tpu.memory_space<hbm>>) target(%dma_start3A_1193 : memref<128x128xf32, #tpu.memory_space<vmem>>) offsets(%dma_start3A_1196 : memref<128xi32, #tpu.memory_space<vmem>>) semaphore(%dma_start3A_1201 : memref<!tpu.dma_semaphore, #tpu.memory_space<semaphore_mem>>)
    %dma_start3A_1202 = arith.constant 3 : i32
    %dma_start3A_1203 = arith.constant 1 : i32
    %dma_start3A_1204 = arith.constant 1 : i32
    %dma_start3A_1205 = arith.constant 0 : i32
    %dma_start3A_1206 = arith.constant 0 : i32
    %dma_start3A_1207 = tpu.memref_slice %arg13[%dma_start3A_1203, %dma_start3A_1205, %dma_start3A_1206] : memref<2x128x128xf32, #tpu.memory_space<vmem>> -> memref<1x128x128xf32, #tpu.memory_space<vmem>>
    %dma_start3A_1208 = tpu.memref_squeeze %dma_start3A_1207 : memref<1x128x128xf32, #tpu.memory_space<vmem>> -> memref<128x128xf32, #tpu.memory_space<vmem>>
    %dma_start3A_1209 = arith.constant 0 : i32
    %dma_start3A_1210 = tpu.memref_slice %arg11[%dma_start3A_1202, %dma_start3A_1209] : memref<4x128xi32, #tpu.memory_space<vmem>> -> memref<1x128xi32, #tpu.memory_space<vmem>>
    %dma_start3A_1211 = tpu.memref_squeeze %dma_start3A_1210 : memref<1x128xi32, #tpu.memory_space<vmem>> -> memref<128xi32, #tpu.memory_space<vmem>>
    %dma_start3A_1212 = arith.constant 0 : i32
    %dma_start3A_1213 = arith.constant 0 : i32
    %dma_start3A_1214 = tpu.memref_slice %arg3[%dma_start3A_1212, %dma_start3A_1213] : memref<253952x128xf32, #tpu.memory_space<hbm>> -> memref<253952x128xf32, #tpu.memory_space<hbm>>
    %dma_start3A_1215 = tpu.memref_slice %arg16[%dma_start3A_1204] : memref<2x!tpu.dma_semaphore, #tpu.memory_space<semaphore_mem>> -> memref<1x!tpu.dma_semaphore, #tpu.memory_space<semaphore_mem>>
    %dma_start3A_1216 = tpu.memref_squeeze %dma_start3A_1215 : memref<1x!tpu.dma_semaphore, #tpu.memory_space<semaphore_mem>> -> memref<!tpu.dma_semaphore, #tpu.memory_space<semaphore_mem>>
    tpu.enqueue_indirect_dma source(%dma_start3A_1214 : memref<253952x128xf32, #tpu.memory_space<hbm>>) target(%dma_start3A_1208 : memref<128x128xf32, #tpu.memory_space<vmem>>) offsets(%dma_start3A_1211 : memref<128xi32, #tpu.memory_space<vmem>>) semaphore(%dma_start3A_1216 : memref<!tpu.dma_semaphore, #tpu.memory_space<semaphore_mem>>)
    %dma_wait3A_1217 = arith.constant 2 : i32
    %dma_wait3A_1218 = arith.constant 0 : i32
    %dma_wait3A_1219 = arith.constant 0 : i32
    %dma_wait3A_1220 = arith.constant 0 : i32
    %dma_wait3A_1221 = arith.constant 0 : i32
    %dma_wait3A_1222 = tpu.memref_slice %arg12[%dma_wait3A_1218, %dma_wait3A_1220, %dma_wait3A_1221] : memref<2x128x128xf32, #tpu.memory_space<vmem>> -> memref<1x128x128xf32, #tpu.memory_space<vmem>>
    %dma_wait3A_1223 = tpu.memref_squeeze %dma_wait3A_1222 : memref<1x128x128xf32, #tpu.memory_space<vmem>> -> memref<128x128xf32, #tpu.memory_space<vmem>>
    %dma_wait3A_1224 = arith.constant 0 : i32
    %dma_wait3A_1225 = tpu.memref_slice %arg10[%dma_wait3A_1217, %dma_wait3A_1224] : memref<4x128xi32, #tpu.memory_space<vmem>> -> memref<1x128xi32, #tpu.memory_space<vmem>>
    %dma_wait3A_1226 = tpu.memref_squeeze %dma_wait3A_1225 : memref<1x128xi32, #tpu.memory_space<vmem>> -> memref<128xi32, #tpu.memory_space<vmem>>
    %dma_wait3A_1227 = arith.constant 0 : i32
    %dma_wait3A_1228 = arith.constant 0 : i32
    %dma_wait3A_1229 = tpu.memref_slice %arg2[%dma_wait3A_1227, %dma_wait3A_1228] : memref<253952x128xf32, #tpu.memory_space<hbm>> -> memref<253952x128xf32, #tpu.memory_space<hbm>>
    %dma_wait3A_1230 = tpu.memref_slice %arg16[%dma_wait3A_1219] : memref<2x!tpu.dma_semaphore, #tpu.memory_space<semaphore_mem>> -> memref<1x!tpu.dma_semaphore, #tpu.memory_space<semaphore_mem>>
    %dma_wait3A_1231 = tpu.memref_squeeze %dma_wait3A_1230 : memref<1x!tpu.dma_semaphore, #tpu.memory_space<semaphore_mem>> -> memref<!tpu.dma_semaphore, #tpu.memory_space<semaphore_mem>>
    tpu.wait_indirect_dma semaphore(%dma_wait3A_1231 : memref<!tpu.dma_semaphore, #tpu.memory_space<semaphore_mem>>) src(%dma_wait3A_1229 : memref<253952x128xf32, #tpu.memory_space<hbm>>) dst(%dma_wait3A_1223 : memref<128x128xf32, #tpu.memory_space<vmem>>)
    %dma_wait3A_1232 = arith.constant 2 : i32
    %dma_wait3A_1233 = arith.constant 0 : i32
    %dma_wait3A_1234 = arith.constant 0 : i32
    %dma_wait3A_1235 = arith.constant 0 : i32
    %dma_wait3A_1236 = arith.constant 0 : i32
    %dma_wait3A_1237 = tpu.memref_slice %arg13[%dma_wait3A_1233, %dma_wait3A_1235, %dma_wait3A_1236] : memref<2x128x128xf32, #tpu.memory_space<vmem>> -> memref<1x128x128xf32, #tpu.memory_space<vmem>>
    %dma_wait3A_1238 = tpu.memref_squeeze %dma_wait3A_1237 : memref<1x128x128xf32, #tpu.memory_space<vmem>> -> memref<128x128xf32, #tpu.memory_space<vmem>>
    %dma_wait3A_1239 = arith.constant 0 : i32
    %dma_wait3A_1240 = tpu.memref_slice %arg11[%dma_wait3A_1232, %dma_wait3A_1239] : memref<4x128xi32, #tpu.memory_space<vmem>> -> memref<1x128xi32, #tpu.memory_space<vmem>>
    %dma_wait3A_1241 = tpu.memref_squeeze %dma_wait3A_1240 : memref<1x128xi32, #tpu.memory_space<vmem>> -> memref<128xi32, #tpu.memory_space<vmem>>
    %dma_wait3A_1242 = arith.constant 0 : i32
    %dma_wait3A_1243 = arith.constant 0 : i32
    %dma_wait3A_1244 = tpu.memref_slice %arg3[%dma_wait3A_1242, %dma_wait3A_1243] : memref<253952x128xf32, #tpu.memory_space<hbm>> -> memref<253952x128xf32, #tpu.memory_space<hbm>>
    %dma_wait3A_1245 = tpu.memref_slice %arg16[%dma_wait3A_1234] : memref<2x!tpu.dma_semaphore, #tpu.memory_space<semaphore_mem>> -> memref<1x!tpu.dma_semaphore, #tpu.memory_space<semaphore_mem>>
    %dma_wait3A_1246 = tpu.memref_squeeze %dma_wait3A_1245 : memref<1x!tpu.dma_semaphore, #tpu.memory_space<semaphore_mem>> -> memref<!tpu.dma_semaphore, #tpu.memory_space<semaphore_mem>>
    tpu.wait_indirect_dma semaphore(%dma_wait3A_1246 : memref<!tpu.dma_semaphore, #tpu.memory_space<semaphore_mem>>) src(%dma_wait3A_1244 : memref<253952x128xf32, #tpu.memory_space<hbm>>) dst(%dma_wait3A_1238 : memref<128x128xf32, #tpu.memory_space<vmem>>)
    %scan3A_1247 = arith.constant 0 : i32
    %scan3A_1248 = arith.constant 0 : i32
    %scan3A_1249 = arith.constant 0 : i32
    %scan3A_1250 = arith.constant 0 : i32
    %scan3A_1251 = arith.constant 8 : i32
    %scan3A_1252 = arith.addi %scan3A_1250, %scan3A_1251 : i32
    %scan3A_1253 = arith.constant 1 : i32
    scf.for %scan3A_1293 = %scan3A_1250 to %scan3A_1252 step %scan3A_1253  : i32 {
      %mul3A_1294 = arith.constant 16 : i32
      %mul3A_1295 = arith.muli %scan3A_1293, %mul3A_1294 : i32
      %add3A_1296 = arith.constant 256 : i32
      %add3A_1297 = arith.addi %add3A_1296, %mul3A_1295 : i32
      %get3A_1298 = arith.index_cast %add3A_1297 : i32 to index
      %get3A_1299 = tpu.vector_load %arg8[%get3A_1298] {strides = array<i32>} : memref<512xi32, #tpu.memory_space<vmem>>, vector<16xi32>,
      %get3A_1300 = arith.index_cast %add3A_1297 : i32 to index
      %get3A_1301 = tpu.vector_load %arg9[%get3A_1300] {strides = array<i32>} : memref<512xi32, #tpu.memory_space<vmem>>, vector<16xi32>,
      %mul3A_1302 = arith.constant 16 : i32
      %mul3A_1303 = arith.muli %scan3A_1293, %mul3A_1302 : i32
      %add3A_1304 = vector.broadcast %mul3A_1303 : i32 to vector<16xi32>
      %add3A_1305 = arith.addi %add3A_1304, %iota3A : vector<16xi32>
      %shift_right_arithmetic3A_1306 = arith.constant 13 : i32
      %shift_right_arithmetic3A_1307 = vector.broadcast %shift_right_arithmetic3A_1306 : i32 to vector<16xi32>
      %shift_right_arithmetic3A_1308 = arith.shrsi %get3A_1299, %shift_right_arithmetic3A_1307 : vector<16xi32>
      %and3A_1309 = arith.constant 3 : i32
      %and3A_1310 = vector.broadcast %and3A_1309 : i32 to vector<16xi32>
      %and3A_1311 = arith.andi %shift_right_arithmetic3A_1308, %and3A_1310 : vector<16xi32>
      %mul3A_1312 = arith.constant 32 : i32
      %mul3A_1313 = vector.broadcast %mul3A_1312 : i32 to vector<16xi32>
      %mul3A_1314 = arith.muli %and3A_1311, %mul3A_1313 : vector<16xi32>
      %shift_right_arithmetic3A_1315 = arith.constant 13 : i32
      %shift_right_arithmetic3A_1316 = vector.broadcast %shift_right_arithmetic3A_1315 : i32 to vector<16xi32>
      %shift_right_arithmetic3A_1317 = arith.shrsi %get3A_1301, %shift_right_arithmetic3A_1316 : vector<16xi32>
      %and3A_1318 = arith.constant 3 : i32
      %and3A_1319 = vector.broadcast %and3A_1318 : i32 to vector<16xi32>
      %and3A_1320 = arith.andi %shift_right_arithmetic3A_1317, %and3A_1319 : vector<16xi32>
      %mul3A_1321 = arith.constant 32 : i32
      %mul3A_1322 = vector.broadcast %mul3A_1321 : i32 to vector<16xi32>
      %mul3A_1323 = arith.muli %and3A_1320, %mul3A_1322 : vector<16xi32>
      %broadcast_in_dim3A = arith.constant 0.000000e+00 : f32
      %broadcast_in_dim3A_1324 = vector.broadcast %broadcast_in_dim3A : f32 to vector<16xf32>
      %add3A_1325 = arith.constant 0 : i32
      %add3A_1326 = vector.broadcast %add3A_1325 : i32 to vector<16xi32>
      %add3A_1327 = arith.addi %mul3A_1314, %add3A_1326 : vector<16xi32>
      %gather3A = arith.constant 0 : i32
      %gather3A_1328 = arith.constant 0 : i32
      %gather3A_1329 = tpu.memref_slice %arg12[%scan3A_1248, %gather3A, %gather3A_1328] : memref<2x128x128xf32, #tpu.memory_space<vmem>> -> memref<1x128x128xf32, #tpu.memory_space<vmem>>
      %gather3A_1330 = tpu.memref_squeeze %gather3A_1329 : memref<1x128x128xf32, #tpu.memory_space<vmem>> -> memref<128x128xf32, #tpu.memory_space<vmem>>
      %gather3A_1331 = tpu.vector_load_idx %gather3A_1330[%add3A_1305, %add3A_1327] : memref<128x128xf32, #tpu.memory_space<vmem>>[vector<16xi32>, vector<16xi32>], vector<16xf32>,
      %add3A_1332 = arith.constant 0 : i32
      %add3A_1333 = vector.broadcast %add3A_1332 : i32 to vector<16xi32>
      %add3A_1334 = arith.addi %mul3A_1323, %add3A_1333 : vector<16xi32>
      %gather3A_1335 = arith.constant 0 : i32
      %gather3A_1336 = arith.constant 0 : i32
      %gather3A_1337 = tpu.memref_slice %arg13[%scan3A_1249, %gather3A_1335, %gather3A_1336] : memref<2x128x128xf32, #tpu.memory_space<vmem>> -> memref<1x128x128xf32, #tpu.memory_space<vmem>>
      %gather3A_1338 = tpu.memref_squeeze %gather3A_1337 : memref<1x128x128xf32, #tpu.memory_space<vmem>> -> memref<128x128xf32, #tpu.memory_space<vmem>>
      %gather3A_1339 = tpu.vector_load_idx %gather3A_1338[%add3A_1305, %add3A_1334] : memref<128x128xf32, #tpu.memory_space<vmem>>[vector<16xi32>, vector<16xi32>], vector<16xf32>,
      %add3A_1340 = arith.constant 1 : i32
      %add3A_1341 = vector.broadcast %add3A_1340 : i32 to vector<16xi32>
      %add3A_1342 = arith.addi %mul3A_1314, %add3A_1341 : vector<16xi32>
      %gather3A_1343 = arith.constant 0 : i32
      %gather3A_1344 = arith.constant 0 : i32
      %gather3A_1345 = tpu.memref_slice %arg12[%scan3A_1248, %gather3A_1343, %gather3A_1344] : memref<2x128x128xf32, #tpu.memory_space<vmem>> -> memref<1x128x128xf32, #tpu.memory_space<vmem>>
      %gather3A_1346 = tpu.memref_squeeze %gather3A_1345 : memref<1x128x128xf32, #tpu.memory_space<vmem>> -> memref<128x128xf32, #tpu.memory_space<vmem>>
      %gather3A_1347 = tpu.vector_load_idx %gather3A_1346[%add3A_1305, %add3A_1342] : memref<128x128xf32, #tpu.memory_space<vmem>>[vector<16xi32>, vector<16xi32>], vector<16xf32>,
      %add3A_1348 = arith.constant 1 : i32
      %add3A_1349 = vector.broadcast %add3A_1348 : i32 to vector<16xi32>
      %add3A_1350 = arith.addi %mul3A_1323, %add3A_1349 : vector<16xi32>
      %gather3A_1351 = arith.constant 0 : i32
      %gather3A_1352 = arith.constant 0 : i32
      %gather3A_1353 = tpu.memref_slice %arg13[%scan3A_1249, %gather3A_1351, %gather3A_1352] : memref<2x128x128xf32, #tpu.memory_space<vmem>> -> memref<1x128x128xf32, #tpu.memory_space<vmem>>
      %gather3A_1354 = tpu.memref_squeeze %gather3A_1353 : memref<1x128x128xf32, #tpu.memory_space<vmem>> -> memref<128x128xf32, #tpu.memory_space<vmem>>
      %gather3A_1355 = tpu.vector_load_idx %gather3A_1354[%add3A_1305, %add3A_1350] : memref<128x128xf32, #tpu.memory_space<vmem>>[vector<16xi32>, vector<16xi32>], vector<16xf32>,
      %mul3A_1356 = arith.mulf %gather3A_1331, %gather3A_1339 : vector<16xf32>
      %add3A_1357 = arith.addf %get3A_1023, %mul3A_1356 : vector<16xf32>
      %mul3A_1358 = arith.mulf %gather3A_1347, %gather3A_1355 : vector<16xf32>
      %add3A_1359 = arith.addf %broadcast_in_dim3A_1324, %mul3A_1358 : vector<16xf32>
      %add3A_1360 = arith.constant 2 : i32
      %add3A_1361 = vector.broadcast %add3A_1360 : i32 to vector<16xi32>
      %add3A_1362 = arith.addi %mul3A_1314, %add3A_1361 : vector<16xi32>
      %gather3A_1363 = arith.constant 0 : i32
      %gather3A_1364 = arith.constant 0 : i32
      %gather3A_1365 = tpu.memref_slice %arg12[%scan3A_1248, %gather3A_1363, %gather3A_1364] : memref<2x128x128xf32, #tpu.memory_space<vmem>> -> memref<1x128x128xf32, #tpu.memory_space<vmem>>
      %gather3A_1366 = tpu.memref_squeeze %gather3A_1365 : memref<1x128x128xf32, #tpu.memory_space<vmem>> -> memref<128x128xf32, #tpu.memory_space<vmem>>
      %gather3A_1367 = tpu.vector_load_idx %gather3A_1366[%add3A_1305, %add3A_1362] : memref<128x128xf32, #tpu.memory_space<vmem>>[vector<16xi32>, vector<16xi32>], vector<16xf32>,
      %add3A_1368 = arith.constant 2 : i32
      %add3A_1369 = vector.broadcast %add3A_1368 : i32 to vector<16xi32>
      %add3A_1370 = arith.addi %mul3A_1323, %add3A_1369 : vector<16xi32>
      %gather3A_1371 = arith.constant 0 : i32
      %gather3A_1372 = arith.constant 0 : i32
      %gather3A_1373 = tpu.memref_slice %arg13[%scan3A_1249, %gather3A_1371, %gather3A_1372] : memref<2x128x128xf32, #tpu.memory_space<vmem>> -> memref<1x128x128xf32, #tpu.memory_space<vmem>>
      %gather3A_1374 = tpu.memref_squeeze %gather3A_1373 : memref<1x128x128xf32, #tpu.memory_space<vmem>> -> memref<128x128xf32, #tpu.memory_space<vmem>>
      %gather3A_1375 = tpu.vector_load_idx %gather3A_1374[%add3A_1305, %add3A_1370] : memref<128x128xf32, #tpu.memory_space<vmem>>[vector<16xi32>, vector<16xi32>], vector<16xf32>,
      %add3A_1376 = arith.constant 3 : i32
      %add3A_1377 = vector.broadcast %add3A_1376 : i32 to vector<16xi32>
      %add3A_1378 = arith.addi %mul3A_1314, %add3A_1377 : vector<16xi32>
      %gather3A_1379 = arith.constant 0 : i32
      %gather3A_1380 = arith.constant 0 : i32
      %gather3A_1381 = tpu.memref_slice %arg12[%scan3A_1248, %gather3A_1379, %gather3A_1380] : memref<2x128x128xf32, #tpu.memory_space<vmem>> -> memref<1x128x128xf32, #tpu.memory_space<vmem>>
      %gather3A_1382 = tpu.memref_squeeze %gather3A_1381 : memref<1x128x128xf32, #tpu.memory_space<vmem>> -> memref<128x128xf32, #tpu.memory_space<vmem>>
      %gather3A_1383 = tpu.vector_load_idx %gather3A_1382[%add3A_1305, %add3A_1378] : memref<128x128xf32, #tpu.memory_space<vmem>>[vector<16xi32>, vector<16xi32>], vector<16xf32>,
      %add3A_1384 = arith.constant 3 : i32
      %add3A_1385 = vector.broadcast %add3A_1384 : i32 to vector<16xi32>
      %add3A_1386 = arith.addi %mul3A_1323, %add3A_1385 : vector<16xi32>
      %gather3A_1387 = arith.constant 0 : i32
      %gather3A_1388 = arith.constant 0 : i32
      %gather3A_1389 = tpu.memref_slice %arg13[%scan3A_1249, %gather3A_1387, %gather3A_1388] : memref<2x128x128xf32, #tpu.memory_space<vmem>> -> memref<1x128x128xf32, #tpu.memory_space<vmem>>
      %gather3A_1390 = tpu.memref_squeeze %gather3A_1389 : memref<1x128x128xf32, #tpu.memory_space<vmem>> -> memref<128x128xf32, #tpu.memory_space<vmem>>
      %gather3A_1391 = tpu.vector_load_idx %gather3A_1390[%add3A_1305, %add3A_1386] : memref<128x128xf32, #tpu.memory_space<vmem>>[vector<16xi32>, vector<16xi32>], vector<16xf32>,
      %mul3A_1392 = arith.mulf %gather3A_1367, %gather3A_1375 : vector<16xf32>
      %add3A_1393 = arith.addf %add3A_1357, %mul3A_1392 : vector<16xf32>
      %mul3A_1394 = arith.mulf %gather3A_1383, %gather3A_1391 : vector<16xf32>
      %add3A_1395 = arith.addf %add3A_1359, %mul3A_1394 : vector<16xf32>
      %add3A_1396 = arith.constant 4 : i32
      %add3A_1397 = vector.broadcast %add3A_1396 : i32 to vector<16xi32>
      %add3A_1398 = arith.addi %mul3A_1314, %add3A_1397 : vector<16xi32>
      %gather3A_1399 = arith.constant 0 : i32
      %gather3A_1400 = arith.constant 0 : i32
      %gather3A_1401 = tpu.memref_slice %arg12[%scan3A_1248, %gather3A_1399, %gather3A_1400] : memref<2x128x128xf32, #tpu.memory_space<vmem>> -> memref<1x128x128xf32, #tpu.memory_space<vmem>>
      %gather3A_1402 = tpu.memref_squeeze %gather3A_1401 : memref<1x128x128xf32, #tpu.memory_space<vmem>> -> memref<128x128xf32, #tpu.memory_space<vmem>>
      %gather3A_1403 = tpu.vector_load_idx %gather3A_1402[%add3A_1305, %add3A_1398] : memref<128x128xf32, #tpu.memory_space<vmem>>[vector<16xi32>, vector<16xi32>], vector<16xf32>,
      %add3A_1404 = arith.constant 4 : i32
      %add3A_1405 = vector.broadcast %add3A_1404 : i32 to vector<16xi32>
      %add3A_1406 = arith.addi %mul3A_1323, %add3A_1405 : vector<16xi32>
      %gather3A_1407 = arith.constant 0 : i32
      %gather3A_1408 = arith.constant 0 : i32
      %gather3A_1409 = tpu.memref_slice %arg13[%scan3A_1249, %gather3A_1407, %gather3A_1408] : memref<2x128x128xf32, #tpu.memory_space<vmem>> -> memref<1x128x128xf32, #tpu.memory_space<vmem>>
      %gather3A_1410 = tpu.memref_squeeze %gather3A_1409 : memref<1x128x128xf32, #tpu.memory_space<vmem>> -> memref<128x128xf32, #tpu.memory_space<vmem>>
      %gather3A_1411 = tpu.vector_load_idx %gather3A_1410[%add3A_1305, %add3A_1406] : memref<128x128xf32, #tpu.memory_space<vmem>>[vector<16xi32>, vector<16xi32>], vector<16xf32>,
      %add3A_1412 = arith.constant 5 : i32
      %add3A_1413 = vector.broadcast %add3A_1412 : i32 to vector<16xi32>
      %add3A_1414 = arith.addi %mul3A_1314, %add3A_1413 : vector<16xi32>
      %gather3A_1415 = arith.constant 0 : i32
      %gather3A_1416 = arith.constant 0 : i32
      %gather3A_1417 = tpu.memref_slice %arg12[%scan3A_1248, %gather3A_1415, %gather3A_1416] : memref<2x128x128xf32, #tpu.memory_space<vmem>> -> memref<1x128x128xf32, #tpu.memory_space<vmem>>
      %gather3A_1418 = tpu.memref_squeeze %gather3A_1417 : memref<1x128x128xf32, #tpu.memory_space<vmem>> -> memref<128x128xf32, #tpu.memory_space<vmem>>
      %gather3A_1419 = tpu.vector_load_idx %gather3A_1418[%add3A_1305, %add3A_1414] : memref<128x128xf32, #tpu.memory_space<vmem>>[vector<16xi32>, vector<16xi32>], vector<16xf32>,
      %add3A_1420 = arith.constant 5 : i32
      %add3A_1421 = vector.broadcast %add3A_1420 : i32 to vector<16xi32>
      %add3A_1422 = arith.addi %mul3A_1323, %add3A_1421 : vector<16xi32>
      %gather3A_1423 = arith.constant 0 : i32
      %gather3A_1424 = arith.constant 0 : i32
      %gather3A_1425 = tpu.memref_slice %arg13[%scan3A_1249, %gather3A_1423, %gather3A_1424] : memref<2x128x128xf32, #tpu.memory_space<vmem>> -> memref<1x128x128xf32, #tpu.memory_space<vmem>>
      %gather3A_1426 = tpu.memref_squeeze %gather3A_1425 : memref<1x128x128xf32, #tpu.memory_space<vmem>> -> memref<128x128xf32, #tpu.memory_space<vmem>>
      %gather3A_1427 = tpu.vector_load_idx %gather3A_1426[%add3A_1305, %add3A_1422] : memref<128x128xf32, #tpu.memory_space<vmem>>[vector<16xi32>, vector<16xi32>], vector<16xf32>,
      %mul3A_1428 = arith.mulf %gather3A_1403, %gather3A_1411 : vector<16xf32>
      %add3A_1429 = arith.addf %add3A_1393, %mul3A_1428 : vector<16xf32>
      %mul3A_1430 = arith.mulf %gather3A_1419, %gather3A_1427 : vector<16xf32>
      %add3A_1431 = arith.addf %add3A_1395, %mul3A_1430 : vector<16xf32>
      %add3A_1432 = arith.constant 6 : i32
      %add3A_1433 = vector.broadcast %add3A_1432 : i32 to vector<16xi32>
      %add3A_1434 = arith.addi %mul3A_1314, %add3A_1433 : vector<16xi32>
      %gather3A_1435 = arith.constant 0 : i32
      %gather3A_1436 = arith.constant 0 : i32
      %gather3A_1437 = tpu.memref_slice %arg12[%scan3A_1248, %gather3A_1435, %gather3A_1436] : memref<2x128x128xf32, #tpu.memory_space<vmem>> -> memref<1x128x128xf32, #tpu.memory_space<vmem>>
      %gather3A_1438 = tpu.memref_squeeze %gather3A_1437 : memref<1x128x128xf32, #tpu.memory_space<vmem>> -> memref<128x128xf32, #tpu.memory_space<vmem>>
      %gather3A_1439 = tpu.vector_load_idx %gather3A_1438[%add3A_1305, %add3A_1434] : memref<128x128xf32, #tpu.memory_space<vmem>>[vector<16xi32>, vector<16xi32>], vector<16xf32>,
      %add3A_1440 = arith.constant 6 : i32
      %add3A_1441 = vector.broadcast %add3A_1440 : i32 to vector<16xi32>
      %add3A_1442 = arith.addi %mul3A_1323, %add3A_1441 : vector<16xi32>
      %gather3A_1443 = arith.constant 0 : i32
      %gather3A_1444 = arith.constant 0 : i32
      %gather3A_1445 = tpu.memref_slice %arg13[%scan3A_1249, %gather3A_1443, %gather3A_1444] : memref<2x128x128xf32, #tpu.memory_space<vmem>> -> memref<1x128x128xf32, #tpu.memory_space<vmem>>
      %gather3A_1446 = tpu.memref_squeeze %gather3A_1445 : memref<1x128x128xf32, #tpu.memory_space<vmem>> -> memref<128x128xf32, #tpu.memory_space<vmem>>
      %gather3A_1447 = tpu.vector_load_idx %gather3A_1446[%add3A_1305, %add3A_1442] : memref<128x128xf32, #tpu.memory_space<vmem>>[vector<16xi32>, vector<16xi32>], vector<16xf32>,
      %add3A_1448 = arith.constant 7 : i32
      %add3A_1449 = vector.broadcast %add3A_1448 : i32 to vector<16xi32>
      %add3A_1450 = arith.addi %mul3A_1314, %add3A_1449 : vector<16xi32>
      %gather3A_1451 = arith.constant 0 : i32
      %gather3A_1452 = arith.constant 0 : i32
      %gather3A_1453 = tpu.memref_slice %arg12[%scan3A_1248, %gather3A_1451, %gather3A_1452] : memref<2x128x128xf32, #tpu.memory_space<vmem>> -> memref<1x128x128xf32, #tpu.memory_space<vmem>>
      %gather3A_1454 = tpu.memref_squeeze %gather3A_1453 : memref<1x128x128xf32, #tpu.memory_space<vmem>> -> memref<128x128xf32, #tpu.memory_space<vmem>>
      %gather3A_1455 = tpu.vector_load_idx %gather3A_1454[%add3A_1305, %add3A_1450] : memref<128x128xf32, #tpu.memory_space<vmem>>[vector<16xi32>, vector<16xi32>], vector<16xf32>,
      %add3A_1456 = arith.constant 7 : i32
      %add3A_1457 = vector.broadcast %add3A_1456 : i32 to vector<16xi32>
      %add3A_1458 = arith.addi %mul3A_1323, %add3A_1457 : vector<16xi32>
      %gather3A_1459 = arith.constant 0 : i32
      %gather3A_1460 = arith.constant 0 : i32
      %gather3A_1461 = tpu.memref_slice %arg13[%scan3A_1249, %gather3A_1459, %gather3A_1460] : memref<2x128x128xf32, #tpu.memory_space<vmem>> -> memref<1x128x128xf32, #tpu.memory_space<vmem>>
      %gather3A_1462 = tpu.memref_squeeze %gather3A_1461 : memref<1x128x128xf32, #tpu.memory_space<vmem>> -> memref<128x128xf32, #tpu.memory_space<vmem>>
      %gather3A_1463 = tpu.vector_load_idx %gather3A_1462[%add3A_1305, %add3A_1458] : memref<128x128xf32, #tpu.memory_space<vmem>>[vector<16xi32>, vector<16xi32>], vector<16xf32>,
      %mul3A_1464 = arith.mulf %gather3A_1439, %gather3A_1447 : vector<16xf32>
      %add3A_1465 = arith.addf %add3A_1429, %mul3A_1464 : vector<16xf32>
      %mul3A_1466 = arith.mulf %gather3A_1455, %gather3A_1463 : vector<16xf32>
      %add3A_1467 = arith.addf %add3A_1431, %mul3A_1466 : vector<16xf32>
      %add3A_1468 = arith.constant 8 : i32
      %add3A_1469 = vector.broadcast %add3A_1468 : i32 to vector<16xi32>
      %add3A_1470 = arith.addi %mul3A_1314, %add3A_1469 : vector<16xi32>
      %gather3A_1471 = arith.constant 0 : i32
      %gather3A_1472 = arith.constant 0 : i32
      %gather3A_1473 = tpu.memref_slice %arg12[%scan3A_1248, %gather3A_1471, %gather3A_1472] : memref<2x128x128xf32, #tpu.memory_space<vmem>> -> memref<1x128x128xf32, #tpu.memory_space<vmem>>
      %gather3A_1474 = tpu.memref_squeeze %gather3A_1473 : memref<1x128x128xf32, #tpu.memory_space<vmem>> -> memref<128x128xf32, #tpu.memory_space<vmem>>
      %gather3A_1475 = tpu.vector_load_idx %gather3A_1474[%add3A_1305, %add3A_1470] : memref<128x128xf32, #tpu.memory_space<vmem>>[vector<16xi32>, vector<16xi32>], vector<16xf32>,
      %add3A_1476 = arith.constant 8 : i32
      %add3A_1477 = vector.broadcast %add3A_1476 : i32 to vector<16xi32>
      %add3A_1478 = arith.addi %mul3A_1323, %add3A_1477 : vector<16xi32>
      %gather3A_1479 = arith.constant 0 : i32
      %gather3A_1480 = arith.constant 0 : i32
      %gather3A_1481 = tpu.memref_slice %arg13[%scan3A_1249, %gather3A_1479, %gather3A_1480] : memref<2x128x128xf32, #tpu.memory_space<vmem>> -> memref<1x128x128xf32, #tpu.memory_space<vmem>>
      %gather3A_1482 = tpu.memref_squeeze %gather3A_1481 : memref<1x128x128xf32, #tpu.memory_space<vmem>> -> memref<128x128xf32, #tpu.memory_space<vmem>>
      %gather3A_1483 = tpu.vector_load_idx %gather3A_1482[%add3A_1305, %add3A_1478] : memref<128x128xf32, #tpu.memory_space<vmem>>[vector<16xi32>, vector<16xi32>], vector<16xf32>,
      %add3A_1484 = arith.constant 9 : i32
      %add3A_1485 = vector.broadcast %add3A_1484 : i32 to vector<16xi32>
      %add3A_1486 = arith.addi %mul3A_1314, %add3A_1485 : vector<16xi32>
      %gather3A_1487 = arith.constant 0 : i32
      %gather3A_1488 = arith.constant 0 : i32
      %gather3A_1489 = tpu.memref_slice %arg12[%scan3A_1248, %gather3A_1487, %gather3A_1488] : memref<2x128x128xf32, #tpu.memory_space<vmem>> -> memref<1x128x128xf32, #tpu.memory_space<vmem>>
      %gather3A_1490 = tpu.memref_squeeze %gather3A_1489 : memref<1x128x128xf32, #tpu.memory_space<vmem>> -> memref<128x128xf32, #tpu.memory_space<vmem>>
      %gather3A_1491 = tpu.vector_load_idx %gather3A_1490[%add3A_1305, %add3A_1486] : memref<128x128xf32, #tpu.memory_space<vmem>>[vector<16xi32>, vector<16xi32>], vector<16xf32>,
      %add3A_1492 = arith.constant 9 : i32
      %add3A_1493 = vector.broadcast %add3A_1492 : i32 to vector<16xi32>
      %add3A_1494 = arith.addi %mul3A_1323, %add3A_1493 : vector<16xi32>
      %gather3A_1495 = arith.constant 0 : i32
      %gather3A_1496 = arith.constant 0 : i32
      %gather3A_1497 = tpu.memref_slice %arg13[%scan3A_1249, %gather3A_1495, %gather3A_1496] : memref<2x128x128xf32, #tpu.memory_space<vmem>> -> memref<1x128x128xf32, #tpu.memory_space<vmem>>
      %gather3A_1498 = tpu.memref_squeeze %gather3A_1497 : memref<1x128x128xf32, #tpu.memory_space<vmem>> -> memref<128x128xf32, #tpu.memory_space<vmem>>
      %gather3A_1499 = tpu.vector_load_idx %gather3A_1498[%add3A_1305, %add3A_1494] : memref<128x128xf32, #tpu.memory_space<vmem>>[vector<16xi32>, vector<16xi32>], vector<16xf32>,
      %mul3A_1500 = arith.mulf %gather3A_1475, %gather3A_1483 : vector<16xf32>
      %add3A_1501 = arith.addf %add3A_1465, %mul3A_1500 : vector<16xf32>
      %mul3A_1502 = arith.mulf %gather3A_1491, %gather3A_1499 : vector<16xf32>
      %add3A_1503 = arith.addf %add3A_1467, %mul3A_1502 : vector<16xf32>
      %add3A_1504 = arith.constant 10 : i32
      %add3A_1505 = vector.broadcast %add3A_1504 : i32 to vector<16xi32>
      %add3A_1506 = arith.addi %mul3A_1314, %add3A_1505 : vector<16xi32>
      %gather3A_1507 = arith.constant 0 : i32
      %gather3A_1508 = arith.constant 0 : i32
      %gather3A_1509 = tpu.memref_slice %arg12[%scan3A_1248, %gather3A_1507, %gather3A_1508] : memref<2x128x128xf32, #tpu.memory_space<vmem>> -> memref<1x128x128xf32, #tpu.memory_space<vmem>>
      %gather3A_1510 = tpu.memref_squeeze %gather3A_1509 : memref<1x128x128xf32, #tpu.memory_space<vmem>> -> memref<128x128xf32, #tpu.memory_space<vmem>>
      %gather3A_1511 = tpu.vector_load_idx %gather3A_1510[%add3A_1305, %add3A_1506] : memref<128x128xf32, #tpu.memory_space<vmem>>[vector<16xi32>, vector<16xi32>], vector<16xf32>,
      %add3A_1512 = arith.constant 10 : i32
      %add3A_1513 = vector.broadcast %add3A_1512 : i32 to vector<16xi32>
      %add3A_1514 = arith.addi %mul3A_1323, %add3A_1513 : vector<16xi32>
      %gather3A_1515 = arith.constant 0 : i32
      %gather3A_1516 = arith.constant 0 : i32
      %gather3A_1517 = tpu.memref_slice %arg13[%scan3A_1249, %gather3A_1515, %gather3A_1516] : memref<2x128x128xf32, #tpu.memory_space<vmem>> -> memref<1x128x128xf32, #tpu.memory_space<vmem>>
      %gather3A_1518 = tpu.memref_squeeze %gather3A_1517 : memref<1x128x128xf32, #tpu.memory_space<vmem>> -> memref<128x128xf32, #tpu.memory_space<vmem>>
      %gather3A_1519 = tpu.vector_load_idx %gather3A_1518[%add3A_1305, %add3A_1514] : memref<128x128xf32, #tpu.memory_space<vmem>>[vector<16xi32>, vector<16xi32>], vector<16xf32>,
      %add3A_1520 = arith.constant 11 : i32
      %add3A_1521 = vector.broadcast %add3A_1520 : i32 to vector<16xi32>
      %add3A_1522 = arith.addi %mul3A_1314, %add3A_1521 : vector<16xi32>
      %gather3A_1523 = arith.constant 0 : i32
      %gather3A_1524 = arith.constant 0 : i32
      %gather3A_1525 = tpu.memref_slice %arg12[%scan3A_1248, %gather3A_1523, %gather3A_1524] : memref<2x128x128xf32, #tpu.memory_space<vmem>> -> memref<1x128x128xf32, #tpu.memory_space<vmem>>
      %gather3A_1526 = tpu.memref_squeeze %gather3A_1525 : memref<1x128x128xf32, #tpu.memory_space<vmem>> -> memref<128x128xf32, #tpu.memory_space<vmem>>
      %gather3A_1527 = tpu.vector_load_idx %gather3A_1526[%add3A_1305, %add3A_1522] : memref<128x128xf32, #tpu.memory_space<vmem>>[vector<16xi32>, vector<16xi32>], vector<16xf32>,
      %add3A_1528 = arith.constant 11 : i32
      %add3A_1529 = vector.broadcast %add3A_1528 : i32 to vector<16xi32>
      %add3A_1530 = arith.addi %mul3A_1323, %add3A_1529 : vector<16xi32>
      %gather3A_1531 = arith.constant 0 : i32
      %gather3A_1532 = arith.constant 0 : i32
      %gather3A_1533 = tpu.memref_slice %arg13[%scan3A_1249, %gather3A_1531, %gather3A_1532] : memref<2x128x128xf32, #tpu.memory_space<vmem>> -> memref<1x128x128xf32, #tpu.memory_space<vmem>>
      %gather3A_1534 = tpu.memref_squeeze %gather3A_1533 : memref<1x128x128xf32, #tpu.memory_space<vmem>> -> memref<128x128xf32, #tpu.memory_space<vmem>>
      %gather3A_1535 = tpu.vector_load_idx %gather3A_1534[%add3A_1305, %add3A_1530] : memref<128x128xf32, #tpu.memory_space<vmem>>[vector<16xi32>, vector<16xi32>], vector<16xf32>,
      %mul3A_1536 = arith.mulf %gather3A_1511, %gather3A_1519 : vector<16xf32>
      %add3A_1537 = arith.addf %add3A_1501, %mul3A_1536 : vector<16xf32>
      %mul3A_1538 = arith.mulf %gather3A_1527, %gather3A_1535 : vector<16xf32>
      %add3A_1539 = arith.addf %add3A_1503, %mul3A_1538 : vector<16xf32>
      %add3A_1540 = arith.constant 12 : i32
      %add3A_1541 = vector.broadcast %add3A_1540 : i32 to vector<16xi32>
      %add3A_1542 = arith.addi %mul3A_1314, %add3A_1541 : vector<16xi32>
      %gather3A_1543 = arith.constant 0 : i32
      %gather3A_1544 = arith.constant 0 : i32
      %gather3A_1545 = tpu.memref_slice %arg12[%scan3A_1248, %gather3A_1543, %gather3A_1544] : memref<2x128x128xf32, #tpu.memory_space<vmem>> -> memref<1x128x128xf32, #tpu.memory_space<vmem>>
      %gather3A_1546 = tpu.memref_squeeze %gather3A_1545 : memref<1x128x128xf32, #tpu.memory_space<vmem>> -> memref<128x128xf32, #tpu.memory_space<vmem>>
      %gather3A_1547 = tpu.vector_load_idx %gather3A_1546[%add3A_1305, %add3A_1542] : memref<128x128xf32, #tpu.memory_space<vmem>>[vector<16xi32>, vector<16xi32>], vector<16xf32>,
      %add3A_1548 = arith.constant 12 : i32
      %add3A_1549 = vector.broadcast %add3A_1548 : i32 to vector<16xi32>
      %add3A_1550 = arith.addi %mul3A_1323, %add3A_1549 : vector<16xi32>
      %gather3A_1551 = arith.constant 0 : i32
      %gather3A_1552 = arith.constant 0 : i32
      %gather3A_1553 = tpu.memref_slice %arg13[%scan3A_1249, %gather3A_1551, %gather3A_1552] : memref<2x128x128xf32, #tpu.memory_space<vmem>> -> memref<1x128x128xf32, #tpu.memory_space<vmem>>
      %gather3A_1554 = tpu.memref_squeeze %gather3A_1553 : memref<1x128x128xf32, #tpu.memory_space<vmem>> -> memref<128x128xf32, #tpu.memory_space<vmem>>
      %gather3A_1555 = tpu.vector_load_idx %gather3A_1554[%add3A_1305, %add3A_1550] : memref<128x128xf32, #tpu.memory_space<vmem>>[vector<16xi32>, vector<16xi32>], vector<16xf32>,
      %add3A_1556 = arith.constant 13 : i32
      %add3A_1557 = vector.broadcast %add3A_1556 : i32 to vector<16xi32>
      %add3A_1558 = arith.addi %mul3A_1314, %add3A_1557 : vector<16xi32>
      %gather3A_1559 = arith.constant 0 : i32
      %gather3A_1560 = arith.constant 0 : i32
      %gather3A_1561 = tpu.memref_slice %arg12[%scan3A_1248, %gather3A_1559, %gather3A_1560] : memref<2x128x128xf32, #tpu.memory_space<vmem>> -> memref<1x128x128xf32, #tpu.memory_space<vmem>>
      %gather3A_1562 = tpu.memref_squeeze %gather3A_1561 : memref<1x128x128xf32, #tpu.memory_space<vmem>> -> memref<128x128xf32, #tpu.memory_space<vmem>>
      %gather3A_1563 = tpu.vector_load_idx %gather3A_1562[%add3A_1305, %add3A_1558] : memref<128x128xf32, #tpu.memory_space<vmem>>[vector<16xi32>, vector<16xi32>], vector<16xf32>,
      %add3A_1564 = arith.constant 13 : i32
      %add3A_1565 = vector.broadcast %add3A_1564 : i32 to vector<16xi32>
      %add3A_1566 = arith.addi %mul3A_1323, %add3A_1565 : vector<16xi32>
      %gather3A_1567 = arith.constant 0 : i32
      %gather3A_1568 = arith.constant 0 : i32
      %gather3A_1569 = tpu.memref_slice %arg13[%scan3A_1249, %gather3A_1567, %gather3A_1568] : memref<2x128x128xf32, #tpu.memory_space<vmem>> -> memref<1x128x128xf32, #tpu.memory_space<vmem>>
      %gather3A_1570 = tpu.memref_squeeze %gather3A_1569 : memref<1x128x128xf32, #tpu.memory_space<vmem>> -> memref<128x128xf32, #tpu.memory_space<vmem>>
      %gather3A_1571 = tpu.vector_load_idx %gather3A_1570[%add3A_1305, %add3A_1566] : memref<128x128xf32, #tpu.memory_space<vmem>>[vector<16xi32>, vector<16xi32>], vector<16xf32>,
      %mul3A_1572 = arith.mulf %gather3A_1547, %gather3A_1555 : vector<16xf32>
      %add3A_1573 = arith.addf %add3A_1537, %mul3A_1572 : vector<16xf32>
      %mul3A_1574 = arith.mulf %gather3A_1563, %gather3A_1571 : vector<16xf32>
      %add3A_1575 = arith.addf %add3A_1539, %mul3A_1574 : vector<16xf32>
      %add3A_1576 = arith.constant 14 : i32
      %add3A_1577 = vector.broadcast %add3A_1576 : i32 to vector<16xi32>
      %add3A_1578 = arith.addi %mul3A_1314, %add3A_1577 : vector<16xi32>
      %gather3A_1579 = arith.constant 0 : i32
      %gather3A_1580 = arith.constant 0 : i32
      %gather3A_1581 = tpu.memref_slice %arg12[%scan3A_1248, %gather3A_1579, %gather3A_1580] : memref<2x128x128xf32, #tpu.memory_space<vmem>> -> memref<1x128x128xf32, #tpu.memory_space<vmem>>
      %gather3A_1582 = tpu.memref_squeeze %gather3A_1581 : memref<1x128x128xf32, #tpu.memory_space<vmem>> -> memref<128x128xf32, #tpu.memory_space<vmem>>
      %gather3A_1583 = tpu.vector_load_idx %gather3A_1582[%add3A_1305, %add3A_1578] : memref<128x128xf32, #tpu.memory_space<vmem>>[vector<16xi32>, vector<16xi32>], vector<16xf32>,
      %add3A_1584 = arith.constant 14 : i32
      %add3A_1585 = vector.broadcast %add3A_1584 : i32 to vector<16xi32>
      %add3A_1586 = arith.addi %mul3A_1323, %add3A_1585 : vector<16xi32>
      %gather3A_1587 = arith.constant 0 : i32
      %gather3A_1588 = arith.constant 0 : i32
      %gather3A_1589 = tpu.memref_slice %arg13[%scan3A_1249, %gather3A_1587, %gather3A_1588] : memref<2x128x128xf32, #tpu.memory_space<vmem>> -> memref<1x128x128xf32, #tpu.memory_space<vmem>>
      %gather3A_1590 = tpu.memref_squeeze %gather3A_1589 : memref<1x128x128xf32, #tpu.memory_space<vmem>> -> memref<128x128xf32, #tpu.memory_space<vmem>>
      %gather3A_1591 = tpu.vector_load_idx %gather3A_1590[%add3A_1305, %add3A_1586] : memref<128x128xf32, #tpu.memory_space<vmem>>[vector<16xi32>, vector<16xi32>], vector<16xf32>,
      %add3A_1592 = arith.constant 15 : i32
      %add3A_1593 = vector.broadcast %add3A_1592 : i32 to vector<16xi32>
      %add3A_1594 = arith.addi %mul3A_1314, %add3A_1593 : vector<16xi32>
      %gather3A_1595 = arith.constant 0 : i32
      %gather3A_1596 = arith.constant 0 : i32
      %gather3A_1597 = tpu.memref_slice %arg12[%scan3A_1248, %gather3A_1595, %gather3A_1596] : memref<2x128x128xf32, #tpu.memory_space<vmem>> -> memref<1x128x128xf32, #tpu.memory_space<vmem>>
      %gather3A_1598 = tpu.memref_squeeze %gather3A_1597 : memref<1x128x128xf32, #tpu.memory_space<vmem>> -> memref<128x128xf32, #tpu.memory_space<vmem>>
      %gather3A_1599 = tpu.vector_load_idx %gather3A_1598[%add3A_1305, %add3A_1594] : memref<128x128xf32, #tpu.memory_space<vmem>>[vector<16xi32>, vector<16xi32>], vector<16xf32>,
      %add3A_1600 = arith.constant 15 : i32
      %add3A_1601 = vector.broadcast %add3A_1600 : i32 to vector<16xi32>
      %add3A_1602 = arith.addi %mul3A_1323, %add3A_1601 : vector<16xi32>
      %gather3A_1603 = arith.constant 0 : i32
      %gather3A_1604 = arith.constant 0 : i32
      %gather3A_1605 = tpu.memref_slice %arg13[%scan3A_1249, %gather3A_1603, %gather3A_1604] : memref<2x128x128xf32, #tpu.memory_space<vmem>> -> memref<1x128x128xf32, #tpu.memory_space<vmem>>
      %gather3A_1606 = tpu.memref_squeeze %gather3A_1605 : memref<1x128x128xf32, #tpu.memory_space<vmem>> -> memref<128x128xf32, #tpu.memory_space<vmem>>
      %gather3A_1607 = tpu.vector_load_idx %gather3A_1606[%add3A_1305, %add3A_1602] : memref<128x128xf32, #tpu.memory_space<vmem>>[vector<16xi32>, vector<16xi32>], vector<16xf32>,
      %mul3A_1608 = arith.mulf %gather3A_1583, %gather3A_1591 : vector<16xf32>
      %add3A_1609 = arith.addf %add3A_1573, %mul3A_1608 : vector<16xf32>
      %mul3A_1610 = arith.mulf %gather3A_1599, %gather3A_1607 : vector<16xf32>
      %add3A_1611 = arith.addf %add3A_1575, %mul3A_1610 : vector<16xf32>
      %add3A_1612 = arith.constant 16 : i32
      %add3A_1613 = vector.broadcast %add3A_1612 : i32 to vector<16xi32>
      %add3A_1614 = arith.addi %mul3A_1314, %add3A_1613 : vector<16xi32>
      %gather3A_1615 = arith.constant 0 : i32
      %gather3A_1616 = arith.constant 0 : i32
      %gather3A_1617 = tpu.memref_slice %arg12[%scan3A_1248, %gather3A_1615, %gather3A_1616] : memref<2x128x128xf32, #tpu.memory_space<vmem>> -> memref<1x128x128xf32, #tpu.memory_space<vmem>>
      %gather3A_1618 = tpu.memref_squeeze %gather3A_1617 : memref<1x128x128xf32, #tpu.memory_space<vmem>> -> memref<128x128xf32, #tpu.memory_space<vmem>>
      %gather3A_1619 = tpu.vector_load_idx %gather3A_1618[%add3A_1305, %add3A_1614] : memref<128x128xf32, #tpu.memory_space<vmem>>[vector<16xi32>, vector<16xi32>], vector<16xf32>,
      %add3A_1620 = arith.constant 16 : i32
      %add3A_1621 = vector.broadcast %add3A_1620 : i32 to vector<16xi32>
      %add3A_1622 = arith.addi %mul3A_1323, %add3A_1621 : vector<16xi32>
      %gather3A_1623 = arith.constant 0 : i32
      %gather3A_1624 = arith.constant 0 : i32
      %gather3A_1625 = tpu.memref_slice %arg13[%scan3A_1249, %gather3A_1623, %gather3A_1624] : memref<2x128x128xf32, #tpu.memory_space<vmem>> -> memref<1x128x128xf32, #tpu.memory_space<vmem>>
      %gather3A_1626 = tpu.memref_squeeze %gather3A_1625 : memref<1x128x128xf32, #tpu.memory_space<vmem>> -> memref<128x128xf32, #tpu.memory_space<vmem>>
      %gather3A_1627 = tpu.vector_load_idx %gather3A_1626[%add3A_1305, %add3A_1622] : memref<128x128xf32, #tpu.memory_space<vmem>>[vector<16xi32>, vector<16xi32>], vector<16xf32>,
      %add3A_1628 = arith.constant 17 : i32
      %add3A_1629 = vector.broadcast %add3A_1628 : i32 to vector<16xi32>
      %add3A_1630 = arith.addi %mul3A_1314, %add3A_1629 : vector<16xi32>
      %gather3A_1631 = arith.constant 0 : i32
      %gather3A_1632 = arith.constant 0 : i32
      %gather3A_1633 = tpu.memref_slice %arg12[%scan3A_1248, %gather3A_1631, %gather3A_1632] : memref<2x128x128xf32, #tpu.memory_space<vmem>> -> memref<1x128x128xf32, #tpu.memory_space<vmem>>
      %gather3A_1634 = tpu.memref_squeeze %gather3A_1633 : memref<1x128x128xf32, #tpu.memory_space<vmem>> -> memref<128x128xf32, #tpu.memory_space<vmem>>
      %gather3A_1635 = tpu.vector_load_idx %gather3A_1634[%add3A_1305, %add3A_1630] : memref<128x128xf32, #tpu.memory_space<vmem>>[vector<16xi32>, vector<16xi32>], vector<16xf32>,
      %add3A_1636 = arith.constant 17 : i32
      %add3A_1637 = vector.broadcast %add3A_1636 : i32 to vector<16xi32>
      %add3A_1638 = arith.addi %mul3A_1323, %add3A_1637 : vector<16xi32>
      %gather3A_1639 = arith.constant 0 : i32
      %gather3A_1640 = arith.constant 0 : i32
      %gather3A_1641 = tpu.memref_slice %arg13[%scan3A_1249, %gather3A_1639, %gather3A_1640] : memref<2x128x128xf32, #tpu.memory_space<vmem>> -> memref<1x128x128xf32, #tpu.memory_space<vmem>>
      %gather3A_1642 = tpu.memref_squeeze %gather3A_1641 : memref<1x128x128xf32, #tpu.memory_space<vmem>> -> memref<128x128xf32, #tpu.memory_space<vmem>>
      %gather3A_1643 = tpu.vector_load_idx %gather3A_1642[%add3A_1305, %add3A_1638] : memref<128x128xf32, #tpu.memory_space<vmem>>[vector<16xi32>, vector<16xi32>], vector<16xf32>,
      %mul3A_1644 = arith.mulf %gather3A_1619, %gather3A_1627 : vector<16xf32>
      %add3A_1645 = arith.addf %add3A_1609, %mul3A_1644 : vector<16xf32>
      %mul3A_1646 = arith.mulf %gather3A_1635, %gather3A_1643 : vector<16xf32>
      %add3A_1647 = arith.addf %add3A_1611, %mul3A_1646 : vector<16xf32>
      %add3A_1648 = arith.constant 18 : i32
      %add3A_1649 = vector.broadcast %add3A_1648 : i32 to vector<16xi32>
      %add3A_1650 = arith.addi %mul3A_1314, %add3A_1649 : vector<16xi32>
      %gather3A_1651 = arith.constant 0 : i32
      %gather3A_1652 = arith.constant 0 : i32
      %gather3A_1653 = tpu.memref_slice %arg12[%scan3A_1248, %gather3A_1651, %gather3A_1652] : memref<2x128x128xf32, #tpu.memory_space<vmem>> -> memref<1x128x128xf32, #tpu.memory_space<vmem>>
      %gather3A_1654 = tpu.memref_squeeze %gather3A_1653 : memref<1x128x128xf32, #tpu.memory_space<vmem>> -> memref<128x128xf32, #tpu.memory_space<vmem>>
      %gather3A_1655 = tpu.vector_load_idx %gather3A_1654[%add3A_1305, %add3A_1650] : memref<128x128xf32, #tpu.memory_space<vmem>>[vector<16xi32>, vector<16xi32>], vector<16xf32>,
      %add3A_1656 = arith.constant 18 : i32
      %add3A_1657 = vector.broadcast %add3A_1656 : i32 to vector<16xi32>
      %add3A_1658 = arith.addi %mul3A_1323, %add3A_1657 : vector<16xi32>
      %gather3A_1659 = arith.constant 0 : i32
      %gather3A_1660 = arith.constant 0 : i32
      %gather3A_1661 = tpu.memref_slice %arg13[%scan3A_1249, %gather3A_1659, %gather3A_1660] : memref<2x128x128xf32, #tpu.memory_space<vmem>> -> memref<1x128x128xf32, #tpu.memory_space<vmem>>
      %gather3A_1662 = tpu.memref_squeeze %gather3A_1661 : memref<1x128x128xf32, #tpu.memory_space<vmem>> -> memref<128x128xf32, #tpu.memory_space<vmem>>
      %gather3A_1663 = tpu.vector_load_idx %gather3A_1662[%add3A_1305, %add3A_1658] : memref<128x128xf32, #tpu.memory_space<vmem>>[vector<16xi32>, vector<16xi32>], vector<16xf32>,
      %add3A_1664 = arith.constant 19 : i32
      %add3A_1665 = vector.broadcast %add3A_1664 : i32 to vector<16xi32>
      %add3A_1666 = arith.addi %mul3A_1314, %add3A_1665 : vector<16xi32>
      %gather3A_1667 = arith.constant 0 : i32
      %gather3A_1668 = arith.constant 0 : i32
      %gather3A_1669 = tpu.memref_slice %arg12[%scan3A_1248, %gather3A_1667, %gather3A_1668] : memref<2x128x128xf32, #tpu.memory_space<vmem>> -> memref<1x128x128xf32, #tpu.memory_space<vmem>>
      %gather3A_1670 = tpu.memref_squeeze %gather3A_1669 : memref<1x128x128xf32, #tpu.memory_space<vmem>> -> memref<128x128xf32, #tpu.memory_space<vmem>>
      %gather3A_1671 = tpu.vector_load_idx %gather3A_1670[%add3A_1305, %add3A_1666] : memref<128x128xf32, #tpu.memory_space<vmem>>[vector<16xi32>, vector<16xi32>], vector<16xf32>,
      %add3A_1672 = arith.constant 19 : i32
      %add3A_1673 = vector.broadcast %add3A_1672 : i32 to vector<16xi32>
      %add3A_1674 = arith.addi %mul3A_1323, %add3A_1673 : vector<16xi32>
      %gather3A_1675 = arith.constant 0 : i32
      %gather3A_1676 = arith.constant 0 : i32
      %gather3A_1677 = tpu.memref_slice %arg13[%scan3A_1249, %gather3A_1675, %gather3A_1676] : memref<2x128x128xf32, #tpu.memory_space<vmem>> -> memref<1x128x128xf32, #tpu.memory_space<vmem>>
      %gather3A_1678 = tpu.memref_squeeze %gather3A_1677 : memref<1x128x128xf32, #tpu.memory_space<vmem>> -> memref<128x128xf32, #tpu.memory_space<vmem>>
      %gather3A_1679 = tpu.vector_load_idx %gather3A_1678[%add3A_1305, %add3A_1674] : memref<128x128xf32, #tpu.memory_space<vmem>>[vector<16xi32>, vector<16xi32>], vector<16xf32>,
      %mul3A_1680 = arith.mulf %gather3A_1655, %gather3A_1663 : vector<16xf32>
      %add3A_1681 = arith.addf %add3A_1645, %mul3A_1680 : vector<16xf32>
      %mul3A_1682 = arith.mulf %gather3A_1671, %gather3A_1679 : vector<16xf32>
      %add3A_1683 = arith.addf %add3A_1647, %mul3A_1682 : vector<16xf32>
      %add3A_1684 = arith.constant 20 : i32
      %add3A_1685 = vector.broadcast %add3A_1684 : i32 to vector<16xi32>
      %add3A_1686 = arith.addi %mul3A_1314, %add3A_1685 : vector<16xi32>
      %gather3A_1687 = arith.constant 0 : i32
      %gather3A_1688 = arith.constant 0 : i32
      %gather3A_1689 = tpu.memref_slice %arg12[%scan3A_1248, %gather3A_1687, %gather3A_1688] : memref<2x128x128xf32, #tpu.memory_space<vmem>> -> memref<1x128x128xf32, #tpu.memory_space<vmem>>
      %gather3A_1690 = tpu.memref_squeeze %gather3A_1689 : memref<1x128x128xf32, #tpu.memory_space<vmem>> -> memref<128x128xf32, #tpu.memory_space<vmem>>
      %gather3A_1691 = tpu.vector_load_idx %gather3A_1690[%add3A_1305, %add3A_1686] : memref<128x128xf32, #tpu.memory_space<vmem>>[vector<16xi32>, vector<16xi32>], vector<16xf32>,
      %add3A_1692 = arith.constant 20 : i32
      %add3A_1693 = vector.broadcast %add3A_1692 : i32 to vector<16xi32>
      %add3A_1694 = arith.addi %mul3A_1323, %add3A_1693 : vector<16xi32>
      %gather3A_1695 = arith.constant 0 : i32
      %gather3A_1696 = arith.constant 0 : i32
      %gather3A_1697 = tpu.memref_slice %arg13[%scan3A_1249, %gather3A_1695, %gather3A_1696] : memref<2x128x128xf32, #tpu.memory_space<vmem>> -> memref<1x128x128xf32, #tpu.memory_space<vmem>>
      %gather3A_1698 = tpu.memref_squeeze %gather3A_1697 : memref<1x128x128xf32, #tpu.memory_space<vmem>> -> memref<128x128xf32, #tpu.memory_space<vmem>>
      %gather3A_1699 = tpu.vector_load_idx %gather3A_1698[%add3A_1305, %add3A_1694] : memref<128x128xf32, #tpu.memory_space<vmem>>[vector<16xi32>, vector<16xi32>], vector<16xf32>,
      %add3A_1700 = arith.constant 21 : i32
      %add3A_1701 = vector.broadcast %add3A_1700 : i32 to vector<16xi32>
      %add3A_1702 = arith.addi %mul3A_1314, %add3A_1701 : vector<16xi32>
      %gather3A_1703 = arith.constant 0 : i32
      %gather3A_1704 = arith.constant 0 : i32
      %gather3A_1705 = tpu.memref_slice %arg12[%scan3A_1248, %gather3A_1703, %gather3A_1704] : memref<2x128x128xf32, #tpu.memory_space<vmem>> -> memref<1x128x128xf32, #tpu.memory_space<vmem>>
      %gather3A_1706 = tpu.memref_squeeze %gather3A_1705 : memref<1x128x128xf32, #tpu.memory_space<vmem>> -> memref<128x128xf32, #tpu.memory_space<vmem>>
      %gather3A_1707 = tpu.vector_load_idx %gather3A_1706[%add3A_1305, %add3A_1702] : memref<128x128xf32, #tpu.memory_space<vmem>>[vector<16xi32>, vector<16xi32>], vector<16xf32>,
      %add3A_1708 = arith.constant 21 : i32
      %add3A_1709 = vector.broadcast %add3A_1708 : i32 to vector<16xi32>
      %add3A_1710 = arith.addi %mul3A_1323, %add3A_1709 : vector<16xi32>
      %gather3A_1711 = arith.constant 0 : i32
      %gather3A_1712 = arith.constant 0 : i32
      %gather3A_1713 = tpu.memref_slice %arg13[%scan3A_1249, %gather3A_1711, %gather3A_1712] : memref<2x128x128xf32, #tpu.memory_space<vmem>> -> memref<1x128x128xf32, #tpu.memory_space<vmem>>
      %gather3A_1714 = tpu.memref_squeeze %gather3A_1713 : memref<1x128x128xf32, #tpu.memory_space<vmem>> -> memref<128x128xf32, #tpu.memory_space<vmem>>
      %gather3A_1715 = tpu.vector_load_idx %gather3A_1714[%add3A_1305, %add3A_1710] : memref<128x128xf32, #tpu.memory_space<vmem>>[vector<16xi32>, vector<16xi32>], vector<16xf32>,
      %mul3A_1716 = arith.mulf %gather3A_1691, %gather3A_1699 : vector<16xf32>
      %add3A_1717 = arith.addf %add3A_1681, %mul3A_1716 : vector<16xf32>
      %mul3A_1718 = arith.mulf %gather3A_1707, %gather3A_1715 : vector<16xf32>
      %add3A_1719 = arith.addf %add3A_1683, %mul3A_1718 : vector<16xf32>
      %add3A_1720 = arith.constant 22 : i32
      %add3A_1721 = vector.broadcast %add3A_1720 : i32 to vector<16xi32>
      %add3A_1722 = arith.addi %mul3A_1314, %add3A_1721 : vector<16xi32>
      %gather3A_1723 = arith.constant 0 : i32
      %gather3A_1724 = arith.constant 0 : i32
      %gather3A_1725 = tpu.memref_slice %arg12[%scan3A_1248, %gather3A_1723, %gather3A_1724] : memref<2x128x128xf32, #tpu.memory_space<vmem>> -> memref<1x128x128xf32, #tpu.memory_space<vmem>>
      %gather3A_1726 = tpu.memref_squeeze %gather3A_1725 : memref<1x128x128xf32, #tpu.memory_space<vmem>> -> memref<128x128xf32, #tpu.memory_space<vmem>>
      %gather3A_1727 = tpu.vector_load_idx %gather3A_1726[%add3A_1305, %add3A_1722] : memref<128x128xf32, #tpu.memory_space<vmem>>[vector<16xi32>, vector<16xi32>], vector<16xf32>,
      %add3A_1728 = arith.constant 22 : i32
      %add3A_1729 = vector.broadcast %add3A_1728 : i32 to vector<16xi32>
      %add3A_1730 = arith.addi %mul3A_1323, %add3A_1729 : vector<16xi32>
      %gather3A_1731 = arith.constant 0 : i32
      %gather3A_1732 = arith.constant 0 : i32
      %gather3A_1733 = tpu.memref_slice %arg13[%scan3A_1249, %gather3A_1731, %gather3A_1732] : memref<2x128x128xf32, #tpu.memory_space<vmem>> -> memref<1x128x128xf32, #tpu.memory_space<vmem>>
      %gather3A_1734 = tpu.memref_squeeze %gather3A_1733 : memref<1x128x128xf32, #tpu.memory_space<vmem>> -> memref<128x128xf32, #tpu.memory_space<vmem>>
      %gather3A_1735 = tpu.vector_load_idx %gather3A_1734[%add3A_1305, %add3A_1730] : memref<128x128xf32, #tpu.memory_space<vmem>>[vector<16xi32>, vector<16xi32>], vector<16xf32>,
      %add3A_1736 = arith.constant 23 : i32
      %add3A_1737 = vector.broadcast %add3A_1736 : i32 to vector<16xi32>
      %add3A_1738 = arith.addi %mul3A_1314, %add3A_1737 : vector<16xi32>
      %gather3A_1739 = arith.constant 0 : i32
      %gather3A_1740 = arith.constant 0 : i32
      %gather3A_1741 = tpu.memref_slice %arg12[%scan3A_1248, %gather3A_1739, %gather3A_1740] : memref<2x128x128xf32, #tpu.memory_space<vmem>> -> memref<1x128x128xf32, #tpu.memory_space<vmem>>
      %gather3A_1742 = tpu.memref_squeeze %gather3A_1741 : memref<1x128x128xf32, #tpu.memory_space<vmem>> -> memref<128x128xf32, #tpu.memory_space<vmem>>
      %gather3A_1743 = tpu.vector_load_idx %gather3A_1742[%add3A_1305, %add3A_1738] : memref<128x128xf32, #tpu.memory_space<vmem>>[vector<16xi32>, vector<16xi32>], vector<16xf32>,
      %add3A_1744 = arith.constant 23 : i32
      %add3A_1745 = vector.broadcast %add3A_1744 : i32 to vector<16xi32>
      %add3A_1746 = arith.addi %mul3A_1323, %add3A_1745 : vector<16xi32>
      %gather3A_1747 = arith.constant 0 : i32
      %gather3A_1748 = arith.constant 0 : i32
      %gather3A_1749 = tpu.memref_slice %arg13[%scan3A_1249, %gather3A_1747, %gather3A_1748] : memref<2x128x128xf32, #tpu.memory_space<vmem>> -> memref<1x128x128xf32, #tpu.memory_space<vmem>>
      %gather3A_1750 = tpu.memref_squeeze %gather3A_1749 : memref<1x128x128xf32, #tpu.memory_space<vmem>> -> memref<128x128xf32, #tpu.memory_space<vmem>>
      %gather3A_1751 = tpu.vector_load_idx %gather3A_1750[%add3A_1305, %add3A_1746] : memref<128x128xf32, #tpu.memory_space<vmem>>[vector<16xi32>, vector<16xi32>], vector<16xf32>,
      %mul3A_1752 = arith.mulf %gather3A_1727, %gather3A_1735 : vector<16xf32>
      %add3A_1753 = arith.addf %add3A_1717, %mul3A_1752 : vector<16xf32>
      %mul3A_1754 = arith.mulf %gather3A_1743, %gather3A_1751 : vector<16xf32>
      %add3A_1755 = arith.addf %add3A_1719, %mul3A_1754 : vector<16xf32>
      %add3A_1756 = arith.constant 24 : i32
      %add3A_1757 = vector.broadcast %add3A_1756 : i32 to vector<16xi32>
      %add3A_1758 = arith.addi %mul3A_1314, %add3A_1757 : vector<16xi32>
      %gather3A_1759 = arith.constant 0 : i32
      %gather3A_1760 = arith.constant 0 : i32
      %gather3A_1761 = tpu.memref_slice %arg12[%scan3A_1248, %gather3A_1759, %gather3A_1760] : memref<2x128x128xf32, #tpu.memory_space<vmem>> -> memref<1x128x128xf32, #tpu.memory_space<vmem>>
      %gather3A_1762 = tpu.memref_squeeze %gather3A_1761 : memref<1x128x128xf32, #tpu.memory_space<vmem>> -> memref<128x128xf32, #tpu.memory_space<vmem>>
      %gather3A_1763 = tpu.vector_load_idx %gather3A_1762[%add3A_1305, %add3A_1758] : memref<128x128xf32, #tpu.memory_space<vmem>>[vector<16xi32>, vector<16xi32>], vector<16xf32>,
      %add3A_1764 = arith.constant 24 : i32
      %add3A_1765 = vector.broadcast %add3A_1764 : i32 to vector<16xi32>
      %add3A_1766 = arith.addi %mul3A_1323, %add3A_1765 : vector<16xi32>
      %gather3A_1767 = arith.constant 0 : i32
      %gather3A_1768 = arith.constant 0 : i32
      %gather3A_1769 = tpu.memref_slice %arg13[%scan3A_1249, %gather3A_1767, %gather3A_1768] : memref<2x128x128xf32, #tpu.memory_space<vmem>> -> memref<1x128x128xf32, #tpu.memory_space<vmem>>
      %gather3A_1770 = tpu.memref_squeeze %gather3A_1769 : memref<1x128x128xf32, #tpu.memory_space<vmem>> -> memref<128x128xf32, #tpu.memory_space<vmem>>
      %gather3A_1771 = tpu.vector_load_idx %gather3A_1770[%add3A_1305, %add3A_1766] : memref<128x128xf32, #tpu.memory_space<vmem>>[vector<16xi32>, vector<16xi32>], vector<16xf32>,
      %add3A_1772 = arith.constant 25 : i32
      %add3A_1773 = vector.broadcast %add3A_1772 : i32 to vector<16xi32>
      %add3A_1774 = arith.addi %mul3A_1314, %add3A_1773 : vector<16xi32>
      %gather3A_1775 = arith.constant 0 : i32
      %gather3A_1776 = arith.constant 0 : i32
      %gather3A_1777 = tpu.memref_slice %arg12[%scan3A_1248, %gather3A_1775, %gather3A_1776] : memref<2x128x128xf32, #tpu.memory_space<vmem>> -> memref<1x128x128xf32, #tpu.memory_space<vmem>>
      %gather3A_1778 = tpu.memref_squeeze %gather3A_1777 : memref<1x128x128xf32, #tpu.memory_space<vmem>> -> memref<128x128xf32, #tpu.memory_space<vmem>>
      %gather3A_1779 = tpu.vector_load_idx %gather3A_1778[%add3A_1305, %add3A_1774] : memref<128x128xf32, #tpu.memory_space<vmem>>[vector<16xi32>, vector<16xi32>], vector<16xf32>,
      %add3A_1780 = arith.constant 25 : i32
      %add3A_1781 = vector.broadcast %add3A_1780 : i32 to vector<16xi32>
      %add3A_1782 = arith.addi %mul3A_1323, %add3A_1781 : vector<16xi32>
      %gather3A_1783 = arith.constant 0 : i32
      %gather3A_1784 = arith.constant 0 : i32
      %gather3A_1785 = tpu.memref_slice %arg13[%scan3A_1249, %gather3A_1783, %gather3A_1784] : memref<2x128x128xf32, #tpu.memory_space<vmem>> -> memref<1x128x128xf32, #tpu.memory_space<vmem>>
      %gather3A_1786 = tpu.memref_squeeze %gather3A_1785 : memref<1x128x128xf32, #tpu.memory_space<vmem>> -> memref<128x128xf32, #tpu.memory_space<vmem>>
      %gather3A_1787 = tpu.vector_load_idx %gather3A_1786[%add3A_1305, %add3A_1782] : memref<128x128xf32, #tpu.memory_space<vmem>>[vector<16xi32>, vector<16xi32>], vector<16xf32>,
      %mul3A_1788 = arith.mulf %gather3A_1763, %gather3A_1771 : vector<16xf32>
      %add3A_1789 = arith.addf %add3A_1753, %mul3A_1788 : vector<16xf32>
      %mul3A_1790 = arith.mulf %gather3A_1779, %gather3A_1787 : vector<16xf32>
      %add3A_1791 = arith.addf %add3A_1755, %mul3A_1790 : vector<16xf32>
      %add3A_1792 = arith.constant 26 : i32
      %add3A_1793 = vector.broadcast %add3A_1792 : i32 to vector<16xi32>
      %add3A_1794 = arith.addi %mul3A_1314, %add3A_1793 : vector<16xi32>
      %gather3A_1795 = arith.constant 0 : i32
      %gather3A_1796 = arith.constant 0 : i32
      %gather3A_1797 = tpu.memref_slice %arg12[%scan3A_1248, %gather3A_1795, %gather3A_1796] : memref<2x128x128xf32, #tpu.memory_space<vmem>> -> memref<1x128x128xf32, #tpu.memory_space<vmem>>
      %gather3A_1798 = tpu.memref_squeeze %gather3A_1797 : memref<1x128x128xf32, #tpu.memory_space<vmem>> -> memref<128x128xf32, #tpu.memory_space<vmem>>
      %gather3A_1799 = tpu.vector_load_idx %gather3A_1798[%add3A_1305, %add3A_1794] : memref<128x128xf32, #tpu.memory_space<vmem>>[vector<16xi32>, vector<16xi32>], vector<16xf32>,
      %add3A_1800 = arith.constant 26 : i32
      %add3A_1801 = vector.broadcast %add3A_1800 : i32 to vector<16xi32>
      %add3A_1802 = arith.addi %mul3A_1323, %add3A_1801 : vector<16xi32>
      %gather3A_1803 = arith.constant 0 : i32
      %gather3A_1804 = arith.constant 0 : i32
      %gather3A_1805 = tpu.memref_slice %arg13[%scan3A_1249, %gather3A_1803, %gather3A_1804] : memref<2x128x128xf32, #tpu.memory_space<vmem>> -> memref<1x128x128xf32, #tpu.memory_space<vmem>>
      %gather3A_1806 = tpu.memref_squeeze %gather3A_1805 : memref<1x128x128xf32, #tpu.memory_space<vmem>> -> memref<128x128xf32, #tpu.memory_space<vmem>>
      %gather3A_1807 = tpu.vector_load_idx %gather3A_1806[%add3A_1305, %add3A_1802] : memref<128x128xf32, #tpu.memory_space<vmem>>[vector<16xi32>, vector<16xi32>], vector<16xf32>,
      %add3A_1808 = arith.constant 27 : i32
      %add3A_1809 = vector.broadcast %add3A_1808 : i32 to vector<16xi32>
      %add3A_1810 = arith.addi %mul3A_1314, %add3A_1809 : vector<16xi32>
      %gather3A_1811 = arith.constant 0 : i32
      %gather3A_1812 = arith.constant 0 : i32
      %gather3A_1813 = tpu.memref_slice %arg12[%scan3A_1248, %gather3A_1811, %gather3A_1812] : memref<2x128x128xf32, #tpu.memory_space<vmem>> -> memref<1x128x128xf32, #tpu.memory_space<vmem>>
      %gather3A_1814 = tpu.memref_squeeze %gather3A_1813 : memref<1x128x128xf32, #tpu.memory_space<vmem>> -> memref<128x128xf32, #tpu.memory_space<vmem>>
      %gather3A_1815 = tpu.vector_load_idx %gather3A_1814[%add3A_1305, %add3A_1810] : memref<128x128xf32, #tpu.memory_space<vmem>>[vector<16xi32>, vector<16xi32>], vector<16xf32>,
      %add3A_1816 = arith.constant 27 : i32
      %add3A_1817 = vector.broadcast %add3A_1816 : i32 to vector<16xi32>
      %add3A_1818 = arith.addi %mul3A_1323, %add3A_1817 : vector<16xi32>
      %gather3A_1819 = arith.constant 0 : i32
      %gather3A_1820 = arith.constant 0 : i32
      %gather3A_1821 = tpu.memref_slice %arg13[%scan3A_1249, %gather3A_1819, %gather3A_1820] : memref<2x128x128xf32, #tpu.memory_space<vmem>> -> memref<1x128x128xf32, #tpu.memory_space<vmem>>
      %gather3A_1822 = tpu.memref_squeeze %gather3A_1821 : memref<1x128x128xf32, #tpu.memory_space<vmem>> -> memref<128x128xf32, #tpu.memory_space<vmem>>
      %gather3A_1823 = tpu.vector_load_idx %gather3A_1822[%add3A_1305, %add3A_1818] : memref<128x128xf32, #tpu.memory_space<vmem>>[vector<16xi32>, vector<16xi32>], vector<16xf32>,
      %mul3A_1824 = arith.mulf %gather3A_1799, %gather3A_1807 : vector<16xf32>
      %add3A_1825 = arith.addf %add3A_1789, %mul3A_1824 : vector<16xf32>
      %mul3A_1826 = arith.mulf %gather3A_1815, %gather3A_1823 : vector<16xf32>
      %add3A_1827 = arith.addf %add3A_1791, %mul3A_1826 : vector<16xf32>
      %add3A_1828 = arith.constant 28 : i32
      %add3A_1829 = vector.broadcast %add3A_1828 : i32 to vector<16xi32>
      %add3A_1830 = arith.addi %mul3A_1314, %add3A_1829 : vector<16xi32>
      %gather3A_1831 = arith.constant 0 : i32
      %gather3A_1832 = arith.constant 0 : i32
      %gather3A_1833 = tpu.memref_slice %arg12[%scan3A_1248, %gather3A_1831, %gather3A_1832] : memref<2x128x128xf32, #tpu.memory_space<vmem>> -> memref<1x128x128xf32, #tpu.memory_space<vmem>>
      %gather3A_1834 = tpu.memref_squeeze %gather3A_1833 : memref<1x128x128xf32, #tpu.memory_space<vmem>> -> memref<128x128xf32, #tpu.memory_space<vmem>>
      %gather3A_1835 = tpu.vector_load_idx %gather3A_1834[%add3A_1305, %add3A_1830] : memref<128x128xf32, #tpu.memory_space<vmem>>[vector<16xi32>, vector<16xi32>], vector<16xf32>,
      %add3A_1836 = arith.constant 28 : i32
      %add3A_1837 = vector.broadcast %add3A_1836 : i32 to vector<16xi32>
      %add3A_1838 = arith.addi %mul3A_1323, %add3A_1837 : vector<16xi32>
      %gather3A_1839 = arith.constant 0 : i32
      %gather3A_1840 = arith.constant 0 : i32
      %gather3A_1841 = tpu.memref_slice %arg13[%scan3A_1249, %gather3A_1839, %gather3A_1840] : memref<2x128x128xf32, #tpu.memory_space<vmem>> -> memref<1x128x128xf32, #tpu.memory_space<vmem>>
      %gather3A_1842 = tpu.memref_squeeze %gather3A_1841 : memref<1x128x128xf32, #tpu.memory_space<vmem>> -> memref<128x128xf32, #tpu.memory_space<vmem>>
      %gather3A_1843 = tpu.vector_load_idx %gather3A_1842[%add3A_1305, %add3A_1838] : memref<128x128xf32, #tpu.memory_space<vmem>>[vector<16xi32>, vector<16xi32>], vector<16xf32>,
      %add3A_1844 = arith.constant 29 : i32
      %add3A_1845 = vector.broadcast %add3A_1844 : i32 to vector<16xi32>
      %add3A_1846 = arith.addi %mul3A_1314, %add3A_1845 : vector<16xi32>
      %gather3A_1847 = arith.constant 0 : i32
      %gather3A_1848 = arith.constant 0 : i32
      %gather3A_1849 = tpu.memref_slice %arg12[%scan3A_1248, %gather3A_1847, %gather3A_1848] : memref<2x128x128xf32, #tpu.memory_space<vmem>> -> memref<1x128x128xf32, #tpu.memory_space<vmem>>
      %gather3A_1850 = tpu.memref_squeeze %gather3A_1849 : memref<1x128x128xf32, #tpu.memory_space<vmem>> -> memref<128x128xf32, #tpu.memory_space<vmem>>
      %gather3A_1851 = tpu.vector_load_idx %gather3A_1850[%add3A_1305, %add3A_1846] : memref<128x128xf32, #tpu.memory_space<vmem>>[vector<16xi32>, vector<16xi32>], vector<16xf32>,
      %add3A_1852 = arith.constant 29 : i32
      %add3A_1853 = vector.broadcast %add3A_1852 : i32 to vector<16xi32>
      %add3A_1854 = arith.addi %mul3A_1323, %add3A_1853 : vector<16xi32>
      %gather3A_1855 = arith.constant 0 : i32
      %gather3A_1856 = arith.constant 0 : i32
      %gather3A_1857 = tpu.memref_slice %arg13[%scan3A_1249, %gather3A_1855, %gather3A_1856] : memref<2x128x128xf32, #tpu.memory_space<vmem>> -> memref<1x128x128xf32, #tpu.memory_space<vmem>>
      %gather3A_1858 = tpu.memref_squeeze %gather3A_1857 : memref<1x128x128xf32, #tpu.memory_space<vmem>> -> memref<128x128xf32, #tpu.memory_space<vmem>>
      %gather3A_1859 = tpu.vector_load_idx %gather3A_1858[%add3A_1305, %add3A_1854] : memref<128x128xf32, #tpu.memory_space<vmem>>[vector<16xi32>, vector<16xi32>], vector<16xf32>,
      %mul3A_1860 = arith.mulf %gather3A_1835, %gather3A_1843 : vector<16xf32>
      %add3A_1861 = arith.addf %add3A_1825, %mul3A_1860 : vector<16xf32>
      %mul3A_1862 = arith.mulf %gather3A_1851, %gather3A_1859 : vector<16xf32>
      %add3A_1863 = arith.addf %add3A_1827, %mul3A_1862 : vector<16xf32>
      %add3A_1864 = arith.constant 30 : i32
      %add3A_1865 = vector.broadcast %add3A_1864 : i32 to vector<16xi32>
      %add3A_1866 = arith.addi %mul3A_1314, %add3A_1865 : vector<16xi32>
      %gather3A_1867 = arith.constant 0 : i32
      %gather3A_1868 = arith.constant 0 : i32
      %gather3A_1869 = tpu.memref_slice %arg12[%scan3A_1248, %gather3A_1867, %gather3A_1868] : memref<2x128x128xf32, #tpu.memory_space<vmem>> -> memref<1x128x128xf32, #tpu.memory_space<vmem>>
      %gather3A_1870 = tpu.memref_squeeze %gather3A_1869 : memref<1x128x128xf32, #tpu.memory_space<vmem>> -> memref<128x128xf32, #tpu.memory_space<vmem>>
      %gather3A_1871 = tpu.vector_load_idx %gather3A_1870[%add3A_1305, %add3A_1866] : memref<128x128xf32, #tpu.memory_space<vmem>>[vector<16xi32>, vector<16xi32>], vector<16xf32>,
      %add3A_1872 = arith.constant 30 : i32
      %add3A_1873 = vector.broadcast %add3A_1872 : i32 to vector<16xi32>
      %add3A_1874 = arith.addi %mul3A_1323, %add3A_1873 : vector<16xi32>
      %gather3A_1875 = arith.constant 0 : i32
      %gather3A_1876 = arith.constant 0 : i32
      %gather3A_1877 = tpu.memref_slice %arg13[%scan3A_1249, %gather3A_1875, %gather3A_1876] : memref<2x128x128xf32, #tpu.memory_space<vmem>> -> memref<1x128x128xf32, #tpu.memory_space<vmem>>
      %gather3A_1878 = tpu.memref_squeeze %gather3A_1877 : memref<1x128x128xf32, #tpu.memory_space<vmem>> -> memref<128x128xf32, #tpu.memory_space<vmem>>
      %gather3A_1879 = tpu.vector_load_idx %gather3A_1878[%add3A_1305, %add3A_1874] : memref<128x128xf32, #tpu.memory_space<vmem>>[vector<16xi32>, vector<16xi32>], vector<16xf32>,
      %add3A_1880 = arith.constant 31 : i32
      %add3A_1881 = vector.broadcast %add3A_1880 : i32 to vector<16xi32>
      %add3A_1882 = arith.addi %mul3A_1314, %add3A_1881 : vector<16xi32>
      %gather3A_1883 = arith.constant 0 : i32
      %gather3A_1884 = arith.constant 0 : i32
      %gather3A_1885 = tpu.memref_slice %arg12[%scan3A_1248, %gather3A_1883, %gather3A_1884] : memref<2x128x128xf32, #tpu.memory_space<vmem>> -> memref<1x128x128xf32, #tpu.memory_space<vmem>>
      %gather3A_1886 = tpu.memref_squeeze %gather3A_1885 : memref<1x128x128xf32, #tpu.memory_space<vmem>> -> memref<128x128xf32, #tpu.memory_space<vmem>>
      %gather3A_1887 = tpu.vector_load_idx %gather3A_1886[%add3A_1305, %add3A_1882] : memref<128x128xf32, #tpu.memory_space<vmem>>[vector<16xi32>, vector<16xi32>], vector<16xf32>,
      %add3A_1888 = arith.constant 31 : i32
      %add3A_1889 = vector.broadcast %add3A_1888 : i32 to vector<16xi32>
      %add3A_1890 = arith.addi %mul3A_1323, %add3A_1889 : vector<16xi32>
      %gather3A_1891 = arith.constant 0 : i32
      %gather3A_1892 = arith.constant 0 : i32
      %gather3A_1893 = tpu.memref_slice %arg13[%scan3A_1249, %gather3A_1891, %gather3A_1892] : memref<2x128x128xf32, #tpu.memory_space<vmem>> -> memref<1x128x128xf32, #tpu.memory_space<vmem>>
      %gather3A_1894 = tpu.memref_squeeze %gather3A_1893 : memref<1x128x128xf32, #tpu.memory_space<vmem>> -> memref<128x128xf32, #tpu.memory_space<vmem>>
      %gather3A_1895 = tpu.vector_load_idx %gather3A_1894[%add3A_1305, %add3A_1890] : memref<128x128xf32, #tpu.memory_space<vmem>>[vector<16xi32>, vector<16xi32>], vector<16xf32>,
      %mul3A_1896 = arith.mulf %gather3A_1871, %gather3A_1879 : vector<16xf32>
      %add3A_1897 = arith.addf %add3A_1861, %mul3A_1896 : vector<16xf32>
      %mul3A_1898 = arith.mulf %gather3A_1887, %gather3A_1895 : vector<16xf32>
      %add3A_1899 = arith.addf %add3A_1863, %mul3A_1898 : vector<16xf32>
      %add3A_1900 = arith.addf %add3A_1897, %add3A_1899 : vector<16xf32>
      %neg3A = arith.constant 0.000000e+00 : f32
      %neg3A_1901 = vector.broadcast %neg3A : f32 to vector<16xf32>
      %neg3A_1902 = arith.subf %neg3A_1901, %add3A_1900 : vector<16xf32>
      %exp3A = math.exp %neg3A_1902 : vector<16xf32>
      %add3A_1903 = arith.constant 1.000000e+00 : f32
      %add3A_1904 = vector.broadcast %add3A_1903 : f32 to vector<16xf32>
      %add3A_1905 = arith.addf %add3A_1904, %exp3A : vector<16xf32>
      %div3A = arith.constant 1.000000e+00 : f32
      %div3A_1906 = vector.broadcast %div3A : f32 to vector<16xf32>
      %div3A_1907 = arith.divf %div3A_1906, %add3A_1905 : vector<16xf32>
      %swap3A_1908 = arith.index_cast %add3A_1297 : i32 to index
      %swap3A_1909 = tpu.vector_load %arg15[%swap3A_1908] {strides = array<i32>} : memref<512xf32, #tpu.memory_space<vmem>>, vector<16xf32>,
      tpu.vector_store %arg15[%swap3A_1908], %div3A_1907 {strides = array<i32>} : memref<512xf32, #tpu.memory_space<vmem>>, vector<16xf32>,
    }
    %scan3A_1254 = arith.constant 8 : i32
    %dma_wait3A_1255 = arith.constant 3 : i32
    %dma_wait3A_1256 = arith.constant 1 : i32
    %dma_wait3A_1257 = arith.constant 1 : i32
    %dma_wait3A_1258 = arith.constant 0 : i32
    %dma_wait3A_1259 = arith.constant 0 : i32
    %dma_wait3A_1260 = tpu.memref_slice %arg12[%dma_wait3A_1256, %dma_wait3A_1258, %dma_wait3A_1259] : memref<2x128x128xf32, #tpu.memory_space<vmem>> -> memref<1x128x128xf32, #tpu.memory_space<vmem>>
    %dma_wait3A_1261 = tpu.memref_squeeze %dma_wait3A_1260 : memref<1x128x128xf32, #tpu.memory_space<vmem>> -> memref<128x128xf32, #tpu.memory_space<vmem>>
    %dma_wait3A_1262 = arith.constant 0 : i32
    %dma_wait3A_1263 = tpu.memref_slice %arg10[%dma_wait3A_1255, %dma_wait3A_1262] : memref<4x128xi32, #tpu.memory_space<vmem>> -> memref<1x128xi32, #tpu.memory_space<vmem>>
    %dma_wait3A_1264 = tpu.memref_squeeze %dma_wait3A_1263 : memref<1x128xi32, #tpu.memory_space<vmem>> -> memref<128xi32, #tpu.memory_space<vmem>>
    %dma_wait3A_1265 = arith.constant 0 : i32
    %dma_wait3A_1266 = arith.constant 0 : i32
    %dma_wait3A_1267 = tpu.memref_slice %arg2[%dma_wait3A_1265, %dma_wait3A_1266] : memref<253952x128xf32, #tpu.memory_space<hbm>> -> memref<253952x128xf32, #tpu.memory_space<hbm>>
    %dma_wait3A_1268 = tpu.memref_slice %arg16[%dma_wait3A_1257] : memref<2x!tpu.dma_semaphore, #tpu.memory_space<semaphore_mem>> -> memref<1x!tpu.dma_semaphore, #tpu.memory_space<semaphore_mem>>
    %dma_wait3A_1269 = tpu.memref_squeeze %dma_wait3A_1268 : memref<1x!tpu.dma_semaphore, #tpu.memory_space<semaphore_mem>> -> memref<!tpu.dma_semaphore, #tpu.memory_space<semaphore_mem>>
    tpu.wait_indirect_dma semaphore(%dma_wait3A_1269 : memref<!tpu.dma_semaphore, #tpu.memory_space<semaphore_mem>>) src(%dma_wait3A_1267 : memref<253952x128xf32, #tpu.memory_space<hbm>>) dst(%dma_wait3A_1261 : memref<128x128xf32, #tpu.memory_space<vmem>>)
    %dma_wait3A_1270 = arith.constant 3 : i32
    %dma_wait3A_1271 = arith.constant 1 : i32
    %dma_wait3A_1272 = arith.constant 1 : i32
    %dma_wait3A_1273 = arith.constant 0 : i32
    %dma_wait3A_1274 = arith.constant 0 : i32
    %dma_wait3A_1275 = tpu.memref_slice %arg13[%dma_wait3A_1271, %dma_wait3A_1273, %dma_wait3A_1274] : memref<2x128x128xf32, #tpu.memory_space<vmem>> -> memref<1x128x128xf32, #tpu.memory_space<vmem>>
    %dma_wait3A_1276 = tpu.memref_squeeze %dma_wait3A_1275 : memref<1x128x128xf32, #tpu.memory_space<vmem>> -> memref<128x128xf32, #tpu.memory_space<vmem>>
    %dma_wait3A_1277 = arith.constant 0 : i32
    %dma_wait3A_1278 = tpu.memref_slice %arg11[%dma_wait3A_1270, %dma_wait3A_1277] : memref<4x128xi32, #tpu.memory_space<vmem>> -> memref<1x128xi32, #tpu.memory_space<vmem>>
    %dma_wait3A_1279 = tpu.memref_squeeze %dma_wait3A_1278 : memref<1x128xi32, #tpu.memory_space<vmem>> -> memref<128xi32, #tpu.memory_space<vmem>>
    %dma_wait3A_1280 = arith.constant 0 : i32
    %dma_wait3A_1281 = arith.constant 0 : i32
    %dma_wait3A_1282 = tpu.memref_slice %arg3[%dma_wait3A_1280, %dma_wait3A_1281] : memref<253952x128xf32, #tpu.memory_space<hbm>> -> memref<253952x128xf32, #tpu.memory_space<hbm>>
    %dma_wait3A_1283 = tpu.memref_slice %arg16[%dma_wait3A_1272] : memref<2x!tpu.dma_semaphore, #tpu.memory_space<semaphore_mem>> -> memref<1x!tpu.dma_semaphore, #tpu.memory_space<semaphore_mem>>
    %dma_wait3A_1284 = tpu.memref_squeeze %dma_wait3A_1283 : memref<1x!tpu.dma_semaphore, #tpu.memory_space<semaphore_mem>> -> memref<!tpu.dma_semaphore, #tpu.memory_space<semaphore_mem>>
    tpu.wait_indirect_dma semaphore(%dma_wait3A_1284 : memref<!tpu.dma_semaphore, #tpu.memory_space<semaphore_mem>>) src(%dma_wait3A_1282 : memref<253952x128xf32, #tpu.memory_space<hbm>>) dst(%dma_wait3A_1276 : memref<128x128xf32, #tpu.memory_space<vmem>>)
    %scan3A_1285 = arith.constant 0 : i32
    %scan3A_1286 = arith.constant 1 : i32
    %scan3A_1287 = arith.constant 1 : i32
    %scan3A_1288 = arith.constant 0 : i32
    %scan3A_1289 = arith.constant 8 : i32
    %scan3A_1290 = arith.addi %scan3A_1288, %scan3A_1289 : i32
    %scan3A_1291 = arith.constant 1 : i32
    scf.for %scan3A_1293 = %scan3A_1288 to %scan3A_1290 step %scan3A_1291  : i32 {
      %mul3A_1294 = arith.constant 16 : i32
      %mul3A_1295 = arith.muli %scan3A_1293, %mul3A_1294 : i32
      %add3A_1296 = arith.constant 384 : i32
      %add3A_1297 = arith.addi %add3A_1296, %mul3A_1295 : i32
      %get3A_1298 = arith.index_cast %add3A_1297 : i32 to index
      %get3A_1299 = tpu.vector_load %arg8[%get3A_1298] {strides = array<i32>} : memref<512xi32, #tpu.memory_space<vmem>>, vector<16xi32>,
      %get3A_1300 = arith.index_cast %add3A_1297 : i32 to index
      %get3A_1301 = tpu.vector_load %arg9[%get3A_1300] {strides = array<i32>} : memref<512xi32, #tpu.memory_space<vmem>>, vector<16xi32>,
      %mul3A_1302 = arith.constant 16 : i32
      %mul3A_1303 = arith.muli %scan3A_1293, %mul3A_1302 : i32
      %add3A_1304 = vector.broadcast %mul3A_1303 : i32 to vector<16xi32>
      %add3A_1305 = arith.addi %add3A_1304, %iota3A : vector<16xi32>
      %shift_right_arithmetic3A_1306 = arith.constant 13 : i32
      %shift_right_arithmetic3A_1307 = vector.broadcast %shift_right_arithmetic3A_1306 : i32 to vector<16xi32>
      %shift_right_arithmetic3A_1308 = arith.shrsi %get3A_1299, %shift_right_arithmetic3A_1307 : vector<16xi32>
      %and3A_1309 = arith.constant 3 : i32
      %and3A_1310 = vector.broadcast %and3A_1309 : i32 to vector<16xi32>
      %and3A_1311 = arith.andi %shift_right_arithmetic3A_1308, %and3A_1310 : vector<16xi32>
      %mul3A_1312 = arith.constant 32 : i32
      %mul3A_1313 = vector.broadcast %mul3A_1312 : i32 to vector<16xi32>
      %mul3A_1314 = arith.muli %and3A_1311, %mul3A_1313 : vector<16xi32>
      %shift_right_arithmetic3A_1315 = arith.constant 13 : i32
      %shift_right_arithmetic3A_1316 = vector.broadcast %shift_right_arithmetic3A_1315 : i32 to vector<16xi32>
      %shift_right_arithmetic3A_1317 = arith.shrsi %get3A_1301, %shift_right_arithmetic3A_1316 : vector<16xi32>
      %and3A_1318 = arith.constant 3 : i32
      %and3A_1319 = vector.broadcast %and3A_1318 : i32 to vector<16xi32>
      %and3A_1320 = arith.andi %shift_right_arithmetic3A_1317, %and3A_1319 : vector<16xi32>
      %mul3A_1321 = arith.constant 32 : i32
      %mul3A_1322 = vector.broadcast %mul3A_1321 : i32 to vector<16xi32>
      %mul3A_1323 = arith.muli %and3A_1320, %mul3A_1322 : vector<16xi32>
      %broadcast_in_dim3A = arith.constant 0.000000e+00 : f32
      %broadcast_in_dim3A_1324 = vector.broadcast %broadcast_in_dim3A : f32 to vector<16xf32>
      %add3A_1325 = arith.constant 0 : i32
      %add3A_1326 = vector.broadcast %add3A_1325 : i32 to vector<16xi32>
      %add3A_1327 = arith.addi %mul3A_1314, %add3A_1326 : vector<16xi32>
      %gather3A = arith.constant 0 : i32
      %gather3A_1328 = arith.constant 0 : i32
      %gather3A_1329 = tpu.memref_slice %arg12[%scan3A_1286, %gather3A, %gather3A_1328] : memref<2x128x128xf32, #tpu.memory_space<vmem>> -> memref<1x128x128xf32, #tpu.memory_space<vmem>>
      %gather3A_1330 = tpu.memref_squeeze %gather3A_1329 : memref<1x128x128xf32, #tpu.memory_space<vmem>> -> memref<128x128xf32, #tpu.memory_space<vmem>>
      %gather3A_1331 = tpu.vector_load_idx %gather3A_1330[%add3A_1305, %add3A_1327] : memref<128x128xf32, #tpu.memory_space<vmem>>[vector<16xi32>, vector<16xi32>], vector<16xf32>,
      %add3A_1332 = arith.constant 0 : i32
      %add3A_1333 = vector.broadcast %add3A_1332 : i32 to vector<16xi32>
      %add3A_1334 = arith.addi %mul3A_1323, %add3A_1333 : vector<16xi32>
      %gather3A_1335 = arith.constant 0 : i32
      %gather3A_1336 = arith.constant 0 : i32
      %gather3A_1337 = tpu.memref_slice %arg13[%scan3A_1287, %gather3A_1335, %gather3A_1336] : memref<2x128x128xf32, #tpu.memory_space<vmem>> -> memref<1x128x128xf32, #tpu.memory_space<vmem>>
      %gather3A_1338 = tpu.memref_squeeze %gather3A_1337 : memref<1x128x128xf32, #tpu.memory_space<vmem>> -> memref<128x128xf32, #tpu.memory_space<vmem>>
      %gather3A_1339 = tpu.vector_load_idx %gather3A_1338[%add3A_1305, %add3A_1334] : memref<128x128xf32, #tpu.memory_space<vmem>>[vector<16xi32>, vector<16xi32>], vector<16xf32>,
      %add3A_1340 = arith.constant 1 : i32
      %add3A_1341 = vector.broadcast %add3A_1340 : i32 to vector<16xi32>
      %add3A_1342 = arith.addi %mul3A_1314, %add3A_1341 : vector<16xi32>
      %gather3A_1343 = arith.constant 0 : i32
      %gather3A_1344 = arith.constant 0 : i32
      %gather3A_1345 = tpu.memref_slice %arg12[%scan3A_1286, %gather3A_1343, %gather3A_1344] : memref<2x128x128xf32, #tpu.memory_space<vmem>> -> memref<1x128x128xf32, #tpu.memory_space<vmem>>
      %gather3A_1346 = tpu.memref_squeeze %gather3A_1345 : memref<1x128x128xf32, #tpu.memory_space<vmem>> -> memref<128x128xf32, #tpu.memory_space<vmem>>
      %gather3A_1347 = tpu.vector_load_idx %gather3A_1346[%add3A_1305, %add3A_1342] : memref<128x128xf32, #tpu.memory_space<vmem>>[vector<16xi32>, vector<16xi32>], vector<16xf32>,
      %add3A_1348 = arith.constant 1 : i32
      %add3A_1349 = vector.broadcast %add3A_1348 : i32 to vector<16xi32>
      %add3A_1350 = arith.addi %mul3A_1323, %add3A_1349 : vector<16xi32>
      %gather3A_1351 = arith.constant 0 : i32
      %gather3A_1352 = arith.constant 0 : i32
      %gather3A_1353 = tpu.memref_slice %arg13[%scan3A_1287, %gather3A_1351, %gather3A_1352] : memref<2x128x128xf32, #tpu.memory_space<vmem>> -> memref<1x128x128xf32, #tpu.memory_space<vmem>>
      %gather3A_1354 = tpu.memref_squeeze %gather3A_1353 : memref<1x128x128xf32, #tpu.memory_space<vmem>> -> memref<128x128xf32, #tpu.memory_space<vmem>>
      %gather3A_1355 = tpu.vector_load_idx %gather3A_1354[%add3A_1305, %add3A_1350] : memref<128x128xf32, #tpu.memory_space<vmem>>[vector<16xi32>, vector<16xi32>], vector<16xf32>,
      %mul3A_1356 = arith.mulf %gather3A_1331, %gather3A_1339 : vector<16xf32>
      %add3A_1357 = arith.addf %get3A_1023, %mul3A_1356 : vector<16xf32>
      %mul3A_1358 = arith.mulf %gather3A_1347, %gather3A_1355 : vector<16xf32>
      %add3A_1359 = arith.addf %broadcast_in_dim3A_1324, %mul3A_1358 : vector<16xf32>
      %add3A_1360 = arith.constant 2 : i32
      %add3A_1361 = vector.broadcast %add3A_1360 : i32 to vector<16xi32>
      %add3A_1362 = arith.addi %mul3A_1314, %add3A_1361 : vector<16xi32>
      %gather3A_1363 = arith.constant 0 : i32
      %gather3A_1364 = arith.constant 0 : i32
      %gather3A_1365 = tpu.memref_slice %arg12[%scan3A_1286, %gather3A_1363, %gather3A_1364] : memref<2x128x128xf32, #tpu.memory_space<vmem>> -> memref<1x128x128xf32, #tpu.memory_space<vmem>>
      %gather3A_1366 = tpu.memref_squeeze %gather3A_1365 : memref<1x128x128xf32, #tpu.memory_space<vmem>> -> memref<128x128xf32, #tpu.memory_space<vmem>>
      %gather3A_1367 = tpu.vector_load_idx %gather3A_1366[%add3A_1305, %add3A_1362] : memref<128x128xf32, #tpu.memory_space<vmem>>[vector<16xi32>, vector<16xi32>], vector<16xf32>,
      %add3A_1368 = arith.constant 2 : i32
      %add3A_1369 = vector.broadcast %add3A_1368 : i32 to vector<16xi32>
      %add3A_1370 = arith.addi %mul3A_1323, %add3A_1369 : vector<16xi32>
      %gather3A_1371 = arith.constant 0 : i32
      %gather3A_1372 = arith.constant 0 : i32
      %gather3A_1373 = tpu.memref_slice %arg13[%scan3A_1287, %gather3A_1371, %gather3A_1372] : memref<2x128x128xf32, #tpu.memory_space<vmem>> -> memref<1x128x128xf32, #tpu.memory_space<vmem>>
      %gather3A_1374 = tpu.memref_squeeze %gather3A_1373 : memref<1x128x128xf32, #tpu.memory_space<vmem>> -> memref<128x128xf32, #tpu.memory_space<vmem>>
      %gather3A_1375 = tpu.vector_load_idx %gather3A_1374[%add3A_1305, %add3A_1370] : memref<128x128xf32, #tpu.memory_space<vmem>>[vector<16xi32>, vector<16xi32>], vector<16xf32>,
      %add3A_1376 = arith.constant 3 : i32
      %add3A_1377 = vector.broadcast %add3A_1376 : i32 to vector<16xi32>
      %add3A_1378 = arith.addi %mul3A_1314, %add3A_1377 : vector<16xi32>
      %gather3A_1379 = arith.constant 0 : i32
      %gather3A_1380 = arith.constant 0 : i32
      %gather3A_1381 = tpu.memref_slice %arg12[%scan3A_1286, %gather3A_1379, %gather3A_1380] : memref<2x128x128xf32, #tpu.memory_space<vmem>> -> memref<1x128x128xf32, #tpu.memory_space<vmem>>
      %gather3A_1382 = tpu.memref_squeeze %gather3A_1381 : memref<1x128x128xf32, #tpu.memory_space<vmem>> -> memref<128x128xf32, #tpu.memory_space<vmem>>
      %gather3A_1383 = tpu.vector_load_idx %gather3A_1382[%add3A_1305, %add3A_1378] : memref<128x128xf32, #tpu.memory_space<vmem>>[vector<16xi32>, vector<16xi32>], vector<16xf32>,
      %add3A_1384 = arith.constant 3 : i32
      %add3A_1385 = vector.broadcast %add3A_1384 : i32 to vector<16xi32>
      %add3A_1386 = arith.addi %mul3A_1323, %add3A_1385 : vector<16xi32>
      %gather3A_1387 = arith.constant 0 : i32
      %gather3A_1388 = arith.constant 0 : i32
      %gather3A_1389 = tpu.memref_slice %arg13[%scan3A_1287, %gather3A_1387, %gather3A_1388] : memref<2x128x128xf32, #tpu.memory_space<vmem>> -> memref<1x128x128xf32, #tpu.memory_space<vmem>>
      %gather3A_1390 = tpu.memref_squeeze %gather3A_1389 : memref<1x128x128xf32, #tpu.memory_space<vmem>> -> memref<128x128xf32, #tpu.memory_space<vmem>>
      %gather3A_1391 = tpu.vector_load_idx %gather3A_1390[%add3A_1305, %add3A_1386] : memref<128x128xf32, #tpu.memory_space<vmem>>[vector<16xi32>, vector<16xi32>], vector<16xf32>,
      %mul3A_1392 = arith.mulf %gather3A_1367, %gather3A_1375 : vector<16xf32>
      %add3A_1393 = arith.addf %add3A_1357, %mul3A_1392 : vector<16xf32>
      %mul3A_1394 = arith.mulf %gather3A_1383, %gather3A_1391 : vector<16xf32>
      %add3A_1395 = arith.addf %add3A_1359, %mul3A_1394 : vector<16xf32>
      %add3A_1396 = arith.constant 4 : i32
      %add3A_1397 = vector.broadcast %add3A_1396 : i32 to vector<16xi32>
      %add3A_1398 = arith.addi %mul3A_1314, %add3A_1397 : vector<16xi32>
      %gather3A_1399 = arith.constant 0 : i32
      %gather3A_1400 = arith.constant 0 : i32
      %gather3A_1401 = tpu.memref_slice %arg12[%scan3A_1286, %gather3A_1399, %gather3A_1400] : memref<2x128x128xf32, #tpu.memory_space<vmem>> -> memref<1x128x128xf32, #tpu.memory_space<vmem>>
      %gather3A_1402 = tpu.memref_squeeze %gather3A_1401 : memref<1x128x128xf32, #tpu.memory_space<vmem>> -> memref<128x128xf32, #tpu.memory_space<vmem>>
      %gather3A_1403 = tpu.vector_load_idx %gather3A_1402[%add3A_1305, %add3A_1398] : memref<128x128xf32, #tpu.memory_space<vmem>>[vector<16xi32>, vector<16xi32>], vector<16xf32>,
      %add3A_1404 = arith.constant 4 : i32
      %add3A_1405 = vector.broadcast %add3A_1404 : i32 to vector<16xi32>
      %add3A_1406 = arith.addi %mul3A_1323, %add3A_1405 : vector<16xi32>
      %gather3A_1407 = arith.constant 0 : i32
      %gather3A_1408 = arith.constant 0 : i32
      %gather3A_1409 = tpu.memref_slice %arg13[%scan3A_1287, %gather3A_1407, %gather3A_1408] : memref<2x128x128xf32, #tpu.memory_space<vmem>> -> memref<1x128x128xf32, #tpu.memory_space<vmem>>
      %gather3A_1410 = tpu.memref_squeeze %gather3A_1409 : memref<1x128x128xf32, #tpu.memory_space<vmem>> -> memref<128x128xf32, #tpu.memory_space<vmem>>
      %gather3A_1411 = tpu.vector_load_idx %gather3A_1410[%add3A_1305, %add3A_1406] : memref<128x128xf32, #tpu.memory_space<vmem>>[vector<16xi32>, vector<16xi32>], vector<16xf32>,
      %add3A_1412 = arith.constant 5 : i32
      %add3A_1413 = vector.broadcast %add3A_1412 : i32 to vector<16xi32>
      %add3A_1414 = arith.addi %mul3A_1314, %add3A_1413 : vector<16xi32>
      %gather3A_1415 = arith.constant 0 : i32
      %gather3A_1416 = arith.constant 0 : i32
      %gather3A_1417 = tpu.memref_slice %arg12[%scan3A_1286, %gather3A_1415, %gather3A_1416] : memref<2x128x128xf32, #tpu.memory_space<vmem>> -> memref<1x128x128xf32, #tpu.memory_space<vmem>>
      %gather3A_1418 = tpu.memref_squeeze %gather3A_1417 : memref<1x128x128xf32, #tpu.memory_space<vmem>> -> memref<128x128xf32, #tpu.memory_space<vmem>>
      %gather3A_1419 = tpu.vector_load_idx %gather3A_1418[%add3A_1305, %add3A_1414] : memref<128x128xf32, #tpu.memory_space<vmem>>[vector<16xi32>, vector<16xi32>], vector<16xf32>,
      %add3A_1420 = arith.constant 5 : i32
      %add3A_1421 = vector.broadcast %add3A_1420 : i32 to vector<16xi32>
      %add3A_1422 = arith.addi %mul3A_1323, %add3A_1421 : vector<16xi32>
      %gather3A_1423 = arith.constant 0 : i32
      %gather3A_1424 = arith.constant 0 : i32
      %gather3A_1425 = tpu.memref_slice %arg13[%scan3A_1287, %gather3A_1423, %gather3A_1424] : memref<2x128x128xf32, #tpu.memory_space<vmem>> -> memref<1x128x128xf32, #tpu.memory_space<vmem>>
      %gather3A_1426 = tpu.memref_squeeze %gather3A_1425 : memref<1x128x128xf32, #tpu.memory_space<vmem>> -> memref<128x128xf32, #tpu.memory_space<vmem>>
      %gather3A_1427 = tpu.vector_load_idx %gather3A_1426[%add3A_1305, %add3A_1422] : memref<128x128xf32, #tpu.memory_space<vmem>>[vector<16xi32>, vector<16xi32>], vector<16xf32>,
      %mul3A_1428 = arith.mulf %gather3A_1403, %gather3A_1411 : vector<16xf32>
      %add3A_1429 = arith.addf %add3A_1393, %mul3A_1428 : vector<16xf32>
      %mul3A_1430 = arith.mulf %gather3A_1419, %gather3A_1427 : vector<16xf32>
      %add3A_1431 = arith.addf %add3A_1395, %mul3A_1430 : vector<16xf32>
      %add3A_1432 = arith.constant 6 : i32
      %add3A_1433 = vector.broadcast %add3A_1432 : i32 to vector<16xi32>
      %add3A_1434 = arith.addi %mul3A_1314, %add3A_1433 : vector<16xi32>
      %gather3A_1435 = arith.constant 0 : i32
      %gather3A_1436 = arith.constant 0 : i32
      %gather3A_1437 = tpu.memref_slice %arg12[%scan3A_1286, %gather3A_1435, %gather3A_1436] : memref<2x128x128xf32, #tpu.memory_space<vmem>> -> memref<1x128x128xf32, #tpu.memory_space<vmem>>
      %gather3A_1438 = tpu.memref_squeeze %gather3A_1437 : memref<1x128x128xf32, #tpu.memory_space<vmem>> -> memref<128x128xf32, #tpu.memory_space<vmem>>
      %gather3A_1439 = tpu.vector_load_idx %gather3A_1438[%add3A_1305, %add3A_1434] : memref<128x128xf32, #tpu.memory_space<vmem>>[vector<16xi32>, vector<16xi32>], vector<16xf32>,
      %add3A_1440 = arith.constant 6 : i32
      %add3A_1441 = vector.broadcast %add3A_1440 : i32 to vector<16xi32>
      %add3A_1442 = arith.addi %mul3A_1323, %add3A_1441 : vector<16xi32>
      %gather3A_1443 = arith.constant 0 : i32
      %gather3A_1444 = arith.constant 0 : i32
      %gather3A_1445 = tpu.memref_slice %arg13[%scan3A_1287, %gather3A_1443, %gather3A_1444] : memref<2x128x128xf32, #tpu.memory_space<vmem>> -> memref<1x128x128xf32, #tpu.memory_space<vmem>>
      %gather3A_1446 = tpu.memref_squeeze %gather3A_1445 : memref<1x128x128xf32, #tpu.memory_space<vmem>> -> memref<128x128xf32, #tpu.memory_space<vmem>>
      %gather3A_1447 = tpu.vector_load_idx %gather3A_1446[%add3A_1305, %add3A_1442] : memref<128x128xf32, #tpu.memory_space<vmem>>[vector<16xi32>, vector<16xi32>], vector<16xf32>,
      %add3A_1448 = arith.constant 7 : i32
      %add3A_1449 = vector.broadcast %add3A_1448 : i32 to vector<16xi32>
      %add3A_1450 = arith.addi %mul3A_1314, %add3A_1449 : vector<16xi32>
      %gather3A_1451 = arith.constant 0 : i32
      %gather3A_1452 = arith.constant 0 : i32
      %gather3A_1453 = tpu.memref_slice %arg12[%scan3A_1286, %gather3A_1451, %gather3A_1452] : memref<2x128x128xf32, #tpu.memory_space<vmem>> -> memref<1x128x128xf32, #tpu.memory_space<vmem>>
      %gather3A_1454 = tpu.memref_squeeze %gather3A_1453 : memref<1x128x128xf32, #tpu.memory_space<vmem>> -> memref<128x128xf32, #tpu.memory_space<vmem>>
      %gather3A_1455 = tpu.vector_load_idx %gather3A_1454[%add3A_1305, %add3A_1450] : memref<128x128xf32, #tpu.memory_space<vmem>>[vector<16xi32>, vector<16xi32>], vector<16xf32>,
      %add3A_1456 = arith.constant 7 : i32
      %add3A_1457 = vector.broadcast %add3A_1456 : i32 to vector<16xi32>
      %add3A_1458 = arith.addi %mul3A_1323, %add3A_1457 : vector<16xi32>
      %gather3A_1459 = arith.constant 0 : i32
      %gather3A_1460 = arith.constant 0 : i32
      %gather3A_1461 = tpu.memref_slice %arg13[%scan3A_1287, %gather3A_1459, %gather3A_1460] : memref<2x128x128xf32, #tpu.memory_space<vmem>> -> memref<1x128x128xf32, #tpu.memory_space<vmem>>
      %gather3A_1462 = tpu.memref_squeeze %gather3A_1461 : memref<1x128x128xf32, #tpu.memory_space<vmem>> -> memref<128x128xf32, #tpu.memory_space<vmem>>
      %gather3A_1463 = tpu.vector_load_idx %gather3A_1462[%add3A_1305, %add3A_1458] : memref<128x128xf32, #tpu.memory_space<vmem>>[vector<16xi32>, vector<16xi32>], vector<16xf32>,
      %mul3A_1464 = arith.mulf %gather3A_1439, %gather3A_1447 : vector<16xf32>
      %add3A_1465 = arith.addf %add3A_1429, %mul3A_1464 : vector<16xf32>
      %mul3A_1466 = arith.mulf %gather3A_1455, %gather3A_1463 : vector<16xf32>
      %add3A_1467 = arith.addf %add3A_1431, %mul3A_1466 : vector<16xf32>
      %add3A_1468 = arith.constant 8 : i32
      %add3A_1469 = vector.broadcast %add3A_1468 : i32 to vector<16xi32>
      %add3A_1470 = arith.addi %mul3A_1314, %add3A_1469 : vector<16xi32>
      %gather3A_1471 = arith.constant 0 : i32
      %gather3A_1472 = arith.constant 0 : i32
      %gather3A_1473 = tpu.memref_slice %arg12[%scan3A_1286, %gather3A_1471, %gather3A_1472] : memref<2x128x128xf32, #tpu.memory_space<vmem>> -> memref<1x128x128xf32, #tpu.memory_space<vmem>>
      %gather3A_1474 = tpu.memref_squeeze %gather3A_1473 : memref<1x128x128xf32, #tpu.memory_space<vmem>> -> memref<128x128xf32, #tpu.memory_space<vmem>>
      %gather3A_1475 = tpu.vector_load_idx %gather3A_1474[%add3A_1305, %add3A_1470] : memref<128x128xf32, #tpu.memory_space<vmem>>[vector<16xi32>, vector<16xi32>], vector<16xf32>,
      %add3A_1476 = arith.constant 8 : i32
      %add3A_1477 = vector.broadcast %add3A_1476 : i32 to vector<16xi32>
      %add3A_1478 = arith.addi %mul3A_1323, %add3A_1477 : vector<16xi32>
      %gather3A_1479 = arith.constant 0 : i32
      %gather3A_1480 = arith.constant 0 : i32
      %gather3A_1481 = tpu.memref_slice %arg13[%scan3A_1287, %gather3A_1479, %gather3A_1480] : memref<2x128x128xf32, #tpu.memory_space<vmem>> -> memref<1x128x128xf32, #tpu.memory_space<vmem>>
      %gather3A_1482 = tpu.memref_squeeze %gather3A_1481 : memref<1x128x128xf32, #tpu.memory_space<vmem>> -> memref<128x128xf32, #tpu.memory_space<vmem>>
      %gather3A_1483 = tpu.vector_load_idx %gather3A_1482[%add3A_1305, %add3A_1478] : memref<128x128xf32, #tpu.memory_space<vmem>>[vector<16xi32>, vector<16xi32>], vector<16xf32>,
      %add3A_1484 = arith.constant 9 : i32
      %add3A_1485 = vector.broadcast %add3A_1484 : i32 to vector<16xi32>
      %add3A_1486 = arith.addi %mul3A_1314, %add3A_1485 : vector<16xi32>
      %gather3A_1487 = arith.constant 0 : i32
      %gather3A_1488 = arith.constant 0 : i32
      %gather3A_1489 = tpu.memref_slice %arg12[%scan3A_1286, %gather3A_1487, %gather3A_1488] : memref<2x128x128xf32, #tpu.memory_space<vmem>> -> memref<1x128x128xf32, #tpu.memory_space<vmem>>
      %gather3A_1490 = tpu.memref_squeeze %gather3A_1489 : memref<1x128x128xf32, #tpu.memory_space<vmem>> -> memref<128x128xf32, #tpu.memory_space<vmem>>
      %gather3A_1491 = tpu.vector_load_idx %gather3A_1490[%add3A_1305, %add3A_1486] : memref<128x128xf32, #tpu.memory_space<vmem>>[vector<16xi32>, vector<16xi32>], vector<16xf32>,
      %add3A_1492 = arith.constant 9 : i32
      %add3A_1493 = vector.broadcast %add3A_1492 : i32 to vector<16xi32>
      %add3A_1494 = arith.addi %mul3A_1323, %add3A_1493 : vector<16xi32>
      %gather3A_1495 = arith.constant 0 : i32
      %gather3A_1496 = arith.constant 0 : i32
      %gather3A_1497 = tpu.memref_slice %arg13[%scan3A_1287, %gather3A_1495, %gather3A_1496] : memref<2x128x128xf32, #tpu.memory_space<vmem>> -> memref<1x128x128xf32, #tpu.memory_space<vmem>>
      %gather3A_1498 = tpu.memref_squeeze %gather3A_1497 : memref<1x128x128xf32, #tpu.memory_space<vmem>> -> memref<128x128xf32, #tpu.memory_space<vmem>>
      %gather3A_1499 = tpu.vector_load_idx %gather3A_1498[%add3A_1305, %add3A_1494] : memref<128x128xf32, #tpu.memory_space<vmem>>[vector<16xi32>, vector<16xi32>], vector<16xf32>,
      %mul3A_1500 = arith.mulf %gather3A_1475, %gather3A_1483 : vector<16xf32>
      %add3A_1501 = arith.addf %add3A_1465, %mul3A_1500 : vector<16xf32>
      %mul3A_1502 = arith.mulf %gather3A_1491, %gather3A_1499 : vector<16xf32>
      %add3A_1503 = arith.addf %add3A_1467, %mul3A_1502 : vector<16xf32>
      %add3A_1504 = arith.constant 10 : i32
      %add3A_1505 = vector.broadcast %add3A_1504 : i32 to vector<16xi32>
      %add3A_1506 = arith.addi %mul3A_1314, %add3A_1505 : vector<16xi32>
      %gather3A_1507 = arith.constant 0 : i32
      %gather3A_1508 = arith.constant 0 : i32
      %gather3A_1509 = tpu.memref_slice %arg12[%scan3A_1286, %gather3A_1507, %gather3A_1508] : memref<2x128x128xf32, #tpu.memory_space<vmem>> -> memref<1x128x128xf32, #tpu.memory_space<vmem>>
      %gather3A_1510 = tpu.memref_squeeze %gather3A_1509 : memref<1x128x128xf32, #tpu.memory_space<vmem>> -> memref<128x128xf32, #tpu.memory_space<vmem>>
      %gather3A_1511 = tpu.vector_load_idx %gather3A_1510[%add3A_1305, %add3A_1506] : memref<128x128xf32, #tpu.memory_space<vmem>>[vector<16xi32>, vector<16xi32>], vector<16xf32>,
      %add3A_1512 = arith.constant 10 : i32
      %add3A_1513 = vector.broadcast %add3A_1512 : i32 to vector<16xi32>
      %add3A_1514 = arith.addi %mul3A_1323, %add3A_1513 : vector<16xi32>
      %gather3A_1515 = arith.constant 0 : i32
      %gather3A_1516 = arith.constant 0 : i32
      %gather3A_1517 = tpu.memref_slice %arg13[%scan3A_1287, %gather3A_1515, %gather3A_1516] : memref<2x128x128xf32, #tpu.memory_space<vmem>> -> memref<1x128x128xf32, #tpu.memory_space<vmem>>
      %gather3A_1518 = tpu.memref_squeeze %gather3A_1517 : memref<1x128x128xf32, #tpu.memory_space<vmem>> -> memref<128x128xf32, #tpu.memory_space<vmem>>
      %gather3A_1519 = tpu.vector_load_idx %gather3A_1518[%add3A_1305, %add3A_1514] : memref<128x128xf32, #tpu.memory_space<vmem>>[vector<16xi32>, vector<16xi32>], vector<16xf32>,
      %add3A_1520 = arith.constant 11 : i32
      %add3A_1521 = vector.broadcast %add3A_1520 : i32 to vector<16xi32>
      %add3A_1522 = arith.addi %mul3A_1314, %add3A_1521 : vector<16xi32>
      %gather3A_1523 = arith.constant 0 : i32
      %gather3A_1524 = arith.constant 0 : i32
      %gather3A_1525 = tpu.memref_slice %arg12[%scan3A_1286, %gather3A_1523, %gather3A_1524] : memref<2x128x128xf32, #tpu.memory_space<vmem>> -> memref<1x128x128xf32, #tpu.memory_space<vmem>>
      %gather3A_1526 = tpu.memref_squeeze %gather3A_1525 : memref<1x128x128xf32, #tpu.memory_space<vmem>> -> memref<128x128xf32, #tpu.memory_space<vmem>>
      %gather3A_1527 = tpu.vector_load_idx %gather3A_1526[%add3A_1305, %add3A_1522] : memref<128x128xf32, #tpu.memory_space<vmem>>[vector<16xi32>, vector<16xi32>], vector<16xf32>,
      %add3A_1528 = arith.constant 11 : i32
      %add3A_1529 = vector.broadcast %add3A_1528 : i32 to vector<16xi32>
      %add3A_1530 = arith.addi %mul3A_1323, %add3A_1529 : vector<16xi32>
      %gather3A_1531 = arith.constant 0 : i32
      %gather3A_1532 = arith.constant 0 : i32
      %gather3A_1533 = tpu.memref_slice %arg13[%scan3A_1287, %gather3A_1531, %gather3A_1532] : memref<2x128x128xf32, #tpu.memory_space<vmem>> -> memref<1x128x128xf32, #tpu.memory_space<vmem>>
      %gather3A_1534 = tpu.memref_squeeze %gather3A_1533 : memref<1x128x128xf32, #tpu.memory_space<vmem>> -> memref<128x128xf32, #tpu.memory_space<vmem>>
      %gather3A_1535 = tpu.vector_load_idx %gather3A_1534[%add3A_1305, %add3A_1530] : memref<128x128xf32, #tpu.memory_space<vmem>>[vector<16xi32>, vector<16xi32>], vector<16xf32>,
      %mul3A_1536 = arith.mulf %gather3A_1511, %gather3A_1519 : vector<16xf32>
      %add3A_1537 = arith.addf %add3A_1501, %mul3A_1536 : vector<16xf32>
      %mul3A_1538 = arith.mulf %gather3A_1527, %gather3A_1535 : vector<16xf32>
      %add3A_1539 = arith.addf %add3A_1503, %mul3A_1538 : vector<16xf32>
      %add3A_1540 = arith.constant 12 : i32
      %add3A_1541 = vector.broadcast %add3A_1540 : i32 to vector<16xi32>
      %add3A_1542 = arith.addi %mul3A_1314, %add3A_1541 : vector<16xi32>
      %gather3A_1543 = arith.constant 0 : i32
      %gather3A_1544 = arith.constant 0 : i32
      %gather3A_1545 = tpu.memref_slice %arg12[%scan3A_1286, %gather3A_1543, %gather3A_1544] : memref<2x128x128xf32, #tpu.memory_space<vmem>> -> memref<1x128x128xf32, #tpu.memory_space<vmem>>
      %gather3A_1546 = tpu.memref_squeeze %gather3A_1545 : memref<1x128x128xf32, #tpu.memory_space<vmem>> -> memref<128x128xf32, #tpu.memory_space<vmem>>
      %gather3A_1547 = tpu.vector_load_idx %gather3A_1546[%add3A_1305, %add3A_1542] : memref<128x128xf32, #tpu.memory_space<vmem>>[vector<16xi32>, vector<16xi32>], vector<16xf32>,
      %add3A_1548 = arith.constant 12 : i32
      %add3A_1549 = vector.broadcast %add3A_1548 : i32 to vector<16xi32>
      %add3A_1550 = arith.addi %mul3A_1323, %add3A_1549 : vector<16xi32>
      %gather3A_1551 = arith.constant 0 : i32
      %gather3A_1552 = arith.constant 0 : i32
      %gather3A_1553 = tpu.memref_slice %arg13[%scan3A_1287, %gather3A_1551, %gather3A_1552] : memref<2x128x128xf32, #tpu.memory_space<vmem>> -> memref<1x128x128xf32, #tpu.memory_space<vmem>>
      %gather3A_1554 = tpu.memref_squeeze %gather3A_1553 : memref<1x128x128xf32, #tpu.memory_space<vmem>> -> memref<128x128xf32, #tpu.memory_space<vmem>>
      %gather3A_1555 = tpu.vector_load_idx %gather3A_1554[%add3A_1305, %add3A_1550] : memref<128x128xf32, #tpu.memory_space<vmem>>[vector<16xi32>, vector<16xi32>], vector<16xf32>,
      %add3A_1556 = arith.constant 13 : i32
      %add3A_1557 = vector.broadcast %add3A_1556 : i32 to vector<16xi32>
      %add3A_1558 = arith.addi %mul3A_1314, %add3A_1557 : vector<16xi32>
      %gather3A_1559 = arith.constant 0 : i32
      %gather3A_1560 = arith.constant 0 : i32
      %gather3A_1561 = tpu.memref_slice %arg12[%scan3A_1286, %gather3A_1559, %gather3A_1560] : memref<2x128x128xf32, #tpu.memory_space<vmem>> -> memref<1x128x128xf32, #tpu.memory_space<vmem>>
      %gather3A_1562 = tpu.memref_squeeze %gather3A_1561 : memref<1x128x128xf32, #tpu.memory_space<vmem>> -> memref<128x128xf32, #tpu.memory_space<vmem>>
      %gather3A_1563 = tpu.vector_load_idx %gather3A_1562[%add3A_1305, %add3A_1558] : memref<128x128xf32, #tpu.memory_space<vmem>>[vector<16xi32>, vector<16xi32>], vector<16xf32>,
      %add3A_1564 = arith.constant 13 : i32
      %add3A_1565 = vector.broadcast %add3A_1564 : i32 to vector<16xi32>
      %add3A_1566 = arith.addi %mul3A_1323, %add3A_1565 : vector<16xi32>
      %gather3A_1567 = arith.constant 0 : i32
      %gather3A_1568 = arith.constant 0 : i32
      %gather3A_1569 = tpu.memref_slice %arg13[%scan3A_1287, %gather3A_1567, %gather3A_1568] : memref<2x128x128xf32, #tpu.memory_space<vmem>> -> memref<1x128x128xf32, #tpu.memory_space<vmem>>
      %gather3A_1570 = tpu.memref_squeeze %gather3A_1569 : memref<1x128x128xf32, #tpu.memory_space<vmem>> -> memref<128x128xf32, #tpu.memory_space<vmem>>
      %gather3A_1571 = tpu.vector_load_idx %gather3A_1570[%add3A_1305, %add3A_1566] : memref<128x128xf32, #tpu.memory_space<vmem>>[vector<16xi32>, vector<16xi32>], vector<16xf32>,
      %mul3A_1572 = arith.mulf %gather3A_1547, %gather3A_1555 : vector<16xf32>
      %add3A_1573 = arith.addf %add3A_1537, %mul3A_1572 : vector<16xf32>
      %mul3A_1574 = arith.mulf %gather3A_1563, %gather3A_1571 : vector<16xf32>
      %add3A_1575 = arith.addf %add3A_1539, %mul3A_1574 : vector<16xf32>
      %add3A_1576 = arith.constant 14 : i32
      %add3A_1577 = vector.broadcast %add3A_1576 : i32 to vector<16xi32>
      %add3A_1578 = arith.addi %mul3A_1314, %add3A_1577 : vector<16xi32>
      %gather3A_1579 = arith.constant 0 : i32
      %gather3A_1580 = arith.constant 0 : i32
      %gather3A_1581 = tpu.memref_slice %arg12[%scan3A_1286, %gather3A_1579, %gather3A_1580] : memref<2x128x128xf32, #tpu.memory_space<vmem>> -> memref<1x128x128xf32, #tpu.memory_space<vmem>>
      %gather3A_1582 = tpu.memref_squeeze %gather3A_1581 : memref<1x128x128xf32, #tpu.memory_space<vmem>> -> memref<128x128xf32, #tpu.memory_space<vmem>>
      %gather3A_1583 = tpu.vector_load_idx %gather3A_1582[%add3A_1305, %add3A_1578] : memref<128x128xf32, #tpu.memory_space<vmem>>[vector<16xi32>, vector<16xi32>], vector<16xf32>,
      %add3A_1584 = arith.constant 14 : i32
      %add3A_1585 = vector.broadcast %add3A_1584 : i32 to vector<16xi32>
      %add3A_1586 = arith.addi %mul3A_1323, %add3A_1585 : vector<16xi32>
      %gather3A_1587 = arith.constant 0 : i32
      %gather3A_1588 = arith.constant 0 : i32
      %gather3A_1589 = tpu.memref_slice %arg13[%scan3A_1287, %gather3A_1587, %gather3A_1588] : memref<2x128x128xf32, #tpu.memory_space<vmem>> -> memref<1x128x128xf32, #tpu.memory_space<vmem>>
      %gather3A_1590 = tpu.memref_squeeze %gather3A_1589 : memref<1x128x128xf32, #tpu.memory_space<vmem>> -> memref<128x128xf32, #tpu.memory_space<vmem>>
      %gather3A_1591 = tpu.vector_load_idx %gather3A_1590[%add3A_1305, %add3A_1586] : memref<128x128xf32, #tpu.memory_space<vmem>>[vector<16xi32>, vector<16xi32>], vector<16xf32>,
      %add3A_1592 = arith.constant 15 : i32
      %add3A_1593 = vector.broadcast %add3A_1592 : i32 to vector<16xi32>
      %add3A_1594 = arith.addi %mul3A_1314, %add3A_1593 : vector<16xi32>
      %gather3A_1595 = arith.constant 0 : i32
      %gather3A_1596 = arith.constant 0 : i32
      %gather3A_1597 = tpu.memref_slice %arg12[%scan3A_1286, %gather3A_1595, %gather3A_1596] : memref<2x128x128xf32, #tpu.memory_space<vmem>> -> memref<1x128x128xf32, #tpu.memory_space<vmem>>
      %gather3A_1598 = tpu.memref_squeeze %gather3A_1597 : memref<1x128x128xf32, #tpu.memory_space<vmem>> -> memref<128x128xf32, #tpu.memory_space<vmem>>
      %gather3A_1599 = tpu.vector_load_idx %gather3A_1598[%add3A_1305, %add3A_1594] : memref<128x128xf32, #tpu.memory_space<vmem>>[vector<16xi32>, vector<16xi32>], vector<16xf32>,
      %add3A_1600 = arith.constant 15 : i32
      %add3A_1601 = vector.broadcast %add3A_1600 : i32 to vector<16xi32>
      %add3A_1602 = arith.addi %mul3A_1323, %add3A_1601 : vector<16xi32>
      %gather3A_1603 = arith.constant 0 : i32
      %gather3A_1604 = arith.constant 0 : i32
      %gather3A_1605 = tpu.memref_slice %arg13[%scan3A_1287, %gather3A_1603, %gather3A_1604] : memref<2x128x128xf32, #tpu.memory_space<vmem>> -> memref<1x128x128xf32, #tpu.memory_space<vmem>>
      %gather3A_1606 = tpu.memref_squeeze %gather3A_1605 : memref<1x128x128xf32, #tpu.memory_space<vmem>> -> memref<128x128xf32, #tpu.memory_space<vmem>>
      %gather3A_1607 = tpu.vector_load_idx %gather3A_1606[%add3A_1305, %add3A_1602] : memref<128x128xf32, #tpu.memory_space<vmem>>[vector<16xi32>, vector<16xi32>], vector<16xf32>,
      %mul3A_1608 = arith.mulf %gather3A_1583, %gather3A_1591 : vector<16xf32>
      %add3A_1609 = arith.addf %add3A_1573, %mul3A_1608 : vector<16xf32>
      %mul3A_1610 = arith.mulf %gather3A_1599, %gather3A_1607 : vector<16xf32>
      %add3A_1611 = arith.addf %add3A_1575, %mul3A_1610 : vector<16xf32>
      %add3A_1612 = arith.constant 16 : i32
      %add3A_1613 = vector.broadcast %add3A_1612 : i32 to vector<16xi32>
      %add3A_1614 = arith.addi %mul3A_1314, %add3A_1613 : vector<16xi32>
      %gather3A_1615 = arith.constant 0 : i32
      %gather3A_1616 = arith.constant 0 : i32
      %gather3A_1617 = tpu.memref_slice %arg12[%scan3A_1286, %gather3A_1615, %gather3A_1616] : memref<2x128x128xf32, #tpu.memory_space<vmem>> -> memref<1x128x128xf32, #tpu.memory_space<vmem>>
      %gather3A_1618 = tpu.memref_squeeze %gather3A_1617 : memref<1x128x128xf32, #tpu.memory_space<vmem>> -> memref<128x128xf32, #tpu.memory_space<vmem>>
      %gather3A_1619 = tpu.vector_load_idx %gather3A_1618[%add3A_1305, %add3A_1614] : memref<128x128xf32, #tpu.memory_space<vmem>>[vector<16xi32>, vector<16xi32>], vector<16xf32>,
      %add3A_1620 = arith.constant 16 : i32
      %add3A_1621 = vector.broadcast %add3A_1620 : i32 to vector<16xi32>
      %add3A_1622 = arith.addi %mul3A_1323, %add3A_1621 : vector<16xi32>
      %gather3A_1623 = arith.constant 0 : i32
      %gather3A_1624 = arith.constant 0 : i32
      %gather3A_1625 = tpu.memref_slice %arg13[%scan3A_1287, %gather3A_1623, %gather3A_1624] : memref<2x128x128xf32, #tpu.memory_space<vmem>> -> memref<1x128x128xf32, #tpu.memory_space<vmem>>
      %gather3A_1626 = tpu.memref_squeeze %gather3A_1625 : memref<1x128x128xf32, #tpu.memory_space<vmem>> -> memref<128x128xf32, #tpu.memory_space<vmem>>
      %gather3A_1627 = tpu.vector_load_idx %gather3A_1626[%add3A_1305, %add3A_1622] : memref<128x128xf32, #tpu.memory_space<vmem>>[vector<16xi32>, vector<16xi32>], vector<16xf32>,
      %add3A_1628 = arith.constant 17 : i32
      %add3A_1629 = vector.broadcast %add3A_1628 : i32 to vector<16xi32>
      %add3A_1630 = arith.addi %mul3A_1314, %add3A_1629 : vector<16xi32>
      %gather3A_1631 = arith.constant 0 : i32
      %gather3A_1632 = arith.constant 0 : i32
      %gather3A_1633 = tpu.memref_slice %arg12[%scan3A_1286, %gather3A_1631, %gather3A_1632] : memref<2x128x128xf32, #tpu.memory_space<vmem>> -> memref<1x128x128xf32, #tpu.memory_space<vmem>>
      %gather3A_1634 = tpu.memref_squeeze %gather3A_1633 : memref<1x128x128xf32, #tpu.memory_space<vmem>> -> memref<128x128xf32, #tpu.memory_space<vmem>>
      %gather3A_1635 = tpu.vector_load_idx %gather3A_1634[%add3A_1305, %add3A_1630] : memref<128x128xf32, #tpu.memory_space<vmem>>[vector<16xi32>, vector<16xi32>], vector<16xf32>,
      %add3A_1636 = arith.constant 17 : i32
      %add3A_1637 = vector.broadcast %add3A_1636 : i32 to vector<16xi32>
      %add3A_1638 = arith.addi %mul3A_1323, %add3A_1637 : vector<16xi32>
      %gather3A_1639 = arith.constant 0 : i32
      %gather3A_1640 = arith.constant 0 : i32
      %gather3A_1641 = tpu.memref_slice %arg13[%scan3A_1287, %gather3A_1639, %gather3A_1640] : memref<2x128x128xf32, #tpu.memory_space<vmem>> -> memref<1x128x128xf32, #tpu.memory_space<vmem>>
      %gather3A_1642 = tpu.memref_squeeze %gather3A_1641 : memref<1x128x128xf32, #tpu.memory_space<vmem>> -> memref<128x128xf32, #tpu.memory_space<vmem>>
      %gather3A_1643 = tpu.vector_load_idx %gather3A_1642[%add3A_1305, %add3A_1638] : memref<128x128xf32, #tpu.memory_space<vmem>>[vector<16xi32>, vector<16xi32>], vector<16xf32>,
      %mul3A_1644 = arith.mulf %gather3A_1619, %gather3A_1627 : vector<16xf32>
      %add3A_1645 = arith.addf %add3A_1609, %mul3A_1644 : vector<16xf32>
      %mul3A_1646 = arith.mulf %gather3A_1635, %gather3A_1643 : vector<16xf32>
      %add3A_1647 = arith.addf %add3A_1611, %mul3A_1646 : vector<16xf32>
      %add3A_1648 = arith.constant 18 : i32
      %add3A_1649 = vector.broadcast %add3A_1648 : i32 to vector<16xi32>
      %add3A_1650 = arith.addi %mul3A_1314, %add3A_1649 : vector<16xi32>
      %gather3A_1651 = arith.constant 0 : i32
      %gather3A_1652 = arith.constant 0 : i32
      %gather3A_1653 = tpu.memref_slice %arg12[%scan3A_1286, %gather3A_1651, %gather3A_1652] : memref<2x128x128xf32, #tpu.memory_space<vmem>> -> memref<1x128x128xf32, #tpu.memory_space<vmem>>
      %gather3A_1654 = tpu.memref_squeeze %gather3A_1653 : memref<1x128x128xf32, #tpu.memory_space<vmem>> -> memref<128x128xf32, #tpu.memory_space<vmem>>
      %gather3A_1655 = tpu.vector_load_idx %gather3A_1654[%add3A_1305, %add3A_1650] : memref<128x128xf32, #tpu.memory_space<vmem>>[vector<16xi32>, vector<16xi32>], vector<16xf32>,
      %add3A_1656 = arith.constant 18 : i32
      %add3A_1657 = vector.broadcast %add3A_1656 : i32 to vector<16xi32>
      %add3A_1658 = arith.addi %mul3A_1323, %add3A_1657 : vector<16xi32>
      %gather3A_1659 = arith.constant 0 : i32
      %gather3A_1660 = arith.constant 0 : i32
      %gather3A_1661 = tpu.memref_slice %arg13[%scan3A_1287, %gather3A_1659, %gather3A_1660] : memref<2x128x128xf32, #tpu.memory_space<vmem>> -> memref<1x128x128xf32, #tpu.memory_space<vmem>>
      %gather3A_1662 = tpu.memref_squeeze %gather3A_1661 : memref<1x128x128xf32, #tpu.memory_space<vmem>> -> memref<128x128xf32, #tpu.memory_space<vmem>>
      %gather3A_1663 = tpu.vector_load_idx %gather3A_1662[%add3A_1305, %add3A_1658] : memref<128x128xf32, #tpu.memory_space<vmem>>[vector<16xi32>, vector<16xi32>], vector<16xf32>,
      %add3A_1664 = arith.constant 19 : i32
      %add3A_1665 = vector.broadcast %add3A_1664 : i32 to vector<16xi32>
      %add3A_1666 = arith.addi %mul3A_1314, %add3A_1665 : vector<16xi32>
      %gather3A_1667 = arith.constant 0 : i32
      %gather3A_1668 = arith.constant 0 : i32
      %gather3A_1669 = tpu.memref_slice %arg12[%scan3A_1286, %gather3A_1667, %gather3A_1668] : memref<2x128x128xf32, #tpu.memory_space<vmem>> -> memref<1x128x128xf32, #tpu.memory_space<vmem>>
      %gather3A_1670 = tpu.memref_squeeze %gather3A_1669 : memref<1x128x128xf32, #tpu.memory_space<vmem>> -> memref<128x128xf32, #tpu.memory_space<vmem>>
      %gather3A_1671 = tpu.vector_load_idx %gather3A_1670[%add3A_1305, %add3A_1666] : memref<128x128xf32, #tpu.memory_space<vmem>>[vector<16xi32>, vector<16xi32>], vector<16xf32>,
      %add3A_1672 = arith.constant 19 : i32
      %add3A_1673 = vector.broadcast %add3A_1672 : i32 to vector<16xi32>
      %add3A_1674 = arith.addi %mul3A_1323, %add3A_1673 : vector<16xi32>
      %gather3A_1675 = arith.constant 0 : i32
      %gather3A_1676 = arith.constant 0 : i32
      %gather3A_1677 = tpu.memref_slice %arg13[%scan3A_1287, %gather3A_1675, %gather3A_1676] : memref<2x128x128xf32, #tpu.memory_space<vmem>> -> memref<1x128x128xf32, #tpu.memory_space<vmem>>
      %gather3A_1678 = tpu.memref_squeeze %gather3A_1677 : memref<1x128x128xf32, #tpu.memory_space<vmem>> -> memref<128x128xf32, #tpu.memory_space<vmem>>
      %gather3A_1679 = tpu.vector_load_idx %gather3A_1678[%add3A_1305, %add3A_1674] : memref<128x128xf32, #tpu.memory_space<vmem>>[vector<16xi32>, vector<16xi32>], vector<16xf32>,
      %mul3A_1680 = arith.mulf %gather3A_1655, %gather3A_1663 : vector<16xf32>
      %add3A_1681 = arith.addf %add3A_1645, %mul3A_1680 : vector<16xf32>
      %mul3A_1682 = arith.mulf %gather3A_1671, %gather3A_1679 : vector<16xf32>
      %add3A_1683 = arith.addf %add3A_1647, %mul3A_1682 : vector<16xf32>
      %add3A_1684 = arith.constant 20 : i32
      %add3A_1685 = vector.broadcast %add3A_1684 : i32 to vector<16xi32>
      %add3A_1686 = arith.addi %mul3A_1314, %add3A_1685 : vector<16xi32>
      %gather3A_1687 = arith.constant 0 : i32
      %gather3A_1688 = arith.constant 0 : i32
      %gather3A_1689 = tpu.memref_slice %arg12[%scan3A_1286, %gather3A_1687, %gather3A_1688] : memref<2x128x128xf32, #tpu.memory_space<vmem>> -> memref<1x128x128xf32, #tpu.memory_space<vmem>>
      %gather3A_1690 = tpu.memref_squeeze %gather3A_1689 : memref<1x128x128xf32, #tpu.memory_space<vmem>> -> memref<128x128xf32, #tpu.memory_space<vmem>>
      %gather3A_1691 = tpu.vector_load_idx %gather3A_1690[%add3A_1305, %add3A_1686] : memref<128x128xf32, #tpu.memory_space<vmem>>[vector<16xi32>, vector<16xi32>], vector<16xf32>,
      %add3A_1692 = arith.constant 20 : i32
      %add3A_1693 = vector.broadcast %add3A_1692 : i32 to vector<16xi32>
      %add3A_1694 = arith.addi %mul3A_1323, %add3A_1693 : vector<16xi32>
      %gather3A_1695 = arith.constant 0 : i32
      %gather3A_1696 = arith.constant 0 : i32
      %gather3A_1697 = tpu.memref_slice %arg13[%scan3A_1287, %gather3A_1695, %gather3A_1696] : memref<2x128x128xf32, #tpu.memory_space<vmem>> -> memref<1x128x128xf32, #tpu.memory_space<vmem>>
      %gather3A_1698 = tpu.memref_squeeze %gather3A_1697 : memref<1x128x128xf32, #tpu.memory_space<vmem>> -> memref<128x128xf32, #tpu.memory_space<vmem>>
      %gather3A_1699 = tpu.vector_load_idx %gather3A_1698[%add3A_1305, %add3A_1694] : memref<128x128xf32, #tpu.memory_space<vmem>>[vector<16xi32>, vector<16xi32>], vector<16xf32>,
      %add3A_1700 = arith.constant 21 : i32
      %add3A_1701 = vector.broadcast %add3A_1700 : i32 to vector<16xi32>
      %add3A_1702 = arith.addi %mul3A_1314, %add3A_1701 : vector<16xi32>
      %gather3A_1703 = arith.constant 0 : i32
      %gather3A_1704 = arith.constant 0 : i32
      %gather3A_1705 = tpu.memref_slice %arg12[%scan3A_1286, %gather3A_1703, %gather3A_1704] : memref<2x128x128xf32, #tpu.memory_space<vmem>> -> memref<1x128x128xf32, #tpu.memory_space<vmem>>
      %gather3A_1706 = tpu.memref_squeeze %gather3A_1705 : memref<1x128x128xf32, #tpu.memory_space<vmem>> -> memref<128x128xf32, #tpu.memory_space<vmem>>
      %gather3A_1707 = tpu.vector_load_idx %gather3A_1706[%add3A_1305, %add3A_1702] : memref<128x128xf32, #tpu.memory_space<vmem>>[vector<16xi32>, vector<16xi32>], vector<16xf32>,
      %add3A_1708 = arith.constant 21 : i32
      %add3A_1709 = vector.broadcast %add3A_1708 : i32 to vector<16xi32>
      %add3A_1710 = arith.addi %mul3A_1323, %add3A_1709 : vector<16xi32>
      %gather3A_1711 = arith.constant 0 : i32
      %gather3A_1712 = arith.constant 0 : i32
      %gather3A_1713 = tpu.memref_slice %arg13[%scan3A_1287, %gather3A_1711, %gather3A_1712] : memref<2x128x128xf32, #tpu.memory_space<vmem>> -> memref<1x128x128xf32, #tpu.memory_space<vmem>>
      %gather3A_1714 = tpu.memref_squeeze %gather3A_1713 : memref<1x128x128xf32, #tpu.memory_space<vmem>> -> memref<128x128xf32, #tpu.memory_space<vmem>>
      %gather3A_1715 = tpu.vector_load_idx %gather3A_1714[%add3A_1305, %add3A_1710] : memref<128x128xf32, #tpu.memory_space<vmem>>[vector<16xi32>, vector<16xi32>], vector<16xf32>,
      %mul3A_1716 = arith.mulf %gather3A_1691, %gather3A_1699 : vector<16xf32>
      %add3A_1717 = arith.addf %add3A_1681, %mul3A_1716 : vector<16xf32>
      %mul3A_1718 = arith.mulf %gather3A_1707, %gather3A_1715 : vector<16xf32>
      %add3A_1719 = arith.addf %add3A_1683, %mul3A_1718 : vector<16xf32>
      %add3A_1720 = arith.constant 22 : i32
      %add3A_1721 = vector.broadcast %add3A_1720 : i32 to vector<16xi32>
      %add3A_1722 = arith.addi %mul3A_1314, %add3A_1721 : vector<16xi32>
      %gather3A_1723 = arith.constant 0 : i32
      %gather3A_1724 = arith.constant 0 : i32
      %gather3A_1725 = tpu.memref_slice %arg12[%scan3A_1286, %gather3A_1723, %gather3A_1724] : memref<2x128x128xf32, #tpu.memory_space<vmem>> -> memref<1x128x128xf32, #tpu.memory_space<vmem>>
      %gather3A_1726 = tpu.memref_squeeze %gather3A_1725 : memref<1x128x128xf32, #tpu.memory_space<vmem>> -> memref<128x128xf32, #tpu.memory_space<vmem>>
      %gather3A_1727 = tpu.vector_load_idx %gather3A_1726[%add3A_1305, %add3A_1722] : memref<128x128xf32, #tpu.memory_space<vmem>>[vector<16xi32>, vector<16xi32>], vector<16xf32>,
      %add3A_1728 = arith.constant 22 : i32
      %add3A_1729 = vector.broadcast %add3A_1728 : i32 to vector<16xi32>
      %add3A_1730 = arith.addi %mul3A_1323, %add3A_1729 : vector<16xi32>
      %gather3A_1731 = arith.constant 0 : i32
      %gather3A_1732 = arith.constant 0 : i32
      %gather3A_1733 = tpu.memref_slice %arg13[%scan3A_1287, %gather3A_1731, %gather3A_1732] : memref<2x128x128xf32, #tpu.memory_space<vmem>> -> memref<1x128x128xf32, #tpu.memory_space<vmem>>
      %gather3A_1734 = tpu.memref_squeeze %gather3A_1733 : memref<1x128x128xf32, #tpu.memory_space<vmem>> -> memref<128x128xf32, #tpu.memory_space<vmem>>
      %gather3A_1735 = tpu.vector_load_idx %gather3A_1734[%add3A_1305, %add3A_1730] : memref<128x128xf32, #tpu.memory_space<vmem>>[vector<16xi32>, vector<16xi32>], vector<16xf32>,
      %add3A_1736 = arith.constant 23 : i32
      %add3A_1737 = vector.broadcast %add3A_1736 : i32 to vector<16xi32>
      %add3A_1738 = arith.addi %mul3A_1314, %add3A_1737 : vector<16xi32>
      %gather3A_1739 = arith.constant 0 : i32
      %gather3A_1740 = arith.constant 0 : i32
      %gather3A_1741 = tpu.memref_slice %arg12[%scan3A_1286, %gather3A_1739, %gather3A_1740] : memref<2x128x128xf32, #tpu.memory_space<vmem>> -> memref<1x128x128xf32, #tpu.memory_space<vmem>>
      %gather3A_1742 = tpu.memref_squeeze %gather3A_1741 : memref<1x128x128xf32, #tpu.memory_space<vmem>> -> memref<128x128xf32, #tpu.memory_space<vmem>>
      %gather3A_1743 = tpu.vector_load_idx %gather3A_1742[%add3A_1305, %add3A_1738] : memref<128x128xf32, #tpu.memory_space<vmem>>[vector<16xi32>, vector<16xi32>], vector<16xf32>,
      %add3A_1744 = arith.constant 23 : i32
      %add3A_1745 = vector.broadcast %add3A_1744 : i32 to vector<16xi32>
      %add3A_1746 = arith.addi %mul3A_1323, %add3A_1745 : vector<16xi32>
      %gather3A_1747 = arith.constant 0 : i32
      %gather3A_1748 = arith.constant 0 : i32
      %gather3A_1749 = tpu.memref_slice %arg13[%scan3A_1287, %gather3A_1747, %gather3A_1748] : memref<2x128x128xf32, #tpu.memory_space<vmem>> -> memref<1x128x128xf32, #tpu.memory_space<vmem>>
      %gather3A_1750 = tpu.memref_squeeze %gather3A_1749 : memref<1x128x128xf32, #tpu.memory_space<vmem>> -> memref<128x128xf32, #tpu.memory_space<vmem>>
      %gather3A_1751 = tpu.vector_load_idx %gather3A_1750[%add3A_1305, %add3A_1746] : memref<128x128xf32, #tpu.memory_space<vmem>>[vector<16xi32>, vector<16xi32>], vector<16xf32>,
      %mul3A_1752 = arith.mulf %gather3A_1727, %gather3A_1735 : vector<16xf32>
      %add3A_1753 = arith.addf %add3A_1717, %mul3A_1752 : vector<16xf32>
      %mul3A_1754 = arith.mulf %gather3A_1743, %gather3A_1751 : vector<16xf32>
      %add3A_1755 = arith.addf %add3A_1719, %mul3A_1754 : vector<16xf32>
      %add3A_1756 = arith.constant 24 : i32
      %add3A_1757 = vector.broadcast %add3A_1756 : i32 to vector<16xi32>
      %add3A_1758 = arith.addi %mul3A_1314, %add3A_1757 : vector<16xi32>
      %gather3A_1759 = arith.constant 0 : i32
      %gather3A_1760 = arith.constant 0 : i32
      %gather3A_1761 = tpu.memref_slice %arg12[%scan3A_1286, %gather3A_1759, %gather3A_1760] : memref<2x128x128xf32, #tpu.memory_space<vmem>> -> memref<1x128x128xf32, #tpu.memory_space<vmem>>
      %gather3A_1762 = tpu.memref_squeeze %gather3A_1761 : memref<1x128x128xf32, #tpu.memory_space<vmem>> -> memref<128x128xf32, #tpu.memory_space<vmem>>
      %gather3A_1763 = tpu.vector_load_idx %gather3A_1762[%add3A_1305, %add3A_1758] : memref<128x128xf32, #tpu.memory_space<vmem>>[vector<16xi32>, vector<16xi32>], vector<16xf32>,
      %add3A_1764 = arith.constant 24 : i32
      %add3A_1765 = vector.broadcast %add3A_1764 : i32 to vector<16xi32>
      %add3A_1766 = arith.addi %mul3A_1323, %add3A_1765 : vector<16xi32>
      %gather3A_1767 = arith.constant 0 : i32
      %gather3A_1768 = arith.constant 0 : i32
      %gather3A_1769 = tpu.memref_slice %arg13[%scan3A_1287, %gather3A_1767, %gather3A_1768] : memref<2x128x128xf32, #tpu.memory_space<vmem>> -> memref<1x128x128xf32, #tpu.memory_space<vmem>>
      %gather3A_1770 = tpu.memref_squeeze %gather3A_1769 : memref<1x128x128xf32, #tpu.memory_space<vmem>> -> memref<128x128xf32, #tpu.memory_space<vmem>>
      %gather3A_1771 = tpu.vector_load_idx %gather3A_1770[%add3A_1305, %add3A_1766] : memref<128x128xf32, #tpu.memory_space<vmem>>[vector<16xi32>, vector<16xi32>], vector<16xf32>,
      %add3A_1772 = arith.constant 25 : i32
      %add3A_1773 = vector.broadcast %add3A_1772 : i32 to vector<16xi32>
      %add3A_1774 = arith.addi %mul3A_1314, %add3A_1773 : vector<16xi32>
      %gather3A_1775 = arith.constant 0 : i32
      %gather3A_1776 = arith.constant 0 : i32
      %gather3A_1777 = tpu.memref_slice %arg12[%scan3A_1286, %gather3A_1775, %gather3A_1776] : memref<2x128x128xf32, #tpu.memory_space<vmem>> -> memref<1x128x128xf32, #tpu.memory_space<vmem>>
      %gather3A_1778 = tpu.memref_squeeze %gather3A_1777 : memref<1x128x128xf32, #tpu.memory_space<vmem>> -> memref<128x128xf32, #tpu.memory_space<vmem>>
      %gather3A_1779 = tpu.vector_load_idx %gather3A_1778[%add3A_1305, %add3A_1774] : memref<128x128xf32, #tpu.memory_space<vmem>>[vector<16xi32>, vector<16xi32>], vector<16xf32>,
      %add3A_1780 = arith.constant 25 : i32
      %add3A_1781 = vector.broadcast %add3A_1780 : i32 to vector<16xi32>
      %add3A_1782 = arith.addi %mul3A_1323, %add3A_1781 : vector<16xi32>
      %gather3A_1783 = arith.constant 0 : i32
      %gather3A_1784 = arith.constant 0 : i32
      %gather3A_1785 = tpu.memref_slice %arg13[%scan3A_1287, %gather3A_1783, %gather3A_1784] : memref<2x128x128xf32, #tpu.memory_space<vmem>> -> memref<1x128x128xf32, #tpu.memory_space<vmem>>
      %gather3A_1786 = tpu.memref_squeeze %gather3A_1785 : memref<1x128x128xf32, #tpu.memory_space<vmem>> -> memref<128x128xf32, #tpu.memory_space<vmem>>
      %gather3A_1787 = tpu.vector_load_idx %gather3A_1786[%add3A_1305, %add3A_1782] : memref<128x128xf32, #tpu.memory_space<vmem>>[vector<16xi32>, vector<16xi32>], vector<16xf32>,
      %mul3A_1788 = arith.mulf %gather3A_1763, %gather3A_1771 : vector<16xf32>
      %add3A_1789 = arith.addf %add3A_1753, %mul3A_1788 : vector<16xf32>
      %mul3A_1790 = arith.mulf %gather3A_1779, %gather3A_1787 : vector<16xf32>
      %add3A_1791 = arith.addf %add3A_1755, %mul3A_1790 : vector<16xf32>
      %add3A_1792 = arith.constant 26 : i32
      %add3A_1793 = vector.broadcast %add3A_1792 : i32 to vector<16xi32>
      %add3A_1794 = arith.addi %mul3A_1314, %add3A_1793 : vector<16xi32>
      %gather3A_1795 = arith.constant 0 : i32
      %gather3A_1796 = arith.constant 0 : i32
      %gather3A_1797 = tpu.memref_slice %arg12[%scan3A_1286, %gather3A_1795, %gather3A_1796] : memref<2x128x128xf32, #tpu.memory_space<vmem>> -> memref<1x128x128xf32, #tpu.memory_space<vmem>>
      %gather3A_1798 = tpu.memref_squeeze %gather3A_1797 : memref<1x128x128xf32, #tpu.memory_space<vmem>> -> memref<128x128xf32, #tpu.memory_space<vmem>>
      %gather3A_1799 = tpu.vector_load_idx %gather3A_1798[%add3A_1305, %add3A_1794] : memref<128x128xf32, #tpu.memory_space<vmem>>[vector<16xi32>, vector<16xi32>], vector<16xf32>,
      %add3A_1800 = arith.constant 26 : i32
      %add3A_1801 = vector.broadcast %add3A_1800 : i32 to vector<16xi32>
      %add3A_1802 = arith.addi %mul3A_1323, %add3A_1801 : vector<16xi32>
      %gather3A_1803 = arith.constant 0 : i32
      %gather3A_1804 = arith.constant 0 : i32
      %gather3A_1805 = tpu.memref_slice %arg13[%scan3A_1287, %gather3A_1803, %gather3A_1804] : memref<2x128x128xf32, #tpu.memory_space<vmem>> -> memref<1x128x128xf32, #tpu.memory_space<vmem>>
      %gather3A_1806 = tpu.memref_squeeze %gather3A_1805 : memref<1x128x128xf32, #tpu.memory_space<vmem>> -> memref<128x128xf32, #tpu.memory_space<vmem>>
      %gather3A_1807 = tpu.vector_load_idx %gather3A_1806[%add3A_1305, %add3A_1802] : memref<128x128xf32, #tpu.memory_space<vmem>>[vector<16xi32>, vector<16xi32>], vector<16xf32>,
      %add3A_1808 = arith.constant 27 : i32
      %add3A_1809 = vector.broadcast %add3A_1808 : i32 to vector<16xi32>
      %add3A_1810 = arith.addi %mul3A_1314, %add3A_1809 : vector<16xi32>
      %gather3A_1811 = arith.constant 0 : i32
      %gather3A_1812 = arith.constant 0 : i32
      %gather3A_1813 = tpu.memref_slice %arg12[%scan3A_1286, %gather3A_1811, %gather3A_1812] : memref<2x128x128xf32, #tpu.memory_space<vmem>> -> memref<1x128x128xf32, #tpu.memory_space<vmem>>
      %gather3A_1814 = tpu.memref_squeeze %gather3A_1813 : memref<1x128x128xf32, #tpu.memory_space<vmem>> -> memref<128x128xf32, #tpu.memory_space<vmem>>
      %gather3A_1815 = tpu.vector_load_idx %gather3A_1814[%add3A_1305, %add3A_1810] : memref<128x128xf32, #tpu.memory_space<vmem>>[vector<16xi32>, vector<16xi32>], vector<16xf32>,
      %add3A_1816 = arith.constant 27 : i32
      %add3A_1817 = vector.broadcast %add3A_1816 : i32 to vector<16xi32>
      %add3A_1818 = arith.addi %mul3A_1323, %add3A_1817 : vector<16xi32>
      %gather3A_1819 = arith.constant 0 : i32
      %gather3A_1820 = arith.constant 0 : i32
      %gather3A_1821 = tpu.memref_slice %arg13[%scan3A_1287, %gather3A_1819, %gather3A_1820] : memref<2x128x128xf32, #tpu.memory_space<vmem>> -> memref<1x128x128xf32, #tpu.memory_space<vmem>>
      %gather3A_1822 = tpu.memref_squeeze %gather3A_1821 : memref<1x128x128xf32, #tpu.memory_space<vmem>> -> memref<128x128xf32, #tpu.memory_space<vmem>>
      %gather3A_1823 = tpu.vector_load_idx %gather3A_1822[%add3A_1305, %add3A_1818] : memref<128x128xf32, #tpu.memory_space<vmem>>[vector<16xi32>, vector<16xi32>], vector<16xf32>,
      %mul3A_1824 = arith.mulf %gather3A_1799, %gather3A_1807 : vector<16xf32>
      %add3A_1825 = arith.addf %add3A_1789, %mul3A_1824 : vector<16xf32>
      %mul3A_1826 = arith.mulf %gather3A_1815, %gather3A_1823 : vector<16xf32>
      %add3A_1827 = arith.addf %add3A_1791, %mul3A_1826 : vector<16xf32>
      %add3A_1828 = arith.constant 28 : i32
      %add3A_1829 = vector.broadcast %add3A_1828 : i32 to vector<16xi32>
      %add3A_1830 = arith.addi %mul3A_1314, %add3A_1829 : vector<16xi32>
      %gather3A_1831 = arith.constant 0 : i32
      %gather3A_1832 = arith.constant 0 : i32
      %gather3A_1833 = tpu.memref_slice %arg12[%scan3A_1286, %gather3A_1831, %gather3A_1832] : memref<2x128x128xf32, #tpu.memory_space<vmem>> -> memref<1x128x128xf32, #tpu.memory_space<vmem>>
      %gather3A_1834 = tpu.memref_squeeze %gather3A_1833 : memref<1x128x128xf32, #tpu.memory_space<vmem>> -> memref<128x128xf32, #tpu.memory_space<vmem>>
      %gather3A_1835 = tpu.vector_load_idx %gather3A_1834[%add3A_1305, %add3A_1830] : memref<128x128xf32, #tpu.memory_space<vmem>>[vector<16xi32>, vector<16xi32>], vector<16xf32>,
      %add3A_1836 = arith.constant 28 : i32
      %add3A_1837 = vector.broadcast %add3A_1836 : i32 to vector<16xi32>
      %add3A_1838 = arith.addi %mul3A_1323, %add3A_1837 : vector<16xi32>
      %gather3A_1839 = arith.constant 0 : i32
      %gather3A_1840 = arith.constant 0 : i32
      %gather3A_1841 = tpu.memref_slice %arg13[%scan3A_1287, %gather3A_1839, %gather3A_1840] : memref<2x128x128xf32, #tpu.memory_space<vmem>> -> memref<1x128x128xf32, #tpu.memory_space<vmem>>
      %gather3A_1842 = tpu.memref_squeeze %gather3A_1841 : memref<1x128x128xf32, #tpu.memory_space<vmem>> -> memref<128x128xf32, #tpu.memory_space<vmem>>
      %gather3A_1843 = tpu.vector_load_idx %gather3A_1842[%add3A_1305, %add3A_1838] : memref<128x128xf32, #tpu.memory_space<vmem>>[vector<16xi32>, vector<16xi32>], vector<16xf32>,
      %add3A_1844 = arith.constant 29 : i32
      %add3A_1845 = vector.broadcast %add3A_1844 : i32 to vector<16xi32>
      %add3A_1846 = arith.addi %mul3A_1314, %add3A_1845 : vector<16xi32>
      %gather3A_1847 = arith.constant 0 : i32
      %gather3A_1848 = arith.constant 0 : i32
      %gather3A_1849 = tpu.memref_slice %arg12[%scan3A_1286, %gather3A_1847, %gather3A_1848] : memref<2x128x128xf32, #tpu.memory_space<vmem>> -> memref<1x128x128xf32, #tpu.memory_space<vmem>>
      %gather3A_1850 = tpu.memref_squeeze %gather3A_1849 : memref<1x128x128xf32, #tpu.memory_space<vmem>> -> memref<128x128xf32, #tpu.memory_space<vmem>>
      %gather3A_1851 = tpu.vector_load_idx %gather3A_1850[%add3A_1305, %add3A_1846] : memref<128x128xf32, #tpu.memory_space<vmem>>[vector<16xi32>, vector<16xi32>], vector<16xf32>,
      %add3A_1852 = arith.constant 29 : i32
      %add3A_1853 = vector.broadcast %add3A_1852 : i32 to vector<16xi32>
      %add3A_1854 = arith.addi %mul3A_1323, %add3A_1853 : vector<16xi32>
      %gather3A_1855 = arith.constant 0 : i32
      %gather3A_1856 = arith.constant 0 : i32
      %gather3A_1857 = tpu.memref_slice %arg13[%scan3A_1287, %gather3A_1855, %gather3A_1856] : memref<2x128x128xf32, #tpu.memory_space<vmem>> -> memref<1x128x128xf32, #tpu.memory_space<vmem>>
      %gather3A_1858 = tpu.memref_squeeze %gather3A_1857 : memref<1x128x128xf32, #tpu.memory_space<vmem>> -> memref<128x128xf32, #tpu.memory_space<vmem>>
      %gather3A_1859 = tpu.vector_load_idx %gather3A_1858[%add3A_1305, %add3A_1854] : memref<128x128xf32, #tpu.memory_space<vmem>>[vector<16xi32>, vector<16xi32>], vector<16xf32>,
      %mul3A_1860 = arith.mulf %gather3A_1835, %gather3A_1843 : vector<16xf32>
      %add3A_1861 = arith.addf %add3A_1825, %mul3A_1860 : vector<16xf32>
      %mul3A_1862 = arith.mulf %gather3A_1851, %gather3A_1859 : vector<16xf32>
      %add3A_1863 = arith.addf %add3A_1827, %mul3A_1862 : vector<16xf32>
      %add3A_1864 = arith.constant 30 : i32
      %add3A_1865 = vector.broadcast %add3A_1864 : i32 to vector<16xi32>
      %add3A_1866 = arith.addi %mul3A_1314, %add3A_1865 : vector<16xi32>
      %gather3A_1867 = arith.constant 0 : i32
      %gather3A_1868 = arith.constant 0 : i32
      %gather3A_1869 = tpu.memref_slice %arg12[%scan3A_1286, %gather3A_1867, %gather3A_1868] : memref<2x128x128xf32, #tpu.memory_space<vmem>> -> memref<1x128x128xf32, #tpu.memory_space<vmem>>
      %gather3A_1870 = tpu.memref_squeeze %gather3A_1869 : memref<1x128x128xf32, #tpu.memory_space<vmem>> -> memref<128x128xf32, #tpu.memory_space<vmem>>
      %gather3A_1871 = tpu.vector_load_idx %gather3A_1870[%add3A_1305, %add3A_1866] : memref<128x128xf32, #tpu.memory_space<vmem>>[vector<16xi32>, vector<16xi32>], vector<16xf32>,
      %add3A_1872 = arith.constant 30 : i32
      %add3A_1873 = vector.broadcast %add3A_1872 : i32 to vector<16xi32>
      %add3A_1874 = arith.addi %mul3A_1323, %add3A_1873 : vector<16xi32>
      %gather3A_1875 = arith.constant 0 : i32
      %gather3A_1876 = arith.constant 0 : i32
      %gather3A_1877 = tpu.memref_slice %arg13[%scan3A_1287, %gather3A_1875, %gather3A_1876] : memref<2x128x128xf32, #tpu.memory_space<vmem>> -> memref<1x128x128xf32, #tpu.memory_space<vmem>>
      %gather3A_1878 = tpu.memref_squeeze %gather3A_1877 : memref<1x128x128xf32, #tpu.memory_space<vmem>> -> memref<128x128xf32, #tpu.memory_space<vmem>>
      %gather3A_1879 = tpu.vector_load_idx %gather3A_1878[%add3A_1305, %add3A_1874] : memref<128x128xf32, #tpu.memory_space<vmem>>[vector<16xi32>, vector<16xi32>], vector<16xf32>,
      %add3A_1880 = arith.constant 31 : i32
      %add3A_1881 = vector.broadcast %add3A_1880 : i32 to vector<16xi32>
      %add3A_1882 = arith.addi %mul3A_1314, %add3A_1881 : vector<16xi32>
      %gather3A_1883 = arith.constant 0 : i32
      %gather3A_1884 = arith.constant 0 : i32
      %gather3A_1885 = tpu.memref_slice %arg12[%scan3A_1286, %gather3A_1883, %gather3A_1884] : memref<2x128x128xf32, #tpu.memory_space<vmem>> -> memref<1x128x128xf32, #tpu.memory_space<vmem>>
      %gather3A_1886 = tpu.memref_squeeze %gather3A_1885 : memref<1x128x128xf32, #tpu.memory_space<vmem>> -> memref<128x128xf32, #tpu.memory_space<vmem>>
      %gather3A_1887 = tpu.vector_load_idx %gather3A_1886[%add3A_1305, %add3A_1882] : memref<128x128xf32, #tpu.memory_space<vmem>>[vector<16xi32>, vector<16xi32>], vector<16xf32>,
      %add3A_1888 = arith.constant 31 : i32
      %add3A_1889 = vector.broadcast %add3A_1888 : i32 to vector<16xi32>
      %add3A_1890 = arith.addi %mul3A_1323, %add3A_1889 : vector<16xi32>
      %gather3A_1891 = arith.constant 0 : i32
      %gather3A_1892 = arith.constant 0 : i32
      %gather3A_1893 = tpu.memref_slice %arg13[%scan3A_1287, %gather3A_1891, %gather3A_1892] : memref<2x128x128xf32, #tpu.memory_space<vmem>> -> memref<1x128x128xf32, #tpu.memory_space<vmem>>
      %gather3A_1894 = tpu.memref_squeeze %gather3A_1893 : memref<1x128x128xf32, #tpu.memory_space<vmem>> -> memref<128x128xf32, #tpu.memory_space<vmem>>
      %gather3A_1895 = tpu.vector_load_idx %gather3A_1894[%add3A_1305, %add3A_1890] : memref<128x128xf32, #tpu.memory_space<vmem>>[vector<16xi32>, vector<16xi32>], vector<16xf32>,
      %mul3A_1896 = arith.mulf %gather3A_1871, %gather3A_1879 : vector<16xf32>
      %add3A_1897 = arith.addf %add3A_1861, %mul3A_1896 : vector<16xf32>
      %mul3A_1898 = arith.mulf %gather3A_1887, %gather3A_1895 : vector<16xf32>
      %add3A_1899 = arith.addf %add3A_1863, %mul3A_1898 : vector<16xf32>
      %add3A_1900 = arith.addf %add3A_1897, %add3A_1899 : vector<16xf32>
      %neg3A = arith.constant 0.000000e+00 : f32
      %neg3A_1901 = vector.broadcast %neg3A : f32 to vector<16xf32>
      %neg3A_1902 = arith.subf %neg3A_1901, %add3A_1900 : vector<16xf32>
      %exp3A = math.exp %neg3A_1902 : vector<16xf32>
      %add3A_1903 = arith.constant 1.000000e+00 : f32
      %add3A_1904 = vector.broadcast %add3A_1903 : f32 to vector<16xf32>
      %add3A_1905 = arith.addf %add3A_1904, %exp3A : vector<16xf32>
      %div3A = arith.constant 1.000000e+00 : f32
      %div3A_1906 = vector.broadcast %div3A : f32 to vector<16xf32>
      %div3A_1907 = arith.divf %div3A_1906, %add3A_1905 : vector<16xf32>
      %swap3A_1908 = arith.index_cast %add3A_1297 : i32 to index
      %swap3A_1909 = tpu.vector_load %arg15[%swap3A_1908] {strides = array<i32>} : memref<512xf32, #tpu.memory_space<vmem>>, vector<16xf32>,
      tpu.vector_store %arg15[%swap3A_1908], %div3A_1907 {strides = array<i32>} : memref<512xf32, #tpu.memory_space<vmem>>, vector<16xf32>,
    }
    %scan3A_1292 = arith.constant 8 : i32
    "tpu.region"() ({
      %run_scoped3A = tpu.sem_alloc : memref<!tpu.dma_semaphore, #tpu.memory_space<semaphore_mem>>
      %dma_start3A_1293 = tpu.memref_slice %arg7[%mul3A_2] : memref<16384xf32, #tpu.memory_space<hbm>> -> memref<512xf32, #tpu.memory_space<hbm>>
      %dma_start3A_1294 = tpu.memref_slice %arg7[%mul3A_2] : memref<16384xf32, #tpu.memory_space<hbm>> -> memref<512xf32, #tpu.memory_space<hbm>>
      tpu.enqueue_dma source(%arg15 : memref<512xf32, #tpu.memory_space<vmem>>) target(%dma_start3A_1294 : memref<512xf32, #tpu.memory_space<hbm>>) target_semaphore(%run_scoped3A : memref<!tpu.dma_semaphore, #tpu.memory_space<semaphore_mem>>)
      %dma_wait3A_1295 = tpu.memref_slice %arg7[%mul3A_2] : memref<16384xf32, #tpu.memory_space<hbm>> -> memref<512xf32, #tpu.memory_space<hbm>>
      %dma_wait3A_1296 = tpu.memref_slice %arg7[%mul3A_2] : memref<16384xf32, #tpu.memory_space<hbm>> -> memref<512xf32, #tpu.memory_space<hbm>>
      tpu.wait_dma2 semaphore(%run_scoped3A : memref<!tpu.dma_semaphore, #tpu.memory_space<semaphore_mem>>) src(%arg15 : memref<512xf32, #tpu.memory_space<vmem>>) dst(%dma_wait3A_1296 : memref<512xf32, #tpu.memory_space<hbm>>)
      tpu.yield
    }) : () -> ()
    return
  }
}

</mosaic_0001>

<sc_bundles>
// kernel: _gmf.3.cloned.1.call-start
scs
__scs_entry_jumppad:
0x0: {  	(pc) =	sbr.rel $0x88, $3  }
0x1: {  	(tag) =	ssettag $0x0;
	lr =	simm.s32 $0x1  }
0x2: {  	[smem:$0x3F9C] =	sst lr;
	_ =	strace $0xD0000000  }
0x3: {  	_ = 	snop  }
0x4: {  	_ = 	snop  }
0x5: {  	_ = 	snop  }
0x6: {  	_ = 	snop  }
0x7: {  	_ = 	snop  }
__scs_overlays_trampoline_lowered:
0x8: {  	[smem:$0x3FAB] =	sst s0  }
0x9: {  	[smem:$0x3FAC] =	sst s1  }
0xa: {  	[smem:$0x3FAD] =	sst s2  }
0xb: {  	[smem:$0x3FAE] =	sst s3  }
0xc: {  	[smem:$0x3FAF] =	sst s4  }
0xd: {  	[smem:$0x3FB0] =	sst s5  }
0xe: {  	[smem:$0x3FB1] =	sst s6  }
0xf: {  	[smem:$0x3FB2] =	sst s7  }
0x10: {  	[smem:$0x3FB3] =	sst s8  }
0x11: {  	[smem:$0x3FB4] =	sst s9;
	s0 =	simm.s32 @!p0 $0x0  }
0x12: {  	s1 =	sld [smem:$0x3F9A];
	s0 =	simm.s32 @p0 $0x1  }
0x13: {  	[smem:$0x3FB5] =	sst s0;
	s0 =	simm.s32 @!p1 $0x0  }
0x14: {  	s2 =	sld [smem:$0x3F99];
	s0 =	simm.s32 @p1 $0x1  }
0x15: {  	[smem:$0x3FB6] =	sst s0;
	s0 =	simm.s32 @!p2 $0x0  }
0x16: {  	s3 =	sld [smem:$0x3FDB];
	s0 =	simm.s32 @p2 $0x1  }
0x17: {  	s4 =	simm.s32 $0x1BF5;
	[smem:$0x3FB8] =	sst s0  }
0x18: {  	s0 =	sld [smem:$0x3F9B];
	_ =	swait.ge [sflag:s4], $0x0  }
0x19: {  	s7 =	sld [smem:$0x3F9C]  }
0x1a: {  	s8 =	sadd.s32 $0xFFFFE003, lr  }
0x1b: {  	s9 =	sadd.s32 $0xFFFFFEF7, lr;
	s5 =	simm.s32 $0xFFFFFFFF;
	p2 =	slt.u32 s8, $0xFFFFF086  }
0x1c: {  	p1 =	slt.u32 s9, $0xF7A;
	s5 =	simm.s32 @!p2 $0x0  }
0x1d: {  	s5 =	simm.s32 @p1 $0x1;
	p0 =	seq.s32 s7, s2  }
0x1e: {  	s7 =	smul.u32 @!p0 $0xF7A, s2;
	p2 =	seq.s32 @!p0 s5, $0x0  }
0x1f: {  	s9 =	smul.u32 $0xF7A, s1;
	s8 =	simm.s32 @!p0 $0x1BF5;
	p2 =	por !p2, p0  }
0x20: {  	[sflag:s8] =	ssyncset.s32 @!p0 $0xFFFFF086;
	s6 =	sadd.s32 @!p0 s3, s7;
	s7 =	simm.s32 @!p0 $0x108  }
0x21: {  	s3 =	sadd.s32 s3, s9;
	s6 =	sadd.s32 @!p0 $0x88, s6;
	s7 =	simm.s32 @p2 $0x1082  }
0x22: {  	[simem:s7], [sflag:s8] =	dma.local @!p0 [hbm:s6], $0xF7A  }
0x23: {  	s9 =	sor.u32 $0xD0000000, s2;
	s6 =	simm.s32 $0x108;
	_ =	swait.ge @!p0 [sflag:s8], $0x0  }
0x24: {  	s3 =	sadd.s32 $0x88, s3;
	s6 =	simm.s32 @!p1 $0x1082;
	[sflag:s4] =	ssyncset.s32 $0xFFFFF086  }
0x25: {  	[simem:s6], [sflag:s4] =	dma.local [hbm:s3], $0xF7A  }
0x26: {  	[smem:$0x3F9C] =	sst s1;
	(tag) =	ssettag s2;
	_ =	strace s9  }
0x27: {  	s1 =	sld [smem:$0x3FAC]  }
0x28: {  	s2 =	sld [smem:$0x3FAD]  }
0x29: {  	s4 =	sld [smem:$0x3FAF]  }
0x2a: {  	p0 =	seq.s32 s5, $0x0;
	s5 =	sld [smem:$0x3FB0]  }
0x2b: {  	s6 =	sld [smem:$0x3FB1]  }
0x2c: {  	s7 =	sld [smem:$0x3FB2]  }
0x2d: {  	s3 =	simm.s32 $0x108;
	s8 =	sld [smem:$0x3FB3]  }
0x2e: {  	s3 =	simm.s32 @!p0 $0x1082;
	s9 =	sld [smem:$0x3FB4]  }
0x2f: {  	lr =	sadd.s32 s0, s3;
	s0 =	sld [smem:$0x3FAB]  }
0x30: {  	s3 =	sld [smem:$0x3FAE]  }
0x31: {  	[smem:$0x3FB7] =	sst s10  }
0x32: {  	s10 =	sld [smem:$0x3FB5];
	_ =	sdelay $0x3  }
0x33: {  	p0 =	seq.s32 s10, $0x1;
	s10 =	sld [smem:$0x3FB7];
	_ =	sdelay $0x3  }
0x34: {  	[smem:$0x3FB7] =	sst s10  }
0x35: {  	s10 =	sld [smem:$0x3FB6];
	_ =	sdelay $0x3  }
0x36: {  	p1 =	seq.s32 s10, $0x1;
	s10 =	sld [smem:$0x3FB7];
	_ =	sdelay $0x3  }
0x37: {  	[smem:$0x3FB7] =	sst s10  }
0x38: {  	s10 =	sld [smem:$0x3FB8]  }
0x39: {  	_ = 	snop;
	(pc) =	sbr.ind lr, $3  }
0x3a: {  	_ = 	snop  }
0x3b: {  	_ = 	snop  }
0x3c: {  	p2 =	seq.s32 s10, $0x1;
	s10 =	sld [smem:$0x3FB7]  }
0x3d: {  	_ =	shalt  }
0x3e: {  	_ =	shalt  }
0x3f: {  	_ =	shalt  }
0x40: {  	_ =	shalt  }
0x41: {  	_ =	shalt  }
0x42: {  	_ =	shalt  }
0x43: {  	_ =	shalt  }
0x44: {  	_ =	shalt  }
0x45: {  	_ =	shalt  }
0x46: {  	_ =	shalt  }
0x47: {  	_ =	shalt  }
0x48: {  	_ =	shalt  }
0x49: {  	_ =	shalt  }
0x4a: {  	_ =	shalt  }
0x4b: {  	_ =	shalt  }
0x4c: {  	_ =	shalt  }
0x4d: {  	_ =	shalt  }
0x4e: {  	_ =	shalt  }
0x4f: {  	_ =	shalt  }
0x50: {  	_ =	shalt  }
0x51: {  	_ =	shalt  }
0x52: {  	_ =	shalt  }
0x53: {  	_ =	shalt  }
0x54: {  	_ =	shalt  }
0x55: {  	_ =	shalt  }
0x56: {  	_ =	shalt  }
0x57: {  	_ =	shalt  }
0x58: {  	_ =	shalt  }
0x59: {  	_ =	shalt  }
0x5a: {  	_ =	shalt  }
0x5b: {  	_ =	shalt  }
0x5c: {  	_ =	shalt  }
0x5d: {  	_ =	shalt  }
0x5e: {  	_ =	shalt  }
0x5f: {  	_ =	shalt  }
0x60: {  	_ =	shalt  }
0x61: {  	_ =	shalt  }
0x62: {  	_ =	shalt  }
0x63: {  	_ =	shalt  }
0x64: {  	_ =	shalt  }
0x65: {  	_ =	shalt  }
0x66: {  	_ =	shalt  }
0x67: {  	_ =	shalt  }
0x68: {  	_ =	shalt  }
0x69: {  	_ =	shalt  }
0x6a: {  	_ =	shalt  }
0x6b: {  	_ =	shalt  }
0x6c: {  	_ =	shalt  }
0x6d: {  	_ =	shalt  }
0x6e: {  	_ =	shalt  }
0x6f: {  	_ =	shalt  }
0x70: {  	_ =	shalt  }
0x71: {  	_ =	shalt  }
0x72: {  	_ =	shalt  }
0x73: {  	_ =	shalt  }
0x74: {  	_ =	shalt  }
0x75: {  	_ =	shalt  }
0x76: {  	_ =	shalt  }
0x77: {  	_ =	shalt  }
0x78: {  	_ =	shalt  }
0x79: {  	_ =	shalt  }
0x7a: {  	_ =	shalt  }
0x7b: {  	_ =	shalt  }
0x7c: {  	_ =	shalt  }
0x7d: {  	_ =	shalt  }
0x7e: {  	_ =	shalt  }
0x7f: {  	_ =	shalt  }
0x80: {  	_ =	shalt  }
0x81: {  	_ =	shalt  }
0x82: {  	_ =	shalt  }
0x83: {  	_ =	shalt  }
0x84: {  	_ =	shalt  }
0x85: {  	_ =	shalt  }
0x86: {  	_ =	shalt  }
0x87: {  	_ =	shalt  }
.Lfunc_end0:
.L_simem_size_0:
called_computation_lowered:
.L_overlay_start_0:
0x88: {  	s2 =	sld [smem:$0x3FD9]  }
0x89: {  	s3 =	sld [smem:$0x3FFE];
	_ =	sdelay $0x1  }
0x8a: {  	s1 =	srdreg.scid  }
0x8b: {  	s0 =	sand.u32 $0x1, s1  }
0x8c: {  	s18 =	sshll.u32 s0, $0xA;
	s2 =	sadd.s32 s3, s2  }
0x8d: {  	s2 =	sadd.s32 s2, s18  }
0x8e: {  	[smem:$0x3FC3] =	sst s2  }
0x8f: {  	_ = 	snop  }
0x90: {  	s2 =	sld [smem:$0x3FC9]  }
0x91: {  	s19 =	sld [smem:$0x3FC8]  }
0x92: {  	s4 =	sld [smem:$0x3FC7]  }
0x93: {  	s5 =	sld [smem:$0x3FC6]  }
0x94: {  	s6 =	sld [smem:$0x3FC5]  }
0x95: {  	s7 =	sld [smem:$0x3FD0];
	(tm) =	ssettm $0x1  }
0x96: {  	s8 =	sld [smem:$0x3FFB];
	_ =	sdelay $0x3  }
0x97: {  	_ =	strace s8  }
0x98: {  	s8 =	sld [smem:$0x3FFC];
	_ =	sdelay $0x3  }
0x99: {  	_ =	strace s8  }
0x9a: {  	s8 =	sld [smem:$0x3FFD];
	_ =	sdelay $0x3  }
0x9b: {  	_ =	strace s8  }
0x9c: {  	_ =	strace $0x8FFFFFFF  }
0x9d: {  	s20 =	sld [smem:$0x3FDB];
	_ =	sdelay $0x1  }
0x9e: {  	s9 =	simm.s32 $_scs_section_size  }
0x9f: {  	s10 =	simm.s32 $_size__tile_overlayer_lowered;
	s11 =	simm.s32 $_tile_overlayer_lowered  }
0xa0: {  	s23 =	simm.s32 $0x1BFF;
	s22 =	sshll.u32 s11, $0x1;
	s8 =	sadd.s32 s9, s20  }
0xa1: {  	s12 =	simm.s32 $0x0;
	s21 =	sshll.u32 s10, $0x1;
	s10 =	sadd.s32 s22, s8  }
0xa2: {  	[timem:s12], [sflag:s23] =	dma.local [hbm:s10], s21  }
0xa3: {  	_ =	swait.ge [sflag:s23], s21  }
0xa4: {  	s9 =	ssub.s32 $0x0, s21;
	[sflag:s23] =	ssyncset.done $0x0  }
0xa5: {  	[sflag:s23] =	ssyncadd.s32 s9;
	_ =	sdelay $0x1  }
0xa6: {  	s24 =	simm.s32 $0x1B8B  }
0xa7: {  	_ =	swait.ge [sflag:s24], $0x1  }
0xa8: {  	[sflag:s24] =	ssyncset.done $0x0  }
0xa9: {  	s25 =	simm.s32 $0x1B8E;
	[sflag:s24] =	ssyncadd.s32 $0xFFFFFFFF  }
0xaa: {  	s26 =	simm.s32 $execute0_lowered;
	[smem:$0x3FD2] =	sst s25  }
0xab: {  	s9 =	sshll.u32 s26, $0x1;
	_ =	strace $0x80000046;
	[dreg:$0x1] =	wrdreg $0xFFFFFFFF  }
0xac: {  	s28 =	simm.s32 $_size_execute0_lowered;
	s8 =	sadd.s32 s8, s9;
	[dreg:$0x0] =	wrdreg $0x0  }
0xad: {  	s9 =	sshll.u32 s28, $0x1;
	[dreg:$0x2] =	wrdreg s8  }
0xae: {  	[dreg:$0x3] =	wrdreg s9  }
0xaf: {  	[dreg:$0x4] =	wrdreg $0xC0  }
0xb0: {  	_ =	task [dreg:s12], $0x5FFFF  }
0xb1: {  	[dreg:$0x1] =	wrdreg $0xFFFFFFFF  }
0xb2: {  	[dreg:$0x0] =	wrdreg $0x60  }
0xb3: {  	[dreg:$0x2] =	wrdreg s2  }
0xb4: {  	[dreg:$0x3] =	wrdreg s19  }
0xb5: {  	[dreg:$0x4] =	wrdreg s4  }
0xb6: {  	[dreg:$0x5] =	wrdreg s5  }
0xb7: {  	[dreg:$0x6] =	wrdreg s6  }
0xb8: {  	[dreg:$0x7] =	wrdreg s7  }
0xb9: {  	[dreg:$0x8] =	wrdreg $0x9  }
0xba: {  	_ =	task.clear_ibuf [dreg:s12], $0x9FFFF;
	_ =	strace $0x90000046  }
0xbb: {  	s29 =	simm.s32 $0x9;
	_ =	strace $0x80000048  }
0xbc: {  	_ =	swait.ge [sflag:s29], $0x1  }
0xbd: {  	[sflag:s29] =	ssyncadd.s32 $0xFFFFFFFF  }
0xbe: {  	_ =	strace $0x90000048  }
0xbf: {  	_ =	sfence  }
0xc0: {  	s30 =	sld [smem:$0x0];
	_ =	sdelay $0x2  }
0xc1: {  	s31 =	sshll.u32 s1, $0xD;
	s1 =	sshrl.u32 s1, $0x2  }
0xc2: {  	s3 =	sand.u32 $0x4000, s31;
	s1 =	sadd.s32 s1, s30  }
0xc3: {  	s0 =	sor.u32 s3, s0;
	s1 =	sshll.u32 s1, $0x11  }
0xc4: {  	s0 =	sor.u32 s1, s0  }
0xc5: {  	s0 =	sadd.s32 $0x8F2B, s0  }
0xc6: {  	[sflag:s0] =	ssyncadd.remote.s32 $0x1  }
0xc7: {  	_ =	sfence.sel $0xFFFF  }
0xc8: {  	[dreg:$0x0] =	wrdreg $0xFFFFFFFF;
	(pc) =	sbr.abs _section_cstart, $3  }
0xc9: {  	[dreg:$0x1] =	wrdreg $0xFFFFFFFF  }
0xca: {  	_ =	task.clear_ibuf [dreg:s12], $0x2FFFF;
	_ =	strace $0x9FFFFFFF  }
0xcb: {  	(tm) =	ssettm $0x7FFFFFFF  }
tec
execute0_lowered:
.L_overlay_start_1:
0x0: {  	(tag) =	ssettag $0x1  }
0x1: {  	s1 =	rddreg [dreg:$0x0]  }
0x2: {  	s2 =	rddreg [dreg:$0x1]  }
0x3: {  	s0 =	rddreg [dreg:$0x3]  }
0x4: {  	s3 =	rddreg [dreg:$0x4]  }
0x5: {  	s4 =	rddreg [dreg:$0x5];
	s5 =	simm.s32 $0x0  }
0x6: {  	s6 =	srdreg.scid;
	s8 =	stileid.u32;
	s10 =	simm.s32 $0x3  }
0x7: {  	s12 =	simm.s32 $0x80;
	s13 =	simm.s32 $0x400;
	s14 =	simm.s32 $0x800  }
0x8: {  	s15 =	simm.s32 $0x600;
	s16 =	simm.s32 $0x8800;
	s17 =	simm.s32 $0x480  }
0x9: {  	s18 =	simm.s32 $0x4800;
	s19 =	simm.s32 $0x680;
	s20 =	simm.s32 $0xC800  }
0xa: {  	s21 =	simm.s32 $0x1;
	s22 =	simm.s32 $0x500;
	s23 =	simm.s32 $0x700  }
0xb: {  	s24 =	simm.s32 $0x2;
	s25 =	simm.s32 $0x580;
	s26 =	simm.s32 $0x780  }
0xc: {  	s28 =	simm.s32 $0x10880;
	s29 =	simm.s32 $0x0;
	s6 =	sand.u32 $0x1, s6  }
0xd: {  	s8 =	sshll.u32 s8, $0x7;
	s7 =	ssub.s32 $0x2, s6;
	s6 =	sshll.u32 s6, $0x6  }
0xe: {  	[smem:$0x7FF] =	sst s5;
	s9 =	sshrl.u32 s7, $0x1;
	s8 =	sor.u32 s6, s8  }
0xf: {  	v0 =	vlaneseq.u32;
	_ =	strace $0x80000047;
	s9 =	ssub.s32 s7, s9;
	s6 =	sadd.s32 s0, s8  }
0x10: {  	v0 =	vmul.u32 $0x80, v0;
	s7 =	sadd.s32 s3, s8;
	s8 =	sadd.s32 s4, s8;
	s9 =	smax.u32 s9, $0x1  }
.LBB2_1:
0x11: {  	[tilespmem:s5], [sflag:$0x3] =	stream.linear.gather [hbm4b:s6+s5], $0x200, $0x38;
	[tilespmem:$0x10A80] =	vst v63  }
0x12: {  	_ =	swait.ge [sflag:s10], $0x200  }
0x13: {  	[sflag:s10] =	ssyncset.done $0x0  }
0x14: {  	s30 =	simm.s32 $0x200;
	[sflag:s10] =	ssyncadd.s32 $0xFFFFFE00  }
0x15: {  	[tilespmem:s30], [sflag:$0x3] =	stream.linear.gather [hbm4b:s7+s5], $0x200, $0x38;
	[tilespmem:$0x10A80] =	vst v63  }
0x16: {  	_ =	swait.ge [sflag:s10], $0x200  }
0x17: {  	[sflag:s10] =	ssyncset.done $0x0  }
0x18: {  	[sflag:s10] =	ssyncadd.s32 $0xFFFFFE00  }
0x19: {  	s3 =	simm.s32 $0x10800;
	s0 =	rddreg [dreg:$0x2]  }
0x1a: {  	[tilespmem:s3], [sflag:$0x3] =	stream.linear.gather [hbm4b:s0+s5], $0x80, $0x38;
	[tilespmem:$0x10A80] =	vst v63  }
0x1b: {  	_ =	swait.ge [sflag:s10], $0x80  }
0x1c: {  	[sflag:s10] =	ssyncset.done $0x0  }
0x1d: {  	[sflag:s10] =	ssyncadd.s32 $0xFFFFFF80  }
0x1e: {  	v1 =	vld [tilespmem:$0x0]  }
0x1f: {  	v2 =	vld [tilespmem:$0x200];
	_ =	sdelay $0x1  }
0x20: {  	v3 =	vld [tilespmem:$0x10]  }
0x21: {  	v4 =	vld [tilespmem:$0x210]  }
0x22: {  	v6 =	vld [tilespmem:$0x20]  }
0x23: {  	v5 =	vshra.s32 v1, $0x2;
	v7 =	vshra.s32 v2, $0x2;
	v1 =	vand.u32 $0x1FFF, v1  }
0x24: {  	v8 =	vld [tilespmem:$0x220];
	v2 =	vand.u32 $0x1FFF, v2;
	v5 =	vand.u32 $0xFFFFE000, v5;
	v7 =	vand.u32 $0xFFFFE000, v7  }
0x25: {  	v1 =	vor.u32 v1, v5;
	v2 =	vor.u32 v2, v7;
	v5 =	vshra.s32 v3, $0x2;
	v7 =	vld [tilespmem:$0x30]  }
0x26: {  	v10 =	vld [tilespmem:$0x230];
	v9 =	vshra.s32 v4, $0x2;
	v3 =	vand.u32 $0x1FFF, v3;
	v5 =	vand.u32 $0xFFFFE000, v5  }
0x27: {  	v3 =	vor.u32 v3, v5;
	v5 =	vand.u32 $0xFFFFE000, v9;
	v9 =	vshra.s32 v6, $0x2  }
0x28: {  	v11 =	vld [tilespmem:$0x40];
	v4 =	vand.u32 $0x1FFF, v4;
	v6 =	vand.u32 $0x1FFF, v6;
	v9 =	vand.u32 $0xFFFFE000, v9  }
0x29: {  	v4 =	vor.u32 v4, v5;
	v5 =	vor.u32 v6, v9;
	v6 =	vshra.s32 v8, $0x2;
	v9 =	vld [tilespmem:$0x240]  }
0x2a: {  	v13 =	vld [tilespmem:$0x50];
	v8 =	vand.u32 $0x1FFF, v8;
	v6 =	vand.u32 $0xFFFFE000, v6;
	v12 =	vshra.s32 v7, $0x2  }
0x2b: {  	v6 =	vor.u32 v8, v6;
	v8 =	vand.u32 $0xFFFFE000, v12;
	v12 =	vshra.s32 v10, $0x2  }
0x2c: {  	v14 =	vld [tilespmem:$0x250];
	v7 =	vand.u32 $0x1FFF, v7;
	v10 =	vand.u32 $0x1FFF, v10;
	v12 =	vand.u32 $0xFFFFE000, v12  }
0x2d: {  	v7 =	vor.u32 v7, v8;
	v8 =	vor.u32 v10, v12;
	v10 =	vshra.s32 v11, $0x2;
	v12 =	vld [tilespmem:$0x60]  }
0x2e: {  	v16 =	vld [tilespmem:$0x260];
	v11 =	vand.u32 $0x1FFF, v11;
	v10 =	vand.u32 $0xFFFFE000, v10;
	v15 =	vshra.s32 v9, $0x2  }
0x2f: {  	v10 =	vor.u32 v11, v10;
	v11 =	vand.u32 $0xFFFFE000, v15;
	v15 =	vshra.s32 v13, $0x2  }
0x30: {  	v17 =	vld [tilespmem:$0x70];
	v9 =	vand.u32 $0x1FFF, v9;
	v13 =	vand.u32 $0x1FFF, v13;
	v15 =	vand.u32 $0xFFFFE000, v15  }
0x31: {  	v9 =	vor.u32 v9, v11;
	v11 =	vor.u32 v13, v15;
	v13 =	vshra.s32 v14, $0x2;
	v15 =	vld [tilespmem:$0x270]  }
0x32: {  	v19 =	vld [tilespmem:$0x80];
	v14 =	vand.u32 $0x1FFF, v14;
	v13 =	vand.u32 $0xFFFFE000, v13;
	v18 =	vshra.s32 v12, $0x2  }
0x33: {  	v13 =	vor.u32 v14, v13;
	v14 =	vand.u32 $0xFFFFE000, v18;
	v18 =	vshra.s32 v16, $0x2  }
0x34: {  	v20 =	vld [tilespmem:$0x280];
	v12 =	vand.u32 $0x1FFF, v12;
	v16 =	vand.u32 $0x1FFF, v16;
	v18 =	vand.u32 $0xFFFFE000, v18  }
0x35: {  	v12 =	vor.u32 v12, v14;
	v14 =	vor.u32 v16, v18;
	v16 =	vshra.s32 v17, $0x2;
	v18 =	vld [tilespmem:$0x90]  }
0x36: {  	v22 =	vld [tilespmem:$0x290];
	v17 =	vand.u32 $0x1FFF, v17;
	v16 =	vand.u32 $0xFFFFE000, v16;
	v21 =	vshra.s32 v15, $0x2  }
0x37: {  	v16 =	vor.u32 v17, v16;
	v17 =	vand.u32 $0xFFFFE000, v21;
	v21 =	vshra.s32 v19, $0x2  }
0x38: {  	v23 =	vld [tilespmem:$0xA0];
	v15 =	vand.u32 $0x1FFF, v15;
	v19 =	vand.u32 $0x1FFF, v19;
	v21 =	vand.u32 $0xFFFFE000, v21  }
0x39: {  	v24 =	vld [tilespmem:$0xB0];
	[tilespmem:$0x400] =	vst v1;
	v15 =	vor.u32 v15, v17;
	v17 =	vor.u32 v19, v21;
	v19 =	vshra.s32 v20, $0x2  }
0x3a: {  	[tilespmem:$0x600] =	vst v2;
	v21 =	vld [tilespmem:$0x2A0];
	v1 =	vand.u32 $0xFFFFE000, v19;
	v19 =	vand.u32 $0x1FFF, v20;
	v20 =	vshra.s32 v18, $0x2  }
0x3b: {  	[tilespmem:$0x410] =	vst v3;
	v3 =	vand.u32 $0x1FFF, v18;
	v1 =	vor.u32 v19, v1;
	v19 =	vshra.s32 v22, $0x2  }
0x3c: {  	[tilespmem:$0x610] =	vst v4;
	v2 =	vand.u32 $0xFFFFE000, v20;
	v20 =	vld [tilespmem:$0x2B0];
	v18 =	vand.u32 $0xFFFFE000, v19;
	v19 =	vand.u32 $0x1FFF, v22  }
0x3d: {  	v4 =	vshra.s32 v23, $0x2;
	[tilespmem:$0x420] =	vst v5;
	v2 =	vor.u32 v3, v2;
	v3 =	vor.u32 v19, v18;
	v18 =	vld [tilespmem:$0xC0]  }
0x3e: {  	v4 =	vand.u32 $0xFFFFE000, v4;
	v5 =	vand.u32 $0x1FFF, v23;
	[tilespmem:$0x620] =	vst v6;
	v6 =	vshra.s32 v24, $0x2;
	v22 =	vld [tilespmem:$0x2C0]  }
0x3f: {  	v4 =	vor.u32 v5, v4;
	[tilespmem:$0x430] =	vst v7;
	v6 =	vand.u32 $0xFFFFE000, v6;
	v19 =	vshra.s32 v21, $0x2  }
0x40: {  	[tilespmem:$0x630] =	vst v8;
	v7 =	vand.u32 $0x1FFF, v21;
	v21 =	vld [tilespmem:$0xD0];
	v5 =	vand.u32 $0xFFFFE000, v19;
	v19 =	vand.u32 $0x1FFF, v24  }
0x41: {  	v8 =	vld [tilespmem:$0x2D0];
	[tilespmem:$0x440] =	vst v10;
	v5 =	vor.u32 v7, v5;
	v6 =	vor.u32 v19, v6;
	v7 =	vshra.s32 v20, $0x2  }
0x42: {  	[tilespmem:$0x640] =	vst v9;
	v10 =	vand.u32 $0x1FFF, v20;
	v20 =	vld [tilespmem:$0xE0];
	v7 =	vand.u32 $0xFFFFE000, v7;
	v19 =	vshra.s32 v18, $0x2  }
0x43: {  	[tilespmem:$0x450] =	vst v11;
	v7 =	vor.u32 v10, v7;
	v10 =	vshra.s32 v22, $0x2;
	v11 =	vand.u32 $0x1FFF, v18  }
0x44: {  	[tilespmem:$0x650] =	vst v13;
	v18 =	vand.u32 $0x1FFF, v22;
	v9 =	vand.u32 $0xFFFFE000, v19;
	v10 =	vand.u32 $0xFFFFE000, v10;
	v19 =	vld [tilespmem:$0x2E0]  }
0x45: {  	v13 =	vld [tilespmem:$0xF0];
	[tilespmem:$0x460] =	vst v12;
	v12 =	vand.u32 $0x1FFF, v21;
	v9 =	vor.u32 v11, v9;
	v10 =	vor.u32 v18, v10  }
0x46: {  	[tilespmem:$0x660] =	vst v14;
	v11 =	vshra.s32 v21, $0x2;
	v18 =	vshra.s32 v8, $0x2;
	v21 =	vld [tilespmem:$0x2F0];
	v8 =	vand.u32 $0x1FFF, v8  }
0x47: {  	[tilespmem:$0x470] =	vst v16;
	v11 =	vand.u32 $0xFFFFE000, v11;
	v14 =	vshra.s32 v20, $0x2;
	v16 =	vand.u32 $0x1FFF, v20  }
0x48: {  	[tilespmem:$0x670] =	vst v15;
	v11 =	vor.u32 v12, v11;
	v12 =	vand.u32 $0xFFFFE000, v18;
	v14 =	vand.u32 $0xFFFFE000, v14;
	v18 =	vld [tilespmem:$0x100]  }
0x49: {  	v15 =	vld [tilespmem:$0x300];
	[tilespmem:$0x480] =	vst v17;
	v8 =	vor.u32 v8, v12;
	v12 =	vor.u32 v16, v14;
	v14 =	vshra.s32 v19, $0x2  }
0x4a: {  	v17 =	vshra.s32 v13, $0x2;
	[tilespmem:$0x680] =	vst v1;
	v16 =	vand.u32 $0x1FFF, v19;
	v19 =	vld [tilespmem:$0x110];
	v14 =	vand.u32 $0xFFFFE000, v14  }
0x4b: {  	[tilespmem:$0x490] =	vst v2;
	v2 =	vand.u32 $0x1FFF, v13;
	v1 =	vor.u32 v16, v14;
	v16 =	vshra.s32 v21, $0x2  }
0x4c: {  	[tilespmem:$0x4A0] =	vst v4;
	v14 =	vand.u32 $0xFFFFE000, v17;
	v17 =	vld [tilespmem:$0x310];
	v13 =	vand.u32 $0xFFFFE000, v16;
	v16 =	vand.u32 $0x1FFF, v21  }
0x4d: {  	[tilespmem:$0x690] =	vst v3;
	v2 =	vor.u32 v2, v14;
	v14 =	vld [tilespmem:$0x120];
	v3 =	vor.u32 v16, v13;
	v13 =	vshra.s32 v18, $0x2  }
0x4e: {  	[tilespmem:$0x4B0] =	vst v6;
	v6 =	vand.u32 $0x1FFF, v15;
	v4 =	vand.u32 $0xFFFFE000, v13;
	v13 =	vand.u32 $0x1FFF, v18;
	v18 =	vld [tilespmem:$0x320]  }
0x4f: {  	[tilespmem:$0x6A0] =	vst v5;
	v16 =	vshra.s32 v15, $0x2;
	v4 =	vor.u32 v13, v4;
	v13 =	vshra.s32 v19, $0x2  }
0x50: {  	[tilespmem:$0x6B0] =	vst v7;
	v5 =	vand.u32 $0xFFFFE000, v16;
	v15 =	vand.u32 $0x1FFF, v19;
	v16 =	vld [tilespmem:$0x130];
	v13 =	vand.u32 $0xFFFFE000, v13  }
0x51: {  	[tilespmem:$0x4C0] =	vst v9;
	v5 =	vor.u32 v6, v5;
	v7 =	vshra.s32 v17, $0x2;
	v6 =	vor.u32 v15, v13;
	v13 =	vld [tilespmem:$0x330]  }
0x52: {  	[tilespmem:$0x6C0] =	vst v10;
	v9 =	vand.u32 $0x1FFF, v17;
	v17 =	vld [tilespmem:$0x140];
	v7 =	vand.u32 $0xFFFFE000, v7;
	v15 =	vshra.s32 v14, $0x2  }
0x53: {  	[tilespmem:$0x4D0] =	vst v11;
	v11 =	vand.u32 $0x1FFF, v14;
	v7 =	vor.u32 v9, v7;
	v10 =	vshra.s32 v18, $0x2  }
0x54: {  	[tilespmem:$0x6D0] =	vst v8;
	v9 =	vand.u32 $0xFFFFE000, v15;
	v15 =	vld [tilespmem:$0x340];
	v14 =	vand.u32 $0x1FFF, v18;
	v10 =	vand.u32 $0xFFFFE000, v10  }
0x55: {  	[tilespmem:$0x4E0] =	vst v12;
	v8 =	vor.u32 v11, v9;
	v11 =	vld [tilespmem:$0x150];
	v9 =	vor.u32 v14, v10;
	v10 =	vshra.s32 v16, $0x2  }
0x56: {  	[tilespmem:$0x6E0] =	vst v1;
	v12 =	vand.u32 $0x1FFF, v16;
	v16 =	vld [tilespmem:$0x350];
	v10 =	vand.u32 $0xFFFFE000, v10;
	v14 =	vshra.s32 v13, $0x2  }
0x57: {  	[tilespmem:$0x4F0] =	vst v2;
	v2 =	vand.u32 $0x1FFF, v13;
	v1 =	vor.u32 v12, v10;
	v12 =	vshra.s32 v17, $0x2  }
0x58: {  	[tilespmem:$0x6F0] =	vst v3;
	v13 =	vand.u32 $0x1FFF, v17;
	v10 =	vand.u32 $0xFFFFE000, v14;
	v14 =	vld [tilespmem:$0x160];
	v12 =	vand.u32 $0xFFFFE000, v12  }
0x59: {  	[tilespmem:$0x500] =	vst v4;
	v2 =	vor.u32 v2, v10;
	v10 =	vshra.s32 v15, $0x2;
	v3 =	vor.u32 v13, v12;
	v12 =	vld [tilespmem:$0x360]  }
0x5a: {  	[tilespmem:$0x510] =	vst v6;
	v6 =	vand.u32 $0x1FFF, v11;
	v4 =	vand.u32 $0xFFFFE000, v10;
	v10 =	vand.u32 $0x1FFF, v15;
	v15 =	vld [tilespmem:$0x170]  }
0x5b: {  	[tilespmem:$0x700] =	vst v5;
	v13 =	vshra.s32 v11, $0x2;
	v4 =	vor.u32 v10, v4;
	v10 =	vshra.s32 v16, $0x2  }
0x5c: {  	[tilespmem:$0x710] =	vst v7;
	v5 =	vand.u32 $0xFFFFE000, v13;
	v11 =	vand.u32 $0x1FFF, v16;
	v13 =	vld [tilespmem:$0x370];
	v10 =	vand.u32 $0xFFFFE000, v10  }
0x5d: {  	[tilespmem:$0x520] =	vst v8;
	v5 =	vor.u32 v6, v5;
	v6 =	vor.u32 v11, v10;
	v7 =	vshra.s32 v14, $0x2;
	v10 =	vld [tilespmem:$0x180]  }
0x5e: {  	[tilespmem:$0x720] =	vst v9;
	v8 =	vand.u32 $0x1FFF, v14;
	v14 =	vld [tilespmem:$0x380];
	v7 =	vand.u32 $0xFFFFE000, v7;
	v11 =	vshra.s32 v12, $0x2  }
0x5f: {  	[tilespmem:$0x530] =	vst v1;
	v7 =	vor.u32 v8, v7;
	v9 =	vshra.s32 v15, $0x2;
	v1 =	vand.u32 $0x1FFF, v12  }
0x60: {  	[tilespmem:$0x730] =	vst v2;
	v12 =	vld [tilespmem:$0x190];
	v8 =	vand.u32 $0xFFFFE000, v11;
	v9 =	vand.u32 $0xFFFFE000, v9;
	v11 =	vand.u32 $0x1FFF, v15  }
0x61: {  	[tilespmem:$0x540] =	vst v3;
	v1 =	vor.u32 v1, v8;
	v2 =	vor.u32 v11, v9;
	v8 =	vshra.s32 v13, $0x2;
	v9 =	vld [tilespmem:$0x390]  }
0x62: {  	[tilespmem:$0x740] =	vst v4;
	v3 =	vand.u32 $0xFFFFE000, v8;
	v8 =	vand.u32 $0x1FFF, v13;
	v11 =	vshra.s32 v10, $0x2;
	v13 =	vld [tilespmem:$0x1A0]  }
0x63: {  	[tilespmem:$0x550] =	vst v5;
	v5 =	vand.u32 $0x1FFF, v10;
	v3 =	vor.u32 v8, v3;
	v8 =	vshra.s32 v14, $0x2  }
0x64: {  	[tilespmem:$0x750] =	vst v6;
	v10 =	vand.u32 $0x1FFF, v14;
	v4 =	vand.u32 $0xFFFFE000, v11;
	v11 =	vld [tilespmem:$0x3A0];
	v8 =	vand.u32 $0xFFFFE000, v8  }
0x65: {  	[tilespmem:$0x560] =	vst v7;
	v4 =	vor.u32 v5, v4;
	v6 =	vshra.s32 v12, $0x2;
	v5 =	vor.u32 v10, v8;
	v8 =	vld [tilespmem:$0x1B0]  }
0x66: {  	[tilespmem:$0x760] =	vst v1;
	v7 =	vand.u32 $0x1FFF, v12;
	v12 =	vld [tilespmem:$0x3B0];
	v6 =	vand.u32 $0xFFFFE000, v6;
	v10 =	vshra.s32 v9, $0x2  }
0x67: {  	[tilespmem:$0x570] =	vst v2;
	v1 =	vor.u32 v7, v6;
	v2 =	vand.u32 $0x1FFF, v9;
	v7 =	vshra.s32 v13, $0x2  }
0x68: {  	[tilespmem:$0x770] =	vst v3;
	v6 =	vand.u32 $0xFFFFE000, v10;
	v9 =	vand.u32 $0x1FFF, v13;
	v10 =	vld [tilespmem:$0x1C0];
	v7 =	vand.u32 $0xFFFFE000, v7  }
0x69: {  	[tilespmem:$0x580] =	vst v4;
	v2 =	vor.u32 v2, v6;
	v6 =	vshra.s32 v11, $0x2;
	v3 =	vor.u32 v9, v7;
	v7 =	vld [tilespmem:$0x3C0]  }
0x6a: {  	[tilespmem:$0x780] =	vst v5;
	v4 =	vand.u32 $0xFFFFE000, v6;
	v6 =	vand.u32 $0x1FFF, v11;
	v11 =	vld [tilespmem:$0x1D0];
	v9 =	vshra.s32 v8, $0x2  }
0x6b: {  	[tilespmem:$0x590] =	vst v1;
	v4 =	vor.u32 v6, v4;
	v6 =	vshra.s32 v12, $0x2;
	v1 =	vand.u32 $0x1FFF, v8  }
0x6c: {  	[tilespmem:$0x790] =	vst v2;
	v8 =	vand.u32 $0x1FFF, v12;
	v5 =	vand.u32 $0xFFFFE000, v9;
	v6 =	vand.u32 $0xFFFFE000, v6;
	v9 =	vld [tilespmem:$0x3D0]  }
0x6d: {  	[tilespmem:$0x5A0] =	vst v3;
	v1 =	vor.u32 v1, v5;
	v2 =	vor.u32 v8, v6;
	v5 =	vshra.s32 v10, $0x2;
	v6 =	vld [tilespmem:$0x1E0]  }
0x6e: {  	[tilespmem:$0x7A0] =	vst v4;
	v3 =	vand.u32 $0xFFFFE000, v5;
	v5 =	vand.u32 $0x1FFF, v10;
	v10 =	vld [tilespmem:$0x3E0];
	v8 =	vshra.s32 v7, $0x2  }
0x6f: {  	[tilespmem:$0x5B0] =	vst v1;
	v3 =	vor.u32 v5, v3;
	v5 =	vshra.s32 v11, $0x2;
	v1 =	vand.u32 $0x1FFF, v7  }
0x70: {  	[tilespmem:$0x7B0] =	vst v2;
	v7 =	vand.u32 $0x1FFF, v11;
	v4 =	vand.u32 $0xFFFFE000, v8;
	v5 =	vand.u32 $0xFFFFE000, v5;
	v8 =	vld [tilespmem:$0x1F0]  }
0x71: {  	[tilespmem:$0x5C0] =	vst v3;
	v1 =	vor.u32 v1, v4;
	v2 =	vor.u32 v7, v5;
	v4 =	vshra.s32 v9, $0x2;
	v5 =	vld [tilespmem:$0x3F0]  }
0x72: {  	v3 =	vand.u32 $0xFFFFE000, v4;
	v4 =	vand.u32 $0x1FFF, v9;
	v7 =	vshra.s32 v6, $0x2;
	[tilespmem:$0x7C0] =	vst v1  }
0x73: {  	[tilespmem:$0x5D0] =	vst v2;
	v2 =	vand.u32 $0x1FFF, v6;
	v1 =	vor.u32 v4, v3;
	v4 =	vshra.s32 v10, $0x2  }
0x74: {  	v3 =	vand.u32 $0xFFFFE000, v7;
	v6 =	vand.u32 $0x1FFF, v10;
	v4 =	vand.u32 $0xFFFFE000, v4  }
0x75: {  	[tilespmem:$0x7D0] =	vst v1;
	v1 =	vor.u32 v2, v3;
	v2 =	vor.u32 v6, v4;
	v3 =	vshra.s32 v8, $0x2  }
0x76: {  	[tilespmem:$0x5E0] =	vst v1;
	v1 =	vand.u32 $0xFFFFE000, v3;
	v3 =	vand.u32 $0x1FFF, v8;
	v4 =	vshra.s32 v5, $0x2  }
0x77: {  	[tilespmem:$0x7E0] =	vst v2;
	v1 =	vor.u32 v3, v1;
	v2 =	vand.u32 $0xFFFFE000, v4;
	v3 =	vand.u32 $0x1FFF, v5  }
0x78: {  	[tilespmem:$0x5F0] =	vst v1;
	v1 =	vor.u32 v3, v2  }
0x79: {  	[tilespmem:$0x7F0] =	vst v1  }
0x7a: {  	v1 =	vld [tilespmem:$0x10800];
	[tilespmem:s14], [sflag:$0x1] =	stream.indirect.gather [hbm4b:s1+s12], $0x80, s13, s12, $0xb8  }
0x7b: {  	_ = 	snop  }
0x7c: {  	[tilespmem:s16], [sflag:$0x1] =	stream.indirect.gather [hbm4b:s2+s12], $0x80, s15, s12, $0xb8;
	[tilespmem:$0x10A80] =	vst v63  }
0x7d: {  	_ = 	snop  }
0x7e: {  	[tilespmem:s18], [sflag:$0x2] =	stream.indirect.gather [hbm4b:s1+s12], $0x80, s17, s12, $0xb8;
	[tilespmem:$0x10A80] =	vst v63  }
0x7f: {  	_ = 	snop  }
0x80: {  	[tilespmem:s20], [sflag:$0x2] =	stream.indirect.gather [hbm4b:s2+s12], $0x80, s19, s12, $0xb8;
	[tilespmem:$0x10A80] =	vst v63  }
0x81: {  	_ =	swait.ge [sflag:s21], $0x4000  }
0x82: {  	[sflag:s21] =	ssyncset.done $0x0  }
0x83: {  	[sflag:s21] =	ssyncadd.s32 $0xFFFFC000  }
0x84: {  	_ =	swait.ge [sflag:s21], $0x4000  }
0x85: {  	[sflag:s21] =	ssyncset.done $0x0  }
0x86: {  	[sflag:s21] =	ssyncadd.s32 $0xFFFFC000  }
0x87: {  	v2 =	vld [tilespmem:s30+$0x0]  }
0x88: {  	v4 =	vld [tilespmem:s5+$0x0];
	_ =	sdelay $0x2  }
0x89: {  	v3 =	vmov s5  }
0x8a: {  	v3 =	vshll.u32 v3, $0x7;
	v2 =	vshrl.u32 v2, $0x8  }
0x8b: {  	v3 =	vor.u32 v0, v3;
	v4 =	vshrl.u32 v4, $0x8;
	v2 =	vand.u32 $0x60, v2  }
0x8c: {  	v4 =	vand.u32 $0x60, v4;
	v5 =	vor.u32 v3, v2  }
0x8d: {  	v4 =	vor.u32 v3, v4  }
0x8e: {  	v2 =	vor.u32 $0x12, v5  }
0x8f: {  	v6 =	vor.u32 $0x14, v5  }
0x90: {  	v9 =	vor.u32 $0x16, v5  }
0x91: {  	v10 =	vor.u32 $0xA, v5;
	v11 =	vld.idx.msk [tilespmem:v5+s16+$0x0], $0xffff  }
0x92: {  	v3 =	vor.u32 $0x6, v5;
	v14 =	vld.idx.msk [tilespmem:v4+s14+$0x0], $0xffff  }
0x93: {  	v12 =	vor.u32 $0x1, v4;
	v8 =	vld.idx.msk [tilespmem:v2+s16+$0x0], $0xffff  }
0x94: {  	v13 =	vor.u32 $0x3, v4;
	v7 =	vld.idx.msk [tilespmem:v6+s16+$0x0], $0xffff  }
0x95: {  	v17 =	vor.u32 $0xF, v4;
	v6 =	vld.idx.msk [tilespmem:v9+s16+$0x0], $0xffff  }
0x96: {  	v18 =	vor.u32 $0xD, v4;
	v10 =	vld.idx.msk [tilespmem:v10+s16+$0x0], $0xffff  }
0x97: {  	v19 =	vor.u32 $0x9, v5;
	v15 =	vld.idx.msk [tilespmem:v3+s16+$0x0], $0xffff  }
0x98: {  	v20 =	vor.u32 $0xE, v5;
	v12 =	vld.idx.msk [tilespmem:v12+s14+$0x0], $0xffff  }
0x99: {  	v21 =	vor.u32 $0xB, v4;
	v13 =	vld.idx.msk [tilespmem:v13+s14+$0x0], $0xffff  }
0x9a: {  	v22 =	vor.u32 $0x9, v4;
	v17 =	vld.idx.msk [tilespmem:v17+s14+$0x0], $0xffff  }
0x9b: {  	v23 =	vor.u32 $0x18, v5;
	v18 =	vld.idx.msk [tilespmem:v18+s14+$0x0], $0xffff  }
0x9c: {  	v60 =	vor.u32 $0x5, v4;
	v19 =	vld.idx.msk [tilespmem:v19+s16+$0x0], $0xffff  }
0x9d: {  	v25 =	vor.u32 $0xF, v5;
	v20 =	vld.idx.msk [tilespmem:v20+s16+$0x0], $0xffff  }
0x9e: {  	v26 =	vor.u32 $0x8, v4;
	v21 =	vld.idx.msk [tilespmem:v21+s14+$0x0], $0xffff  }
0x9f: {  	v27 =	vor.u32 $0x14, v4;
	v22 =	vld.idx.msk [tilespmem:v22+s14+$0x0], $0xffff  }
0xa0: {  	v28 =	vor.u32 $0x11, v4;
	v23 =	vld.idx.msk [tilespmem:v23+s16+$0x0], $0xffff  }
0xa1: {  	v29 =	vor.u32 $0x4, v4;
	v24 =	vld.idx.msk [tilespmem:v60+s14+$0x0], $0xffff  }
0xa2: {  	v30 =	vor.u32 $0x13, v4;
	v25 =	vld.idx.msk [tilespmem:v25+s16+$0x0], $0xffff  }
0xa3: {  	v31 =	vor.u32 $0x5, v5;
	v26 =	vld.idx.msk [tilespmem:v26+s14+$0x0], $0xffff  }
0xa4: {  	v32 =	vor.u32 $0x8, v5;
	v27 =	vld.idx.msk [tilespmem:v27+s14+$0x0], $0xffff  }
0xa5: {  	v33 =	vor.u32 $0x2, v4;
	v28 =	vld.idx.msk [tilespmem:v28+s14+$0x0], $0xffff  }
0xa6: {  	v34 =	vor.u32 $0x2, v5;
	v29 =	vld.idx.msk [tilespmem:v29+s14+$0x0], $0xffff  }
0xa7: {  	v35 =	vor.u32 $0x3, v5;
	v30 =	vld.idx.msk [tilespmem:v30+s14+$0x0], $0xffff  }
0xa8: {  	v36 =	vor.u32 $0xC, v5;
	v31 =	vld.idx.msk [tilespmem:v31+s16+$0x0], $0xffff  }
0xa9: {  	v37 =	vor.u32 $0x1, v5;
	v32 =	vld.idx.msk [tilespmem:v32+s16+$0x0], $0xffff  }
0xaa: {  	v39 =	vor.u32 $0xB, v5;
	v33 =	vld.idx.msk [tilespmem:v33+s14+$0x0], $0xffff  }
0xab: {  	v40 =	vor.u32 $0x10, v5;
	v34 =	vld.idx.msk [tilespmem:v34+s16+$0x0], $0xffff  }
0xac: {  	v41 =	vor.u32 $0xD, v5;
	v35 =	vld.idx.msk [tilespmem:v35+s16+$0x0], $0xffff  }
0xad: {  	v9 =	vor.u32 $0x4, v5;
	v36 =	vld.idx.msk [tilespmem:v36+s16+$0x0], $0xffff  }
0xae: {  	v42 =	vor.u32 $0xA, v4;
	v37 =	vld.idx.msk [tilespmem:v37+s16+$0x0], $0xffff  }
0xaf: {  	v38 =	vor.u32 $0x6, v4;
	v39 =	vld.idx.msk [tilespmem:v39+s16+$0x0], $0xffff  }
0xb0: {  	v43 =	vor.u32 $0x7, v4;
	v62 =	vld.idx.msk [tilespmem:v40+s16+$0x0], $0xffff  }
0xb1: {  	v63 =	vor.u32 $0x11, v5;
	v41 =	vld.idx.msk [tilespmem:v41+s16+$0x0], $0xffff  }
0xb2: {  	v44 =	vor.u32 $0xE, v4;
	v9 =	vld.idx.msk [tilespmem:v9+s16+$0x0], $0xffff  }
0xb3: {  	v2 =	vor.u32 $0x7, v5;
	v45 =	vld.idx.msk [tilespmem:v42+s14+$0x0], $0xffff;
	v11 =	vmul.f32 v11, v14  }
0xb4: {  	v3 =	vor.u32 $0x1A, v5;
	v14 =	vld.idx.msk [tilespmem:v38+s14+$0x0], $0xffff  }
0xb5: {  	v61 =	vor.u32 $0xC, v4;
	v48 =	vld.idx.msk [tilespmem:v43+s14+$0x0], $0xffff;
	v33 =	vmul.f32 v34, v33;
	v11 =	vadd.f32 v11, v1  }
0xb6: {  	v46 =	vor.u32 $0x13, v5;
	v50 =	vld.idx.msk [tilespmem:v63+s16+$0x0], $0xffff;
	v12 =	vmul.f32 v37, v12  }
0xb7: {  	v47 =	vor.u32 $0x10, v4;
	v52 =	vld.idx.msk [tilespmem:v44+s14+$0x0], $0xffff;
	v11 =	vadd.f32 v33, v11;
	v9 =	vmul.f32 v9, v29  }
0xb8: {  	v57 =	vor.u32 $0x16, v4;
	v16 =	vld.idx.msk [tilespmem:v2+s16+$0x0], $0xffff;
	v13 =	vmul.f32 v35, v13;
	v12 =	vadd.f32 $0.0e+00, v12  }
0xb9: {  	v51 =	vor.u32 $0x17, v5;
	v2 =	vld.idx.msk [tilespmem:v3+s16+$0x0], $0xffff;
	v9 =	vadd.f32 v9, v11;
	v11 =	vmul.f32 v15, v14  }
0xba: {  	v3 =	vor.u32 $0x1C, v4;
	v12 =	vadd.f32 v13, v12;
	v13 =	vmul.f32 v31, v24;
	v14 =	vld.idx.msk [tilespmem:v61+s14+$0x0], $0xffff  }
0xbb: {  	v54 =	vld.idx.msk [tilespmem:v46+s16+$0x0], $0xffff;
	v15 =	vor.u32 $0x12, v4;
	v9 =	vadd.f32 v11, v9;
	v11 =	vmul.f32 v32, v26  }
0xbc: {  	v49 =	vor.u32 $0x15, v5;
	v53 =	vor.u32 $0x1C, v5;
	v56 =	vld.idx.msk [tilespmem:v47+s14+$0x0], $0xffff;
	v10 =	vmul.f32 v10, v45  }
0xbd: {  	v60 =	vld.idx.msk [tilespmem:v57+s14+$0x0], $0xffff;
	v9 =	vadd.f32 v11, v9;
	v11 =	vadd.f32 v13, v12;
	v12 =	vmul.f32 v16, v48  }
0xbe: {  	v55 =	vor.u32 $0x19, v5;
	v19 =	vmul.f32 v19, v22;
	v22 =	vld.idx.msk [tilespmem:v51+s16+$0x0], $0xffff;
	v16 =	vor.u32 $0x1B, v5  }
0xbf: {  	v3 =	vld.idx.msk [tilespmem:v3+s14+$0x0], $0xffff;
	v9 =	vadd.f32 v10, v9;
	v10 =	vmul.f32 v36, v14;
	v12 =	vadd.f32 v12, v11  }
0xc0: {  	v59 =	vor.u32 $0x17, v4;
	v21 =	vmul.f32 v39, v21;
	v14 =	vld.idx.msk [tilespmem:v15+s14+$0x0], $0xffff;
	v15 =	vor.u32 $0x18, v4  }
0xc1: {  	v13 =	vld.idx.msk [tilespmem:v49+s16+$0x0], $0xffff;
	v9 =	vadd.f32 v10, v9;
	v10 =	vmul.f32 v20, v52;
	v19 =	vadd.f32 v19, v12  }
0xc2: {  	v58 =	vor.u32 $0x15, v4;
	v18 =	vmul.f32 v41, v18;
	v11 =	vld.idx.msk [tilespmem:v53+s16+$0x0], $0xffff;
	v20 =	vor.u32 $0x1D, v5  }
0xc3: {  	v12 =	vld.idx.msk [tilespmem:v55+s16+$0x0], $0xffff;
	v9 =	vadd.f32 v10, v9;
	v10 =	vmul.f32 v62, v56;
	v19 =	vadd.f32 v21, v19  }
0xc4: {  	v17 =	vmul.f32 v25, v17;
	v61 =	vor.u32 $0x1F, v5;
	v21 =	vld.idx.msk [tilespmem:v16+s16+$0x0], $0xffff;
	v16 =	vor.u32 $0x19, v4  }
0xc5: {  	v8 =	vmul.f32 v8, v14;
	v9 =	vadd.f32 v10, v9;
	v10 =	vld.idx.msk [tilespmem:v15+s14+$0x0], $0xffff;
	v15 =	vadd.f32 v18, v19  }
0xc6: {  	v7 =	vmul.f32 v7, v27;
	v62 =	vld.idx.msk [tilespmem:v59+s14+$0x0], $0xffff;
	v14 =	vor.u32 $0x1A, v4;
	v19 =	vor.u32 $0x1B, v4  }
0xc7: {  	v18 =	vld.idx.msk [tilespmem:v58+s14+$0x0], $0xffff;
	v8 =	vadd.f32 v8, v9;
	v15 =	vadd.f32 v17, v15;
	v17 =	vmul.f32 v50, v28  }
0xc8: {  	v63 =	vor.u32 $0x1D, v4;
	v9 =	vld.idx.msk [tilespmem:v20+s16+$0x0], $0xffff;
	v20 =	vor.u32 $0x1E, v5  }
0xc9: {  	v6 =	vmul.f32 v6, v60;
	v5 =	vld.idx.msk [tilespmem:v61+s16+$0x0], $0xffff;
	v8 =	vadd.f32 v7, v8;
	v15 =	vadd.f32 v17, v15  }
0xca: {  	v17 =	vmul.f32 v54, v30;
	v7 =	vld.idx.msk [tilespmem:v16+s14+$0x0], $0xffff;
	v23 =	vmul.f32 v23, v10;
	v10 =	vor.u32 $0x1E, v4  }
0xcb: {  	v16 =	vadd.f32 v6, v8;
	v6 =	vld.idx.msk [tilespmem:v14+s14+$0x0], $0xffff;
	v8 =	vor.u32 $0x1F, v4  }
0xcc: {  	v13 =	vmul.f32 v13, v18;
	v17 =	vadd.f32 v17, v15;
	v14 =	vld.idx.msk [tilespmem:v19+s14+$0x0], $0xffff  }
0xcd: {  	s4 =	simm.s32 $0x10880;
	v4 =	vld.idx.msk [tilespmem:v20+s16+$0x0], $0xffff  }
0xce: {  	s31 =	simm.s32 $0x10880;
	s0 =	simm.s32 $0x10;
	s3 =	simm.s32 $0x0;
	v15 =	vadd.f32 v23, v16;
	v16 =	vadd.f32 v13, v17;
	v17 =	vmul.f32 v22, v62;
	v13 =	vld.idx.msk [tilespmem:v63+s14+$0x0], $0xffff  }
.LBB2_2:
0xcf: {  	v10 =	vld.idx.msk [tilespmem:v10+s14+$0x0], $0xffff;
	s3 =	sadd.s32 $0x10, s3;
	s30 =	sadd.s32 $0x10, s30;
	s4 =	sadd.s32 $0x10, s4  }
0xd0: {  	p0 =	sne.s32 s0, $0x70;
	v7 =	vmul.f32 v12, v7;
	s11 =	smov.u32 s0;
	s0 =	sadd.s32 $0x10, s0;
	v16 =	vadd.f32 v17, v16;
	v8 =	vld.idx.msk [tilespmem:v8+s14+$0x0], $0xffff  }
0xd1: {  	v2 =	vmul.f32 v2, v6  }
0xd2: {  	v6 =	vadd.f32 v7, v16;
	v7 =	vmul.f32 v21, v14  }
0xd3: {  	v3 =	vmul.f32 v11, v3;
	v2 =	vadd.f32 v2, v15  }
0xd4: {  	v6 =	vadd.f32 v7, v6;
	v7 =	vmul.f32 v9, v13  }
0xd5: {  	v2 =	vadd.f32 v3, v2;
	v3 =	vmul.f32 v4, v10  }
0xd6: {  	v5 =	vmul.f32 v5, v8;
	v4 =	vadd.f32 v7, v6  }
0xd7: {  	v2 =	vadd.f32 v3, v2  }
0xd8: {  	v3 =	vadd.f32 v5, v4;
	_ =	sdelay $0x1  }
0xd9: {  	v2 =	vadd.f32 v3, v2;
	_ =	sdelay $0x1  }
0xda: {  	v2 =	vsub.f32 $0.0e+00, v2;
	_ =	sdelay $0x1  }
0xdb: {  	v2 =	vmul.f32 $1.442695020e+00, v2;
	_ =	sdelay $0x1  }
0xdc: {  	(erf) = vpow2.f32 v2;
	_ =	sdelay $0x8  }
0xdd: {  	v2 =	vpop (erf)  }
0xde: {  	v2 =	vadd.f32 $1.000000000e+00, v2;
	_ =	sdelay $0x1  }
0xdf: {  	(erf) = vrcp.f32 v2;
	_ =	sdelay $0x7  }
0xe0: {  	v2 =	vmov s11  }
0xe1: {  	v2 =	vshll.u32 v2, $0x7;
	v3 =	vpop (erf)  }
0xe2: {  	v2 =	vor.u32 v0, v2;
	[tilespmem:s31+$0x0] =	vst v3;
	s31 =	smov.u32 s4  }
0xe3: {  	v3 =	vld [tilespmem:s30+$0x0]  }
0xe4: {  	v4 =	vld [tilespmem:s3+$0x0];
	_ =	sdelay $0x3  }
0xe5: {  	v3 =	vshrl.u32 v3, $0x8  }
0xe6: {  	v4 =	vshrl.u32 v4, $0x8;
	v3 =	vand.u32 $0x60, v3  }
0xe7: {  	v4 =	vand.u32 $0x60, v4;
	v12 =	vor.u32 v2, v3  }
0xe8: {  	v3 =	vor.u32 $0x12, v12;
	v11 =	vor.u32 $0x15, v12;
	v7 =	vor.u32 $0x16, v12  }
0xe9: {  	v5 =	vor.u32 $0x14, v12;
	v26 =	vor.u32 $0x18, v12;
	v6 =	vor.u32 $0x19, v12  }
0xea: {  	v29 =	vor.u32 v2, v4;
	v30 =	vor.u32 $0xC, v12;
	v4 =	vor.u32 $0x1B, v12  }
0xeb: {  	v8 =	vor.u32 $0xA, v12;
	v2 =	vor.u32 $0x1, v29;
	v31 =	vor.u32 $0x4, v29  }
0xec: {  	v13 =	vor.u32 $0x6, v12;
	v10 =	vor.u32 $0x3, v29;
	v33 =	vor.u32 $0x6, v29;
	v32 =	vld.idx.msk [tilespmem:v12+s16+$0x0], $0xffff  }
0xed: {  	v14 =	vor.u32 $0x4, v12;
	v35 =	vor.u32 $0x9, v12;
	v34 =	vor.u32 $0x5, v29;
	v9 =	vld.idx.msk [tilespmem:v3+s16+$0x0], $0xffff  }
0xee: {  	v36 =	vor.u32 $0xA, v29;
	v3 =	vor.u32 $0x7, v12;
	v37 =	vld.idx.msk [tilespmem:v5+s16+$0x0], $0xffff;
	v5 =	vor.u32 $0x1F, v12  }
0xef: {  	v38 =	vor.u32 $0x5, v12;
	v39 =	vor.u32 $0x7, v29;
	v40 =	vor.u32 $0xC, v29;
	v7 =	vld.idx.msk [tilespmem:v7+s16+$0x0], $0xffff  }
0xf0: {  	v43 =	vor.u32 $0xE, v12;
	v41 =	vor.u32 $0x9, v29;
	v42 =	vor.u32 $0xE, v29;
	v23 =	vld.idx.msk [tilespmem:v8+s16+$0x0], $0xffff  }
0xf1: {  	v46 =	vor.u32 $0x10, v12;
	v45 =	vor.u32 $0xB, v29;
	v27 =	vor.u32 $0x10, v29;
	v44 =	vld.idx.msk [tilespmem:v29+s14+$0x0], $0xffff  }
0xf2: {  	v24 =	vor.u32 $0x12, v29;
	v8 =	vor.u32 $0xD, v29;
	v47 =	vld.idx.msk [tilespmem:v13+s16+$0x0], $0xffff;
	v13 =	vor.u32 $0x1A, v12  }
0xf3: {  	v49 =	vor.u32 $0xF, v12;
	v50 =	vor.u32 $0x14, v29;
	v48 =	vld.idx.msk [tilespmem:v3+s16+$0x0], $0xffff;
	v3 =	vor.u32 $0xF, v29  }
0xf4: {  	v28 =	vor.u32 $0x1C, v12;
	v52 =	vor.u32 $0x11, v29;
	v21 =	vor.u32 $0x16, v29;
	v51 =	vld.idx.msk [tilespmem:v2+s14+$0x0], $0xffff  }
0xf5: {  	v54 =	vor.u32 $0x13, v29;
	v19 =	vor.u32 $0x15, v29;
	v20 =	vor.u32 $0x18, v29;
	v53 =	vld.idx.msk [tilespmem:v14+s16+$0x0], $0xffff  }
0xf6: {  	v18 =	vor.u32 $0x17, v29;
	v16 =	vor.u32 $0x19, v29;
	v15 =	vor.u32 $0x1A, v29;
	v55 =	vld.idx.msk [tilespmem:v10+s14+$0x0], $0xffff  }
0xf7: {  	v22 =	vor.u32 $0x1D, v12;
	v56 =	vor.u32 $0x1C, v29;
	v14 =	vor.u32 $0x1B, v29;
	v2 =	vld.idx.msk [tilespmem:v13+s16+$0x0], $0xffff  }
0xf8: {  	v17 =	vor.u32 $0x1E, v12;
	v10 =	vor.u32 $0x1E, v29;
	v13 =	vor.u32 $0x1D, v29;
	v25 =	vld.idx.msk [tilespmem:v3+s14+$0x0], $0xffff  }
0xf9: {  	v57 =	vld.idx.msk [tilespmem:v8+s14+$0x0], $0xffff;
	v8 =	vor.u32 $0x1F, v29  }
0xfa: {  	v35 =	vld.idx.msk [tilespmem:v35+s16+$0x0], $0xffff  }
0xfb: {  	v43 =	vld.idx.msk [tilespmem:v43+s16+$0x0], $0xffff  }
0xfc: {  	v3 =	vld.idx.msk [tilespmem:v56+s14+$0x0], $0xffff  }
0xfd: {  	v56 =	vor.u32 $0x8, v29;
	v45 =	vld.idx.msk [tilespmem:v45+s14+$0x0], $0xffff  }
0xfe: {  	v58 =	vor.u32 $0x2, v12;
	v41 =	vld.idx.msk [tilespmem:v41+s14+$0x0], $0xffff  }
0xff: {  	v26 =	vld.idx.msk [tilespmem:v26+s16+$0x0], $0xffff  }
0x100: {  	v59 =	vor.u32 $0x8, v12;
	v34 =	vld.idx.msk [tilespmem:v34+s14+$0x0], $0xffff  }
0x101: {  	v49 =	vld.idx.msk [tilespmem:v49+s16+$0x0], $0xffff  }
0x102: {  	v60 =	vor.u32 $0x3, v12;
	v56 =	vld.idx.msk [tilespmem:v56+s14+$0x0], $0xffff  }
0x103: {  	v61 =	vor.u32 $0x1, v12;
	v50 =	vld.idx.msk [tilespmem:v50+s14+$0x0], $0xffff  }
0x104: {  	v29 =	vor.u32 $0x2, v29;
	v52 =	vld.idx.msk [tilespmem:v52+s14+$0x0], $0xffff  }
0x105: {  	v31 =	vld.idx.msk [tilespmem:v31+s14+$0x0], $0xffff  }
0x106: {  	v54 =	vld.idx.msk [tilespmem:v54+s14+$0x0], $0xffff  }
0x107: {  	v38 =	vld.idx.msk [tilespmem:v38+s16+$0x0], $0xffff  }
0x108: {  	v59 =	vld.idx.msk [tilespmem:v59+s16+$0x0], $0xffff  }
0x109: {  	v37 =	vmul.f32 v37, v50;
	v29 =	vld.idx.msk [tilespmem:v29+s14+$0x0], $0xffff  }
0x10a: {  	v50 =	vld.idx.msk [tilespmem:v58+s16+$0x0], $0xffff;
	v58 =	vor.u32 $0xB, v12  }
0x10b: {  	v60 =	vld.idx.msk [tilespmem:v60+s16+$0x0], $0xffff  }
0x10c: {  	v62 =	vor.u32 $0xD, v12;
	v30 =	vld.idx.msk [tilespmem:v30+s16+$0x0], $0xffff  }
0x10d: {  	v61 =	vld.idx.msk [tilespmem:v61+s16+$0x0], $0xffff  }
0x10e: {  	v32 =	vmul.f32 v32, v44;
	v33 =	vld.idx.msk [tilespmem:v33+s14+$0x0], $0xffff  }
0x10f: {  	v44 =	vld.idx.msk [tilespmem:v58+s16+$0x0], $0xffff  }
0x110: {  	v32 =	vadd.f32 v32, v1;
	v29 =	vmul.f32 v50, v29;
	v50 =	vor.u32 $0x11, v12;
	v46 =	vld.idx.msk [tilespmem:v46+s16+$0x0], $0xffff  }
0x111: {  	v58 =	vld.idx.msk [tilespmem:v62+s16+$0x0], $0xffff  }
0x112: {  	v31 =	vmul.f32 v53, v31;
	v29 =	vadd.f32 v29, v32;
	v32 =	vld.idx.msk [tilespmem:v36+s14+$0x0], $0xffff;
	v36 =	vor.u32 $0x13, v12  }
0x113: {  	v51 =	vmul.f32 v61, v51;
	v39 =	vld.idx.msk [tilespmem:v39+s14+$0x0], $0xffff  }
0x114: {  	v29 =	vadd.f32 v31, v29;
	v31 =	vmul.f32 v47, v33;
	v33 =	vld.idx.msk [tilespmem:v40+s14+$0x0], $0xffff  }
0x115: {  	v12 =	vor.u32 $0x17, v12;
	v47 =	vmul.f32 v60, v55;
	v40 =	vadd.f32 $0.0e+00, v51;
	v50 =	vld.idx.msk [tilespmem:v50+s16+$0x0], $0xffff  }
0x116: {  	v29 =	vadd.f32 v31, v29;
	v31 =	vmul.f32 v59, v56;
	v42 =	vld.idx.msk [tilespmem:v42+s14+$0x0], $0xffff  }
0x117: {  	v34 =	vmul.f32 v38, v34;
	v40 =	vadd.f32 v47, v40;
	v36 =	vld.idx.msk [tilespmem:v36+s16+$0x0], $0xffff  }
0x118: {  	v29 =	vadd.f32 v31, v29;
	v23 =	vmul.f32 v23, v32;
	v27 =	vld.idx.msk [tilespmem:v27+s14+$0x0], $0xffff  }
0x119: {  	v31 =	vadd.f32 v34, v40;
	v32 =	vmul.f32 v48, v39;
	v34 =	vld.idx.msk [tilespmem:v11+s16+$0x0], $0xffff  }
0x11a: {  	v11 =	vadd.f32 v23, v29;
	v23 =	vmul.f32 v30, v33;
	v24 =	vld.idx.msk [tilespmem:v24+s14+$0x0], $0xffff  }
0x11b: {  	v30 =	vmul.f32 v35, v41;
	v29 =	vadd.f32 v32, v31;
	v31 =	vld.idx.msk [tilespmem:v12+s16+$0x0], $0xffff  }
0x11c: {  	v23 =	vadd.f32 v23, v11;
	v32 =	vmul.f32 v43, v42;
	v11 =	vld.idx.msk [tilespmem:v28+s16+$0x0], $0xffff  }
0x11d: {  	v28 =	vadd.f32 v30, v29;
	v29 =	vmul.f32 v44, v45;
	v12 =	vld.idx.msk [tilespmem:v6+s16+$0x0], $0xffff  }
0x11e: {  	v6 =	vadd.f32 v32, v23;
	v23 =	vmul.f32 v46, v27;
	v27 =	vld.idx.msk [tilespmem:v21+s14+$0x0], $0xffff  }
0x11f: {  	v28 =	vadd.f32 v29, v28;
	v29 =	vmul.f32 v58, v57;
	v21 =	vld.idx.msk [tilespmem:v4+s16+$0x0], $0xffff  }
0x120: {  	v4 =	vadd.f32 v23, v6;
	v6 =	vmul.f32 v9, v24;
	v20 =	vld.idx.msk [tilespmem:v20+s14+$0x0], $0xffff  }
0x121: {  	v24 =	vmul.f32 v49, v25;
	v23 =	vadd.f32 v29, v28;
	v19 =	vld.idx.msk [tilespmem:v19+s14+$0x0], $0xffff  }
0x122: {  	v4 =	vadd.f32 v6, v4;
	v9 =	vld.idx.msk [tilespmem:v22+s16+$0x0], $0xffff  }
0x123: {  	v6 =	vadd.f32 v24, v23;
	v22 =	vmul.f32 v50, v52;
	v18 =	vld.idx.msk [tilespmem:v18+s14+$0x0], $0xffff  }
0x124: {  	v4 =	vadd.f32 v37, v4;
	v23 =	vmul.f32 v7, v27;
	v5 =	vld.idx.msk [tilespmem:v5+s16+$0x0], $0xffff  }
.Ltmp0:
0x125: {  	v24 =	vmul.f32 v36, v54;
	v22 =	vadd.f32 v22, v6;
	v7 =	vld.idx.msk [tilespmem:v16+s14+$0x0], $0xffff;
	(pc) =	sbr.rel @p0 .LBB2_2-.Ltmp0, $4  }
0x126: {  	v4 =	vadd.f32 v23, v4;
	v16 =	vmul.f32 v26, v20;
	v6 =	vld.idx.msk [tilespmem:v15+s14+$0x0], $0xffff  }
0x127: {  	v20 =	vadd.f32 v24, v22;
	v19 =	vmul.f32 v34, v19;
	v14 =	vld.idx.msk [tilespmem:v14+s14+$0x0], $0xffff  }
0x128: {  	v15 =	vadd.f32 v16, v4;
	v4 =	vld.idx.msk [tilespmem:v17+s16+$0x0], $0xffff  }
0x129: {  	v16 =	vadd.f32 v19, v20;
	v17 =	vmul.f32 v31, v18;
	v13 =	vld.idx.msk [tilespmem:v13+s14+$0x0], $0xffff  }
0x12a: {  	_ =	sdelay $0x3  }
0x12b: {  	v10 =	vld.idx.msk [tilespmem:v10+s14+$0x0], $0xffff;
	v7 =	vmul.f32 v12, v7;
	v16 =	vadd.f32 v17, v16  }
0x12c: {  	v8 =	vld.idx.msk [tilespmem:v8+s14+$0x0], $0xffff;
	v2 =	vmul.f32 v2, v6  }
0x12d: {  	v6 =	vadd.f32 v7, v16;
	v7 =	vmul.f32 v21, v14  }
0x12e: {  	v3 =	vmul.f32 v11, v3;
	v2 =	vadd.f32 v2, v15  }
0x12f: {  	v6 =	vadd.f32 v7, v6;
	v7 =	vmul.f32 v9, v13  }
0x130: {  	v2 =	vadd.f32 v3, v2  }
0x131: {  	v3 =	vmul.f32 v4, v10;
	v5 =	vmul.f32 v5, v8;
	v4 =	vadd.f32 v7, v6;
	_ =	sdelay $0x1  }
0x132: {  	v2 =	vadd.f32 v3, v2;
	v3 =	vadd.f32 v5, v4;
	_ =	sdelay $0x1  }
0x133: {  	v2 =	vadd.f32 v3, v2;
	_ =	sdelay $0x1  }
0x134: {  	v2 =	vsub.f32 $0.0e+00, v2;
	_ =	sdelay $0x1  }
0x135: {  	v2 =	vmul.f32 $1.442695020e+00, v2;
	_ =	sdelay $0x1  }
0x136: {  	(erf) = vpow2.f32 v2;
	_ =	sdelay $0x8  }
0x137: {  	v2 =	vpop (erf)  }
0x138: {  	v2 =	vadd.f32 $1.000000000e+00, v2;
	_ =	sdelay $0x1  }
0x139: {  	(erf) = vrcp.f32 v2;
	_ =	sdelay $0x8  }
0x13a: {  	v2 =	vpop (erf)  }
0x13b: {  	s30 =	simm.s32 $0x80;
	[tilespmem:s31+$0x0] =	vst v2  }
0x13c: {  	[tilespmem:s14], [sflag:$0x1] =	stream.indirect.gather [hbm4b:s1+s30], $0x80, s22, s30, $0xb8;
	[tilespmem:$0x10A80] =	vst v63  }
0x13d: {  	_ = 	snop  }
0x13e: {  	[tilespmem:s16], [sflag:$0x1] =	stream.indirect.gather [hbm4b:s2+s30], $0x80, s23, s30, $0xb8;
	[tilespmem:$0x10A80] =	vst v63  }
0x13f: {  	_ =	swait.ge [sflag:s24], $0x4000  }
0x140: {  	[sflag:s24] =	ssyncset.done $0x0  }
0x141: {  	[sflag:s24] =	ssyncadd.s32 $0xFFFFC000  }
0x142: {  	_ =	swait.ge [sflag:s24], $0x4000  }
0x143: {  	[sflag:s24] =	ssyncset.done $0x0  }
0x144: {  	s31 =	simm.s32 $0x280;
	[sflag:s24] =	ssyncadd.s32 $0xFFFFC000  }
0x145: {  	v2 =	vld [tilespmem:s31+$0x0]  }
0x146: {  	v4 =	vld [tilespmem:s30+$0x0];
	_ =	sdelay $0x1  }
0x147: {  	s0 =	simm.s32 $0x0  }
0x148: {  	v3 =	vmov s0  }
0x149: {  	v3 =	vshll.u32 v3, $0x7;
	v2 =	vshrl.u32 v2, $0x8  }
0x14a: {  	v3 =	vor.u32 v0, v3;
	v4 =	vshrl.u32 v4, $0x8;
	v2 =	vand.u32 $0x60, v2  }
0x14b: {  	v4 =	vand.u32 $0x60, v4;
	v5 =	vor.u32 v3, v2  }
0x14c: {  	v4 =	vor.u32 v3, v4  }
0x14d: {  	v2 =	vor.u32 $0x12, v5  }
0x14e: {  	v6 =	vor.u32 $0x14, v5  }
0x14f: {  	v9 =	vor.u32 $0x16, v5  }
0x150: {  	v10 =	vor.u32 $0xA, v5;
	v11 =	vld.idx.msk [tilespmem:v5+s20+$0x0], $0xffff  }
0x151: {  	v3 =	vor.u32 $0x6, v5;
	v14 =	vld.idx.msk [tilespmem:v4+s18+$0x0], $0xffff  }
0x152: {  	v12 =	vor.u32 $0x1, v4;
	v8 =	vld.idx.msk [tilespmem:v2+s20+$0x0], $0xffff  }
0x153: {  	v13 =	vor.u32 $0x3, v4;
	v7 =	vld.idx.msk [tilespmem:v6+s20+$0x0], $0xffff  }
0x154: {  	v17 =	vor.u32 $0xF, v4;
	v6 =	vld.idx.msk [tilespmem:v9+s20+$0x0], $0xffff  }
0x155: {  	v18 =	vor.u32 $0xD, v4;
	v10 =	vld.idx.msk [tilespmem:v10+s20+$0x0], $0xffff  }
0x156: {  	v19 =	vor.u32 $0x9, v5;
	v15 =	vld.idx.msk [tilespmem:v3+s20+$0x0], $0xffff  }
0x157: {  	v20 =	vor.u32 $0xE, v5;
	v12 =	vld.idx.msk [tilespmem:v12+s18+$0x0], $0xffff  }
0x158: {  	v21 =	vor.u32 $0xB, v4;
	v13 =	vld.idx.msk [tilespmem:v13+s18+$0x0], $0xffff  }
0x159: {  	v22 =	vor.u32 $0x9, v4;
	v17 =	vld.idx.msk [tilespmem:v17+s18+$0x0], $0xffff  }
0x15a: {  	v23 =	vor.u32 $0x18, v5;
	v18 =	vld.idx.msk [tilespmem:v18+s18+$0x0], $0xffff  }
0x15b: {  	v24 =	vor.u32 $0x5, v4;
	v19 =	vld.idx.msk [tilespmem:v19+s20+$0x0], $0xffff  }
0x15c: {  	v25 =	vor.u32 $0xF, v5;
	v20 =	vld.idx.msk [tilespmem:v20+s20+$0x0], $0xffff  }
0x15d: {  	v26 =	vor.u32 $0x8, v4;
	v21 =	vld.idx.msk [tilespmem:v21+s18+$0x0], $0xffff  }
0x15e: {  	v27 =	vor.u32 $0x14, v4;
	v22 =	vld.idx.msk [tilespmem:v22+s18+$0x0], $0xffff  }
0x15f: {  	v28 =	vor.u32 $0x11, v4;
	v23 =	vld.idx.msk [tilespmem:v23+s20+$0x0], $0xffff  }
0x160: {  	v29 =	vor.u32 $0x4, v4;
	v24 =	vld.idx.msk [tilespmem:v24+s18+$0x0], $0xffff  }
0x161: {  	v30 =	vor.u32 $0x13, v4;
	v25 =	vld.idx.msk [tilespmem:v25+s20+$0x0], $0xffff  }
0x162: {  	v31 =	vor.u32 $0x5, v5;
	v26 =	vld.idx.msk [tilespmem:v26+s18+$0x0], $0xffff  }
0x163: {  	v32 =	vor.u32 $0x8, v5;
	v27 =	vld.idx.msk [tilespmem:v27+s18+$0x0], $0xffff  }
0x164: {  	v33 =	vor.u32 $0x2, v4;
	v28 =	vld.idx.msk [tilespmem:v28+s18+$0x0], $0xffff  }
0x165: {  	v34 =	vor.u32 $0x2, v5;
	v29 =	vld.idx.msk [tilespmem:v29+s18+$0x0], $0xffff  }
0x166: {  	v35 =	vor.u32 $0x3, v5;
	v30 =	vld.idx.msk [tilespmem:v30+s18+$0x0], $0xffff  }
0x167: {  	v36 =	vor.u32 $0xC, v5;
	v31 =	vld.idx.msk [tilespmem:v31+s20+$0x0], $0xffff  }
0x168: {  	v37 =	vor.u32 $0x1, v5;
	v32 =	vld.idx.msk [tilespmem:v32+s20+$0x0], $0xffff  }
0x169: {  	v39 =	vor.u32 $0xB, v5;
	v33 =	vld.idx.msk [tilespmem:v33+s18+$0x0], $0xffff  }
0x16a: {  	v40 =	vor.u32 $0x10, v5;
	v34 =	vld.idx.msk [tilespmem:v34+s20+$0x0], $0xffff  }
0x16b: {  	v41 =	vor.u32 $0xD, v5;
	v35 =	vld.idx.msk [tilespmem:v35+s20+$0x0], $0xffff  }
0x16c: {  	v9 =	vor.u32 $0x4, v5;
	v36 =	vld.idx.msk [tilespmem:v36+s20+$0x0], $0xffff  }
0x16d: {  	v42 =	vor.u32 $0xA, v4;
	v37 =	vld.idx.msk [tilespmem:v37+s20+$0x0], $0xffff  }
0x16e: {  	v38 =	vor.u32 $0x6, v4;
	v39 =	vld.idx.msk [tilespmem:v39+s20+$0x0], $0xffff  }
0x16f: {  	v43 =	vor.u32 $0x7, v4;
	v62 =	vld.idx.msk [tilespmem:v40+s20+$0x0], $0xffff  }
0x170: {  	v63 =	vor.u32 $0x11, v5;
	v41 =	vld.idx.msk [tilespmem:v41+s20+$0x0], $0xffff  }
0x171: {  	v44 =	vor.u32 $0xE, v4;
	v9 =	vld.idx.msk [tilespmem:v9+s20+$0x0], $0xffff  }
0x172: {  	v2 =	vor.u32 $0x7, v5;
	v45 =	vld.idx.msk [tilespmem:v42+s18+$0x0], $0xffff;
	v11 =	vmul.f32 v11, v14  }
0x173: {  	v3 =	vor.u32 $0x1A, v5;
	v14 =	vld.idx.msk [tilespmem:v38+s18+$0x0], $0xffff  }
0x174: {  	v61 =	vor.u32 $0xC, v4;
	v48 =	vld.idx.msk [tilespmem:v43+s18+$0x0], $0xffff;
	v33 =	vmul.f32 v34, v33;
	v11 =	vadd.f32 v11, v1  }
0x175: {  	v46 =	vor.u32 $0x13, v5;
	v50 =	vld.idx.msk [tilespmem:v63+s20+$0x0], $0xffff;
	v12 =	vmul.f32 v37, v12  }
0x176: {  	v47 =	vor.u32 $0x10, v4;
	v52 =	vld.idx.msk [tilespmem:v44+s18+$0x0], $0xffff;
	v11 =	vadd.f32 v33, v11;
	v9 =	vmul.f32 v9, v29  }
0x177: {  	v57 =	vor.u32 $0x16, v4;
	v16 =	vld.idx.msk [tilespmem:v2+s20+$0x0], $0xffff;
	v13 =	vmul.f32 v35, v13;
	v12 =	vadd.f32 $0.0e+00, v12  }
0x178: {  	v51 =	vor.u32 $0x17, v5;
	v2 =	vld.idx.msk [tilespmem:v3+s20+$0x0], $0xffff;
	v9 =	vadd.f32 v9, v11;
	v11 =	vmul.f32 v15, v14  }
0x179: {  	v3 =	vor.u32 $0x1C, v4;
	v12 =	vadd.f32 v13, v12;
	v13 =	vmul.f32 v31, v24;
	v14 =	vld.idx.msk [tilespmem:v61+s18+$0x0], $0xffff  }
0x17a: {  	v54 =	vld.idx.msk [tilespmem:v46+s20+$0x0], $0xffff;
	v15 =	vor.u32 $0x12, v4;
	v9 =	vadd.f32 v11, v9;
	v11 =	vmul.f32 v32, v26  }
0x17b: {  	v49 =	vor.u32 $0x15, v5;
	v53 =	vor.u32 $0x1C, v5;
	v56 =	vld.idx.msk [tilespmem:v47+s18+$0x0], $0xffff;
	v10 =	vmul.f32 v10, v45  }
0x17c: {  	v60 =	vld.idx.msk [tilespmem:v57+s18+$0x0], $0xffff;
	v9 =	vadd.f32 v11, v9;
	v11 =	vadd.f32 v13, v12;
	v12 =	vmul.f32 v16, v48  }
0x17d: {  	v55 =	vor.u32 $0x19, v5;
	v19 =	vmul.f32 v19, v22;
	v22 =	vld.idx.msk [tilespmem:v51+s20+$0x0], $0xffff;
	v16 =	vor.u32 $0x1B, v5  }
0x17e: {  	v3 =	vld.idx.msk [tilespmem:v3+s18+$0x0], $0xffff;
	v9 =	vadd.f32 v10, v9;
	v10 =	vmul.f32 v36, v14;
	v12 =	vadd.f32 v12, v11  }
0x17f: {  	v59 =	vor.u32 $0x17, v4;
	v21 =	vmul.f32 v39, v21;
	v14 =	vld.idx.msk [tilespmem:v15+s18+$0x0], $0xffff;
	v15 =	vor.u32 $0x18, v4  }
0x180: {  	v13 =	vld.idx.msk [tilespmem:v49+s20+$0x0], $0xffff;
	v9 =	vadd.f32 v10, v9;
	v10 =	vmul.f32 v20, v52;
	v19 =	vadd.f32 v19, v12  }
0x181: {  	v58 =	vor.u32 $0x15, v4;
	v18 =	vmul.f32 v41, v18;
	v11 =	vld.idx.msk [tilespmem:v53+s20+$0x0], $0xffff;
	v20 =	vor.u32 $0x1D, v5  }
0x182: {  	v12 =	vld.idx.msk [tilespmem:v55+s20+$0x0], $0xffff;
	v9 =	vadd.f32 v10, v9;
	v10 =	vmul.f32 v62, v56;
	v19 =	vadd.f32 v21, v19  }
0x183: {  	v17 =	vmul.f32 v25, v17;
	v61 =	vor.u32 $0x1F, v5;
	v21 =	vld.idx.msk [tilespmem:v16+s20+$0x0], $0xffff;
	v16 =	vor.u32 $0x19, v4  }
0x184: {  	v8 =	vmul.f32 v8, v14;
	v9 =	vadd.f32 v10, v9;
	v10 =	vld.idx.msk [tilespmem:v15+s18+$0x0], $0xffff;
	v15 =	vadd.f32 v18, v19  }
0x185: {  	v7 =	vmul.f32 v7, v27;
	v62 =	vld.idx.msk [tilespmem:v59+s18+$0x0], $0xffff;
	v14 =	vor.u32 $0x1A, v4;
	v19 =	vor.u32 $0x1B, v4  }
0x186: {  	v18 =	vld.idx.msk [tilespmem:v58+s18+$0x0], $0xffff;
	v8 =	vadd.f32 v8, v9;
	v15 =	vadd.f32 v17, v15;
	v17 =	vmul.f32 v50, v28  }
0x187: {  	v63 =	vor.u32 $0x1D, v4;
	v9 =	vld.idx.msk [tilespmem:v20+s20+$0x0], $0xffff;
	v20 =	vor.u32 $0x1E, v5  }
0x188: {  	v6 =	vmul.f32 v6, v60;
	v5 =	vld.idx.msk [tilespmem:v61+s20+$0x0], $0xffff;
	v8 =	vadd.f32 v7, v8;
	v15 =	vadd.f32 v17, v15  }
0x189: {  	v17 =	vmul.f32 v54, v30;
	v7 =	vld.idx.msk [tilespmem:v16+s18+$0x0], $0xffff;
	v23 =	vmul.f32 v23, v10;
	v10 =	vor.u32 $0x1E, v4  }
0x18a: {  	v16 =	vadd.f32 v6, v8;
	v6 =	vld.idx.msk [tilespmem:v14+s18+$0x0], $0xffff;
	v8 =	vor.u32 $0x1F, v4  }
0x18b: {  	v13 =	vmul.f32 v13, v18;
	v17 =	vadd.f32 v17, v15;
	v14 =	vld.idx.msk [tilespmem:v19+s18+$0x0], $0xffff  }
0x18c: {  	v4 =	vld.idx.msk [tilespmem:v20+s20+$0x0], $0xffff  }
0x18d: {  	s4 =	simm.s32 $0x10900;
	s3 =	simm.s32 $0x10;
	s0 =	simm.s32 $0x10900;
	v15 =	vadd.f32 v23, v16;
	v16 =	vadd.f32 v13, v17;
	v17 =	vmul.f32 v22, v62;
	v13 =	vld.idx.msk [tilespmem:v63+s18+$0x0], $0xffff  }
.LBB2_4:
0x18e: {  	v10 =	vld.idx.msk [tilespmem:v10+s18+$0x0], $0xffff;
	s30 =	sadd.s32 $0x10, s30;
	s31 =	sadd.s32 $0x10, s31;
	s4 =	sadd.s32 $0x10, s4  }
0x18f: {  	p0 =	sne.s32 s3, $0x70;
	v7 =	vmul.f32 v12, v7;
	s11 =	smov.u32 s3;
	s3 =	sadd.s32 $0x10, s3;
	v16 =	vadd.f32 v17, v16;
	v8 =	vld.idx.msk [tilespmem:v8+s18+$0x0], $0xffff  }
0x190: {  	v2 =	vmul.f32 v2, v6  }
0x191: {  	v6 =	vadd.f32 v7, v16;
	v7 =	vmul.f32 v21, v14  }
0x192: {  	v3 =	vmul.f32 v11, v3;
	v2 =	vadd.f32 v2, v15  }
0x193: {  	v6 =	vadd.f32 v7, v6;
	v7 =	vmul.f32 v9, v13  }
0x194: {  	v2 =	vadd.f32 v3, v2;
	v3 =	vmul.f32 v4, v10  }
0x195: {  	v5 =	vmul.f32 v5, v8;
	v4 =	vadd.f32 v7, v6  }
0x196: {  	v2 =	vadd.f32 v3, v2  }
0x197: {  	v3 =	vadd.f32 v5, v4;
	_ =	sdelay $0x1  }
0x198: {  	v2 =	vadd.f32 v3, v2;
	_ =	sdelay $0x1  }
0x199: {  	v2 =	vsub.f32 $0.0e+00, v2;
	_ =	sdelay $0x1  }
0x19a: {  	v2 =	vmul.f32 $1.442695020e+00, v2;
	_ =	sdelay $0x1  }
0x19b: {  	(erf) = vpow2.f32 v2;
	_ =	sdelay $0x8  }
0x19c: {  	v2 =	vpop (erf)  }
0x19d: {  	v2 =	vadd.f32 $1.000000000e+00, v2;
	_ =	sdelay $0x1  }
0x19e: {  	(erf) = vrcp.f32 v2;
	_ =	sdelay $0x7  }
0x19f: {  	v2 =	vmov s11  }
0x1a0: {  	v2 =	vshll.u32 v2, $0x7;
	v3 =	vpop (erf)  }
0x1a1: {  	v2 =	vor.u32 v0, v2;
	[tilespmem:s0+$0x0] =	vst v3;
	s0 =	smov.u32 s4  }
0x1a2: {  	v3 =	vld [tilespmem:s31+$0x0]  }
0x1a3: {  	v4 =	vld [tilespmem:s30+$0x0];
	_ =	sdelay $0x3  }
0x1a4: {  	v3 =	vshrl.u32 v3, $0x8  }
0x1a5: {  	v4 =	vshrl.u32 v4, $0x8;
	v3 =	vand.u32 $0x60, v3  }
0x1a6: {  	v4 =	vand.u32 $0x60, v4;
	v12 =	vor.u32 v2, v3  }
0x1a7: {  	v3 =	vor.u32 $0x12, v12;
	v11 =	vor.u32 $0x15, v12;
	v7 =	vor.u32 $0x16, v12  }
0x1a8: {  	v5 =	vor.u32 $0x14, v12;
	v26 =	vor.u32 $0x18, v12;
	v6 =	vor.u32 $0x19, v12  }
0x1a9: {  	v29 =	vor.u32 v2, v4;
	v30 =	vor.u32 $0xC, v12;
	v4 =	vor.u32 $0x1B, v12  }
0x1aa: {  	v8 =	vor.u32 $0xA, v12;
	v2 =	vor.u32 $0x1, v29;
	v31 =	vor.u32 $0x4, v29  }
0x1ab: {  	v13 =	vor.u32 $0x6, v12;
	v10 =	vor.u32 $0x3, v29;
	v33 =	vor.u32 $0x6, v29;
	v32 =	vld.idx.msk [tilespmem:v12+s20+$0x0], $0xffff  }
0x1ac: {  	v14 =	vor.u32 $0x4, v12;
	v35 =	vor.u32 $0x9, v12;
	v34 =	vor.u32 $0x5, v29;
	v9 =	vld.idx.msk [tilespmem:v3+s20+$0x0], $0xffff  }
0x1ad: {  	v36 =	vor.u32 $0xA, v29;
	v3 =	vor.u32 $0x7, v12;
	v37 =	vld.idx.msk [tilespmem:v5+s20+$0x0], $0xffff;
	v5 =	vor.u32 $0x1F, v12  }
0x1ae: {  	v38 =	vor.u32 $0x5, v12;
	v39 =	vor.u32 $0x7, v29;
	v40 =	vor.u32 $0xC, v29;
	v7 =	vld.idx.msk [tilespmem:v7+s20+$0x0], $0xffff  }
0x1af: {  	v43 =	vor.u32 $0xE, v12;
	v41 =	vor.u32 $0x9, v29;
	v42 =	vor.u32 $0xE, v29;
	v23 =	vld.idx.msk [tilespmem:v8+s20+$0x0], $0xffff  }
0x1b0: {  	v46 =	vor.u32 $0x10, v12;
	v45 =	vor.u32 $0xB, v29;
	v27 =	vor.u32 $0x10, v29;
	v44 =	vld.idx.msk [tilespmem:v29+s18+$0x0], $0xffff  }
0x1b1: {  	v24 =	vor.u32 $0x12, v29;
	v8 =	vor.u32 $0xD, v29;
	v47 =	vld.idx.msk [tilespmem:v13+s20+$0x0], $0xffff;
	v13 =	vor.u32 $0x1A, v12  }
0x1b2: {  	v49 =	vor.u32 $0xF, v12;
	v50 =	vor.u32 $0x14, v29;
	v48 =	vld.idx.msk [tilespmem:v3+s20+$0x0], $0xffff;
	v3 =	vor.u32 $0xF, v29  }
0x1b3: {  	v28 =	vor.u32 $0x1C, v12;
	v52 =	vor.u32 $0x11, v29;
	v21 =	vor.u32 $0x16, v29;
	v51 =	vld.idx.msk [tilespmem:v2+s18+$0x0], $0xffff  }
0x1b4: {  	v54 =	vor.u32 $0x13, v29;
	v19 =	vor.u32 $0x15, v29;
	v20 =	vor.u32 $0x18, v29;
	v53 =	vld.idx.msk [tilespmem:v14+s20+$0x0], $0xffff  }
0x1b5: {  	v18 =	vor.u32 $0x17, v29;
	v16 =	vor.u32 $0x19, v29;
	v15 =	vor.u32 $0x1A, v29;
	v55 =	vld.idx.msk [tilespmem:v10+s18+$0x0], $0xffff  }
0x1b6: {  	v22 =	vor.u32 $0x1D, v12;
	v56 =	vor.u32 $0x1C, v29;
	v14 =	vor.u32 $0x1B, v29;
	v2 =	vld.idx.msk [tilespmem:v13+s20+$0x0], $0xffff  }
0x1b7: {  	v17 =	vor.u32 $0x1E, v12;
	v10 =	vor.u32 $0x1E, v29;
	v13 =	vor.u32 $0x1D, v29;
	v25 =	vld.idx.msk [tilespmem:v3+s18+$0x0], $0xffff  }
0x1b8: {  	v57 =	vld.idx.msk [tilespmem:v8+s18+$0x0], $0xffff;
	v8 =	vor.u32 $0x1F, v29  }
0x1b9: {  	v35 =	vld.idx.msk [tilespmem:v35+s20+$0x0], $0xffff  }
0x1ba: {  	v43 =	vld.idx.msk [tilespmem:v43+s20+$0x0], $0xffff  }
0x1bb: {  	v3 =	vld.idx.msk [tilespmem:v56+s18+$0x0], $0xffff  }
0x1bc: {  	v56 =	vor.u32 $0x8, v29;
	v45 =	vld.idx.msk [tilespmem:v45+s18+$0x0], $0xffff  }
0x1bd: {  	v58 =	vor.u32 $0x2, v12;
	v41 =	vld.idx.msk [tilespmem:v41+s18+$0x0], $0xffff  }
0x1be: {  	v26 =	vld.idx.msk [tilespmem:v26+s20+$0x0], $0xffff  }
0x1bf: {  	v59 =	vor.u32 $0x8, v12;
	v34 =	vld.idx.msk [tilespmem:v34+s18+$0x0], $0xffff  }
0x1c0: {  	v49 =	vld.idx.msk [tilespmem:v49+s20+$0x0], $0xffff  }
0x1c1: {  	v60 =	vor.u32 $0x3, v12;
	v56 =	vld.idx.msk [tilespmem:v56+s18+$0x0], $0xffff  }
0x1c2: {  	v61 =	vor.u32 $0x1, v12;
	v50 =	vld.idx.msk [tilespmem:v50+s18+$0x0], $0xffff  }
0x1c3: {  	v29 =	vor.u32 $0x2, v29;
	v52 =	vld.idx.msk [tilespmem:v52+s18+$0x0], $0xffff  }
0x1c4: {  	v31 =	vld.idx.msk [tilespmem:v31+s18+$0x0], $0xffff  }
0x1c5: {  	v54 =	vld.idx.msk [tilespmem:v54+s18+$0x0], $0xffff  }
0x1c6: {  	v38 =	vld.idx.msk [tilespmem:v38+s20+$0x0], $0xffff  }
0x1c7: {  	v59 =	vld.idx.msk [tilespmem:v59+s20+$0x0], $0xffff  }
0x1c8: {  	v37 =	vmul.f32 v37, v50;
	v29 =	vld.idx.msk [tilespmem:v29+s18+$0x0], $0xffff  }
0x1c9: {  	v50 =	vld.idx.msk [tilespmem:v58+s20+$0x0], $0xffff;
	v58 =	vor.u32 $0xB, v12  }
0x1ca: {  	v60 =	vld.idx.msk [tilespmem:v60+s20+$0x0], $0xffff  }
0x1cb: {  	v62 =	vor.u32 $0xD, v12;
	v30 =	vld.idx.msk [tilespmem:v30+s20+$0x0], $0xffff  }
0x1cc: {  	v61 =	vld.idx.msk [tilespmem:v61+s20+$0x0], $0xffff  }
0x1cd: {  	v32 =	vmul.f32 v32, v44;
	v33 =	vld.idx.msk [tilespmem:v33+s18+$0x0], $0xffff  }
0x1ce: {  	v44 =	vld.idx.msk [tilespmem:v58+s20+$0x0], $0xffff  }
0x1cf: {  	v32 =	vadd.f32 v32, v1;
	v29 =	vmul.f32 v50, v29;
	v50 =	vor.u32 $0x11, v12;
	v46 =	vld.idx.msk [tilespmem:v46+s20+$0x0], $0xffff  }
0x1d0: {  	v58 =	vld.idx.msk [tilespmem:v62+s20+$0x0], $0xffff  }
0x1d1: {  	v31 =	vmul.f32 v53, v31;
	v29 =	vadd.f32 v29, v32;
	v32 =	vld.idx.msk [tilespmem:v36+s18+$0x0], $0xffff;
	v36 =	vor.u32 $0x13, v12  }
0x1d2: {  	v51 =	vmul.f32 v61, v51;
	v39 =	vld.idx.msk [tilespmem:v39+s18+$0x0], $0xffff  }
0x1d3: {  	v29 =	vadd.f32 v31, v29;
	v31 =	vmul.f32 v47, v33;
	v33 =	vld.idx.msk [tilespmem:v40+s18+$0x0], $0xffff  }
0x1d4: {  	v12 =	vor.u32 $0x17, v12;
	v47 =	vmul.f32 v60, v55;
	v40 =	vadd.f32 $0.0e+00, v51;
	v50 =	vld.idx.msk [tilespmem:v50+s20+$0x0], $0xffff  }
0x1d5: {  	v29 =	vadd.f32 v31, v29;
	v31 =	vmul.f32 v59, v56;
	v42 =	vld.idx.msk [tilespmem:v42+s18+$0x0], $0xffff  }
0x1d6: {  	v34 =	vmul.f32 v38, v34;
	v40 =	vadd.f32 v47, v40;
	v36 =	vld.idx.msk [tilespmem:v36+s20+$0x0], $0xffff  }
0x1d7: {  	v29 =	vadd.f32 v31, v29;
	v23 =	vmul.f32 v23, v32;
	v27 =	vld.idx.msk [tilespmem:v27+s18+$0x0], $0xffff  }
0x1d8: {  	v31 =	vadd.f32 v34, v40;
	v32 =	vmul.f32 v48, v39;
	v34 =	vld.idx.msk [tilespmem:v11+s20+$0x0], $0xffff  }
0x1d9: {  	v11 =	vadd.f32 v23, v29;
	v23 =	vmul.f32 v30, v33;
	v24 =	vld.idx.msk [tilespmem:v24+s18+$0x0], $0xffff  }
0x1da: {  	v30 =	vmul.f32 v35, v41;
	v29 =	vadd.f32 v32, v31;
	v31 =	vld.idx.msk [tilespmem:v12+s20+$0x0], $0xffff  }
0x1db: {  	v23 =	vadd.f32 v23, v11;
	v32 =	vmul.f32 v43, v42;
	v11 =	vld.idx.msk [tilespmem:v28+s20+$0x0], $0xffff  }
0x1dc: {  	v28 =	vadd.f32 v30, v29;
	v29 =	vmul.f32 v44, v45;
	v12 =	vld.idx.msk [tilespmem:v6+s20+$0x0], $0xffff  }
0x1dd: {  	v6 =	vadd.f32 v32, v23;
	v23 =	vmul.f32 v46, v27;
	v27 =	vld.idx.msk [tilespmem:v21+s18+$0x0], $0xffff  }
0x1de: {  	v28 =	vadd.f32 v29, v28;
	v29 =	vmul.f32 v58, v57;
	v21 =	vld.idx.msk [tilespmem:v4+s20+$0x0], $0xffff  }
0x1df: {  	v4 =	vadd.f32 v23, v6;
	v6 =	vmul.f32 v9, v24;
	v20 =	vld.idx.msk [tilespmem:v20+s18+$0x0], $0xffff  }
0x1e0: {  	v24 =	vmul.f32 v49, v25;
	v23 =	vadd.f32 v29, v28;
	v19 =	vld.idx.msk [tilespmem:v19+s18+$0x0], $0xffff  }
0x1e1: {  	v4 =	vadd.f32 v6, v4;
	v9 =	vld.idx.msk [tilespmem:v22+s20+$0x0], $0xffff  }
0x1e2: {  	v6 =	vadd.f32 v24, v23;
	v22 =	vmul.f32 v50, v52;
	v18 =	vld.idx.msk [tilespmem:v18+s18+$0x0], $0xffff  }
0x1e3: {  	v4 =	vadd.f32 v37, v4;
	v23 =	vmul.f32 v7, v27;
	v5 =	vld.idx.msk [tilespmem:v5+s20+$0x0], $0xffff  }
.Ltmp1:
0x1e4: {  	v24 =	vmul.f32 v36, v54;
	v22 =	vadd.f32 v22, v6;
	v7 =	vld.idx.msk [tilespmem:v16+s18+$0x0], $0xffff;
	(pc) =	sbr.rel @p0 .LBB2_4-.Ltmp1, $4  }
0x1e5: {  	v4 =	vadd.f32 v23, v4;
	v16 =	vmul.f32 v26, v20;
	v6 =	vld.idx.msk [tilespmem:v15+s18+$0x0], $0xffff  }
0x1e6: {  	v20 =	vadd.f32 v24, v22;
	v19 =	vmul.f32 v34, v19;
	v14 =	vld.idx.msk [tilespmem:v14+s18+$0x0], $0xffff  }
0x1e7: {  	v15 =	vadd.f32 v16, v4;
	v4 =	vld.idx.msk [tilespmem:v17+s20+$0x0], $0xffff  }
0x1e8: {  	v16 =	vadd.f32 v19, v20;
	v17 =	vmul.f32 v31, v18;
	v13 =	vld.idx.msk [tilespmem:v13+s18+$0x0], $0xffff  }
0x1e9: {  	_ =	sdelay $0x3  }
0x1ea: {  	v10 =	vld.idx.msk [tilespmem:v10+s18+$0x0], $0xffff;
	v7 =	vmul.f32 v12, v7;
	v16 =	vadd.f32 v17, v16  }
0x1eb: {  	v8 =	vld.idx.msk [tilespmem:v8+s18+$0x0], $0xffff;
	v2 =	vmul.f32 v2, v6  }
0x1ec: {  	v6 =	vadd.f32 v7, v16;
	v7 =	vmul.f32 v21, v14  }
0x1ed: {  	v3 =	vmul.f32 v11, v3;
	v2 =	vadd.f32 v2, v15  }
0x1ee: {  	v6 =	vadd.f32 v7, v6;
	v7 =	vmul.f32 v9, v13  }
0x1ef: {  	v2 =	vadd.f32 v3, v2  }
0x1f0: {  	v3 =	vmul.f32 v4, v10;
	v5 =	vmul.f32 v5, v8;
	v4 =	vadd.f32 v7, v6;
	_ =	sdelay $0x1  }
0x1f1: {  	v2 =	vadd.f32 v3, v2;
	v3 =	vadd.f32 v5, v4;
	_ =	sdelay $0x1  }
0x1f2: {  	v2 =	vadd.f32 v3, v2;
	_ =	sdelay $0x1  }
0x1f3: {  	v2 =	vsub.f32 $0.0e+00, v2;
	_ =	sdelay $0x1  }
0x1f4: {  	v2 =	vmul.f32 $1.442695020e+00, v2;
	_ =	sdelay $0x1  }
0x1f5: {  	(erf) = vpow2.f32 v2;
	_ =	sdelay $0x8  }
0x1f6: {  	v2 =	vpop (erf)  }
0x1f7: {  	v2 =	vadd.f32 $1.000000000e+00, v2;
	_ =	sdelay $0x1  }
0x1f8: {  	(erf) = vrcp.f32 v2;
	_ =	sdelay $0x8  }
0x1f9: {  	v2 =	vpop (erf)  }
0x1fa: {  	[tilespmem:s0+$0x0] =	vst v2  }
0x1fb: {  	[tilespmem:s18], [sflag:$0x2] =	stream.indirect.gather [hbm4b:s1+s12], $0x80, s25, s12, $0xb8;
	[tilespmem:$0x10A80] =	vst v63  }
0x1fc: {  	_ = 	snop  }
0x1fd: {  	[tilespmem:s20], [sflag:$0x2] =	stream.indirect.gather [hbm4b:s2+s12], $0x80, s26, s12, $0xb8;
	[tilespmem:$0x10A80] =	vst v63  }
0x1fe: {  	_ =	swait.ge [sflag:s21], $0x4000  }
0x1ff: {  	[sflag:s21] =	ssyncset.done $0x0  }
0x200: {  	[sflag:s21] =	ssyncadd.s32 $0xFFFFC000  }
0x201: {  	_ =	swait.ge [sflag:s21], $0x4000  }
0x202: {  	[sflag:s21] =	ssyncset.done $0x0  }
0x203: {  	s30 =	simm.s32 $0x300;
	[sflag:s21] =	ssyncadd.s32 $0xFFFFC000  }
0x204: {  	s31 =	simm.s32 $0x100;
	v2 =	vld [tilespmem:s30+$0x0]  }
0x205: {  	v4 =	vld [tilespmem:s31+$0x0];
	_ =	sdelay $0x1  }
0x206: {  	s11 =	simm.s32 $0x0  }
0x207: {  	v3 =	vmov s11  }
0x208: {  	v3 =	vshll.u32 v3, $0x7;
	v2 =	vshrl.u32 v2, $0x8  }
0x209: {  	v3 =	vor.u32 v0, v3;
	v4 =	vshrl.u32 v4, $0x8;
	v2 =	vand.u32 $0x60, v2  }
0x20a: {  	v4 =	vand.u32 $0x60, v4;
	v5 =	vor.u32 v3, v2  }
0x20b: {  	v4 =	vor.u32 v3, v4  }
0x20c: {  	v2 =	vor.u32 $0x12, v5  }
0x20d: {  	v6 =	vor.u32 $0x14, v5  }
0x20e: {  	v9 =	vor.u32 $0x16, v5  }
0x20f: {  	v10 =	vor.u32 $0xA, v5;
	v11 =	vld.idx.msk [tilespmem:v5+s16+$0x0], $0xffff  }
0x210: {  	v3 =	vor.u32 $0x6, v5;
	v14 =	vld.idx.msk [tilespmem:v4+s14+$0x0], $0xffff  }
0x211: {  	v12 =	vor.u32 $0x1, v4;
	v8 =	vld.idx.msk [tilespmem:v2+s16+$0x0], $0xffff  }
0x212: {  	v13 =	vor.u32 $0x3, v4;
	v7 =	vld.idx.msk [tilespmem:v6+s16+$0x0], $0xffff  }
0x213: {  	v17 =	vor.u32 $0xF, v4;
	v6 =	vld.idx.msk [tilespmem:v9+s16+$0x0], $0xffff  }
0x214: {  	v18 =	vor.u32 $0xD, v4;
	v10 =	vld.idx.msk [tilespmem:v10+s16+$0x0], $0xffff  }
0x215: {  	v19 =	vor.u32 $0x9, v5;
	v15 =	vld.idx.msk [tilespmem:v3+s16+$0x0], $0xffff  }
0x216: {  	v20 =	vor.u32 $0xE, v5;
	v12 =	vld.idx.msk [tilespmem:v12+s14+$0x0], $0xffff  }
0x217: {  	v21 =	vor.u32 $0xB, v4;
	v13 =	vld.idx.msk [tilespmem:v13+s14+$0x0], $0xffff  }
0x218: {  	v22 =	vor.u32 $0x9, v4;
	v17 =	vld.idx.msk [tilespmem:v17+s14+$0x0], $0xffff  }
0x219: {  	v23 =	vor.u32 $0x18, v5;
	v18 =	vld.idx.msk [tilespmem:v18+s14+$0x0], $0xffff  }
0x21a: {  	v24 =	vor.u32 $0x5, v4;
	v19 =	vld.idx.msk [tilespmem:v19+s16+$0x0], $0xffff  }
0x21b: {  	v25 =	vor.u32 $0xF, v5;
	v20 =	vld.idx.msk [tilespmem:v20+s16+$0x0], $0xffff  }
0x21c: {  	v26 =	vor.u32 $0x8, v4;
	v21 =	vld.idx.msk [tilespmem:v21+s14+$0x0], $0xffff  }
0x21d: {  	v27 =	vor.u32 $0x14, v4;
	v22 =	vld.idx.msk [tilespmem:v22+s14+$0x0], $0xffff  }
0x21e: {  	v28 =	vor.u32 $0x11, v4;
	v23 =	vld.idx.msk [tilespmem:v23+s16+$0x0], $0xffff  }
0x21f: {  	v29 =	vor.u32 $0x4, v4;
	v24 =	vld.idx.msk [tilespmem:v24+s14+$0x0], $0xffff  }
0x220: {  	v30 =	vor.u32 $0x13, v4;
	v25 =	vld.idx.msk [tilespmem:v25+s16+$0x0], $0xffff  }
0x221: {  	v31 =	vor.u32 $0x5, v5;
	v26 =	vld.idx.msk [tilespmem:v26+s14+$0x0], $0xffff  }
0x222: {  	v32 =	vor.u32 $0x8, v5;
	v27 =	vld.idx.msk [tilespmem:v27+s14+$0x0], $0xffff  }
0x223: {  	v33 =	vor.u32 $0x2, v4;
	v28 =	vld.idx.msk [tilespmem:v28+s14+$0x0], $0xffff  }
0x224: {  	v34 =	vor.u32 $0x2, v5;
	v29 =	vld.idx.msk [tilespmem:v29+s14+$0x0], $0xffff  }
0x225: {  	v35 =	vor.u32 $0x3, v5;
	v30 =	vld.idx.msk [tilespmem:v30+s14+$0x0], $0xffff  }
0x226: {  	v36 =	vor.u32 $0xC, v5;
	v31 =	vld.idx.msk [tilespmem:v31+s16+$0x0], $0xffff  }
0x227: {  	v37 =	vor.u32 $0x1, v5;
	v32 =	vld.idx.msk [tilespmem:v32+s16+$0x0], $0xffff  }
0x228: {  	v39 =	vor.u32 $0xB, v5;
	v33 =	vld.idx.msk [tilespmem:v33+s14+$0x0], $0xffff  }
0x229: {  	v40 =	vor.u32 $0x10, v5;
	v34 =	vld.idx.msk [tilespmem:v34+s16+$0x0], $0xffff  }
0x22a: {  	v41 =	vor.u32 $0xD, v5;
	v35 =	vld.idx.msk [tilespmem:v35+s16+$0x0], $0xffff  }
0x22b: {  	v9 =	vor.u32 $0x4, v5;
	v36 =	vld.idx.msk [tilespmem:v36+s16+$0x0], $0xffff  }
0x22c: {  	v42 =	vor.u32 $0xA, v4;
	v37 =	vld.idx.msk [tilespmem:v37+s16+$0x0], $0xffff  }
0x22d: {  	v38 =	vor.u32 $0x6, v4;
	v39 =	vld.idx.msk [tilespmem:v39+s16+$0x0], $0xffff  }
0x22e: {  	v43 =	vor.u32 $0x7, v4;
	v62 =	vld.idx.msk [tilespmem:v40+s16+$0x0], $0xffff  }
0x22f: {  	v63 =	vor.u32 $0x11, v5;
	v41 =	vld.idx.msk [tilespmem:v41+s16+$0x0], $0xffff  }
0x230: {  	v44 =	vor.u32 $0xE, v4;
	v9 =	vld.idx.msk [tilespmem:v9+s16+$0x0], $0xffff  }
0x231: {  	v2 =	vor.u32 $0x7, v5;
	v45 =	vld.idx.msk [tilespmem:v42+s14+$0x0], $0xffff;
	v11 =	vmul.f32 v11, v14  }
0x232: {  	v3 =	vor.u32 $0x1A, v5;
	v14 =	vld.idx.msk [tilespmem:v38+s14+$0x0], $0xffff  }
0x233: {  	v61 =	vor.u32 $0xC, v4;
	v48 =	vld.idx.msk [tilespmem:v43+s14+$0x0], $0xffff;
	v33 =	vmul.f32 v34, v33;
	v11 =	vadd.f32 v11, v1  }
0x234: {  	v46 =	vor.u32 $0x13, v5;
	v50 =	vld.idx.msk [tilespmem:v63+s16+$0x0], $0xffff;
	v12 =	vmul.f32 v37, v12  }
0x235: {  	v47 =	vor.u32 $0x10, v4;
	v52 =	vld.idx.msk [tilespmem:v44+s14+$0x0], $0xffff;
	v11 =	vadd.f32 v33, v11;
	v9 =	vmul.f32 v9, v29  }
0x236: {  	v57 =	vor.u32 $0x16, v4;
	v16 =	vld.idx.msk [tilespmem:v2+s16+$0x0], $0xffff;
	v13 =	vmul.f32 v35, v13;
	v12 =	vadd.f32 $0.0e+00, v12  }
0x237: {  	v51 =	vor.u32 $0x17, v5;
	v2 =	vld.idx.msk [tilespmem:v3+s16+$0x0], $0xffff;
	v9 =	vadd.f32 v9, v11;
	v11 =	vmul.f32 v15, v14  }
0x238: {  	v3 =	vor.u32 $0x1C, v4;
	v12 =	vadd.f32 v13, v12;
	v13 =	vmul.f32 v31, v24;
	v14 =	vld.idx.msk [tilespmem:v61+s14+$0x0], $0xffff  }
0x239: {  	v54 =	vld.idx.msk [tilespmem:v46+s16+$0x0], $0xffff;
	v15 =	vor.u32 $0x12, v4;
	v9 =	vadd.f32 v11, v9;
	v11 =	vmul.f32 v32, v26  }
0x23a: {  	v49 =	vor.u32 $0x15, v5;
	v53 =	vor.u32 $0x1C, v5;
	v56 =	vld.idx.msk [tilespmem:v47+s14+$0x0], $0xffff;
	v10 =	vmul.f32 v10, v45  }
0x23b: {  	v60 =	vld.idx.msk [tilespmem:v57+s14+$0x0], $0xffff;
	v9 =	vadd.f32 v11, v9;
	v11 =	vadd.f32 v13, v12;
	v12 =	vmul.f32 v16, v48  }
0x23c: {  	v55 =	vor.u32 $0x19, v5;
	v19 =	vmul.f32 v19, v22;
	v22 =	vld.idx.msk [tilespmem:v51+s16+$0x0], $0xffff;
	v16 =	vor.u32 $0x1B, v5  }
0x23d: {  	v3 =	vld.idx.msk [tilespmem:v3+s14+$0x0], $0xffff;
	v9 =	vadd.f32 v10, v9;
	v10 =	vmul.f32 v36, v14;
	v12 =	vadd.f32 v12, v11  }
0x23e: {  	v59 =	vor.u32 $0x17, v4;
	v21 =	vmul.f32 v39, v21;
	v14 =	vld.idx.msk [tilespmem:v15+s14+$0x0], $0xffff;
	v15 =	vor.u32 $0x18, v4  }
0x23f: {  	v13 =	vld.idx.msk [tilespmem:v49+s16+$0x0], $0xffff;
	v9 =	vadd.f32 v10, v9;
	v10 =	vmul.f32 v20, v52;
	v19 =	vadd.f32 v19, v12  }
0x240: {  	v58 =	vor.u32 $0x15, v4;
	v18 =	vmul.f32 v41, v18;
	v11 =	vld.idx.msk [tilespmem:v53+s16+$0x0], $0xffff;
	v20 =	vor.u32 $0x1D, v5  }
0x241: {  	v12 =	vld.idx.msk [tilespmem:v55+s16+$0x0], $0xffff;
	v9 =	vadd.f32 v10, v9;
	v10 =	vmul.f32 v62, v56;
	v19 =	vadd.f32 v21, v19  }
0x242: {  	v17 =	vmul.f32 v25, v17;
	v61 =	vor.u32 $0x1F, v5;
	v21 =	vld.idx.msk [tilespmem:v16+s16+$0x0], $0xffff;
	v16 =	vor.u32 $0x19, v4  }
0x243: {  	v8 =	vmul.f32 v8, v14;
	v9 =	vadd.f32 v10, v9;
	v10 =	vld.idx.msk [tilespmem:v15+s14+$0x0], $0xffff;
	v15 =	vadd.f32 v18, v19  }
0x244: {  	v7 =	vmul.f32 v7, v27;
	v62 =	vld.idx.msk [tilespmem:v59+s14+$0x0], $0xffff;
	v14 =	vor.u32 $0x1A, v4;
	v19 =	vor.u32 $0x1B, v4  }
0x245: {  	v18 =	vld.idx.msk [tilespmem:v58+s14+$0x0], $0xffff;
	v8 =	vadd.f32 v8, v9;
	v15 =	vadd.f32 v17, v15;
	v17 =	vmul.f32 v50, v28  }
0x246: {  	v63 =	vor.u32 $0x1D, v4;
	v9 =	vld.idx.msk [tilespmem:v20+s16+$0x0], $0xffff;
	v20 =	vor.u32 $0x1E, v5  }
0x247: {  	v6 =	vmul.f32 v6, v60;
	v5 =	vld.idx.msk [tilespmem:v61+s16+$0x0], $0xffff;
	v8 =	vadd.f32 v7, v8;
	v15 =	vadd.f32 v17, v15  }
0x248: {  	v17 =	vmul.f32 v54, v30;
	v7 =	vld.idx.msk [tilespmem:v16+s14+$0x0], $0xffff;
	v23 =	vmul.f32 v23, v10;
	v10 =	vor.u32 $0x1E, v4  }
0x249: {  	v16 =	vadd.f32 v6, v8;
	v6 =	vld.idx.msk [tilespmem:v14+s14+$0x0], $0xffff;
	v8 =	vor.u32 $0x1F, v4  }
0x24a: {  	v13 =	vmul.f32 v13, v18;
	v17 =	vadd.f32 v17, v15;
	v14 =	vld.idx.msk [tilespmem:v19+s14+$0x0], $0xffff  }
0x24b: {  	v4 =	vld.idx.msk [tilespmem:v20+s16+$0x0], $0xffff  }
0x24c: {  	s4 =	simm.s32 $0x10980;
	s3 =	simm.s32 $0x10;
	s0 =	simm.s32 $0x10980;
	v15 =	vadd.f32 v23, v16;
	v16 =	vadd.f32 v13, v17;
	v17 =	vmul.f32 v22, v62;
	v13 =	vld.idx.msk [tilespmem:v63+s14+$0x0], $0xffff  }
.LBB2_6:
0x24d: {  	v10 =	vld.idx.msk [tilespmem:v10+s14+$0x0], $0xffff;
	s31 =	sadd.s32 $0x10, s31;
	s30 =	sadd.s32 $0x10, s30;
	s4 =	sadd.s32 $0x10, s4  }
0x24e: {  	p0 =	sne.s32 s3, $0x70;
	v7 =	vmul.f32 v12, v7;
	s11 =	smov.u32 s3;
	s3 =	sadd.s32 $0x10, s3;
	v16 =	vadd.f32 v17, v16;
	v8 =	vld.idx.msk [tilespmem:v8+s14+$0x0], $0xffff  }
0x24f: {  	v2 =	vmul.f32 v2, v6  }
0x250: {  	v6 =	vadd.f32 v7, v16;
	v7 =	vmul.f32 v21, v14  }
0x251: {  	v3 =	vmul.f32 v11, v3;
	v2 =	vadd.f32 v2, v15  }
0x252: {  	v6 =	vadd.f32 v7, v6;
	v7 =	vmul.f32 v9, v13  }
0x253: {  	v2 =	vadd.f32 v3, v2;
	v3 =	vmul.f32 v4, v10  }
0x254: {  	v5 =	vmul.f32 v5, v8;
	v4 =	vadd.f32 v7, v6  }
0x255: {  	v2 =	vadd.f32 v3, v2  }
0x256: {  	v3 =	vadd.f32 v5, v4;
	_ =	sdelay $0x1  }
0x257: {  	v2 =	vadd.f32 v3, v2;
	_ =	sdelay $0x1  }
0x258: {  	v2 =	vsub.f32 $0.0e+00, v2;
	_ =	sdelay $0x1  }
0x259: {  	v2 =	vmul.f32 $1.442695020e+00, v2;
	_ =	sdelay $0x1  }
0x25a: {  	(erf) = vpow2.f32 v2;
	_ =	sdelay $0x8  }
0x25b: {  	v2 =	vpop (erf)  }
0x25c: {  	v2 =	vadd.f32 $1.000000000e+00, v2;
	_ =	sdelay $0x1  }
0x25d: {  	(erf) = vrcp.f32 v2;
	_ =	sdelay $0x7  }
0x25e: {  	v2 =	vmov s11  }
0x25f: {  	v2 =	vshll.u32 v2, $0x7;
	v3 =	vpop (erf)  }
0x260: {  	v2 =	vor.u32 v0, v2;
	[tilespmem:s0+$0x0] =	vst v3;
	s0 =	smov.u32 s4  }
0x261: {  	v3 =	vld [tilespmem:s30+$0x0]  }
0x262: {  	v4 =	vld [tilespmem:s31+$0x0];
	_ =	sdelay $0x3  }
0x263: {  	v3 =	vshrl.u32 v3, $0x8  }
0x264: {  	v4 =	vshrl.u32 v4, $0x8;
	v3 =	vand.u32 $0x60, v3  }
0x265: {  	v4 =	vand.u32 $0x60, v4;
	v12 =	vor.u32 v2, v3  }
0x266: {  	v3 =	vor.u32 $0x12, v12;
	v11 =	vor.u32 $0x15, v12;
	v7 =	vor.u32 $0x16, v12  }
0x267: {  	v5 =	vor.u32 $0x14, v12;
	v26 =	vor.u32 $0x18, v12;
	v6 =	vor.u32 $0x19, v12  }
0x268: {  	v29 =	vor.u32 v2, v4;
	v30 =	vor.u32 $0xC, v12;
	v4 =	vor.u32 $0x1B, v12  }
0x269: {  	v8 =	vor.u32 $0xA, v12;
	v2 =	vor.u32 $0x1, v29;
	v31 =	vor.u32 $0x4, v29  }
0x26a: {  	v13 =	vor.u32 $0x6, v12;
	v10 =	vor.u32 $0x3, v29;
	v33 =	vor.u32 $0x6, v29;
	v32 =	vld.idx.msk [tilespmem:v12+s16+$0x0], $0xffff  }
0x26b: {  	v14 =	vor.u32 $0x4, v12;
	v35 =	vor.u32 $0x9, v12;
	v34 =	vor.u32 $0x5, v29;
	v9 =	vld.idx.msk [tilespmem:v3+s16+$0x0], $0xffff  }
0x26c: {  	v36 =	vor.u32 $0xA, v29;
	v3 =	vor.u32 $0x7, v12;
	v37 =	vld.idx.msk [tilespmem:v5+s16+$0x0], $0xffff;
	v5 =	vor.u32 $0x1F, v12  }
0x26d: {  	v38 =	vor.u32 $0x5, v12;
	v39 =	vor.u32 $0x7, v29;
	v40 =	vor.u32 $0xC, v29;
	v7 =	vld.idx.msk [tilespmem:v7+s16+$0x0], $0xffff  }
0x26e: {  	v43 =	vor.u32 $0xE, v12;
	v41 =	vor.u32 $0x9, v29;
	v42 =	vor.u32 $0xE, v29;
	v23 =	vld.idx.msk [tilespmem:v8+s16+$0x0], $0xffff  }
0x26f: {  	v46 =	vor.u32 $0x10, v12;
	v45 =	vor.u32 $0xB, v29;
	v27 =	vor.u32 $0x10, v29;
	v44 =	vld.idx.msk [tilespmem:v29+s14+$0x0], $0xffff  }
0x270: {  	v24 =	vor.u32 $0x12, v29;
	v8 =	vor.u32 $0xD, v29;
	v47 =	vld.idx.msk [tilespmem:v13+s16+$0x0], $0xffff;
	v13 =	vor.u32 $0x1A, v12  }
0x271: {  	v49 =	vor.u32 $0xF, v12;
	v50 =	vor.u32 $0x14, v29;
	v48 =	vld.idx.msk [tilespmem:v3+s16+$0x0], $0xffff;
	v3 =	vor.u32 $0xF, v29  }
0x272: {  	v28 =	vor.u32 $0x1C, v12;
	v52 =	vor.u32 $0x11, v29;
	v21 =	vor.u32 $0x16, v29;
	v51 =	vld.idx.msk [tilespmem:v2+s14+$0x0], $0xffff  }
0x273: {  	v54 =	vor.u32 $0x13, v29;
	v19 =	vor.u32 $0x15, v29;
	v20 =	vor.u32 $0x18, v29;
	v53 =	vld.idx.msk [tilespmem:v14+s16+$0x0], $0xffff  }
0x274: {  	v18 =	vor.u32 $0x17, v29;
	v16 =	vor.u32 $0x19, v29;
	v15 =	vor.u32 $0x1A, v29;
	v55 =	vld.idx.msk [tilespmem:v10+s14+$0x0], $0xffff  }
0x275: {  	v22 =	vor.u32 $0x1D, v12;
	v56 =	vor.u32 $0x1C, v29;
	v14 =	vor.u32 $0x1B, v29;
	v2 =	vld.idx.msk [tilespmem:v13+s16+$0x0], $0xffff  }
0x276: {  	v17 =	vor.u32 $0x1E, v12;
	v10 =	vor.u32 $0x1E, v29;
	v13 =	vor.u32 $0x1D, v29;
	v25 =	vld.idx.msk [tilespmem:v3+s14+$0x0], $0xffff  }
0x277: {  	v57 =	vld.idx.msk [tilespmem:v8+s14+$0x0], $0xffff;
	v8 =	vor.u32 $0x1F, v29  }
0x278: {  	v35 =	vld.idx.msk [tilespmem:v35+s16+$0x0], $0xffff  }
0x279: {  	v43 =	vld.idx.msk [tilespmem:v43+s16+$0x0], $0xffff  }
0x27a: {  	v3 =	vld.idx.msk [tilespmem:v56+s14+$0x0], $0xffff  }
0x27b: {  	v56 =	vor.u32 $0x8, v29;
	v45 =	vld.idx.msk [tilespmem:v45+s14+$0x0], $0xffff  }
0x27c: {  	v58 =	vor.u32 $0x2, v12;
	v41 =	vld.idx.msk [tilespmem:v41+s14+$0x0], $0xffff  }
0x27d: {  	v26 =	vld.idx.msk [tilespmem:v26+s16+$0x0], $0xffff  }
0x27e: {  	v59 =	vor.u32 $0x8, v12;
	v34 =	vld.idx.msk [tilespmem:v34+s14+$0x0], $0xffff  }
0x27f: {  	v49 =	vld.idx.msk [tilespmem:v49+s16+$0x0], $0xffff  }
0x280: {  	v60 =	vor.u32 $0x3, v12;
	v56 =	vld.idx.msk [tilespmem:v56+s14+$0x0], $0xffff  }
0x281: {  	v61 =	vor.u32 $0x1, v12;
	v50 =	vld.idx.msk [tilespmem:v50+s14+$0x0], $0xffff  }
0x282: {  	v29 =	vor.u32 $0x2, v29;
	v52 =	vld.idx.msk [tilespmem:v52+s14+$0x0], $0xffff  }
0x283: {  	v31 =	vld.idx.msk [tilespmem:v31+s14+$0x0], $0xffff  }
0x284: {  	v54 =	vld.idx.msk [tilespmem:v54+s14+$0x0], $0xffff  }
0x285: {  	v38 =	vld.idx.msk [tilespmem:v38+s16+$0x0], $0xffff  }
0x286: {  	v59 =	vld.idx.msk [tilespmem:v59+s16+$0x0], $0xffff  }
0x287: {  	v37 =	vmul.f32 v37, v50;
	v29 =	vld.idx.msk [tilespmem:v29+s14+$0x0], $0xffff  }
0x288: {  	v50 =	vld.idx.msk [tilespmem:v58+s16+$0x0], $0xffff;
	v58 =	vor.u32 $0xB, v12  }
0x289: {  	v60 =	vld.idx.msk [tilespmem:v60+s16+$0x0], $0xffff  }
0x28a: {  	v62 =	vor.u32 $0xD, v12;
	v30 =	vld.idx.msk [tilespmem:v30+s16+$0x0], $0xffff  }
0x28b: {  	v61 =	vld.idx.msk [tilespmem:v61+s16+$0x0], $0xffff  }
0x28c: {  	v32 =	vmul.f32 v32, v44;
	v33 =	vld.idx.msk [tilespmem:v33+s14+$0x0], $0xffff  }
0x28d: {  	v44 =	vld.idx.msk [tilespmem:v58+s16+$0x0], $0xffff  }
0x28e: {  	v32 =	vadd.f32 v32, v1;
	v29 =	vmul.f32 v50, v29;
	v50 =	vor.u32 $0x11, v12;
	v46 =	vld.idx.msk [tilespmem:v46+s16+$0x0], $0xffff  }
0x28f: {  	v58 =	vld.idx.msk [tilespmem:v62+s16+$0x0], $0xffff  }
0x290: {  	v31 =	vmul.f32 v53, v31;
	v29 =	vadd.f32 v29, v32;
	v32 =	vld.idx.msk [tilespmem:v36+s14+$0x0], $0xffff;
	v36 =	vor.u32 $0x13, v12  }
0x291: {  	v51 =	vmul.f32 v61, v51;
	v39 =	vld.idx.msk [tilespmem:v39+s14+$0x0], $0xffff  }
0x292: {  	v29 =	vadd.f32 v31, v29;
	v31 =	vmul.f32 v47, v33;
	v33 =	vld.idx.msk [tilespmem:v40+s14+$0x0], $0xffff  }
0x293: {  	v12 =	vor.u32 $0x17, v12;
	v47 =	vmul.f32 v60, v55;
	v40 =	vadd.f32 $0.0e+00, v51;
	v50 =	vld.idx.msk [tilespmem:v50+s16+$0x0], $0xffff  }
0x294: {  	v29 =	vadd.f32 v31, v29;
	v31 =	vmul.f32 v59, v56;
	v42 =	vld.idx.msk [tilespmem:v42+s14+$0x0], $0xffff  }
0x295: {  	v34 =	vmul.f32 v38, v34;
	v40 =	vadd.f32 v47, v40;
	v36 =	vld.idx.msk [tilespmem:v36+s16+$0x0], $0xffff  }
0x296: {  	v29 =	vadd.f32 v31, v29;
	v23 =	vmul.f32 v23, v32;
	v27 =	vld.idx.msk [tilespmem:v27+s14+$0x0], $0xffff  }
0x297: {  	v31 =	vadd.f32 v34, v40;
	v32 =	vmul.f32 v48, v39;
	v34 =	vld.idx.msk [tilespmem:v11+s16+$0x0], $0xffff  }
0x298: {  	v11 =	vadd.f32 v23, v29;
	v23 =	vmul.f32 v30, v33;
	v24 =	vld.idx.msk [tilespmem:v24+s14+$0x0], $0xffff  }
0x299: {  	v30 =	vmul.f32 v35, v41;
	v29 =	vadd.f32 v32, v31;
	v31 =	vld.idx.msk [tilespmem:v12+s16+$0x0], $0xffff  }
0x29a: {  	v23 =	vadd.f32 v23, v11;
	v32 =	vmul.f32 v43, v42;
	v11 =	vld.idx.msk [tilespmem:v28+s16+$0x0], $0xffff  }
0x29b: {  	v28 =	vadd.f32 v30, v29;
	v29 =	vmul.f32 v44, v45;
	v12 =	vld.idx.msk [tilespmem:v6+s16+$0x0], $0xffff  }
0x29c: {  	v6 =	vadd.f32 v32, v23;
	v23 =	vmul.f32 v46, v27;
	v27 =	vld.idx.msk [tilespmem:v21+s14+$0x0], $0xffff  }
0x29d: {  	v28 =	vadd.f32 v29, v28;
	v29 =	vmul.f32 v58, v57;
	v21 =	vld.idx.msk [tilespmem:v4+s16+$0x0], $0xffff  }
0x29e: {  	v4 =	vadd.f32 v23, v6;
	v6 =	vmul.f32 v9, v24;
	v20 =	vld.idx.msk [tilespmem:v20+s14+$0x0], $0xffff  }
0x29f: {  	v24 =	vmul.f32 v49, v25;
	v23 =	vadd.f32 v29, v28;
	v19 =	vld.idx.msk [tilespmem:v19+s14+$0x0], $0xffff  }
0x2a0: {  	v4 =	vadd.f32 v6, v4;
	v9 =	vld.idx.msk [tilespmem:v22+s16+$0x0], $0xffff  }
0x2a1: {  	v6 =	vadd.f32 v24, v23;
	v22 =	vmul.f32 v50, v52;
	v18 =	vld.idx.msk [tilespmem:v18+s14+$0x0], $0xffff  }
0x2a2: {  	v4 =	vadd.f32 v37, v4;
	v23 =	vmul.f32 v7, v27;
	v5 =	vld.idx.msk [tilespmem:v5+s16+$0x0], $0xffff  }
.Ltmp2:
0x2a3: {  	v24 =	vmul.f32 v36, v54;
	v22 =	vadd.f32 v22, v6;
	v7 =	vld.idx.msk [tilespmem:v16+s14+$0x0], $0xffff;
	(pc) =	sbr.rel @p0 .LBB2_6-.Ltmp2, $4  }
0x2a4: {  	v4 =	vadd.f32 v23, v4;
	v16 =	vmul.f32 v26, v20;
	v6 =	vld.idx.msk [tilespmem:v15+s14+$0x0], $0xffff  }
0x2a5: {  	v20 =	vadd.f32 v24, v22;
	v19 =	vmul.f32 v34, v19;
	v14 =	vld.idx.msk [tilespmem:v14+s14+$0x0], $0xffff  }
0x2a6: {  	v15 =	vadd.f32 v16, v4;
	v4 =	vld.idx.msk [tilespmem:v17+s16+$0x0], $0xffff  }
0x2a7: {  	v16 =	vadd.f32 v19, v20;
	v17 =	vmul.f32 v31, v18;
	v13 =	vld.idx.msk [tilespmem:v13+s14+$0x0], $0xffff  }
0x2a8: {  	_ =	sdelay $0x3  }
0x2a9: {  	v10 =	vld.idx.msk [tilespmem:v10+s14+$0x0], $0xffff;
	v7 =	vmul.f32 v12, v7;
	v16 =	vadd.f32 v17, v16  }
0x2aa: {  	v8 =	vld.idx.msk [tilespmem:v8+s14+$0x0], $0xffff;
	v2 =	vmul.f32 v2, v6  }
0x2ab: {  	v6 =	vadd.f32 v7, v16;
	v7 =	vmul.f32 v21, v14  }
0x2ac: {  	v3 =	vmul.f32 v11, v3;
	v2 =	vadd.f32 v2, v15  }
0x2ad: {  	v6 =	vadd.f32 v7, v6;
	v7 =	vmul.f32 v9, v13  }
0x2ae: {  	v2 =	vadd.f32 v3, v2  }
0x2af: {  	v3 =	vmul.f32 v4, v10;
	v5 =	vmul.f32 v5, v8;
	v4 =	vadd.f32 v7, v6;
	_ =	sdelay $0x1  }
0x2b0: {  	v2 =	vadd.f32 v3, v2;
	v3 =	vadd.f32 v5, v4;
	_ =	sdelay $0x1  }
0x2b1: {  	v2 =	vadd.f32 v3, v2;
	_ =	sdelay $0x1  }
0x2b2: {  	v2 =	vsub.f32 $0.0e+00, v2;
	_ =	sdelay $0x1  }
0x2b3: {  	v2 =	vmul.f32 $1.442695020e+00, v2;
	_ =	sdelay $0x1  }
0x2b4: {  	(erf) = vpow2.f32 v2;
	_ =	sdelay $0x8  }
0x2b5: {  	v2 =	vpop (erf)  }
0x2b6: {  	v2 =	vadd.f32 $1.000000000e+00, v2;
	_ =	sdelay $0x1  }
0x2b7: {  	(erf) = vrcp.f32 v2;
	_ =	sdelay $0x8  }
0x2b8: {  	v2 =	vpop (erf)  }
0x2b9: {  	[tilespmem:s0+$0x0] =	vst v2  }
0x2ba: {  	_ =	swait.ge [sflag:s24], $0x4000  }
0x2bb: {  	[sflag:s24] =	ssyncset.done $0x0  }
0x2bc: {  	[sflag:s24] =	ssyncadd.s32 $0xFFFFC000  }
0x2bd: {  	_ =	swait.ge [sflag:s24], $0x4000  }
0x2be: {  	[sflag:s24] =	ssyncset.done $0x0  }
0x2bf: {  	s30 =	simm.s32 $0x380;
	[sflag:s24] =	ssyncadd.s32 $0xFFFFC000  }
0x2c0: {  	s31 =	simm.s32 $0x180;
	v2 =	vld [tilespmem:s30+$0x0]  }
0x2c1: {  	v4 =	vld [tilespmem:s31+$0x0];
	_ =	sdelay $0x1  }
0x2c2: {  	s11 =	simm.s32 $0x0  }
0x2c3: {  	v3 =	vmov s11  }
0x2c4: {  	v3 =	vshll.u32 v3, $0x7;
	v2 =	vshrl.u32 v2, $0x8  }
0x2c5: {  	v3 =	vor.u32 v0, v3;
	v4 =	vshrl.u32 v4, $0x8;
	v2 =	vand.u32 $0x60, v2  }
0x2c6: {  	v4 =	vand.u32 $0x60, v4;
	v5 =	vor.u32 v3, v2  }
0x2c7: {  	v4 =	vor.u32 v3, v4  }
0x2c8: {  	v2 =	vor.u32 $0x12, v5  }
0x2c9: {  	v6 =	vor.u32 $0x14, v5  }
0x2ca: {  	v9 =	vor.u32 $0x16, v5  }
0x2cb: {  	v10 =	vor.u32 $0xA, v5;
	v11 =	vld.idx.msk [tilespmem:v5+s20+$0x0], $0xffff  }
0x2cc: {  	v3 =	vor.u32 $0x6, v5;
	v14 =	vld.idx.msk [tilespmem:v4+s18+$0x0], $0xffff  }
0x2cd: {  	v12 =	vor.u32 $0x1, v4;
	v8 =	vld.idx.msk [tilespmem:v2+s20+$0x0], $0xffff  }
0x2ce: {  	v13 =	vor.u32 $0x3, v4;
	v7 =	vld.idx.msk [tilespmem:v6+s20+$0x0], $0xffff  }
0x2cf: {  	v17 =	vor.u32 $0xF, v4;
	v6 =	vld.idx.msk [tilespmem:v9+s20+$0x0], $0xffff  }
0x2d0: {  	v18 =	vor.u32 $0xD, v4;
	v10 =	vld.idx.msk [tilespmem:v10+s20+$0x0], $0xffff  }
0x2d1: {  	v19 =	vor.u32 $0x9, v5;
	v15 =	vld.idx.msk [tilespmem:v3+s20+$0x0], $0xffff  }
0x2d2: {  	v20 =	vor.u32 $0xE, v5;
	v12 =	vld.idx.msk [tilespmem:v12+s18+$0x0], $0xffff  }
0x2d3: {  	v21 =	vor.u32 $0xB, v4;
	v13 =	vld.idx.msk [tilespmem:v13+s18+$0x0], $0xffff  }
0x2d4: {  	v22 =	vor.u32 $0x9, v4;
	v17 =	vld.idx.msk [tilespmem:v17+s18+$0x0], $0xffff  }
0x2d5: {  	v23 =	vor.u32 $0x18, v5;
	v18 =	vld.idx.msk [tilespmem:v18+s18+$0x0], $0xffff  }
0x2d6: {  	v24 =	vor.u32 $0x5, v4;
	v19 =	vld.idx.msk [tilespmem:v19+s20+$0x0], $0xffff  }
0x2d7: {  	v25 =	vor.u32 $0xF, v5;
	v20 =	vld.idx.msk [tilespmem:v20+s20+$0x0], $0xffff  }
0x2d8: {  	v26 =	vor.u32 $0x8, v4;
	v21 =	vld.idx.msk [tilespmem:v21+s18+$0x0], $0xffff  }
0x2d9: {  	v27 =	vor.u32 $0x14, v4;
	v22 =	vld.idx.msk [tilespmem:v22+s18+$0x0], $0xffff  }
0x2da: {  	v28 =	vor.u32 $0x11, v4;
	v23 =	vld.idx.msk [tilespmem:v23+s20+$0x0], $0xffff  }
0x2db: {  	v29 =	vor.u32 $0x4, v4;
	v24 =	vld.idx.msk [tilespmem:v24+s18+$0x0], $0xffff  }
0x2dc: {  	v30 =	vor.u32 $0x13, v4;
	v25 =	vld.idx.msk [tilespmem:v25+s20+$0x0], $0xffff  }
0x2dd: {  	v31 =	vor.u32 $0x5, v5;
	v26 =	vld.idx.msk [tilespmem:v26+s18+$0x0], $0xffff  }
0x2de: {  	v32 =	vor.u32 $0x8, v5;
	v27 =	vld.idx.msk [tilespmem:v27+s18+$0x0], $0xffff  }
0x2df: {  	v33 =	vor.u32 $0x2, v4;
	v28 =	vld.idx.msk [tilespmem:v28+s18+$0x0], $0xffff  }
0x2e0: {  	v34 =	vor.u32 $0x2, v5;
	v29 =	vld.idx.msk [tilespmem:v29+s18+$0x0], $0xffff  }
0x2e1: {  	v35 =	vor.u32 $0x3, v5;
	v30 =	vld.idx.msk [tilespmem:v30+s18+$0x0], $0xffff  }
0x2e2: {  	v36 =	vor.u32 $0xC, v5;
	v31 =	vld.idx.msk [tilespmem:v31+s20+$0x0], $0xffff  }
0x2e3: {  	v37 =	vor.u32 $0x1, v5;
	v32 =	vld.idx.msk [tilespmem:v32+s20+$0x0], $0xffff  }
0x2e4: {  	v39 =	vor.u32 $0xB, v5;
	v33 =	vld.idx.msk [tilespmem:v33+s18+$0x0], $0xffff  }
0x2e5: {  	v40 =	vor.u32 $0x10, v5;
	v34 =	vld.idx.msk [tilespmem:v34+s20+$0x0], $0xffff  }
0x2e6: {  	v41 =	vor.u32 $0xD, v5;
	v35 =	vld.idx.msk [tilespmem:v35+s20+$0x0], $0xffff  }
0x2e7: {  	v9 =	vor.u32 $0x4, v5;
	v36 =	vld.idx.msk [tilespmem:v36+s20+$0x0], $0xffff  }
0x2e8: {  	v42 =	vor.u32 $0xA, v4;
	v37 =	vld.idx.msk [tilespmem:v37+s20+$0x0], $0xffff  }
0x2e9: {  	v38 =	vor.u32 $0x6, v4;
	v39 =	vld.idx.msk [tilespmem:v39+s20+$0x0], $0xffff  }
0x2ea: {  	v43 =	vor.u32 $0x7, v4;
	v62 =	vld.idx.msk [tilespmem:v40+s20+$0x0], $0xffff  }
0x2eb: {  	v63 =	vor.u32 $0x11, v5;
	v41 =	vld.idx.msk [tilespmem:v41+s20+$0x0], $0xffff  }
0x2ec: {  	v44 =	vor.u32 $0xE, v4;
	v9 =	vld.idx.msk [tilespmem:v9+s20+$0x0], $0xffff  }
0x2ed: {  	v2 =	vor.u32 $0x7, v5;
	v45 =	vld.idx.msk [tilespmem:v42+s18+$0x0], $0xffff;
	v11 =	vmul.f32 v11, v14  }
0x2ee: {  	v3 =	vor.u32 $0x1A, v5;
	v14 =	vld.idx.msk [tilespmem:v38+s18+$0x0], $0xffff  }
0x2ef: {  	v61 =	vor.u32 $0xC, v4;
	v48 =	vld.idx.msk [tilespmem:v43+s18+$0x0], $0xffff;
	v33 =	vmul.f32 v34, v33;
	v11 =	vadd.f32 v11, v1  }
0x2f0: {  	v46 =	vor.u32 $0x13, v5;
	v50 =	vld.idx.msk [tilespmem:v63+s20+$0x0], $0xffff;
	v12 =	vmul.f32 v37, v12  }
0x2f1: {  	v47 =	vor.u32 $0x10, v4;
	v52 =	vld.idx.msk [tilespmem:v44+s18+$0x0], $0xffff;
	v11 =	vadd.f32 v33, v11;
	v9 =	vmul.f32 v9, v29  }
0x2f2: {  	v57 =	vor.u32 $0x16, v4;
	v16 =	vld.idx.msk [tilespmem:v2+s20+$0x0], $0xffff;
	v13 =	vmul.f32 v35, v13;
	v12 =	vadd.f32 $0.0e+00, v12  }
0x2f3: {  	v51 =	vor.u32 $0x17, v5;
	v2 =	vld.idx.msk [tilespmem:v3+s20+$0x0], $0xffff;
	v9 =	vadd.f32 v9, v11;
	v11 =	vmul.f32 v15, v14  }
0x2f4: {  	v3 =	vor.u32 $0x1C, v4;
	v12 =	vadd.f32 v13, v12;
	v13 =	vmul.f32 v31, v24;
	v14 =	vld.idx.msk [tilespmem:v61+s18+$0x0], $0xffff  }
0x2f5: {  	v54 =	vld.idx.msk [tilespmem:v46+s20+$0x0], $0xffff;
	v15 =	vor.u32 $0x12, v4;
	v9 =	vadd.f32 v11, v9;
	v11 =	vmul.f32 v32, v26  }
0x2f6: {  	v49 =	vor.u32 $0x15, v5;
	v53 =	vor.u32 $0x1C, v5;
	v56 =	vld.idx.msk [tilespmem:v47+s18+$0x0], $0xffff;
	v10 =	vmul.f32 v10, v45  }
0x2f7: {  	v60 =	vld.idx.msk [tilespmem:v57+s18+$0x0], $0xffff;
	v9 =	vadd.f32 v11, v9;
	v11 =	vadd.f32 v13, v12;
	v12 =	vmul.f32 v16, v48  }
0x2f8: {  	v55 =	vor.u32 $0x19, v5;
	v19 =	vmul.f32 v19, v22;
	v22 =	vld.idx.msk [tilespmem:v51+s20+$0x0], $0xffff;
	v16 =	vor.u32 $0x1B, v5  }
0x2f9: {  	v3 =	vld.idx.msk [tilespmem:v3+s18+$0x0], $0xffff;
	v9 =	vadd.f32 v10, v9;
	v10 =	vmul.f32 v36, v14;
	v12 =	vadd.f32 v12, v11  }
0x2fa: {  	v59 =	vor.u32 $0x17, v4;
	v21 =	vmul.f32 v39, v21;
	v14 =	vld.idx.msk [tilespmem:v15+s18+$0x0], $0xffff;
	v15 =	vor.u32 $0x18, v4  }
0x2fb: {  	v13 =	vld.idx.msk [tilespmem:v49+s20+$0x0], $0xffff;
	v9 =	vadd.f32 v10, v9;
	v10 =	vmul.f32 v20, v52;
	v19 =	vadd.f32 v19, v12  }
0x2fc: {  	v58 =	vor.u32 $0x15, v4;
	v18 =	vmul.f32 v41, v18;
	v11 =	vld.idx.msk [tilespmem:v53+s20+$0x0], $0xffff;
	v20 =	vor.u32 $0x1D, v5  }
0x2fd: {  	v12 =	vld.idx.msk [tilespmem:v55+s20+$0x0], $0xffff;
	v9 =	vadd.f32 v10, v9;
	v10 =	vmul.f32 v62, v56;
	v19 =	vadd.f32 v21, v19  }
0x2fe: {  	v17 =	vmul.f32 v25, v17;
	v61 =	vor.u32 $0x1F, v5;
	v21 =	vld.idx.msk [tilespmem:v16+s20+$0x0], $0xffff;
	v16 =	vor.u32 $0x19, v4  }
0x2ff: {  	v8 =	vmul.f32 v8, v14;
	v9 =	vadd.f32 v10, v9;
	v10 =	vld.idx.msk [tilespmem:v15+s18+$0x0], $0xffff;
	v15 =	vadd.f32 v18, v19  }
0x300: {  	v7 =	vmul.f32 v7, v27;
	v62 =	vld.idx.msk [tilespmem:v59+s18+$0x0], $0xffff;
	v14 =	vor.u32 $0x1A, v4;
	v19 =	vor.u32 $0x1B, v4  }
0x301: {  	v18 =	vld.idx.msk [tilespmem:v58+s18+$0x0], $0xffff;
	v8 =	vadd.f32 v8, v9;
	v15 =	vadd.f32 v17, v15;
	v17 =	vmul.f32 v50, v28  }
0x302: {  	v63 =	vor.u32 $0x1D, v4;
	v9 =	vld.idx.msk [tilespmem:v20+s20+$0x0], $0xffff;
	v20 =	vor.u32 $0x1E, v5  }
0x303: {  	v6 =	vmul.f32 v6, v60;
	v5 =	vld.idx.msk [tilespmem:v61+s20+$0x0], $0xffff;
	v8 =	vadd.f32 v7, v8;
	v15 =	vadd.f32 v17, v15  }
0x304: {  	v17 =	vmul.f32 v54, v30;
	v7 =	vld.idx.msk [tilespmem:v16+s18+$0x0], $0xffff;
	v23 =	vmul.f32 v23, v10;
	v10 =	vor.u32 $0x1E, v4  }
0x305: {  	v16 =	vadd.f32 v6, v8;
	v6 =	vld.idx.msk [tilespmem:v14+s18+$0x0], $0xffff;
	v8 =	vor.u32 $0x1F, v4  }
0x306: {  	v13 =	vmul.f32 v13, v18;
	v17 =	vadd.f32 v17, v15;
	v14 =	vld.idx.msk [tilespmem:v19+s18+$0x0], $0xffff  }
0x307: {  	v4 =	vld.idx.msk [tilespmem:v20+s20+$0x0], $0xffff  }
0x308: {  	s4 =	simm.s32 $0x10A00;
	s3 =	simm.s32 $0x10;
	s0 =	simm.s32 $0x10A00;
	v15 =	vadd.f32 v23, v16;
	v16 =	vadd.f32 v13, v17;
	v17 =	vmul.f32 v22, v62;
	v13 =	vld.idx.msk [tilespmem:v63+s18+$0x0], $0xffff  }
.LBB2_8:
0x309: {  	v10 =	vld.idx.msk [tilespmem:v10+s18+$0x0], $0xffff;
	s31 =	sadd.s32 $0x10, s31;
	s30 =	sadd.s32 $0x10, s30;
	s4 =	sadd.s32 $0x10, s4  }
0x30a: {  	p0 =	sne.s32 s3, $0x70;
	v7 =	vmul.f32 v12, v7;
	s11 =	smov.u32 s3;
	s3 =	sadd.s32 $0x10, s3;
	v16 =	vadd.f32 v17, v16;
	v8 =	vld.idx.msk [tilespmem:v8+s18+$0x0], $0xffff  }
0x30b: {  	v2 =	vmul.f32 v2, v6  }
0x30c: {  	v6 =	vadd.f32 v7, v16;
	v7 =	vmul.f32 v21, v14  }
0x30d: {  	v3 =	vmul.f32 v11, v3;
	v2 =	vadd.f32 v2, v15  }
0x30e: {  	v6 =	vadd.f32 v7, v6;
	v7 =	vmul.f32 v9, v13  }
0x30f: {  	v2 =	vadd.f32 v3, v2;
	v3 =	vmul.f32 v4, v10  }
0x310: {  	v5 =	vmul.f32 v5, v8;
	v4 =	vadd.f32 v7, v6  }
0x311: {  	v2 =	vadd.f32 v3, v2  }
0x312: {  	v3 =	vadd.f32 v5, v4;
	_ =	sdelay $0x1  }
0x313: {  	v2 =	vadd.f32 v3, v2;
	_ =	sdelay $0x1  }
0x314: {  	v2 =	vsub.f32 $0.0e+00, v2;
	_ =	sdelay $0x1  }
0x315: {  	v2 =	vmul.f32 $1.442695020e+00, v2;
	_ =	sdelay $0x1  }
0x316: {  	(erf) = vpow2.f32 v2;
	_ =	sdelay $0x8  }
0x317: {  	v2 =	vpop (erf)  }
0x318: {  	v2 =	vadd.f32 $1.000000000e+00, v2;
	_ =	sdelay $0x1  }
0x319: {  	(erf) = vrcp.f32 v2;
	_ =	sdelay $0x7  }
0x31a: {  	v2 =	vmov s11  }
0x31b: {  	v2 =	vshll.u32 v2, $0x7;
	v3 =	vpop (erf)  }
0x31c: {  	v2 =	vor.u32 v0, v2;
	[tilespmem:s0+$0x0] =	vst v3;
	s0 =	smov.u32 s4  }
0x31d: {  	v3 =	vld [tilespmem:s30+$0x0]  }
0x31e: {  	v4 =	vld [tilespmem:s31+$0x0];
	_ =	sdelay $0x3  }
0x31f: {  	v3 =	vshrl.u32 v3, $0x8  }
0x320: {  	v4 =	vshrl.u32 v4, $0x8;
	v3 =	vand.u32 $0x60, v3  }
0x321: {  	v4 =	vand.u32 $0x60, v4;
	v12 =	vor.u32 v2, v3  }
0x322: {  	v3 =	vor.u32 $0x12, v12;
	v11 =	vor.u32 $0x15, v12;
	v7 =	vor.u32 $0x16, v12  }
0x323: {  	v5 =	vor.u32 $0x14, v12;
	v26 =	vor.u32 $0x18, v12;
	v6 =	vor.u32 $0x19, v12  }
0x324: {  	v29 =	vor.u32 v2, v4;
	v30 =	vor.u32 $0xC, v12;
	v4 =	vor.u32 $0x1B, v12  }
0x325: {  	v8 =	vor.u32 $0xA, v12;
	v2 =	vor.u32 $0x1, v29;
	v31 =	vor.u32 $0x4, v29  }
0x326: {  	v13 =	vor.u32 $0x6, v12;
	v10 =	vor.u32 $0x3, v29;
	v33 =	vor.u32 $0x6, v29;
	v32 =	vld.idx.msk [tilespmem:v12+s20+$0x0], $0xffff  }
0x327: {  	v14 =	vor.u32 $0x4, v12;
	v35 =	vor.u32 $0x9, v12;
	v34 =	vor.u32 $0x5, v29;
	v9 =	vld.idx.msk [tilespmem:v3+s20+$0x0], $0xffff  }
0x328: {  	v36 =	vor.u32 $0xA, v29;
	v3 =	vor.u32 $0x7, v12;
	v37 =	vld.idx.msk [tilespmem:v5+s20+$0x0], $0xffff;
	v5 =	vor.u32 $0x1F, v12  }
0x329: {  	v38 =	vor.u32 $0x5, v12;
	v39 =	vor.u32 $0x7, v29;
	v40 =	vor.u32 $0xC, v29;
	v7 =	vld.idx.msk [tilespmem:v7+s20+$0x0], $0xffff  }
0x32a: {  	v43 =	vor.u32 $0xE, v12;
	v41 =	vor.u32 $0x9, v29;
	v42 =	vor.u32 $0xE, v29;
	v23 =	vld.idx.msk [tilespmem:v8+s20+$0x0], $0xffff  }
0x32b: {  	v46 =	vor.u32 $0x10, v12;
	v45 =	vor.u32 $0xB, v29;
	v27 =	vor.u32 $0x10, v29;
	v44 =	vld.idx.msk [tilespmem:v29+s18+$0x0], $0xffff  }
0x32c: {  	v24 =	vor.u32 $0x12, v29;
	v8 =	vor.u32 $0xD, v29;
	v47 =	vld.idx.msk [tilespmem:v13+s20+$0x0], $0xffff;
	v13 =	vor.u32 $0x1A, v12  }
0x32d: {  	v49 =	vor.u32 $0xF, v12;
	v50 =	vor.u32 $0x14, v29;
	v48 =	vld.idx.msk [tilespmem:v3+s20+$0x0], $0xffff;
	v3 =	vor.u32 $0xF, v29  }
0x32e: {  	v28 =	vor.u32 $0x1C, v12;
	v52 =	vor.u32 $0x11, v29;
	v21 =	vor.u32 $0x16, v29;
	v51 =	vld.idx.msk [tilespmem:v2+s18+$0x0], $0xffff  }
0x32f: {  	v54 =	vor.u32 $0x13, v29;
	v19 =	vor.u32 $0x15, v29;
	v20 =	vor.u32 $0x18, v29;
	v53 =	vld.idx.msk [tilespmem:v14+s20+$0x0], $0xffff  }
0x330: {  	v18 =	vor.u32 $0x17, v29;
	v16 =	vor.u32 $0x19, v29;
	v15 =	vor.u32 $0x1A, v29;
	v55 =	vld.idx.msk [tilespmem:v10+s18+$0x0], $0xffff  }
0x331: {  	v22 =	vor.u32 $0x1D, v12;
	v56 =	vor.u32 $0x1C, v29;
	v14 =	vor.u32 $0x1B, v29;
	v2 =	vld.idx.msk [tilespmem:v13+s20+$0x0], $0xffff  }
0x332: {  	v17 =	vor.u32 $0x1E, v12;
	v10 =	vor.u32 $0x1E, v29;
	v13 =	vor.u32 $0x1D, v29;
	v25 =	vld.idx.msk [tilespmem:v3+s18+$0x0], $0xffff  }
0x333: {  	v57 =	vld.idx.msk [tilespmem:v8+s18+$0x0], $0xffff;
	v8 =	vor.u32 $0x1F, v29  }
0x334: {  	v35 =	vld.idx.msk [tilespmem:v35+s20+$0x0], $0xffff  }
0x335: {  	v43 =	vld.idx.msk [tilespmem:v43+s20+$0x0], $0xffff  }
0x336: {  	v3 =	vld.idx.msk [tilespmem:v56+s18+$0x0], $0xffff  }
0x337: {  	v56 =	vor.u32 $0x8, v29;
	v45 =	vld.idx.msk [tilespmem:v45+s18+$0x0], $0xffff  }
0x338: {  	v58 =	vor.u32 $0x2, v12;
	v41 =	vld.idx.msk [tilespmem:v41+s18+$0x0], $0xffff  }
0x339: {  	v26 =	vld.idx.msk [tilespmem:v26+s20+$0x0], $0xffff  }
0x33a: {  	v59 =	vor.u32 $0x8, v12;
	v34 =	vld.idx.msk [tilespmem:v34+s18+$0x0], $0xffff  }
0x33b: {  	v49 =	vld.idx.msk [tilespmem:v49+s20+$0x0], $0xffff  }
0x33c: {  	v60 =	vor.u32 $0x3, v12;
	v56 =	vld.idx.msk [tilespmem:v56+s18+$0x0], $0xffff  }
0x33d: {  	v61 =	vor.u32 $0x1, v12;
	v50 =	vld.idx.msk [tilespmem:v50+s18+$0x0], $0xffff  }
0x33e: {  	v29 =	vor.u32 $0x2, v29;
	v52 =	vld.idx.msk [tilespmem:v52+s18+$0x0], $0xffff  }
0x33f: {  	v31 =	vld.idx.msk [tilespmem:v31+s18+$0x0], $0xffff  }
0x340: {  	v54 =	vld.idx.msk [tilespmem:v54+s18+$0x0], $0xffff  }
0x341: {  	v38 =	vld.idx.msk [tilespmem:v38+s20+$0x0], $0xffff  }
0x342: {  	v59 =	vld.idx.msk [tilespmem:v59+s20+$0x0], $0xffff  }
0x343: {  	v37 =	vmul.f32 v37, v50;
	v29 =	vld.idx.msk [tilespmem:v29+s18+$0x0], $0xffff  }
0x344: {  	v50 =	vld.idx.msk [tilespmem:v58+s20+$0x0], $0xffff;
	v58 =	vor.u32 $0xB, v12  }
0x345: {  	v60 =	vld.idx.msk [tilespmem:v60+s20+$0x0], $0xffff  }
0x346: {  	v62 =	vor.u32 $0xD, v12;
	v30 =	vld.idx.msk [tilespmem:v30+s20+$0x0], $0xffff  }
0x347: {  	v61 =	vld.idx.msk [tilespmem:v61+s20+$0x0], $0xffff  }
0x348: {  	v32 =	vmul.f32 v32, v44;
	v33 =	vld.idx.msk [tilespmem:v33+s18+$0x0], $0xffff  }
0x349: {  	v44 =	vld.idx.msk [tilespmem:v58+s20+$0x0], $0xffff  }
0x34a: {  	v32 =	vadd.f32 v32, v1;
	v29 =	vmul.f32 v50, v29;
	v50 =	vor.u32 $0x11, v12;
	v46 =	vld.idx.msk [tilespmem:v46+s20+$0x0], $0xffff  }
0x34b: {  	v58 =	vld.idx.msk [tilespmem:v62+s20+$0x0], $0xffff  }
0x34c: {  	v31 =	vmul.f32 v53, v31;
	v29 =	vadd.f32 v29, v32;
	v32 =	vld.idx.msk [tilespmem:v36+s18+$0x0], $0xffff;
	v36 =	vor.u32 $0x13, v12  }
0x34d: {  	v51 =	vmul.f32 v61, v51;
	v39 =	vld.idx.msk [tilespmem:v39+s18+$0x0], $0xffff  }
0x34e: {  	v29 =	vadd.f32 v31, v29;
	v31 =	vmul.f32 v47, v33;
	v33 =	vld.idx.msk [tilespmem:v40+s18+$0x0], $0xffff  }
0x34f: {  	v12 =	vor.u32 $0x17, v12;
	v47 =	vmul.f32 v60, v55;
	v40 =	vadd.f32 $0.0e+00, v51;
	v50 =	vld.idx.msk [tilespmem:v50+s20+$0x0], $0xffff  }
0x350: {  	v29 =	vadd.f32 v31, v29;
	v31 =	vmul.f32 v59, v56;
	v42 =	vld.idx.msk [tilespmem:v42+s18+$0x0], $0xffff  }
0x351: {  	v34 =	vmul.f32 v38, v34;
	v40 =	vadd.f32 v47, v40;
	v36 =	vld.idx.msk [tilespmem:v36+s20+$0x0], $0xffff  }
0x352: {  	v29 =	vadd.f32 v31, v29;
	v23 =	vmul.f32 v23, v32;
	v27 =	vld.idx.msk [tilespmem:v27+s18+$0x0], $0xffff  }
0x353: {  	v31 =	vadd.f32 v34, v40;
	v32 =	vmul.f32 v48, v39;
	v34 =	vld.idx.msk [tilespmem:v11+s20+$0x0], $0xffff  }
0x354: {  	v11 =	vadd.f32 v23, v29;
	v23 =	vmul.f32 v30, v33;
	v24 =	vld.idx.msk [tilespmem:v24+s18+$0x0], $0xffff  }
0x355: {  	v30 =	vmul.f32 v35, v41;
	v29 =	vadd.f32 v32, v31;
	v31 =	vld.idx.msk [tilespmem:v12+s20+$0x0], $0xffff  }
0x356: {  	v23 =	vadd.f32 v23, v11;
	v32 =	vmul.f32 v43, v42;
	v11 =	vld.idx.msk [tilespmem:v28+s20+$0x0], $0xffff  }
0x357: {  	v28 =	vadd.f32 v30, v29;
	v29 =	vmul.f32 v44, v45;
	v12 =	vld.idx.msk [tilespmem:v6+s20+$0x0], $0xffff  }
0x358: {  	v6 =	vadd.f32 v32, v23;
	v23 =	vmul.f32 v46, v27;
	v27 =	vld.idx.msk [tilespmem:v21+s18+$0x0], $0xffff  }
0x359: {  	v28 =	vadd.f32 v29, v28;
	v29 =	vmul.f32 v58, v57;
	v21 =	vld.idx.msk [tilespmem:v4+s20+$0x0], $0xffff  }
0x35a: {  	v4 =	vadd.f32 v23, v6;
	v6 =	vmul.f32 v9, v24;
	v20 =	vld.idx.msk [tilespmem:v20+s18+$0x0], $0xffff  }
0x35b: {  	v24 =	vmul.f32 v49, v25;
	v23 =	vadd.f32 v29, v28;
	v19 =	vld.idx.msk [tilespmem:v19+s18+$0x0], $0xffff  }
0x35c: {  	v4 =	vadd.f32 v6, v4;
	v9 =	vld.idx.msk [tilespmem:v22+s20+$0x0], $0xffff  }
0x35d: {  	v6 =	vadd.f32 v24, v23;
	v22 =	vmul.f32 v50, v52;
	v18 =	vld.idx.msk [tilespmem:v18+s18+$0x0], $0xffff  }
0x35e: {  	v4 =	vadd.f32 v37, v4;
	v23 =	vmul.f32 v7, v27;
	v5 =	vld.idx.msk [tilespmem:v5+s20+$0x0], $0xffff  }
.Ltmp3:
0x35f: {  	v24 =	vmul.f32 v36, v54;
	v22 =	vadd.f32 v22, v6;
	v7 =	vld.idx.msk [tilespmem:v16+s18+$0x0], $0xffff;
	(pc) =	sbr.rel @p0 .LBB2_8-.Ltmp3, $4  }
0x360: {  	v4 =	vadd.f32 v23, v4;
	v16 =	vmul.f32 v26, v20;
	v6 =	vld.idx.msk [tilespmem:v15+s18+$0x0], $0xffff  }
0x361: {  	v20 =	vadd.f32 v24, v22;
	v19 =	vmul.f32 v34, v19;
	v14 =	vld.idx.msk [tilespmem:v14+s18+$0x0], $0xffff  }
0x362: {  	v15 =	vadd.f32 v16, v4;
	v4 =	vld.idx.msk [tilespmem:v17+s20+$0x0], $0xffff  }
0x363: {  	v16 =	vadd.f32 v19, v20;
	v17 =	vmul.f32 v31, v18;
	v13 =	vld.idx.msk [tilespmem:v13+s18+$0x0], $0xffff  }
0x364: {  	_ =	sdelay $0x3  }
0x365: {  	v1 =	vld.idx.msk [tilespmem:v10+s18+$0x0], $0xffff;
	v7 =	vmul.f32 v12, v7;
	v59 =	vadd.f32 v17, v16  }
0x366: {  	v8 =	vld.idx.msk [tilespmem:v8+s18+$0x0], $0xffff;
	v2 =	vmul.f32 v2, v6  }
0x367: {  	v61 =	vmul.f32 v21, v14;
	v60 =	vadd.f32 v7, v59  }
0x368: {  	v3 =	vmul.f32 v11, v3;
	v2 =	vadd.f32 v2, v15  }
0x369: {  	v62 =	vmul.f32 v9, v13;
	v6 =	vadd.f32 v61, v60  }
0x36a: {  	v2 =	vadd.f32 v3, v2  }
0x36b: {  	v1 =	vmul.f32 v4, v1;
	v63 =	vmul.f32 v5, v8;
	v3 =	vadd.f32 v62, v6;
	_ =	sdelay $0x1  }
0x36c: {  	v1 =	vadd.f32 v1, v2;
	v2 =	vadd.f32 v63, v3;
	_ =	sdelay $0x1  }
0x36d: {  	v1 =	vadd.f32 v2, v1;
	_ =	sdelay $0x1  }
0x36e: {  	v1 =	vsub.f32 $0.0e+00, v1;
	_ =	sdelay $0x1  }
0x36f: {  	v1 =	vmul.f32 $1.442695020e+00, v1;
	_ =	sdelay $0x1  }
0x370: {  	(erf) = vpow2.f32 v1;
	_ =	sdelay $0x8  }
0x371: {  	v1 =	vpop (erf)  }
0x372: {  	v1 =	vadd.f32 $1.000000000e+00, v1;
	_ =	sdelay $0x1  }
0x373: {  	(erf) = vrcp.f32 v1;
	_ =	sdelay $0x7  }
0x374: {  	s29 =	sadd.s32 $0x1, s29  }
0x375: {  	p0 =	sne.s32 s29, s9;
	v1 =	vpop (erf)  }
.Ltmp4:
0x376: {  	[tilespmem:s0+$0x0] =	vst v1;
	(pc) =	sbr.rel @p0 .LBB2_1-.Ltmp4, $4  }
0x377: {  	[hbm4b:s8+s5] =	stream.linear.scatter [tilespmem:s28], [sflag:$0x3], $0x200, $0x38;
	[tilespmem:$0x10A80] =	vst v63  }
0x378: {  	_ =	swait.ge [sflag:s10], $0x200  }
0x379: {  	[sflag:s10] =	ssyncset.done $0x0  }
0x37a: {  	[sflag:s10] =	ssyncadd.s32 $0xFFFFFE00  }
0x37b: {  	_ =	sfence.sel $0x180000  }
0x37c: {  	[bflag:$0x0] =	sbarrier.arrive $0xFFFF  }
0x37d: {  	_ =	strace $0x90000047  }
0x37e: {  	s0 =	stileid.u32;
	[bflag:$0x2] =	sbarrier.arrive $0xFFFF  }
0x37f: {  	p0 =	sne.s32 s0, $0x0;
	s0 =	rddreg [dreg:$0x6]  }
0x380: {  	s0 =	sadd.s32 @!p0 $0x100000, s0  }
0x381: {  	[sflag:s0] =	ssyncadd.tile.s32 @!p0 $0x1;
	_ =	shalt  }
.Lfunc_end2:
_tile_overlayer_lowered:
.L_overlay_start_2:
0x382: {  	(tag) =	ssettag $0x2  }
0x383: {  	s0 =	rddreg [dreg:$0x0];
	s2 =	stileid.u32  }
0x384: {  	s1 =	rddreg [dreg:$0x1];
	p0 =	sne.s32 s2, $0x0  }
0x385: {  	s3 =	rddreg [dreg:$0x2];
	[bflag:$0x3] =	sbarrier.arrive $0xFFFF;
	s2 =	simm.s32 @!p0 $0x1C03  }
0x386: {  	[timem:s3], [sflag:s2] =	dma.local @!p0 [hbm:s0], s1  }
0x387: {  	s0 =	simm.s32 @!p0 $0x3  }
0x388: {  	_ =	swait.ge @!p0 [sflag:s0], s1  }
0x389: {  	s1 =	ssub.s32 @!p0 $0x0, s1;
	[sflag:s0] =	ssyncset.done @!p0 $0x0  }
0x38a: {  	[sflag:s0] =	ssyncadd.s32 @!p0 s1  }
0x38b: {  	[bflag:$0x3] =	sbarrier.arrive $0xFFFF  }
0x38c: {  	_ =	shalt  }

</sc_bundles>
